<compile_context>
chip_gen: v7x
topology: tpu7x:2x2x1
jax: 0.10.2.dev20260603
libtpu: 0.0.44.dev20260713+nightly
codegen_flags: <defaults>
</compile_context>

<pallas_src>
import jax
import jax.numpy as jnp
from jax import lax
from jax.experimental import pallas as pl
from jax.experimental.pallas import tpu as pltpu
from jax.experimental.pallas import tpu_sc as plsc

NC = 2
NS = 16
LANES = 16

N_NODES = 10000
N_EDGES = 320000
D = 128
DH = D // NC

EDGES_PER_TILE = N_EDGES // NS
CHUNK_W = 80
CHUNK_U = 80
ROWS_PER_TILE = 624
TAIL_ROWS = N_NODES - NS * ROWS_PER_TILE

_mesh = plsc.VectorSubcoreMesh(
    core_axis_name="c", subcore_axis_name="s", num_cores=NC, num_subcores=NS
)


def _make_scatter(weighted: bool, CHUNK: int):

    K = EDGES_PER_TILE // CHUNK
    assert K % 2 == 0 and K * CHUNK == EDGES_PER_TILE
    if weighted:
        assert CHUNK % LANES == 0

    scratch = [
        pltpu.VMEM((K, CHUNK), jnp.int32),
        pltpu.VMEM((K, CHUNK), jnp.int32),
        pltpu.VMEM((K, CHUNK), jnp.float32),
        pltpu.VMEM((CHUNK, DH), jnp.float32),
        pltpu.VMEM((CHUNK, DH), jnp.float32),
        pltpu.VMEM_SHARED((N_NODES, DH), jnp.float32),
        pltpu.SemaphoreType.DMA,
        pltpu.SemaphoreType.DMA,
        pltpu.SemaphoreType.DMA,
        pltpu.SemaphoreType.DMA,
    ]

    def body(h_hbm, src_hbm, dst_hbm, ew_hbm, z_hbm, out_hbm,
             src_v, dst_v, ew_v, rows_a, rows_b, acc,
             gsem_a, gsem_b, ssem_a, ssem_b):
        cid = lax.axis_index("c")
        sid = lax.axis_index("s")

        pltpu.sync_copy(src_hbm.at[sid], src_v)
        pltpu.sync_copy(dst_hbm.at[sid], dst_v)
        if weighted:
            pltpu.sync_copy(ew_hbm.at[sid], ew_v)

        pltpu.sync_copy(z_hbm, acc.at[pl.ds(sid * ROWS_PER_TILE, ROWS_PER_TILE)])

        @pl.when(sid == NS - 1)
        def _zero_tail():
            pltpu.sync_copy(z_hbm.at[pl.ds(0, TAIL_ROWS)],
                            acc.at[pl.ds(NS * ROWS_PER_TILE, TAIL_ROWS)])

        plsc.subcore_barrier()
        h_half = h_hbm.at[cid]
        bufs = (rows_a, rows_b)
        gsems = (gsem_a, gsem_b)
        ssems = (ssem_a, ssem_b)

        pltpu.async_copy(h_half.at[src_v.at[0]], rows_a, gsem_a)

        def pair_body(g, _):
            for b in range(2):
                j = 2 * g + b
                cur, nxt = bufs[b], bufs[1 - b]
                pltpu.make_async_copy(
                    h_half.at[src_v.at[j]], cur, gsems[b]).wait()

                @pl.when(j + 1 < K)
                def _start_next():
                    if not weighted:
                        @pl.when(j >= 1)
                        def _drain():
                            pltpu.make_async_copy(
                                nxt, acc.at[dst_v.at[j - 1]],
                                ssems[1 - b]).wait()
                    pltpu.async_copy(
                        h_half.at[src_v.at[j + 1]], nxt, gsems[1 - b])

                if weighted:
                    def scale_group(gg, _):
                        ew16 = ew_v[j, pl.ds(gg * LANES, LANES)]
                        for e16 in range(LANES):
                            wsplat = ew16.at[
                                jnp.full((LANES,), e16, jnp.int32)
                            ].get(mode="promise_in_bounds")
                            for d16 in range(DH // LANES):
                                sl = pl.ds(d16 * LANES, LANES)
                                cur[gg * LANES + e16, sl] = (
                                    cur[gg * LANES + e16, sl] * wsplat)
                        return 0
                    lax.fori_loop(0, CHUNK // LANES, scale_group, 0)
                    pltpu.sync_copy(cur, acc.at[dst_v.at[j]], add=True)
                else:
                    pltpu.async_copy(cur, acc.at[dst_v.at[j]], ssems[b],
                                     add=True)
            return 0

        lax.fori_loop(0, K // 2, pair_body, 0)
        if not weighted:
            pltpu.make_async_copy(rows_a, acc.at[dst_v.at[K - 2]], ssem_a).wait()
            pltpu.make_async_copy(rows_b, acc.at[dst_v.at[K - 1]], ssem_b).wait()
        plsc.subcore_barrier()

        base = sid * ROWS_PER_TILE
        pltpu.sync_copy(acc.at[pl.ds(base, ROWS_PER_TILE)],
                        out_hbm.at[cid, pl.ds(base, ROWS_PER_TILE)])

        @pl.when(sid == NS - 1)
        def _out_tail():
            pltpu.sync_copy(acc.at[pl.ds(NS * ROWS_PER_TILE, TAIL_ROWS)],
                            out_hbm.at[cid, pl.ds(NS * ROWS_PER_TILE, TAIL_ROWS)])

    if not weighted:
        def body_nw(h_hbm, src_hbm, dst_hbm, z_hbm, out_hbm,
                    src_v, dst_v, ew_v, rows_a, rows_b, acc,
                    gsem_a, gsem_b, ssem_a, ssem_b):
            return body(h_hbm, src_hbm, dst_hbm, None, z_hbm, out_hbm,
                        src_v, dst_v, ew_v, rows_a, rows_b, acc,
                        gsem_a, gsem_b, ssem_a, ssem_b)
        fn = body_nw
    else:
        fn = body

    return pl.kernel(
        fn,
        out_type=jax.ShapeDtypeStruct((NC, N_NODES, DH), jnp.float32),
        mesh=_mesh,
        scratch_types=scratch,
        compiler_params=pltpu.CompilerParams(use_tc_tiling_on_sc=False),
    )


_scatter_w = _make_scatter(weighted=True, CHUNK=CHUNK_W)
_scatter_u = _make_scatter(weighted=False, CHUNK=CHUNK_U)



_GRID = 10
_BLK = N_NODES // _GRID


def _mm_body(x_ref, w_ref, o_ref):
    h = jnp.dot(x_ref[...], w_ref[...], preferred_element_type=jnp.float32)
    o_ref[0] = h[:, :DH]
    o_ref[1] = h[:, DH:]


_mm = pl.pallas_call(
    _mm_body,
    grid=(_GRID,),
    in_specs=[
        pl.BlockSpec((_BLK, D), lambda i: (i, 0)),
        pl.BlockSpec((D, D), lambda i: (0, 0)),
    ],
    out_specs=pl.BlockSpec((NC, _BLK, DH), lambda i: (0, i, 0)),
    out_shape=jax.ShapeDtypeStruct((NC, N_NODES, DH), jnp.float32),
)


def _fuse_mm_body(p_ref, b_ref, w_ref, o_ref):
    hl = jnp.maximum(p_ref[0] + b_ref[0], 0.0)
    hr = jnp.maximum(p_ref[1] + b_ref[1], 0.0)
    w = w_ref[...]
    h2 = (jnp.dot(hl, w[:DH, :], preferred_element_type=jnp.float32)
          + jnp.dot(hr, w[DH:, :], preferred_element_type=jnp.float32))
    o_ref[0] = h2[:, :DH]
    o_ref[1] = h2[:, DH:]


_fuse_mm = pl.pallas_call(
    _fuse_mm_body,
    grid=(_GRID,),
    in_specs=[
        pl.BlockSpec((NC, _BLK, DH), lambda i: (0, i, 0)),
        pl.BlockSpec((NC, 1, DH), lambda i: (0, 0, 0)),
        pl.BlockSpec((D, D), lambda i: (0, 0)),
    ],
    out_specs=pl.BlockSpec((NC, _BLK, DH), lambda i: (0, i, 0)),
    out_shape=jax.ShapeDtypeStruct((NC, N_NODES, DH), jnp.float32),
)


def _fuse_bias_body(p_ref, b_ref, o_ref):
    o_ref[...] = jnp.concatenate(
        [p_ref[0] + b_ref[0], p_ref[1] + b_ref[1]], axis=-1)


_fuse_bias = pl.pallas_call(
    _fuse_bias_body,
    grid=(_GRID,),
    in_specs=[
        pl.BlockSpec((NC, _BLK, DH), lambda i: (0, i, 0)),
        pl.BlockSpec((NC, 1, DH), lambda i: (0, 0, 0)),
    ],
    out_specs=pl.BlockSpec((_BLK, D), lambda i: (i, 0)),
    out_shape=jax.ShapeDtypeStruct((N_NODES, D), jnp.float32),
)


def kernel(x, edge_index, edge_weight, W1, b1, W2, b2):
    src32 = edge_index[0].astype(jnp.int32)
    dst32 = edge_index[1].astype(jnp.int32)
    kw = EDGES_PER_TILE // CHUNK_W
    ku = EDGES_PER_TILE // CHUNK_U
    src_w = src32.reshape(NS, kw, CHUNK_W)
    dst_w = dst32.reshape(NS, kw, CHUNK_W)
    ew_w = edge_weight.reshape(NS, kw, CHUNK_W)
    src_u = src32.reshape(NS, ku, CHUNK_U)
    dst_u = dst32.reshape(NS, ku, CHUNK_U)
    zeros = jnp.zeros((ROWS_PER_TILE, DH), jnp.float32)
    b1r = b1.reshape(NC, 1, DH)
    b2r = b2.reshape(NC, 1, DH)

    h1 = _mm(x, W1)
    p1 = _scatter_w(h1, src_w, dst_w, ew_w, zeros)
    h2 = _fuse_mm(p1, b1r, W2)
    p2 = _scatter_u(h2, src_u, dst_u, zeros)
    out = _fuse_bias(p2, b2r)
    return out

# --- scband reference (transcript-rebuilt; emitter-appended) ---
"""Pipeline reference for scband-gcn-12567074308662 (READ-ONLY COPY).

The authoritative reference and input builder live on the scoring server;
editing this copy changes nothing except your own understanding.
"""

import jax, jax.numpy as jnp
import numpy as np

N_NODES = 10000
N_EDGES = 320000
D_IN = 128
D_HID = 128
D_OUT = 128


def setup_inputs(seed: int = 0) -> dict:
    key = jax.random.key(seed)
    k_x, k_ei, k_ew, k_w1, k_b1, k_w2, k_b2 = jax.random.split(key, 7)
    x = jax.random.normal(k_x, (N_NODES, D_IN), dtype=jnp.float32)
    edge_index = jax.random.randint(k_ei, (2, N_EDGES), 0, N_NODES, dtype=jnp.int64)
    edge_weight = jax.random.uniform(k_ew, (N_EDGES,), dtype=jnp.float32)
    W1 = jax.random.normal(k_w1, (D_IN, D_HID), dtype=jnp.float32) * (1.0 / np.sqrt(D_IN))
    b1 = jnp.zeros((D_HID,), dtype=jnp.float32)
    W2 = jax.random.normal(k_w2, (D_HID, D_OUT), dtype=jnp.float32) * (1.0 / np.sqrt(D_HID))
    b2 = jnp.zeros((D_OUT,), dtype=jnp.float32)
    return {"x": x, "edge_index": edge_index, "edge_weight": edge_weight,
            "W1": W1, "b1": b1, "W2": W2, "b2": b2}


def _gcn_conv(x, src, dst, W, b, edge_weight=None):
    # GCNConv with normalize=False: no gcn_norm, no self-loops added.
    h = x @ W
    msg = h[src]
    if edge_weight is not None:
        msg = msg * edge_weight[:, None]
    agg = jnp.zeros((x.shape[0], h.shape[1]), dtype=h.dtype).at[dst].add(msg)
    return agg + b


def reference(x, edge_index, edge_weight, W1, b1, W2, b2):
    # eval mode: dropout(p=0.5, training=False) is identity
    src = edge_index[0]
    dst = edge_index[1]
    h = _gcn_conv(x, src, dst, W1, b1, edge_weight)
    h = jax.nn.relu(h)
    out = _gcn_conv(h, src, dst, W2, b2, None)
    return out

if __name__ == "__main__":
    import jax
    _d = setup_inputs()
    print(jax.jit(kernel)(*tuple(_d.values())))

</pallas_src>

<mosaic_0001>
#map = affine_map<(d0, d1) -> (0, 0, 0)>
#map1 = affine_map<(d0, d1) -> (0, 0)>
module attributes {stable_mosaic.version = 14 : i64} {
  func.func @body_nw(%arg0: i32, %arg1: i32, %arg2: memref<2x10000x64xf32, #tpu.memory_space<hbm>>, %arg3: memref<16x250x80xi32, #tpu.memory_space<hbm>>, %arg4: memref<16x250x80xi32, #tpu.memory_space<hbm>>, %arg5: memref<624x64xf32, #tpu.memory_space<hbm>>, %arg6: memref<2x10000x64xf32, #tpu.memory_space<hbm>>, %arg7: memref<250x80xi32, #tpu.memory_space<vmem>>, %arg8: memref<250x80xi32, #tpu.memory_space<vmem>>, %arg9: memref<250x80xf32, #tpu.memory_space<vmem>>, %arg10: memref<80x64xf32, #tpu.memory_space<vmem>>, %arg11: memref<80x64xf32, #tpu.memory_space<vmem>>, %arg12: memref<10000x64xf32, #tpu.memory_space<vmem_shared>>, %arg13: memref<!tpu.dma_semaphore, #tpu.memory_space<semaphore_mem>>, %arg14: memref<!tpu.dma_semaphore, #tpu.memory_space<semaphore_mem>>, %arg15: memref<!tpu.dma_semaphore, #tpu.memory_space<semaphore_mem>>, %arg16: memref<!tpu.dma_semaphore, #tpu.memory_space<semaphore_mem>>) attributes {dimension_semantics = [#tpu.dimension_semantics<core_parallel>, #tpu.dimension_semantics<subcore_parallel>], iteration_bounds = array<i64: 2, 16>, scalar_prefetch = 0 : i64, scratch_operands = 10 : i64, tpu.core_type = #tpu.core_type<sc_vector_subcore>, window_params = [{transform_indices = #map}, {transform_indices = #map}, {transform_indices = #map}, {transform_indices = #map1}, {transform_indices = #map}]} {
    "tpu.region"() ({
      %run_scoped3A = tpu.sem_alloc : memref<!tpu.dma_semaphore, #tpu.memory_space<semaphore_mem>>
      %dma_start3A_40 = arith.constant 0 : i32
      %dma_start3A_41 = arith.constant 0 : i32
      %dma_start3A_42 = tpu.memref_slice %arg3[%arg1, %dma_start3A_40, %dma_start3A_41] : memref<16x250x80xi32, #tpu.memory_space<hbm>> -> memref<1x250x80xi32, #tpu.memory_space<hbm>>
      %dma_start3A_43 = tpu.memref_squeeze %dma_start3A_42 : memref<1x250x80xi32, #tpu.memory_space<hbm>> -> memref<250x80xi32, #tpu.memory_space<hbm>>
      %dma_start3A_44 = arith.constant 0 : i32
      %dma_start3A_45 = arith.constant 0 : i32
      %dma_start3A_46 = tpu.memref_slice %arg3[%arg1, %dma_start3A_44, %dma_start3A_45] : memref<16x250x80xi32, #tpu.memory_space<hbm>> -> memref<1x250x80xi32, #tpu.memory_space<hbm>>
      %dma_start3A_47 = tpu.memref_squeeze %dma_start3A_46 : memref<1x250x80xi32, #tpu.memory_space<hbm>> -> memref<250x80xi32, #tpu.memory_space<hbm>>
      tpu.enqueue_dma source(%dma_start3A_47 : memref<250x80xi32, #tpu.memory_space<hbm>>) target(%arg7 : memref<250x80xi32, #tpu.memory_space<vmem>>) target_semaphore(%run_scoped3A : memref<!tpu.dma_semaphore, #tpu.memory_space<semaphore_mem>>)
      %dma_wait3A_48 = arith.constant 0 : i32
      %dma_wait3A_49 = arith.constant 0 : i32
      %dma_wait3A_50 = tpu.memref_slice %arg3[%arg1, %dma_wait3A_48, %dma_wait3A_49] : memref<16x250x80xi32, #tpu.memory_space<hbm>> -> memref<1x250x80xi32, #tpu.memory_space<hbm>>
      %dma_wait3A_51 = tpu.memref_squeeze %dma_wait3A_50 : memref<1x250x80xi32, #tpu.memory_space<hbm>> -> memref<250x80xi32, #tpu.memory_space<hbm>>
      %dma_wait3A_52 = arith.constant 0 : i32
      %dma_wait3A_53 = arith.constant 0 : i32
      %dma_wait3A_54 = tpu.memref_slice %arg3[%arg1, %dma_wait3A_52, %dma_wait3A_53] : memref<16x250x80xi32, #tpu.memory_space<hbm>> -> memref<1x250x80xi32, #tpu.memory_space<hbm>>
      %dma_wait3A_55 = tpu.memref_squeeze %dma_wait3A_54 : memref<1x250x80xi32, #tpu.memory_space<hbm>> -> memref<250x80xi32, #tpu.memory_space<hbm>>
      tpu.wait_dma2 semaphore(%run_scoped3A : memref<!tpu.dma_semaphore, #tpu.memory_space<semaphore_mem>>) src(%dma_wait3A_55 : memref<250x80xi32, #tpu.memory_space<hbm>>) dst(%arg7 : memref<250x80xi32, #tpu.memory_space<vmem>>)
      tpu.yield
    }) : () -> ()
    "tpu.region"() ({
      %run_scoped3A = tpu.sem_alloc : memref<!tpu.dma_semaphore, #tpu.memory_space<semaphore_mem>>
      %dma_start3A_40 = arith.constant 0 : i32
      %dma_start3A_41 = arith.constant 0 : i32
      %dma_start3A_42 = tpu.memref_slice %arg4[%arg1, %dma_start3A_40, %dma_start3A_41] : memref<16x250x80xi32, #tpu.memory_space<hbm>> -> memref<1x250x80xi32, #tpu.memory_space<hbm>>
      %dma_start3A_43 = tpu.memref_squeeze %dma_start3A_42 : memref<1x250x80xi32, #tpu.memory_space<hbm>> -> memref<250x80xi32, #tpu.memory_space<hbm>>
      %dma_start3A_44 = arith.constant 0 : i32
      %dma_start3A_45 = arith.constant 0 : i32
      %dma_start3A_46 = tpu.memref_slice %arg4[%arg1, %dma_start3A_44, %dma_start3A_45] : memref<16x250x80xi32, #tpu.memory_space<hbm>> -> memref<1x250x80xi32, #tpu.memory_space<hbm>>
      %dma_start3A_47 = tpu.memref_squeeze %dma_start3A_46 : memref<1x250x80xi32, #tpu.memory_space<hbm>> -> memref<250x80xi32, #tpu.memory_space<hbm>>
      tpu.enqueue_dma source(%dma_start3A_47 : memref<250x80xi32, #tpu.memory_space<hbm>>) target(%arg8 : memref<250x80xi32, #tpu.memory_space<vmem>>) target_semaphore(%run_scoped3A : memref<!tpu.dma_semaphore, #tpu.memory_space<semaphore_mem>>)
      %dma_wait3A_48 = arith.constant 0 : i32
      %dma_wait3A_49 = arith.constant 0 : i32
      %dma_wait3A_50 = tpu.memref_slice %arg4[%arg1, %dma_wait3A_48, %dma_wait3A_49] : memref<16x250x80xi32, #tpu.memory_space<hbm>> -> memref<1x250x80xi32, #tpu.memory_space<hbm>>
      %dma_wait3A_51 = tpu.memref_squeeze %dma_wait3A_50 : memref<1x250x80xi32, #tpu.memory_space<hbm>> -> memref<250x80xi32, #tpu.memory_space<hbm>>
      %dma_wait3A_52 = arith.constant 0 : i32
      %dma_wait3A_53 = arith.constant 0 : i32
      %dma_wait3A_54 = tpu.memref_slice %arg4[%arg1, %dma_wait3A_52, %dma_wait3A_53] : memref<16x250x80xi32, #tpu.memory_space<hbm>> -> memref<1x250x80xi32, #tpu.memory_space<hbm>>
      %dma_wait3A_55 = tpu.memref_squeeze %dma_wait3A_54 : memref<1x250x80xi32, #tpu.memory_space<hbm>> -> memref<250x80xi32, #tpu.memory_space<hbm>>
      tpu.wait_dma2 semaphore(%run_scoped3A : memref<!tpu.dma_semaphore, #tpu.memory_space<semaphore_mem>>) src(%dma_wait3A_55 : memref<250x80xi32, #tpu.memory_space<hbm>>) dst(%arg8 : memref<250x80xi32, #tpu.memory_space<vmem>>)
      tpu.yield
    }) : () -> ()
    %mul3A = arith.constant 624 : i32
    %mul3A_0 = arith.muli %arg1, %mul3A : i32
    "tpu.region"() ({
      %run_scoped3A = tpu.sem_alloc : memref<!tpu.dma_semaphore, #tpu.memory_space<semaphore_mem>>
      %dma_start3A_40 = arith.constant 0 : i32
      %dma_start3A_41 = tpu.memref_slice %arg12[%mul3A_0, %dma_start3A_40] : memref<10000x64xf32, #tpu.memory_space<vmem_shared>> -> memref<624x64xf32, #tpu.memory_space<vmem_shared>>
      tpu.enqueue_dma source(%arg5 : memref<624x64xf32, #tpu.memory_space<hbm>>) target(%dma_start3A_41 : memref<624x64xf32, #tpu.memory_space<vmem_shared>>) target_semaphore(%run_scoped3A : memref<!tpu.dma_semaphore, #tpu.memory_space<semaphore_mem>>)
      %dma_wait3A_42 = arith.constant 0 : i32
      %dma_wait3A_43 = tpu.memref_slice %arg12[%mul3A_0, %dma_wait3A_42] : memref<10000x64xf32, #tpu.memory_space<vmem_shared>> -> memref<624x64xf32, #tpu.memory_space<vmem_shared>>
      tpu.wait_dma2 semaphore(%run_scoped3A : memref<!tpu.dma_semaphore, #tpu.memory_space<semaphore_mem>>) src(%arg5 : memref<624x64xf32, #tpu.memory_space<hbm>>) dst(%dma_wait3A_43 : memref<624x64xf32, #tpu.memory_space<vmem_shared>>)
      tpu.yield
    }) : () -> ()
    %eq3A = arith.constant 15 : i32
    %eq3A_1 = arith.cmpi eq, %arg1, %eq3A : i32
    %convert_element_type3A = arith.extui %eq3A_1 : i1 to i32
    %cond3A = arith.constant 0 : i32
    %cond3A_2 = arith.cmpi ne, %convert_element_type3A, %cond3A : i32
    scf.if %cond3A_2 {
      "tpu.region"() ({
        %run_scoped3A = tpu.sem_alloc : memref<!tpu.dma_semaphore, #tpu.memory_space<semaphore_mem>>
        %dma_start3A_40 = arith.constant 9984 : i32
        %dma_start3A_41 = arith.constant 0 : i32
        %dma_start3A_42 = tpu.memref_slice %arg12[%dma_start3A_40, %dma_start3A_41] : memref<10000x64xf32, #tpu.memory_space<vmem_shared>> -> memref<16x64xf32, #tpu.memory_space<vmem_shared>>
        %dma_start3A_43 = arith.constant 0 : i32
        %dma_start3A_44 = arith.constant 0 : i32
        %dma_start3A_45 = tpu.memref_slice %arg5[%dma_start3A_43, %dma_start3A_44] : memref<624x64xf32, #tpu.memory_space<hbm>> -> memref<16x64xf32, #tpu.memory_space<hbm>>
        tpu.enqueue_dma source(%dma_start3A_45 : memref<16x64xf32, #tpu.memory_space<hbm>>) target(%dma_start3A_42 : memref<16x64xf32, #tpu.memory_space<vmem_shared>>) target_semaphore(%run_scoped3A : memref<!tpu.dma_semaphore, #tpu.memory_space<semaphore_mem>>)
        %dma_wait3A_46 = arith.constant 9984 : i32
        %dma_wait3A_47 = arith.constant 0 : i32
        %dma_wait3A_48 = tpu.memref_slice %arg12[%dma_wait3A_46, %dma_wait3A_47] : memref<10000x64xf32, #tpu.memory_space<vmem_shared>> -> memref<16x64xf32, #tpu.memory_space<vmem_shared>>
        %dma_wait3A_49 = arith.constant 0 : i32
        %dma_wait3A_50 = arith.constant 0 : i32
        %dma_wait3A_51 = tpu.memref_slice %arg5[%dma_wait3A_49, %dma_wait3A_50] : memref<624x64xf32, #tpu.memory_space<hbm>> -> memref<16x64xf32, #tpu.memory_space<hbm>>
        tpu.wait_dma2 semaphore(%run_scoped3A : memref<!tpu.dma_semaphore, #tpu.memory_space<semaphore_mem>>) src(%dma_wait3A_51 : memref<16x64xf32, #tpu.memory_space<hbm>>) dst(%dma_wait3A_48 : memref<16x64xf32, #tpu.memory_space<vmem_shared>>)
        tpu.yield
      }) : () -> ()
    } else {
    }
    %barrier3A = arith.constant 0 : index
    tpu.barrier barrier_id(%barrier3A)
    %dma_start3A = arith.constant 0 : i32
    %dma_start3A_3 = arith.constant 0 : i32
    %dma_start3A_4 = tpu.memref_slice %arg7[%dma_start3A, %dma_start3A_3] : memref<250x80xi32, #tpu.memory_space<vmem>> -> memref<1x80xi32, #tpu.memory_space<vmem>>
    %dma_start3A_5 = tpu.memref_squeeze %dma_start3A_4 : memref<1x80xi32, #tpu.memory_space<vmem>> -> memref<80xi32, #tpu.memory_space<vmem>>
    %dma_start3A_6 = arith.constant 0 : i32
    %dma_start3A_7 = arith.constant 0 : i32
    %dma_start3A_8 = tpu.memref_slice %arg2[%arg0, %dma_start3A_6, %dma_start3A_7] : memref<2x10000x64xf32, #tpu.memory_space<hbm>> -> memref<1x10000x64xf32, #tpu.memory_space<hbm>>
    %dma_start3A_9 = tpu.memref_squeeze %dma_start3A_8 : memref<1x10000x64xf32, #tpu.memory_space<hbm>> -> memref<10000x64xf32, #tpu.memory_space<hbm>>
    %dma_start3A_10 = arith.constant 0 : i32
    %dma_start3A_11 = arith.constant 0 : i32
    %dma_start3A_12 = tpu.memref_slice %dma_start3A_9[%dma_start3A_10, %dma_start3A_11] : memref<10000x64xf32, #tpu.memory_space<hbm>> -> memref<10000x64xf32, #tpu.memory_space<hbm>>
    tpu.enqueue_indirect_dma source(%dma_start3A_12 : memref<10000x64xf32, #tpu.memory_space<hbm>>) target(%arg10 : memref<80x64xf32, #tpu.memory_space<vmem>>) offsets(%dma_start3A_5 : memref<80xi32, #tpu.memory_space<vmem>>) semaphore(%arg13 : memref<!tpu.dma_semaphore, #tpu.memory_space<semaphore_mem>>)
    %scan3A = arith.constant 0 : i32
    %scan3A_13 = arith.constant 0 : i32
    %scan3A_14 = arith.constant 125 : i32
    %scan3A_15 = arith.addi %scan3A_13, %scan3A_14 : i32
    %scan3A_16 = arith.constant 1 : i32
    %scan3A_17 = scf.for %scan3A_40 = %scan3A_13 to %scan3A_15 step %scan3A_16 iter_args(%scan3A_41 = %scan3A) -> (i32)  : i32 {
      %mul3A_42 = arith.constant 2 : i32
      %mul3A_43 = arith.muli %mul3A_42, %scan3A_40 : i32
      %add3A = arith.constant 0 : i32
      %add3A_44 = arith.addi %mul3A_43, %add3A : i32
      %dma_wait3A_45 = arith.constant 0 : i32
      %dma_wait3A_46 = tpu.memref_slice %arg7[%add3A_44, %dma_wait3A_45] : memref<250x80xi32, #tpu.memory_space<vmem>> -> memref<1x80xi32, #tpu.memory_space<vmem>>
      %dma_wait3A_47 = tpu.memref_squeeze %dma_wait3A_46 : memref<1x80xi32, #tpu.memory_space<vmem>> -> memref<80xi32, #tpu.memory_space<vmem>>
      %dma_wait3A_48 = arith.constant 0 : i32
      %dma_wait3A_49 = arith.constant 0 : i32
      %dma_wait3A_50 = tpu.memref_slice %arg2[%arg0, %dma_wait3A_48, %dma_wait3A_49] : memref<2x10000x64xf32, #tpu.memory_space<hbm>> -> memref<1x10000x64xf32, #tpu.memory_space<hbm>>
      %dma_wait3A_51 = tpu.memref_squeeze %dma_wait3A_50 : memref<1x10000x64xf32, #tpu.memory_space<hbm>> -> memref<10000x64xf32, #tpu.memory_space<hbm>>
      %dma_wait3A_52 = arith.constant 0 : i32
      %dma_wait3A_53 = arith.constant 0 : i32
      %dma_wait3A_54 = tpu.memref_slice %dma_wait3A_51[%dma_wait3A_52, %dma_wait3A_53] : memref<10000x64xf32, #tpu.memory_space<hbm>> -> memref<10000x64xf32, #tpu.memory_space<hbm>>
      tpu.wait_indirect_dma semaphore(%arg13 : memref<!tpu.dma_semaphore, #tpu.memory_space<semaphore_mem>>) src(%dma_wait3A_54 : memref<10000x64xf32, #tpu.memory_space<hbm>>) dst(%arg10 : memref<80x64xf32, #tpu.memory_space<vmem>>)
      %add3A_55 = arith.constant 1 : i32
      %add3A_56 = arith.addi %add3A_44, %add3A_55 : i32
      %lt3A = arith.constant 250 : i32
      %lt3A_57 = arith.cmpi slt, %add3A_56, %lt3A : i32
      %convert_element_type3A_58 = arith.extui %lt3A_57 : i1 to i32
      %cond3A_59 = arith.constant 0 : i32
      %cond3A_60 = arith.cmpi ne, %convert_element_type3A_58, %cond3A_59 : i32
      scf.if %cond3A_60 {
        %ge3A = arith.constant 1 : i32
        %ge3A_95 = arith.cmpi sge, %add3A_44, %ge3A : i32
        %convert_element_type3A_96 = arith.extui %ge3A_95 : i1 to i32
        %cond3A_97 = arith.constant 0 : i32
        %cond3A_98 = arith.cmpi ne, %convert_element_type3A_96, %cond3A_97 : i32
        scf.if %cond3A_98 {
          %sub3A = arith.constant 1 : i32
          %sub3A_111 = arith.subi %add3A_44, %sub3A : i32
          %dma_wait3A_112 = arith.constant 0 : i32
          %dma_wait3A_113 = tpu.memref_slice %arg8[%sub3A_111, %dma_wait3A_112] : memref<250x80xi32, #tpu.memory_space<vmem>> -> memref<1x80xi32, #tpu.memory_space<vmem>>
          %dma_wait3A_114 = tpu.memref_squeeze %dma_wait3A_113 : memref<1x80xi32, #tpu.memory_space<vmem>> -> memref<80xi32, #tpu.memory_space<vmem>>
          %dma_wait3A_115 = arith.constant 0 : i32
          %dma_wait3A_116 = arith.constant 0 : i32
          %dma_wait3A_117 = tpu.memref_slice %arg12[%dma_wait3A_115, %dma_wait3A_116] : memref<10000x64xf32, #tpu.memory_space<vmem_shared>> -> memref<10000x64xf32, #tpu.memory_space<vmem_shared>>
          tpu.wait_indirect_dma semaphore(%arg16 : memref<!tpu.dma_semaphore, #tpu.memory_space<semaphore_mem>>) src(%arg11 : memref<80x64xf32, #tpu.memory_space<vmem>>) dst(%dma_wait3A_117 : memref<10000x64xf32, #tpu.memory_space<vmem_shared>>)
        } else {
        }
        %add3A_99 = arith.constant 1 : i32
        %add3A_100 = arith.addi %add3A_44, %add3A_99 : i32
        %dma_start3A_101 = arith.constant 0 : i32
        %dma_start3A_102 = tpu.memref_slice %arg7[%add3A_100, %dma_start3A_101] : memref<250x80xi32, #tpu.memory_space<vmem>> -> memref<1x80xi32, #tpu.memory_space<vmem>>
        %dma_start3A_103 = tpu.memref_squeeze %dma_start3A_102 : memref<1x80xi32, #tpu.memory_space<vmem>> -> memref<80xi32, #tpu.memory_space<vmem>>
        %dma_start3A_104 = arith.constant 0 : i32
        %dma_start3A_105 = arith.constant 0 : i32
        %dma_start3A_106 = tpu.memref_slice %arg2[%arg0, %dma_start3A_104, %dma_start3A_105] : memref<2x10000x64xf32, #tpu.memory_space<hbm>> -> memref<1x10000x64xf32, #tpu.memory_space<hbm>>
        %dma_start3A_107 = tpu.memref_squeeze %dma_start3A_106 : memref<1x10000x64xf32, #tpu.memory_space<hbm>> -> memref<10000x64xf32, #tpu.memory_space<hbm>>
        %dma_start3A_108 = arith.constant 0 : i32
        %dma_start3A_109 = arith.constant 0 : i32
        %dma_start3A_110 = tpu.memref_slice %dma_start3A_107[%dma_start3A_108, %dma_start3A_109] : memref<10000x64xf32, #tpu.memory_space<hbm>> -> memref<10000x64xf32, #tpu.memory_space<hbm>>
        tpu.enqueue_indirect_dma source(%dma_start3A_110 : memref<10000x64xf32, #tpu.memory_space<hbm>>) target(%arg11 : memref<80x64xf32, #tpu.memory_space<vmem>>) offsets(%dma_start3A_103 : memref<80xi32, #tpu.memory_space<vmem>>) semaphore(%arg14 : memref<!tpu.dma_semaphore, #tpu.memory_space<semaphore_mem>>)
      } else {
      }
      %dma_start3A_61 = arith.constant 0 : i32
      %dma_start3A_62 = tpu.memref_slice %arg8[%add3A_44, %dma_start3A_61] : memref<250x80xi32, #tpu.memory_space<vmem>> -> memref<1x80xi32, #tpu.memory_space<vmem>>
      %dma_start3A_63 = tpu.memref_squeeze %dma_start3A_62 : memref<1x80xi32, #tpu.memory_space<vmem>> -> memref<80xi32, #tpu.memory_space<vmem>>
      %dma_start3A_64 = arith.constant 0 : i32
      %dma_start3A_65 = arith.constant 0 : i32
      %dma_start3A_66 = tpu.memref_slice %arg12[%dma_start3A_64, %dma_start3A_65] : memref<10000x64xf32, #tpu.memory_space<vmem_shared>> -> memref<10000x64xf32, #tpu.memory_space<vmem_shared>>
      tpu.enqueue_indirect_dma source(%arg10 : memref<80x64xf32, #tpu.memory_space<vmem>>) target(%dma_start3A_66 : memref<10000x64xf32, #tpu.memory_space<vmem_shared>>) offsets(%dma_start3A_63 : memref<80xi32, #tpu.memory_space<vmem>>) semaphore(%arg15 : memref<!tpu.dma_semaphore, #tpu.memory_space<semaphore_mem>>) {add = true}
      %mul3A_67 = arith.constant 2 : i32
      %mul3A_68 = arith.muli %mul3A_67, %scan3A_40 : i32
      %add3A_69 = arith.constant 1 : i32
      %add3A_70 = arith.addi %mul3A_68, %add3A_69 : i32
      %dma_wait3A_71 = arith.constant 0 : i32
      %dma_wait3A_72 = tpu.memref_slice %arg7[%add3A_70, %dma_wait3A_71] : memref<250x80xi32, #tpu.memory_space<vmem>> -> memref<1x80xi32, #tpu.memory_space<vmem>>
      %dma_wait3A_73 = tpu.memref_squeeze %dma_wait3A_72 : memref<1x80xi32, #tpu.memory_space<vmem>> -> memref<80xi32, #tpu.memory_space<vmem>>
      %dma_wait3A_74 = arith.constant 0 : i32
      %dma_wait3A_75 = arith.constant 0 : i32
      %dma_wait3A_76 = tpu.memref_slice %arg2[%arg0, %dma_wait3A_74, %dma_wait3A_75] : memref<2x10000x64xf32, #tpu.memory_space<hbm>> -> memref<1x10000x64xf32, #tpu.memory_space<hbm>>
      %dma_wait3A_77 = tpu.memref_squeeze %dma_wait3A_76 : memref<1x10000x64xf32, #tpu.memory_space<hbm>> -> memref<10000x64xf32, #tpu.memory_space<hbm>>
      %dma_wait3A_78 = arith.constant 0 : i32
      %dma_wait3A_79 = arith.constant 0 : i32
      %dma_wait3A_80 = tpu.memref_slice %dma_wait3A_77[%dma_wait3A_78, %dma_wait3A_79] : memref<10000x64xf32, #tpu.memory_space<hbm>> -> memref<10000x64xf32, #tpu.memory_space<hbm>>
      tpu.wait_indirect_dma semaphore(%arg14 : memref<!tpu.dma_semaphore, #tpu.memory_space<semaphore_mem>>) src(%dma_wait3A_80 : memref<10000x64xf32, #tpu.memory_space<hbm>>) dst(%arg11 : memref<80x64xf32, #tpu.memory_space<vmem>>)
      %add3A_81 = arith.constant 1 : i32
      %add3A_82 = arith.addi %add3A_70, %add3A_81 : i32
      %lt3A_83 = arith.constant 250 : i32
      %lt3A_84 = arith.cmpi slt, %add3A_82, %lt3A_83 : i32
      %convert_element_type3A_85 = arith.extui %lt3A_84 : i1 to i32
      %cond3A_86 = arith.constant 0 : i32
      %cond3A_87 = arith.cmpi ne, %convert_element_type3A_85, %cond3A_86 : i32
      scf.if %cond3A_87 {
        %ge3A = arith.constant 1 : i32
        %ge3A_95 = arith.cmpi sge, %add3A_70, %ge3A : i32
        %convert_element_type3A_96 = arith.extui %ge3A_95 : i1 to i32
        %cond3A_97 = arith.constant 0 : i32
        %cond3A_98 = arith.cmpi ne, %convert_element_type3A_96, %cond3A_97 : i32
        scf.if %cond3A_98 {
          %sub3A = arith.constant 1 : i32
          %sub3A_111 = arith.subi %add3A_70, %sub3A : i32
          %dma_wait3A_112 = arith.constant 0 : i32
          %dma_wait3A_113 = tpu.memref_slice %arg8[%sub3A_111, %dma_wait3A_112] : memref<250x80xi32, #tpu.memory_space<vmem>> -> memref<1x80xi32, #tpu.memory_space<vmem>>
          %dma_wait3A_114 = tpu.memref_squeeze %dma_wait3A_113 : memref<1x80xi32, #tpu.memory_space<vmem>> -> memref<80xi32, #tpu.memory_space<vmem>>
          %dma_wait3A_115 = arith.constant 0 : i32
          %dma_wait3A_116 = arith.constant 0 : i32
          %dma_wait3A_117 = tpu.memref_slice %arg12[%dma_wait3A_115, %dma_wait3A_116] : memref<10000x64xf32, #tpu.memory_space<vmem_shared>> -> memref<10000x64xf32, #tpu.memory_space<vmem_shared>>
          tpu.wait_indirect_dma semaphore(%arg15 : memref<!tpu.dma_semaphore, #tpu.memory_space<semaphore_mem>>) src(%arg10 : memref<80x64xf32, #tpu.memory_space<vmem>>) dst(%dma_wait3A_117 : memref<10000x64xf32, #tpu.memory_space<vmem_shared>>)
        } else {
        }
        %add3A_99 = arith.constant 1 : i32
        %add3A_100 = arith.addi %add3A_70, %add3A_99 : i32
        %dma_start3A_101 = arith.constant 0 : i32
        %dma_start3A_102 = tpu.memref_slice %arg7[%add3A_100, %dma_start3A_101] : memref<250x80xi32, #tpu.memory_space<vmem>> -> memref<1x80xi32, #tpu.memory_space<vmem>>
        %dma_start3A_103 = tpu.memref_squeeze %dma_start3A_102 : memref<1x80xi32, #tpu.memory_space<vmem>> -> memref<80xi32, #tpu.memory_space<vmem>>
        %dma_start3A_104 = arith.constant 0 : i32
        %dma_start3A_105 = arith.constant 0 : i32
        %dma_start3A_106 = tpu.memref_slice %arg2[%arg0, %dma_start3A_104, %dma_start3A_105] : memref<2x10000x64xf32, #tpu.memory_space<hbm>> -> memref<1x10000x64xf32, #tpu.memory_space<hbm>>
        %dma_start3A_107 = tpu.memref_squeeze %dma_start3A_106 : memref<1x10000x64xf32, #tpu.memory_space<hbm>> -> memref<10000x64xf32, #tpu.memory_space<hbm>>
        %dma_start3A_108 = arith.constant 0 : i32
        %dma_start3A_109 = arith.constant 0 : i32
        %dma_start3A_110 = tpu.memref_slice %dma_start3A_107[%dma_start3A_108, %dma_start3A_109] : memref<10000x64xf32, #tpu.memory_space<hbm>> -> memref<10000x64xf32, #tpu.memory_space<hbm>>
        tpu.enqueue_indirect_dma source(%dma_start3A_110 : memref<10000x64xf32, #tpu.memory_space<hbm>>) target(%arg10 : memref<80x64xf32, #tpu.memory_space<vmem>>) offsets(%dma_start3A_103 : memref<80xi32, #tpu.memory_space<vmem>>) semaphore(%arg13 : memref<!tpu.dma_semaphore, #tpu.memory_space<semaphore_mem>>)
      } else {
      }
      %dma_start3A_88 = arith.constant 0 : i32
      %dma_start3A_89 = tpu.memref_slice %arg8[%add3A_70, %dma_start3A_88] : memref<250x80xi32, #tpu.memory_space<vmem>> -> memref<1x80xi32, #tpu.memory_space<vmem>>
      %dma_start3A_90 = tpu.memref_squeeze %dma_start3A_89 : memref<1x80xi32, #tpu.memory_space<vmem>> -> memref<80xi32, #tpu.memory_space<vmem>>
      %dma_start3A_91 = arith.constant 0 : i32
      %dma_start3A_92 = arith.constant 0 : i32
      %dma_start3A_93 = tpu.memref_slice %arg12[%dma_start3A_91, %dma_start3A_92] : memref<10000x64xf32, #tpu.memory_space<vmem_shared>> -> memref<10000x64xf32, #tpu.memory_space<vmem_shared>>
      tpu.enqueue_indirect_dma source(%arg11 : memref<80x64xf32, #tpu.memory_space<vmem>>) target(%dma_start3A_93 : memref<10000x64xf32, #tpu.memory_space<vmem_shared>>) offsets(%dma_start3A_90 : memref<80xi32, #tpu.memory_space<vmem>>) semaphore(%arg16 : memref<!tpu.dma_semaphore, #tpu.memory_space<semaphore_mem>>) {add = true}
      %scan3A_94 = arith.constant 0 : i32
      scf.yield %scan3A_94 : i32
    }
    %scan3A_18 = arith.constant 125 : i32
    %dma_wait3A = arith.constant 248 : i32
    %dma_wait3A_19 = arith.constant 0 : i32
    %dma_wait3A_20 = tpu.memref_slice %arg8[%dma_wait3A, %dma_wait3A_19] : memref<250x80xi32, #tpu.memory_space<vmem>> -> memref<1x80xi32, #tpu.memory_space<vmem>>
    %dma_wait3A_21 = tpu.memref_squeeze %dma_wait3A_20 : memref<1x80xi32, #tpu.memory_space<vmem>> -> memref<80xi32, #tpu.memory_space<vmem>>
    %dma_wait3A_22 = arith.constant 0 : i32
    %dma_wait3A_23 = arith.constant 0 : i32
    %dma_wait3A_24 = tpu.memref_slice %arg12[%dma_wait3A_22, %dma_wait3A_23] : memref<10000x64xf32, #tpu.memory_space<vmem_shared>> -> memref<10000x64xf32, #tpu.memory_space<vmem_shared>>
    tpu.wait_indirect_dma semaphore(%arg15 : memref<!tpu.dma_semaphore, #tpu.memory_space<semaphore_mem>>) src(%arg10 : memref<80x64xf32, #tpu.memory_space<vmem>>) dst(%dma_wait3A_24 : memref<10000x64xf32, #tpu.memory_space<vmem_shared>>)
    %dma_wait3A_25 = arith.constant 249 : i32
    %dma_wait3A_26 = arith.constant 0 : i32
    %dma_wait3A_27 = tpu.memref_slice %arg8[%dma_wait3A_25, %dma_wait3A_26] : memref<250x80xi32, #tpu.memory_space<vmem>> -> memref<1x80xi32, #tpu.memory_space<vmem>>
    %dma_wait3A_28 = tpu.memref_squeeze %dma_wait3A_27 : memref<1x80xi32, #tpu.memory_space<vmem>> -> memref<80xi32, #tpu.memory_space<vmem>>
    %dma_wait3A_29 = arith.constant 0 : i32
    %dma_wait3A_30 = arith.constant 0 : i32
    %dma_wait3A_31 = tpu.memref_slice %arg12[%dma_wait3A_29, %dma_wait3A_30] : memref<10000x64xf32, #tpu.memory_space<vmem_shared>> -> memref<10000x64xf32, #tpu.memory_space<vmem_shared>>
    tpu.wait_indirect_dma semaphore(%arg16 : memref<!tpu.dma_semaphore, #tpu.memory_space<semaphore_mem>>) src(%arg11 : memref<80x64xf32, #tpu.memory_space<vmem>>) dst(%dma_wait3A_31 : memref<10000x64xf32, #tpu.memory_space<vmem_shared>>)
    %barrier3A_32 = arith.constant 0 : index
    tpu.barrier barrier_id(%barrier3A_32)
    %mul3A_33 = arith.constant 624 : i32
    %mul3A_34 = arith.muli %arg1, %mul3A_33 : i32
    "tpu.region"() ({
      %run_scoped3A = tpu.sem_alloc : memref<!tpu.dma_semaphore, #tpu.memory_space<semaphore_mem>>
      %dma_start3A_40 = arith.constant 0 : i32
      %dma_start3A_41 = tpu.memref_slice %arg6[%arg0, %mul3A_34, %dma_start3A_40] : memref<2x10000x64xf32, #tpu.memory_space<hbm>> -> memref<1x624x64xf32, #tpu.memory_space<hbm>>
      %dma_start3A_42 = tpu.memref_squeeze %dma_start3A_41 : memref<1x624x64xf32, #tpu.memory_space<hbm>> -> memref<624x64xf32, #tpu.memory_space<hbm>>
      %dma_start3A_43 = arith.constant 0 : i32
      %dma_start3A_44 = tpu.memref_slice %arg12[%mul3A_34, %dma_start3A_43] : memref<10000x64xf32, #tpu.memory_space<vmem_shared>> -> memref<624x64xf32, #tpu.memory_space<vmem_shared>>
      tpu.enqueue_dma source(%dma_start3A_44 : memref<624x64xf32, #tpu.memory_space<vmem_shared>>) target(%dma_start3A_42 : memref<624x64xf32, #tpu.memory_space<hbm>>) target_semaphore(%run_scoped3A : memref<!tpu.dma_semaphore, #tpu.memory_space<semaphore_mem>>)
      %dma_wait3A_45 = arith.constant 0 : i32
      %dma_wait3A_46 = tpu.memref_slice %arg6[%arg0, %mul3A_34, %dma_wait3A_45] : memref<2x10000x64xf32, #tpu.memory_space<hbm>> -> memref<1x624x64xf32, #tpu.memory_space<hbm>>
      %dma_wait3A_47 = tpu.memref_squeeze %dma_wait3A_46 : memref<1x624x64xf32, #tpu.memory_space<hbm>> -> memref<624x64xf32, #tpu.memory_space<hbm>>
      %dma_wait3A_48 = arith.constant 0 : i32
      %dma_wait3A_49 = tpu.memref_slice %arg12[%mul3A_34, %dma_wait3A_48] : memref<10000x64xf32, #tpu.memory_space<vmem_shared>> -> memref<624x64xf32, #tpu.memory_space<vmem_shared>>
      tpu.wait_dma2 semaphore(%run_scoped3A : memref<!tpu.dma_semaphore, #tpu.memory_space<semaphore_mem>>) src(%dma_wait3A_49 : memref<624x64xf32, #tpu.memory_space<vmem_shared>>) dst(%dma_wait3A_47 : memref<624x64xf32, #tpu.memory_space<hbm>>)
      tpu.yield
    }) : () -> ()
    %eq3A_35 = arith.constant 15 : i32
    %eq3A_36 = arith.cmpi eq, %arg1, %eq3A_35 : i32
    %convert_element_type3A_37 = arith.extui %eq3A_36 : i1 to i32
    %cond3A_38 = arith.constant 0 : i32
    %cond3A_39 = arith.cmpi ne, %convert_element_type3A_37, %cond3A_38 : i32
    scf.if %cond3A_39 {
      "tpu.region"() ({
        %run_scoped3A = tpu.sem_alloc : memref<!tpu.dma_semaphore, #tpu.memory_space<semaphore_mem>>
        %dma_start3A_40 = arith.constant 9984 : i32
        %dma_start3A_41 = arith.constant 0 : i32
        %dma_start3A_42 = tpu.memref_slice %arg6[%arg0, %dma_start3A_40, %dma_start3A_41] : memref<2x10000x64xf32, #tpu.memory_space<hbm>> -> memref<1x16x64xf32, #tpu.memory_space<hbm>>
        %dma_start3A_43 = tpu.memref_squeeze %dma_start3A_42 : memref<1x16x64xf32, #tpu.memory_space<hbm>> -> memref<16x64xf32, #tpu.memory_space<hbm>>
        %dma_start3A_44 = arith.constant 9984 : i32
        %dma_start3A_45 = arith.constant 0 : i32
        %dma_start3A_46 = tpu.memref_slice %arg12[%dma_start3A_44, %dma_start3A_45] : memref<10000x64xf32, #tpu.memory_space<vmem_shared>> -> memref<16x64xf32, #tpu.memory_space<vmem_shared>>
        tpu.enqueue_dma source(%dma_start3A_46 : memref<16x64xf32, #tpu.memory_space<vmem_shared>>) target(%dma_start3A_43 : memref<16x64xf32, #tpu.memory_space<hbm>>) target_semaphore(%run_scoped3A : memref<!tpu.dma_semaphore, #tpu.memory_space<semaphore_mem>>)
        %dma_wait3A_47 = arith.constant 9984 : i32
        %dma_wait3A_48 = arith.constant 0 : i32
        %dma_wait3A_49 = tpu.memref_slice %arg6[%arg0, %dma_wait3A_47, %dma_wait3A_48] : memref<2x10000x64xf32, #tpu.memory_space<hbm>> -> memref<1x16x64xf32, #tpu.memory_space<hbm>>
        %dma_wait3A_50 = tpu.memref_squeeze %dma_wait3A_49 : memref<1x16x64xf32, #tpu.memory_space<hbm>> -> memref<16x64xf32, #tpu.memory_space<hbm>>
        %dma_wait3A_51 = arith.constant 9984 : i32
        %dma_wait3A_52 = arith.constant 0 : i32
        %dma_wait3A_53 = tpu.memref_slice %arg12[%dma_wait3A_51, %dma_wait3A_52] : memref<10000x64xf32, #tpu.memory_space<vmem_shared>> -> memref<16x64xf32, #tpu.memory_space<vmem_shared>>
        tpu.wait_dma2 semaphore(%run_scoped3A : memref<!tpu.dma_semaphore, #tpu.memory_space<semaphore_mem>>) src(%dma_wait3A_53 : memref<16x64xf32, #tpu.memory_space<vmem_shared>>) dst(%dma_wait3A_50 : memref<16x64xf32, #tpu.memory_space<hbm>>)
        tpu.yield
      }) : () -> ()
    } else {
    }
    return
  }
}

#map = affine_map<(d0, d1) -> (0, 0, 0)>
#map1 = affine_map<(d0, d1) -> (0, 0)>
module attributes {stable_mosaic.version = 14 : i64} {
  func.func @body(%arg0: i32, %arg1: i32, %arg2: memref<2x10000x64xf32, #tpu.memory_space<hbm>>, %arg3: memref<16x250x80xi32, #tpu.memory_space<hbm>>, %arg4: memref<16x250x80xi32, #tpu.memory_space<hbm>>, %arg5: memref<16x250x80xf32, #tpu.memory_space<hbm>>, %arg6: memref<624x64xf32, #tpu.memory_space<hbm>>, %arg7: memref<2x10000x64xf32, #tpu.memory_space<hbm>>, %arg8: memref<250x80xi32, #tpu.memory_space<vmem>>, %arg9: memref<250x80xi32, #tpu.memory_space<vmem>>, %arg10: memref<250x80xf32, #tpu.memory_space<vmem>>, %arg11: memref<80x64xf32, #tpu.memory_space<vmem>>, %arg12: memref<80x64xf32, #tpu.memory_space<vmem>>, %arg13: memref<10000x64xf32, #tpu.memory_space<vmem_shared>>, %arg14: memref<!tpu.dma_semaphore, #tpu.memory_space<semaphore_mem>>, %arg15: memref<!tpu.dma_semaphore, #tpu.memory_space<semaphore_mem>>, %arg16: memref<!tpu.dma_semaphore, #tpu.memory_space<semaphore_mem>>, %arg17: memref<!tpu.dma_semaphore, #tpu.memory_space<semaphore_mem>>) attributes {dimension_semantics = [#tpu.dimension_semantics<core_parallel>, #tpu.dimension_semantics<subcore_parallel>], iteration_bounds = array<i64: 2, 16>, scalar_prefetch = 0 : i64, scratch_operands = 10 : i64, tpu.core_type = #tpu.core_type<sc_vector_subcore>, window_params = [{transform_indices = #map}, {transform_indices = #map}, {transform_indices = #map}, {transform_indices = #map}, {transform_indices = #map1}, {transform_indices = #map}]} {
    "tpu.region"() ({
      %run_scoped3A = tpu.sem_alloc : memref<!tpu.dma_semaphore, #tpu.memory_space<semaphore_mem>>
      %dma_start3A_27 = arith.constant 0 : i32
      %dma_start3A_28 = arith.constant 0 : i32
      %dma_start3A_29 = tpu.memref_slice %arg3[%arg1, %dma_start3A_27, %dma_start3A_28] : memref<16x250x80xi32, #tpu.memory_space<hbm>> -> memref<1x250x80xi32, #tpu.memory_space<hbm>>
      %dma_start3A_30 = tpu.memref_squeeze %dma_start3A_29 : memref<1x250x80xi32, #tpu.memory_space<hbm>> -> memref<250x80xi32, #tpu.memory_space<hbm>>
      %dma_start3A_31 = arith.constant 0 : i32
      %dma_start3A_32 = arith.constant 0 : i32
      %dma_start3A_33 = tpu.memref_slice %arg3[%arg1, %dma_start3A_31, %dma_start3A_32] : memref<16x250x80xi32, #tpu.memory_space<hbm>> -> memref<1x250x80xi32, #tpu.memory_space<hbm>>
      %dma_start3A_34 = tpu.memref_squeeze %dma_start3A_33 : memref<1x250x80xi32, #tpu.memory_space<hbm>> -> memref<250x80xi32, #tpu.memory_space<hbm>>
      tpu.enqueue_dma source(%dma_start3A_34 : memref<250x80xi32, #tpu.memory_space<hbm>>) target(%arg8 : memref<250x80xi32, #tpu.memory_space<vmem>>) target_semaphore(%run_scoped3A : memref<!tpu.dma_semaphore, #tpu.memory_space<semaphore_mem>>)
      %dma_wait3A = arith.constant 0 : i32
      %dma_wait3A_35 = arith.constant 0 : i32
      %dma_wait3A_36 = tpu.memref_slice %arg3[%arg1, %dma_wait3A, %dma_wait3A_35] : memref<16x250x80xi32, #tpu.memory_space<hbm>> -> memref<1x250x80xi32, #tpu.memory_space<hbm>>
      %dma_wait3A_37 = tpu.memref_squeeze %dma_wait3A_36 : memref<1x250x80xi32, #tpu.memory_space<hbm>> -> memref<250x80xi32, #tpu.memory_space<hbm>>
      %dma_wait3A_38 = arith.constant 0 : i32
      %dma_wait3A_39 = arith.constant 0 : i32
      %dma_wait3A_40 = tpu.memref_slice %arg3[%arg1, %dma_wait3A_38, %dma_wait3A_39] : memref<16x250x80xi32, #tpu.memory_space<hbm>> -> memref<1x250x80xi32, #tpu.memory_space<hbm>>
      %dma_wait3A_41 = tpu.memref_squeeze %dma_wait3A_40 : memref<1x250x80xi32, #tpu.memory_space<hbm>> -> memref<250x80xi32, #tpu.memory_space<hbm>>
      tpu.wait_dma2 semaphore(%run_scoped3A : memref<!tpu.dma_semaphore, #tpu.memory_space<semaphore_mem>>) src(%dma_wait3A_41 : memref<250x80xi32, #tpu.memory_space<hbm>>) dst(%arg8 : memref<250x80xi32, #tpu.memory_space<vmem>>)
      tpu.yield
    }) : () -> ()
    "tpu.region"() ({
      %run_scoped3A = tpu.sem_alloc : memref<!tpu.dma_semaphore, #tpu.memory_space<semaphore_mem>>
      %dma_start3A_27 = arith.constant 0 : i32
      %dma_start3A_28 = arith.constant 0 : i32
      %dma_start3A_29 = tpu.memref_slice %arg4[%arg1, %dma_start3A_27, %dma_start3A_28] : memref<16x250x80xi32, #tpu.memory_space<hbm>> -> memref<1x250x80xi32, #tpu.memory_space<hbm>>
      %dma_start3A_30 = tpu.memref_squeeze %dma_start3A_29 : memref<1x250x80xi32, #tpu.memory_space<hbm>> -> memref<250x80xi32, #tpu.memory_space<hbm>>
      %dma_start3A_31 = arith.constant 0 : i32
      %dma_start3A_32 = arith.constant 0 : i32
      %dma_start3A_33 = tpu.memref_slice %arg4[%arg1, %dma_start3A_31, %dma_start3A_32] : memref<16x250x80xi32, #tpu.memory_space<hbm>> -> memref<1x250x80xi32, #tpu.memory_space<hbm>>
      %dma_start3A_34 = tpu.memref_squeeze %dma_start3A_33 : memref<1x250x80xi32, #tpu.memory_space<hbm>> -> memref<250x80xi32, #tpu.memory_space<hbm>>
      tpu.enqueue_dma source(%dma_start3A_34 : memref<250x80xi32, #tpu.memory_space<hbm>>) target(%arg9 : memref<250x80xi32, #tpu.memory_space<vmem>>) target_semaphore(%run_scoped3A : memref<!tpu.dma_semaphore, #tpu.memory_space<semaphore_mem>>)
      %dma_wait3A = arith.constant 0 : i32
      %dma_wait3A_35 = arith.constant 0 : i32
      %dma_wait3A_36 = tpu.memref_slice %arg4[%arg1, %dma_wait3A, %dma_wait3A_35] : memref<16x250x80xi32, #tpu.memory_space<hbm>> -> memref<1x250x80xi32, #tpu.memory_space<hbm>>
      %dma_wait3A_37 = tpu.memref_squeeze %dma_wait3A_36 : memref<1x250x80xi32, #tpu.memory_space<hbm>> -> memref<250x80xi32, #tpu.memory_space<hbm>>
      %dma_wait3A_38 = arith.constant 0 : i32
      %dma_wait3A_39 = arith.constant 0 : i32
      %dma_wait3A_40 = tpu.memref_slice %arg4[%arg1, %dma_wait3A_38, %dma_wait3A_39] : memref<16x250x80xi32, #tpu.memory_space<hbm>> -> memref<1x250x80xi32, #tpu.memory_space<hbm>>
      %dma_wait3A_41 = tpu.memref_squeeze %dma_wait3A_40 : memref<1x250x80xi32, #tpu.memory_space<hbm>> -> memref<250x80xi32, #tpu.memory_space<hbm>>
      tpu.wait_dma2 semaphore(%run_scoped3A : memref<!tpu.dma_semaphore, #tpu.memory_space<semaphore_mem>>) src(%dma_wait3A_41 : memref<250x80xi32, #tpu.memory_space<hbm>>) dst(%arg9 : memref<250x80xi32, #tpu.memory_space<vmem>>)
      tpu.yield
    }) : () -> ()
    "tpu.region"() ({
      %run_scoped3A = tpu.sem_alloc : memref<!tpu.dma_semaphore, #tpu.memory_space<semaphore_mem>>
      %dma_start3A_27 = arith.constant 0 : i32
      %dma_start3A_28 = arith.constant 0 : i32
      %dma_start3A_29 = tpu.memref_slice %arg5[%arg1, %dma_start3A_27, %dma_start3A_28] : memref<16x250x80xf32, #tpu.memory_space<hbm>> -> memref<1x250x80xf32, #tpu.memory_space<hbm>>
      %dma_start3A_30 = tpu.memref_squeeze %dma_start3A_29 : memref<1x250x80xf32, #tpu.memory_space<hbm>> -> memref<250x80xf32, #tpu.memory_space<hbm>>
      %dma_start3A_31 = arith.constant 0 : i32
      %dma_start3A_32 = arith.constant 0 : i32
      %dma_start3A_33 = tpu.memref_slice %arg5[%arg1, %dma_start3A_31, %dma_start3A_32] : memref<16x250x80xf32, #tpu.memory_space<hbm>> -> memref<1x250x80xf32, #tpu.memory_space<hbm>>
      %dma_start3A_34 = tpu.memref_squeeze %dma_start3A_33 : memref<1x250x80xf32, #tpu.memory_space<hbm>> -> memref<250x80xf32, #tpu.memory_space<hbm>>
      tpu.enqueue_dma source(%dma_start3A_34 : memref<250x80xf32, #tpu.memory_space<hbm>>) target(%arg10 : memref<250x80xf32, #tpu.memory_space<vmem>>) target_semaphore(%run_scoped3A : memref<!tpu.dma_semaphore, #tpu.memory_space<semaphore_mem>>)
      %dma_wait3A = arith.constant 0 : i32
      %dma_wait3A_35 = arith.constant 0 : i32
      %dma_wait3A_36 = tpu.memref_slice %arg5[%arg1, %dma_wait3A, %dma_wait3A_35] : memref<16x250x80xf32, #tpu.memory_space<hbm>> -> memref<1x250x80xf32, #tpu.memory_space<hbm>>
      %dma_wait3A_37 = tpu.memref_squeeze %dma_wait3A_36 : memref<1x250x80xf32, #tpu.memory_space<hbm>> -> memref<250x80xf32, #tpu.memory_space<hbm>>
      %dma_wait3A_38 = arith.constant 0 : i32
      %dma_wait3A_39 = arith.constant 0 : i32
      %dma_wait3A_40 = tpu.memref_slice %arg5[%arg1, %dma_wait3A_38, %dma_wait3A_39] : memref<16x250x80xf32, #tpu.memory_space<hbm>> -> memref<1x250x80xf32, #tpu.memory_space<hbm>>
      %dma_wait3A_41 = tpu.memref_squeeze %dma_wait3A_40 : memref<1x250x80xf32, #tpu.memory_space<hbm>> -> memref<250x80xf32, #tpu.memory_space<hbm>>
      tpu.wait_dma2 semaphore(%run_scoped3A : memref<!tpu.dma_semaphore, #tpu.memory_space<semaphore_mem>>) src(%dma_wait3A_41 : memref<250x80xf32, #tpu.memory_space<hbm>>) dst(%arg10 : memref<250x80xf32, #tpu.memory_space<vmem>>)
      tpu.yield
    }) : () -> ()
    %mul3A = arith.constant 624 : i32
    %mul3A_0 = arith.muli %arg1, %mul3A : i32
    "tpu.region"() ({
      %run_scoped3A = tpu.sem_alloc : memref<!tpu.dma_semaphore, #tpu.memory_space<semaphore_mem>>
      %dma_start3A_27 = arith.constant 0 : i32
      %dma_start3A_28 = tpu.memref_slice %arg13[%mul3A_0, %dma_start3A_27] : memref<10000x64xf32, #tpu.memory_space<vmem_shared>> -> memref<624x64xf32, #tpu.memory_space<vmem_shared>>
      tpu.enqueue_dma source(%arg6 : memref<624x64xf32, #tpu.memory_space<hbm>>) target(%dma_start3A_28 : memref<624x64xf32, #tpu.memory_space<vmem_shared>>) target_semaphore(%run_scoped3A : memref<!tpu.dma_semaphore, #tpu.memory_space<semaphore_mem>>)
      %dma_wait3A = arith.constant 0 : i32
      %dma_wait3A_29 = tpu.memref_slice %arg13[%mul3A_0, %dma_wait3A] : memref<10000x64xf32, #tpu.memory_space<vmem_shared>> -> memref<624x64xf32, #tpu.memory_space<vmem_shared>>
      tpu.wait_dma2 semaphore(%run_scoped3A : memref<!tpu.dma_semaphore, #tpu.memory_space<semaphore_mem>>) src(%arg6 : memref<624x64xf32, #tpu.memory_space<hbm>>) dst(%dma_wait3A_29 : memref<624x64xf32, #tpu.memory_space<vmem_shared>>)
      tpu.yield
    }) : () -> ()
    %eq3A = arith.constant 15 : i32
    %eq3A_1 = arith.cmpi eq, %arg1, %eq3A : i32
    %convert_element_type3A = arith.extui %eq3A_1 : i1 to i32
    %cond3A = arith.constant 0 : i32
    %cond3A_2 = arith.cmpi ne, %convert_element_type3A, %cond3A : i32
    scf.if %cond3A_2 {
      "tpu.region"() ({
        %run_scoped3A = tpu.sem_alloc : memref<!tpu.dma_semaphore, #tpu.memory_space<semaphore_mem>>
        %dma_start3A_27 = arith.constant 9984 : i32
        %dma_start3A_28 = arith.constant 0 : i32
        %dma_start3A_29 = tpu.memref_slice %arg13[%dma_start3A_27, %dma_start3A_28] : memref<10000x64xf32, #tpu.memory_space<vmem_shared>> -> memref<16x64xf32, #tpu.memory_space<vmem_shared>>
        %dma_start3A_30 = arith.constant 0 : i32
        %dma_start3A_31 = arith.constant 0 : i32
        %dma_start3A_32 = tpu.memref_slice %arg6[%dma_start3A_30, %dma_start3A_31] : memref<624x64xf32, #tpu.memory_space<hbm>> -> memref<16x64xf32, #tpu.memory_space<hbm>>
        tpu.enqueue_dma source(%dma_start3A_32 : memref<16x64xf32, #tpu.memory_space<hbm>>) target(%dma_start3A_29 : memref<16x64xf32, #tpu.memory_space<vmem_shared>>) target_semaphore(%run_scoped3A : memref<!tpu.dma_semaphore, #tpu.memory_space<semaphore_mem>>)
        %dma_wait3A = arith.constant 9984 : i32
        %dma_wait3A_33 = arith.constant 0 : i32
        %dma_wait3A_34 = tpu.memref_slice %arg13[%dma_wait3A, %dma_wait3A_33] : memref<10000x64xf32, #tpu.memory_space<vmem_shared>> -> memref<16x64xf32, #tpu.memory_space<vmem_shared>>
        %dma_wait3A_35 = arith.constant 0 : i32
        %dma_wait3A_36 = arith.constant 0 : i32
        %dma_wait3A_37 = tpu.memref_slice %arg6[%dma_wait3A_35, %dma_wait3A_36] : memref<624x64xf32, #tpu.memory_space<hbm>> -> memref<16x64xf32, #tpu.memory_space<hbm>>
        tpu.wait_dma2 semaphore(%run_scoped3A : memref<!tpu.dma_semaphore, #tpu.memory_space<semaphore_mem>>) src(%dma_wait3A_37 : memref<16x64xf32, #tpu.memory_space<hbm>>) dst(%dma_wait3A_34 : memref<16x64xf32, #tpu.memory_space<vmem_shared>>)
        tpu.yield
      }) : () -> ()
    } else {
    }
    %barrier3A = arith.constant 0 : index
    tpu.barrier barrier_id(%barrier3A)
    %dma_start3A = arith.constant 0 : i32
    %dma_start3A_3 = arith.constant 0 : i32
    %dma_start3A_4 = tpu.memref_slice %arg8[%dma_start3A, %dma_start3A_3] : memref<250x80xi32, #tpu.memory_space<vmem>> -> memref<1x80xi32, #tpu.memory_space<vmem>>
    %dma_start3A_5 = tpu.memref_squeeze %dma_start3A_4 : memref<1x80xi32, #tpu.memory_space<vmem>> -> memref<80xi32, #tpu.memory_space<vmem>>
    %dma_start3A_6 = arith.constant 0 : i32
    %dma_start3A_7 = arith.constant 0 : i32
    %dma_start3A_8 = tpu.memref_slice %arg2[%arg0, %dma_start3A_6, %dma_start3A_7] : memref<2x10000x64xf32, #tpu.memory_space<hbm>> -> memref<1x10000x64xf32, #tpu.memory_space<hbm>>
    %dma_start3A_9 = tpu.memref_squeeze %dma_start3A_8 : memref<1x10000x64xf32, #tpu.memory_space<hbm>> -> memref<10000x64xf32, #tpu.memory_space<hbm>>
    %dma_start3A_10 = arith.constant 0 : i32
    %dma_start3A_11 = arith.constant 0 : i32
    %dma_start3A_12 = tpu.memref_slice %dma_start3A_9[%dma_start3A_10, %dma_start3A_11] : memref<10000x64xf32, #tpu.memory_space<hbm>> -> memref<10000x64xf32, #tpu.memory_space<hbm>>
    tpu.enqueue_indirect_dma source(%dma_start3A_12 : memref<10000x64xf32, #tpu.memory_space<hbm>>) target(%arg11 : memref<80x64xf32, #tpu.memory_space<vmem>>) offsets(%dma_start3A_5 : memref<80xi32, #tpu.memory_space<vmem>>) semaphore(%arg14 : memref<!tpu.dma_semaphore, #tpu.memory_space<semaphore_mem>>)
    %scan3A = arith.constant 0 : i32
    %scan3A_13 = arith.constant 0 : i32
    %scan3A_14 = arith.constant 125 : i32
    %scan3A_15 = arith.addi %scan3A_13, %scan3A_14 : i32
    %scan3A_16 = arith.constant 1 : i32
    %scan3A_17 = scf.for %scan3A_27 = %scan3A_13 to %scan3A_15 step %scan3A_16 iter_args(%scan3A_28 = %scan3A) -> (i32)  : i32 {
      %mul3A_29 = arith.constant 2 : i32
      %mul3A_30 = arith.muli %mul3A_29, %scan3A_27 : i32
      %add3A = arith.constant 0 : i32
      %add3A_31 = arith.addi %mul3A_30, %add3A : i32
      %dma_wait3A = arith.constant 0 : i32
      %dma_wait3A_32 = tpu.memref_slice %arg8[%add3A_31, %dma_wait3A] : memref<250x80xi32, #tpu.memory_space<vmem>> -> memref<1x80xi32, #tpu.memory_space<vmem>>
      %dma_wait3A_33 = tpu.memref_squeeze %dma_wait3A_32 : memref<1x80xi32, #tpu.memory_space<vmem>> -> memref<80xi32, #tpu.memory_space<vmem>>
      %dma_wait3A_34 = arith.constant 0 : i32
      %dma_wait3A_35 = arith.constant 0 : i32
      %dma_wait3A_36 = tpu.memref_slice %arg2[%arg0, %dma_wait3A_34, %dma_wait3A_35] : memref<2x10000x64xf32, #tpu.memory_space<hbm>> -> memref<1x10000x64xf32, #tpu.memory_space<hbm>>
      %dma_wait3A_37 = tpu.memref_squeeze %dma_wait3A_36 : memref<1x10000x64xf32, #tpu.memory_space<hbm>> -> memref<10000x64xf32, #tpu.memory_space<hbm>>
      %dma_wait3A_38 = arith.constant 0 : i32
      %dma_wait3A_39 = arith.constant 0 : i32
      %dma_wait3A_40 = tpu.memref_slice %dma_wait3A_37[%dma_wait3A_38, %dma_wait3A_39] : memref<10000x64xf32, #tpu.memory_space<hbm>> -> memref<10000x64xf32, #tpu.memory_space<hbm>>
      tpu.wait_indirect_dma semaphore(%arg14 : memref<!tpu.dma_semaphore, #tpu.memory_space<semaphore_mem>>) src(%dma_wait3A_40 : memref<10000x64xf32, #tpu.memory_space<hbm>>) dst(%arg11 : memref<80x64xf32, #tpu.memory_space<vmem>>)
      %add3A_41 = arith.constant 1 : i32
      %add3A_42 = arith.addi %add3A_31, %add3A_41 : i32
      %lt3A = arith.constant 250 : i32
      %lt3A_43 = arith.cmpi slt, %add3A_42, %lt3A : i32
      %convert_element_type3A_44 = arith.extui %lt3A_43 : i1 to i32
      %cond3A_45 = arith.constant 0 : i32
      %cond3A_46 = arith.cmpi ne, %convert_element_type3A_44, %cond3A_45 : i32
      scf.if %cond3A_46 {
        %add3A_83 = arith.constant 1 : i32
        %add3A_84 = arith.addi %add3A_31, %add3A_83 : i32
        %dma_start3A_85 = arith.constant 0 : i32
        %dma_start3A_86 = tpu.memref_slice %arg8[%add3A_84, %dma_start3A_85] : memref<250x80xi32, #tpu.memory_space<vmem>> -> memref<1x80xi32, #tpu.memory_space<vmem>>
        %dma_start3A_87 = tpu.memref_squeeze %dma_start3A_86 : memref<1x80xi32, #tpu.memory_space<vmem>> -> memref<80xi32, #tpu.memory_space<vmem>>
        %dma_start3A_88 = arith.constant 0 : i32
        %dma_start3A_89 = arith.constant 0 : i32
        %dma_start3A_90 = tpu.memref_slice %arg2[%arg0, %dma_start3A_88, %dma_start3A_89] : memref<2x10000x64xf32, #tpu.memory_space<hbm>> -> memref<1x10000x64xf32, #tpu.memory_space<hbm>>
        %dma_start3A_91 = tpu.memref_squeeze %dma_start3A_90 : memref<1x10000x64xf32, #tpu.memory_space<hbm>> -> memref<10000x64xf32, #tpu.memory_space<hbm>>
        %dma_start3A_92 = arith.constant 0 : i32
        %dma_start3A_93 = arith.constant 0 : i32
        %dma_start3A_94 = tpu.memref_slice %dma_start3A_91[%dma_start3A_92, %dma_start3A_93] : memref<10000x64xf32, #tpu.memory_space<hbm>> -> memref<10000x64xf32, #tpu.memory_space<hbm>>
        tpu.enqueue_indirect_dma source(%dma_start3A_94 : memref<10000x64xf32, #tpu.memory_space<hbm>>) target(%arg12 : memref<80x64xf32, #tpu.memory_space<vmem>>) offsets(%dma_start3A_87 : memref<80xi32, #tpu.memory_space<vmem>>) semaphore(%arg15 : memref<!tpu.dma_semaphore, #tpu.memory_space<semaphore_mem>>)
      } else {
      }
      %scan3A_47 = arith.constant 0 : i32
      %scan3A_48 = arith.constant 0 : i32
      %scan3A_49 = arith.constant 5 : i32
      %scan3A_50 = arith.addi %scan3A_48, %scan3A_49 : i32
      %scan3A_51 = arith.constant 1 : i32
      %scan3A_52 = scf.for %scan3A_83 = %scan3A_48 to %scan3A_50 step %scan3A_51 iter_args(%scan3A_84 = %scan3A_47) -> (i32)  : i32 {
        %mul3A_85 = arith.constant 16 : i32
        %mul3A_86 = arith.muli %scan3A_83, %mul3A_85 : i32
        %get3A = arith.index_cast %add3A_31 : i32 to index
        %get3A_87 = arith.index_cast %mul3A_86 : i32 to index
        %get3A_88 = tpu.vector_load %arg10[%get3A, %get3A_87] {strides = array<i32>} : memref<250x80xf32, #tpu.memory_space<vmem>>, vector<1x16xf32>,
        %get3A_89 = vector.shape_cast %get3A_88 : vector<1x16xf32> to vector<16xf32>
        %broadcast_in_dim3A = arith.constant 0 : i32
        %broadcast_in_dim3A_90 = vector.broadcast %broadcast_in_dim3A : i32 to vector<16xi32>
        %lt3A_91 = arith.constant 0 : i32
        %lt3A_92 = vector.broadcast %lt3A_91 : i32 to vector<16xi32>
        %lt3A_93 = arith.cmpi slt, %broadcast_in_dim3A_90, %lt3A_92 : vector<16xi32>
        %add3A_94 = arith.constant 16 : i32
        %add3A_95 = vector.broadcast %add3A_94 : i32 to vector<16xi32>
        %add3A_96 = arith.addi %broadcast_in_dim3A_90, %add3A_95 : vector<16xi32>
        %select_n3A = arith.select %lt3A_93, %add3A_96, %broadcast_in_dim3A_90 : vector<16xi1>, vector<16xi32>
        %broadcast_in_dim3A_97 = vector.shape_cast %select_n3A : vector<16xi32> to vector<16x1xi32>
        %gather3A = vector.shape_cast %broadcast_in_dim3A_97 : vector<16x1xi32> to vector<16xi32>
        %gather3A_98 = tpu.dynamic_gather %get3A_89[%gather3A] in [0] : vector<16xf32>, vector<16xi32> -> vector<16xf32>
        %mul3A_99 = arith.constant 16 : i32
        %mul3A_100 = arith.muli %scan3A_83, %mul3A_99 : i32
        %add3A_101 = arith.constant 0 : i32
        %add3A_102 = arith.addi %mul3A_100, %add3A_101 : i32
        %get3A_103 = arith.index_cast %add3A_102 : i32 to index
        %get3A_104 = arith.constant 0 : index
        %get3A_105 = tpu.vector_load %arg11[%get3A_103, %get3A_104] {strides = array<i32>} : memref<80x64xf32, #tpu.memory_space<vmem>>, vector<1x16xf32>,
        %get3A_106 = vector.shape_cast %get3A_105 : vector<1x16xf32> to vector<16xf32>
        %mul3A_107 = arith.mulf %get3A_106, %gather3A_98 : vector<16xf32>
        %mul3A_108 = arith.constant 16 : i32
        %mul3A_109 = arith.muli %scan3A_83, %mul3A_108 : i32
        %add3A_110 = arith.constant 0 : i32
        %add3A_111 = arith.addi %mul3A_109, %add3A_110 : i32
        %swap3A = arith.index_cast %add3A_111 : i32 to index
        %swap3A_112 = arith.constant 0 : index
        %swap3A_113 = tpu.vector_load %arg11[%swap3A, %swap3A_112] {strides = array<i32>} : memref<80x64xf32, #tpu.memory_space<vmem>>, vector<1x16xf32>,
        %swap3A_114 = vector.shape_cast %swap3A_113 : vector<1x16xf32> to vector<16xf32>
        %swap3A_115 = vector.shape_cast %mul3A_107 : vector<16xf32> to vector<1x16xf32>
        tpu.vector_store %arg11[%swap3A, %swap3A_112], %swap3A_115 {strides = array<i32>} : memref<80x64xf32, #tpu.memory_space<vmem>>, vector<1x16xf32>,
        %mul3A_116 = arith.constant 16 : i32
        %mul3A_117 = arith.muli %scan3A_83, %mul3A_116 : i32
        %add3A_118 = arith.constant 0 : i32
        %add3A_119 = arith.addi %mul3A_117, %add3A_118 : i32
        %get3A_120 = arith.index_cast %add3A_119 : i32 to index
        %get3A_121 = arith.constant 16 : index
        %get3A_122 = tpu.vector_load %arg11[%get3A_120, %get3A_121] {strides = array<i32>} : memref<80x64xf32, #tpu.memory_space<vmem>>, vector<1x16xf32>,
        %get3A_123 = vector.shape_cast %get3A_122 : vector<1x16xf32> to vector<16xf32>
        %mul3A_124 = arith.mulf %get3A_123, %gather3A_98 : vector<16xf32>
        %mul3A_125 = arith.constant 16 : i32
        %mul3A_126 = arith.muli %scan3A_83, %mul3A_125 : i32
        %add3A_127 = arith.constant 0 : i32
        %add3A_128 = arith.addi %mul3A_126, %add3A_127 : i32
        %swap3A_129 = arith.index_cast %add3A_128 : i32 to index
        %swap3A_130 = arith.constant 16 : index
        %swap3A_131 = tpu.vector_load %arg11[%swap3A_129, %swap3A_130] {strides = array<i32>} : memref<80x64xf32, #tpu.memory_space<vmem>>, vector<1x16xf32>,
        %swap3A_132 = vector.shape_cast %swap3A_131 : vector<1x16xf32> to vector<16xf32>
        %swap3A_133 = vector.shape_cast %mul3A_124 : vector<16xf32> to vector<1x16xf32>
        tpu.vector_store %arg11[%swap3A_129, %swap3A_130], %swap3A_133 {strides = array<i32>} : memref<80x64xf32, #tpu.memory_space<vmem>>, vector<1x16xf32>,
        %mul3A_134 = arith.constant 16 : i32
        %mul3A_135 = arith.muli %scan3A_83, %mul3A_134 : i32
        %add3A_136 = arith.constant 0 : i32
        %add3A_137 = arith.addi %mul3A_135, %add3A_136 : i32
        %get3A_138 = arith.index_cast %add3A_137 : i32 to index
        %get3A_139 = arith.constant 32 : index
        %get3A_140 = tpu.vector_load %arg11[%get3A_138, %get3A_139] {strides = array<i32>} : memref<80x64xf32, #tpu.memory_space<vmem>>, vector<1x16xf32>,
        %get3A_141 = vector.shape_cast %get3A_140 : vector<1x16xf32> to vector<16xf32>
        %mul3A_142 = arith.mulf %get3A_141, %gather3A_98 : vector<16xf32>
        %mul3A_143 = arith.constant 16 : i32
        %mul3A_144 = arith.muli %scan3A_83, %mul3A_143 : i32
        %add3A_145 = arith.constant 0 : i32
        %add3A_146 = arith.addi %mul3A_144, %add3A_145 : i32
        %swap3A_147 = arith.index_cast %add3A_146 : i32 to index
        %swap3A_148 = arith.constant 32 : index
        %swap3A_149 = tpu.vector_load %arg11[%swap3A_147, %swap3A_148] {strides = array<i32>} : memref<80x64xf32, #tpu.memory_space<vmem>>, vector<1x16xf32>,
        %swap3A_150 = vector.shape_cast %swap3A_149 : vector<1x16xf32> to vector<16xf32>
        %swap3A_151 = vector.shape_cast %mul3A_142 : vector<16xf32> to vector<1x16xf32>
        tpu.vector_store %arg11[%swap3A_147, %swap3A_148], %swap3A_151 {strides = array<i32>} : memref<80x64xf32, #tpu.memory_space<vmem>>, vector<1x16xf32>,
        %mul3A_152 = arith.constant 16 : i32
        %mul3A_153 = arith.muli %scan3A_83, %mul3A_152 : i32
        %add3A_154 = arith.constant 0 : i32
        %add3A_155 = arith.addi %mul3A_153, %add3A_154 : i32
        %get3A_156 = arith.index_cast %add3A_155 : i32 to index
        %get3A_157 = arith.constant 48 : index
        %get3A_158 = tpu.vector_load %arg11[%get3A_156, %get3A_157] {strides = array<i32>} : memref<80x64xf32, #tpu.memory_space<vmem>>, vector<1x16xf32>,
        %get3A_159 = vector.shape_cast %get3A_158 : vector<1x16xf32> to vector<16xf32>
        %mul3A_160 = arith.mulf %get3A_159, %gather3A_98 : vector<16xf32>
        %mul3A_161 = arith.constant 16 : i32
        %mul3A_162 = arith.muli %scan3A_83, %mul3A_161 : i32
        %add3A_163 = arith.constant 0 : i32
        %add3A_164 = arith.addi %mul3A_162, %add3A_163 : i32
        %swap3A_165 = arith.index_cast %add3A_164 : i32 to index
        %swap3A_166 = arith.constant 48 : index
        %swap3A_167 = tpu.vector_load %arg11[%swap3A_165, %swap3A_166] {strides = array<i32>} : memref<80x64xf32, #tpu.memory_space<vmem>>, vector<1x16xf32>,
        %swap3A_168 = vector.shape_cast %swap3A_167 : vector<1x16xf32> to vector<16xf32>
        %swap3A_169 = vector.shape_cast %mul3A_160 : vector<16xf32> to vector<1x16xf32>
        tpu.vector_store %arg11[%swap3A_165, %swap3A_166], %swap3A_169 {strides = array<i32>} : memref<80x64xf32, #tpu.memory_space<vmem>>, vector<1x16xf32>,
        %broadcast_in_dim3A_170 = arith.constant 1 : i32
        %broadcast_in_dim3A_171 = vector.broadcast %broadcast_in_dim3A_170 : i32 to vector<16xi32>
        %lt3A_172 = arith.constant 0 : i32
        %lt3A_173 = vector.broadcast %lt3A_172 : i32 to vector<16xi32>
        %lt3A_174 = arith.cmpi slt, %broadcast_in_dim3A_171, %lt3A_173 : vector<16xi32>
        %add3A_175 = arith.constant 16 : i32
        %add3A_176 = vector.broadcast %add3A_175 : i32 to vector<16xi32>
        %add3A_177 = arith.addi %broadcast_in_dim3A_171, %add3A_176 : vector<16xi32>
        %select_n3A_178 = arith.select %lt3A_174, %add3A_177, %broadcast_in_dim3A_171 : vector<16xi1>, vector<16xi32>
        %broadcast_in_dim3A_179 = vector.shape_cast %select_n3A_178 : vector<16xi32> to vector<16x1xi32>
        %gather3A_180 = vector.shape_cast %broadcast_in_dim3A_179 : vector<16x1xi32> to vector<16xi32>
        %gather3A_181 = tpu.dynamic_gather %get3A_89[%gather3A_180] in [0] : vector<16xf32>, vector<16xi32> -> vector<16xf32>
        %mul3A_182 = arith.constant 16 : i32
        %mul3A_183 = arith.muli %scan3A_83, %mul3A_182 : i32
        %add3A_184 = arith.constant 1 : i32
        %add3A_185 = arith.addi %mul3A_183, %add3A_184 : i32
        %get3A_186 = arith.index_cast %add3A_185 : i32 to index
        %get3A_187 = arith.constant 0 : index
        %get3A_188 = tpu.vector_load %arg11[%get3A_186, %get3A_187] {strides = array<i32>} : memref<80x64xf32, #tpu.memory_space<vmem>>, vector<1x16xf32>,
        %get3A_189 = vector.shape_cast %get3A_188 : vector<1x16xf32> to vector<16xf32>
        %mul3A_190 = arith.mulf %get3A_189, %gather3A_181 : vector<16xf32>
        %mul3A_191 = arith.constant 16 : i32
        %mul3A_192 = arith.muli %scan3A_83, %mul3A_191 : i32
        %add3A_193 = arith.constant 1 : i32
        %add3A_194 = arith.addi %mul3A_192, %add3A_193 : i32
        %swap3A_195 = arith.index_cast %add3A_194 : i32 to index
        %swap3A_196 = arith.constant 0 : index
        %swap3A_197 = tpu.vector_load %arg11[%swap3A_195, %swap3A_196] {strides = array<i32>} : memref<80x64xf32, #tpu.memory_space<vmem>>, vector<1x16xf32>,
        %swap3A_198 = vector.shape_cast %swap3A_197 : vector<1x16xf32> to vector<16xf32>
        %swap3A_199 = vector.shape_cast %mul3A_190 : vector<16xf32> to vector<1x16xf32>
        tpu.vector_store %arg11[%swap3A_195, %swap3A_196], %swap3A_199 {strides = array<i32>} : memref<80x64xf32, #tpu.memory_space<vmem>>, vector<1x16xf32>,
        %mul3A_200 = arith.constant 16 : i32
        %mul3A_201 = arith.muli %scan3A_83, %mul3A_200 : i32
        %add3A_202 = arith.constant 1 : i32
        %add3A_203 = arith.addi %mul3A_201, %add3A_202 : i32
        %get3A_204 = arith.index_cast %add3A_203 : i32 to index
        %get3A_205 = arith.constant 16 : index
        %get3A_206 = tpu.vector_load %arg11[%get3A_204, %get3A_205] {strides = array<i32>} : memref<80x64xf32, #tpu.memory_space<vmem>>, vector<1x16xf32>,
        %get3A_207 = vector.shape_cast %get3A_206 : vector<1x16xf32> to vector<16xf32>
        %mul3A_208 = arith.mulf %get3A_207, %gather3A_181 : vector<16xf32>
        %mul3A_209 = arith.constant 16 : i32
        %mul3A_210 = arith.muli %scan3A_83, %mul3A_209 : i32
        %add3A_211 = arith.constant 1 : i32
        %add3A_212 = arith.addi %mul3A_210, %add3A_211 : i32
        %swap3A_213 = arith.index_cast %add3A_212 : i32 to index
        %swap3A_214 = arith.constant 16 : index
        %swap3A_215 = tpu.vector_load %arg11[%swap3A_213, %swap3A_214] {strides = array<i32>} : memref<80x64xf32, #tpu.memory_space<vmem>>, vector<1x16xf32>,
        %swap3A_216 = vector.shape_cast %swap3A_215 : vector<1x16xf32> to vector<16xf32>
        %swap3A_217 = vector.shape_cast %mul3A_208 : vector<16xf32> to vector<1x16xf32>
        tpu.vector_store %arg11[%swap3A_213, %swap3A_214], %swap3A_217 {strides = array<i32>} : memref<80x64xf32, #tpu.memory_space<vmem>>, vector<1x16xf32>,
        %mul3A_218 = arith.constant 16 : i32
        %mul3A_219 = arith.muli %scan3A_83, %mul3A_218 : i32
        %add3A_220 = arith.constant 1 : i32
        %add3A_221 = arith.addi %mul3A_219, %add3A_220 : i32
        %get3A_222 = arith.index_cast %add3A_221 : i32 to index
        %get3A_223 = arith.constant 32 : index
        %get3A_224 = tpu.vector_load %arg11[%get3A_222, %get3A_223] {strides = array<i32>} : memref<80x64xf32, #tpu.memory_space<vmem>>, vector<1x16xf32>,
        %get3A_225 = vector.shape_cast %get3A_224 : vector<1x16xf32> to vector<16xf32>
        %mul3A_226 = arith.mulf %get3A_225, %gather3A_181 : vector<16xf32>
        %mul3A_227 = arith.constant 16 : i32
        %mul3A_228 = arith.muli %scan3A_83, %mul3A_227 : i32
        %add3A_229 = arith.constant 1 : i32
        %add3A_230 = arith.addi %mul3A_228, %add3A_229 : i32
        %swap3A_231 = arith.index_cast %add3A_230 : i32 to index
        %swap3A_232 = arith.constant 32 : index
        %swap3A_233 = tpu.vector_load %arg11[%swap3A_231, %swap3A_232] {strides = array<i32>} : memref<80x64xf32, #tpu.memory_space<vmem>>, vector<1x16xf32>,
        %swap3A_234 = vector.shape_cast %swap3A_233 : vector<1x16xf32> to vector<16xf32>
        %swap3A_235 = vector.shape_cast %mul3A_226 : vector<16xf32> to vector<1x16xf32>
        tpu.vector_store %arg11[%swap3A_231, %swap3A_232], %swap3A_235 {strides = array<i32>} : memref<80x64xf32, #tpu.memory_space<vmem>>, vector<1x16xf32>,
        %mul3A_236 = arith.constant 16 : i32
        %mul3A_237 = arith.muli %scan3A_83, %mul3A_236 : i32
        %add3A_238 = arith.constant 1 : i32
        %add3A_239 = arith.addi %mul3A_237, %add3A_238 : i32
        %get3A_240 = arith.index_cast %add3A_239 : i32 to index
        %get3A_241 = arith.constant 48 : index
        %get3A_242 = tpu.vector_load %arg11[%get3A_240, %get3A_241] {strides = array<i32>} : memref<80x64xf32, #tpu.memory_space<vmem>>, vector<1x16xf32>,
        %get3A_243 = vector.shape_cast %get3A_242 : vector<1x16xf32> to vector<16xf32>
        %mul3A_244 = arith.mulf %get3A_243, %gather3A_181 : vector<16xf32>
        %mul3A_245 = arith.constant 16 : i32
        %mul3A_246 = arith.muli %scan3A_83, %mul3A_245 : i32
        %add3A_247 = arith.constant 1 : i32
        %add3A_248 = arith.addi %mul3A_246, %add3A_247 : i32
        %swap3A_249 = arith.index_cast %add3A_248 : i32 to index
        %swap3A_250 = arith.constant 48 : index
        %swap3A_251 = tpu.vector_load %arg11[%swap3A_249, %swap3A_250] {strides = array<i32>} : memref<80x64xf32, #tpu.memory_space<vmem>>, vector<1x16xf32>,
        %swap3A_252 = vector.shape_cast %swap3A_251 : vector<1x16xf32> to vector<16xf32>
        %swap3A_253 = vector.shape_cast %mul3A_244 : vector<16xf32> to vector<1x16xf32>
        tpu.vector_store %arg11[%swap3A_249, %swap3A_250], %swap3A_253 {strides = array<i32>} : memref<80x64xf32, #tpu.memory_space<vmem>>, vector<1x16xf32>,
        %broadcast_in_dim3A_254 = arith.constant 2 : i32
        %broadcast_in_dim3A_255 = vector.broadcast %broadcast_in_dim3A_254 : i32 to vector<16xi32>
        %lt3A_256 = arith.constant 0 : i32
        %lt3A_257 = vector.broadcast %lt3A_256 : i32 to vector<16xi32>
        %lt3A_258 = arith.cmpi slt, %broadcast_in_dim3A_255, %lt3A_257 : vector<16xi32>
        %add3A_259 = arith.constant 16 : i32
        %add3A_260 = vector.broadcast %add3A_259 : i32 to vector<16xi32>
        %add3A_261 = arith.addi %broadcast_in_dim3A_255, %add3A_260 : vector<16xi32>
        %select_n3A_262 = arith.select %lt3A_258, %add3A_261, %broadcast_in_dim3A_255 : vector<16xi1>, vector<16xi32>
        %broadcast_in_dim3A_263 = vector.shape_cast %select_n3A_262 : vector<16xi32> to vector<16x1xi32>
        %gather3A_264 = vector.shape_cast %broadcast_in_dim3A_263 : vector<16x1xi32> to vector<16xi32>
        %gather3A_265 = tpu.dynamic_gather %get3A_89[%gather3A_264] in [0] : vector<16xf32>, vector<16xi32> -> vector<16xf32>
        %mul3A_266 = arith.constant 16 : i32
        %mul3A_267 = arith.muli %scan3A_83, %mul3A_266 : i32
        %add3A_268 = arith.constant 2 : i32
        %add3A_269 = arith.addi %mul3A_267, %add3A_268 : i32
        %get3A_270 = arith.index_cast %add3A_269 : i32 to index
        %get3A_271 = arith.constant 0 : index
        %get3A_272 = tpu.vector_load %arg11[%get3A_270, %get3A_271] {strides = array<i32>} : memref<80x64xf32, #tpu.memory_space<vmem>>, vector<1x16xf32>,
        %get3A_273 = vector.shape_cast %get3A_272 : vector<1x16xf32> to vector<16xf32>
        %mul3A_274 = arith.mulf %get3A_273, %gather3A_265 : vector<16xf32>
        %mul3A_275 = arith.constant 16 : i32
        %mul3A_276 = arith.muli %scan3A_83, %mul3A_275 : i32
        %add3A_277 = arith.constant 2 : i32
        %add3A_278 = arith.addi %mul3A_276, %add3A_277 : i32
        %swap3A_279 = arith.index_cast %add3A_278 : i32 to index
        %swap3A_280 = arith.constant 0 : index
        %swap3A_281 = tpu.vector_load %arg11[%swap3A_279, %swap3A_280] {strides = array<i32>} : memref<80x64xf32, #tpu.memory_space<vmem>>, vector<1x16xf32>,
        %swap3A_282 = vector.shape_cast %swap3A_281 : vector<1x16xf32> to vector<16xf32>
        %swap3A_283 = vector.shape_cast %mul3A_274 : vector<16xf32> to vector<1x16xf32>
        tpu.vector_store %arg11[%swap3A_279, %swap3A_280], %swap3A_283 {strides = array<i32>} : memref<80x64xf32, #tpu.memory_space<vmem>>, vector<1x16xf32>,
        %mul3A_284 = arith.constant 16 : i32
        %mul3A_285 = arith.muli %scan3A_83, %mul3A_284 : i32
        %add3A_286 = arith.constant 2 : i32
        %add3A_287 = arith.addi %mul3A_285, %add3A_286 : i32
        %get3A_288 = arith.index_cast %add3A_287 : i32 to index
        %get3A_289 = arith.constant 16 : index
        %get3A_290 = tpu.vector_load %arg11[%get3A_288, %get3A_289] {strides = array<i32>} : memref<80x64xf32, #tpu.memory_space<vmem>>, vector<1x16xf32>,
        %get3A_291 = vector.shape_cast %get3A_290 : vector<1x16xf32> to vector<16xf32>
        %mul3A_292 = arith.mulf %get3A_291, %gather3A_265 : vector<16xf32>
        %mul3A_293 = arith.constant 16 : i32
        %mul3A_294 = arith.muli %scan3A_83, %mul3A_293 : i32
        %add3A_295 = arith.constant 2 : i32
        %add3A_296 = arith.addi %mul3A_294, %add3A_295 : i32
        %swap3A_297 = arith.index_cast %add3A_296 : i32 to index
        %swap3A_298 = arith.constant 16 : index
        %swap3A_299 = tpu.vector_load %arg11[%swap3A_297, %swap3A_298] {strides = array<i32>} : memref<80x64xf32, #tpu.memory_space<vmem>>, vector<1x16xf32>,
        %swap3A_300 = vector.shape_cast %swap3A_299 : vector<1x16xf32> to vector<16xf32>
        %swap3A_301 = vector.shape_cast %mul3A_292 : vector<16xf32> to vector<1x16xf32>
        tpu.vector_store %arg11[%swap3A_297, %swap3A_298], %swap3A_301 {strides = array<i32>} : memref<80x64xf32, #tpu.memory_space<vmem>>, vector<1x16xf32>,
        %mul3A_302 = arith.constant 16 : i32
        %mul3A_303 = arith.muli %scan3A_83, %mul3A_302 : i32
        %add3A_304 = arith.constant 2 : i32
        %add3A_305 = arith.addi %mul3A_303, %add3A_304 : i32
        %get3A_306 = arith.index_cast %add3A_305 : i32 to index
        %get3A_307 = arith.constant 32 : index
        %get3A_308 = tpu.vector_load %arg11[%get3A_306, %get3A_307] {strides = array<i32>} : memref<80x64xf32, #tpu.memory_space<vmem>>, vector<1x16xf32>,
        %get3A_309 = vector.shape_cast %get3A_308 : vector<1x16xf32> to vector<16xf32>
        %mul3A_310 = arith.mulf %get3A_309, %gather3A_265 : vector<16xf32>
        %mul3A_311 = arith.constant 16 : i32
        %mul3A_312 = arith.muli %scan3A_83, %mul3A_311 : i32
        %add3A_313 = arith.constant 2 : i32
        %add3A_314 = arith.addi %mul3A_312, %add3A_313 : i32
        %swap3A_315 = arith.index_cast %add3A_314 : i32 to index
        %swap3A_316 = arith.constant 32 : index
        %swap3A_317 = tpu.vector_load %arg11[%swap3A_315, %swap3A_316] {strides = array<i32>} : memref<80x64xf32, #tpu.memory_space<vmem>>, vector<1x16xf32>,
        %swap3A_318 = vector.shape_cast %swap3A_317 : vector<1x16xf32> to vector<16xf32>
        %swap3A_319 = vector.shape_cast %mul3A_310 : vector<16xf32> to vector<1x16xf32>
        tpu.vector_store %arg11[%swap3A_315, %swap3A_316], %swap3A_319 {strides = array<i32>} : memref<80x64xf32, #tpu.memory_space<vmem>>, vector<1x16xf32>,
        %mul3A_320 = arith.constant 16 : i32
        %mul3A_321 = arith.muli %scan3A_83, %mul3A_320 : i32
        %add3A_322 = arith.constant 2 : i32
        %add3A_323 = arith.addi %mul3A_321, %add3A_322 : i32
        %get3A_324 = arith.index_cast %add3A_323 : i32 to index
        %get3A_325 = arith.constant 48 : index
        %get3A_326 = tpu.vector_load %arg11[%get3A_324, %get3A_325] {strides = array<i32>} : memref<80x64xf32, #tpu.memory_space<vmem>>, vector<1x16xf32>,
        %get3A_327 = vector.shape_cast %get3A_326 : vector<1x16xf32> to vector<16xf32>
        %mul3A_328 = arith.mulf %get3A_327, %gather3A_265 : vector<16xf32>
        %mul3A_329 = arith.constant 16 : i32
        %mul3A_330 = arith.muli %scan3A_83, %mul3A_329 : i32
        %add3A_331 = arith.constant 2 : i32
        %add3A_332 = arith.addi %mul3A_330, %add3A_331 : i32
        %swap3A_333 = arith.index_cast %add3A_332 : i32 to index
        %swap3A_334 = arith.constant 48 : index
        %swap3A_335 = tpu.vector_load %arg11[%swap3A_333, %swap3A_334] {strides = array<i32>} : memref<80x64xf32, #tpu.memory_space<vmem>>, vector<1x16xf32>,
        %swap3A_336 = vector.shape_cast %swap3A_335 : vector<1x16xf32> to vector<16xf32>
        %swap3A_337 = vector.shape_cast %mul3A_328 : vector<16xf32> to vector<1x16xf32>
        tpu.vector_store %arg11[%swap3A_333, %swap3A_334], %swap3A_337 {strides = array<i32>} : memref<80x64xf32, #tpu.memory_space<vmem>>, vector<1x16xf32>,
        %broadcast_in_dim3A_338 = arith.constant 3 : i32
        %broadcast_in_dim3A_339 = vector.broadcast %broadcast_in_dim3A_338 : i32 to vector<16xi32>
        %lt3A_340 = arith.constant 0 : i32
        %lt3A_341 = vector.broadcast %lt3A_340 : i32 to vector<16xi32>
        %lt3A_342 = arith.cmpi slt, %broadcast_in_dim3A_339, %lt3A_341 : vector<16xi32>
        %add3A_343 = arith.constant 16 : i32
        %add3A_344 = vector.broadcast %add3A_343 : i32 to vector<16xi32>
        %add3A_345 = arith.addi %broadcast_in_dim3A_339, %add3A_344 : vector<16xi32>
        %select_n3A_346 = arith.select %lt3A_342, %add3A_345, %broadcast_in_dim3A_339 : vector<16xi1>, vector<16xi32>
        %broadcast_in_dim3A_347 = vector.shape_cast %select_n3A_346 : vector<16xi32> to vector<16x1xi32>
        %gather3A_348 = vector.shape_cast %broadcast_in_dim3A_347 : vector<16x1xi32> to vector<16xi32>
        %gather3A_349 = tpu.dynamic_gather %get3A_89[%gather3A_348] in [0] : vector<16xf32>, vector<16xi32> -> vector<16xf32>
        %mul3A_350 = arith.constant 16 : i32
        %mul3A_351 = arith.muli %scan3A_83, %mul3A_350 : i32
        %add3A_352 = arith.constant 3 : i32
        %add3A_353 = arith.addi %mul3A_351, %add3A_352 : i32
        %get3A_354 = arith.index_cast %add3A_353 : i32 to index
        %get3A_355 = arith.constant 0 : index
        %get3A_356 = tpu.vector_load %arg11[%get3A_354, %get3A_355] {strides = array<i32>} : memref<80x64xf32, #tpu.memory_space<vmem>>, vector<1x16xf32>,
        %get3A_357 = vector.shape_cast %get3A_356 : vector<1x16xf32> to vector<16xf32>
        %mul3A_358 = arith.mulf %get3A_357, %gather3A_349 : vector<16xf32>
        %mul3A_359 = arith.constant 16 : i32
        %mul3A_360 = arith.muli %scan3A_83, %mul3A_359 : i32
        %add3A_361 = arith.constant 3 : i32
        %add3A_362 = arith.addi %mul3A_360, %add3A_361 : i32
        %swap3A_363 = arith.index_cast %add3A_362 : i32 to index
        %swap3A_364 = arith.constant 0 : index
        %swap3A_365 = tpu.vector_load %arg11[%swap3A_363, %swap3A_364] {strides = array<i32>} : memref<80x64xf32, #tpu.memory_space<vmem>>, vector<1x16xf32>,
        %swap3A_366 = vector.shape_cast %swap3A_365 : vector<1x16xf32> to vector<16xf32>
        %swap3A_367 = vector.shape_cast %mul3A_358 : vector<16xf32> to vector<1x16xf32>
        tpu.vector_store %arg11[%swap3A_363, %swap3A_364], %swap3A_367 {strides = array<i32>} : memref<80x64xf32, #tpu.memory_space<vmem>>, vector<1x16xf32>,
        %mul3A_368 = arith.constant 16 : i32
        %mul3A_369 = arith.muli %scan3A_83, %mul3A_368 : i32
        %add3A_370 = arith.constant 3 : i32
        %add3A_371 = arith.addi %mul3A_369, %add3A_370 : i32
        %get3A_372 = arith.index_cast %add3A_371 : i32 to index
        %get3A_373 = arith.constant 16 : index
        %get3A_374 = tpu.vector_load %arg11[%get3A_372, %get3A_373] {strides = array<i32>} : memref<80x64xf32, #tpu.memory_space<vmem>>, vector<1x16xf32>,
        %get3A_375 = vector.shape_cast %get3A_374 : vector<1x16xf32> to vector<16xf32>
        %mul3A_376 = arith.mulf %get3A_375, %gather3A_349 : vector<16xf32>
        %mul3A_377 = arith.constant 16 : i32
        %mul3A_378 = arith.muli %scan3A_83, %mul3A_377 : i32
        %add3A_379 = arith.constant 3 : i32
        %add3A_380 = arith.addi %mul3A_378, %add3A_379 : i32
        %swap3A_381 = arith.index_cast %add3A_380 : i32 to index
        %swap3A_382 = arith.constant 16 : index
        %swap3A_383 = tpu.vector_load %arg11[%swap3A_381, %swap3A_382] {strides = array<i32>} : memref<80x64xf32, #tpu.memory_space<vmem>>, vector<1x16xf32>,
        %swap3A_384 = vector.shape_cast %swap3A_383 : vector<1x16xf32> to vector<16xf32>
        %swap3A_385 = vector.shape_cast %mul3A_376 : vector<16xf32> to vector<1x16xf32>
        tpu.vector_store %arg11[%swap3A_381, %swap3A_382], %swap3A_385 {strides = array<i32>} : memref<80x64xf32, #tpu.memory_space<vmem>>, vector<1x16xf32>,
        %mul3A_386 = arith.constant 16 : i32
        %mul3A_387 = arith.muli %scan3A_83, %mul3A_386 : i32
        %add3A_388 = arith.constant 3 : i32
        %add3A_389 = arith.addi %mul3A_387, %add3A_388 : i32
        %get3A_390 = arith.index_cast %add3A_389 : i32 to index
        %get3A_391 = arith.constant 32 : index
        %get3A_392 = tpu.vector_load %arg11[%get3A_390, %get3A_391] {strides = array<i32>} : memref<80x64xf32, #tpu.memory_space<vmem>>, vector<1x16xf32>,
        %get3A_393 = vector.shape_cast %get3A_392 : vector<1x16xf32> to vector<16xf32>
        %mul3A_394 = arith.mulf %get3A_393, %gather3A_349 : vector<16xf32>
        %mul3A_395 = arith.constant 16 : i32
        %mul3A_396 = arith.muli %scan3A_83, %mul3A_395 : i32
        %add3A_397 = arith.constant 3 : i32
        %add3A_398 = arith.addi %mul3A_396, %add3A_397 : i32
        %swap3A_399 = arith.index_cast %add3A_398 : i32 to index
        %swap3A_400 = arith.constant 32 : index
        %swap3A_401 = tpu.vector_load %arg11[%swap3A_399, %swap3A_400] {strides = array<i32>} : memref<80x64xf32, #tpu.memory_space<vmem>>, vector<1x16xf32>,
        %swap3A_402 = vector.shape_cast %swap3A_401 : vector<1x16xf32> to vector<16xf32>
        %swap3A_403 = vector.shape_cast %mul3A_394 : vector<16xf32> to vector<1x16xf32>
        tpu.vector_store %arg11[%swap3A_399, %swap3A_400], %swap3A_403 {strides = array<i32>} : memref<80x64xf32, #tpu.memory_space<vmem>>, vector<1x16xf32>,
        %mul3A_404 = arith.constant 16 : i32
        %mul3A_405 = arith.muli %scan3A_83, %mul3A_404 : i32
        %add3A_406 = arith.constant 3 : i32
        %add3A_407 = arith.addi %mul3A_405, %add3A_406 : i32
        %get3A_408 = arith.index_cast %add3A_407 : i32 to index
        %get3A_409 = arith.constant 48 : index
        %get3A_410 = tpu.vector_load %arg11[%get3A_408, %get3A_409] {strides = array<i32>} : memref<80x64xf32, #tpu.memory_space<vmem>>, vector<1x16xf32>,
        %get3A_411 = vector.shape_cast %get3A_410 : vector<1x16xf32> to vector<16xf32>
        %mul3A_412 = arith.mulf %get3A_411, %gather3A_349 : vector<16xf32>
        %mul3A_413 = arith.constant 16 : i32
        %mul3A_414 = arith.muli %scan3A_83, %mul3A_413 : i32
        %add3A_415 = arith.constant 3 : i32
        %add3A_416 = arith.addi %mul3A_414, %add3A_415 : i32
        %swap3A_417 = arith.index_cast %add3A_416 : i32 to index
        %swap3A_418 = arith.constant 48 : index
        %swap3A_419 = tpu.vector_load %arg11[%swap3A_417, %swap3A_418] {strides = array<i32>} : memref<80x64xf32, #tpu.memory_space<vmem>>, vector<1x16xf32>,
        %swap3A_420 = vector.shape_cast %swap3A_419 : vector<1x16xf32> to vector<16xf32>
        %swap3A_421 = vector.shape_cast %mul3A_412 : vector<16xf32> to vector<1x16xf32>
        tpu.vector_store %arg11[%swap3A_417, %swap3A_418], %swap3A_421 {strides = array<i32>} : memref<80x64xf32, #tpu.memory_space<vmem>>, vector<1x16xf32>,
        %broadcast_in_dim3A_422 = arith.constant 4 : i32
        %broadcast_in_dim3A_423 = vector.broadcast %broadcast_in_dim3A_422 : i32 to vector<16xi32>
        %lt3A_424 = arith.constant 0 : i32
        %lt3A_425 = vector.broadcast %lt3A_424 : i32 to vector<16xi32>
        %lt3A_426 = arith.cmpi slt, %broadcast_in_dim3A_423, %lt3A_425 : vector<16xi32>
        %add3A_427 = arith.constant 16 : i32
        %add3A_428 = vector.broadcast %add3A_427 : i32 to vector<16xi32>
        %add3A_429 = arith.addi %broadcast_in_dim3A_423, %add3A_428 : vector<16xi32>
        %select_n3A_430 = arith.select %lt3A_426, %add3A_429, %broadcast_in_dim3A_423 : vector<16xi1>, vector<16xi32>
        %broadcast_in_dim3A_431 = vector.shape_cast %select_n3A_430 : vector<16xi32> to vector<16x1xi32>
        %gather3A_432 = vector.shape_cast %broadcast_in_dim3A_431 : vector<16x1xi32> to vector<16xi32>
        %gather3A_433 = tpu.dynamic_gather %get3A_89[%gather3A_432] in [0] : vector<16xf32>, vector<16xi32> -> vector<16xf32>
        %mul3A_434 = arith.constant 16 : i32
        %mul3A_435 = arith.muli %scan3A_83, %mul3A_434 : i32
        %add3A_436 = arith.constant 4 : i32
        %add3A_437 = arith.addi %mul3A_435, %add3A_436 : i32
        %get3A_438 = arith.index_cast %add3A_437 : i32 to index
        %get3A_439 = arith.constant 0 : index
        %get3A_440 = tpu.vector_load %arg11[%get3A_438, %get3A_439] {strides = array<i32>} : memref<80x64xf32, #tpu.memory_space<vmem>>, vector<1x16xf32>,
        %get3A_441 = vector.shape_cast %get3A_440 : vector<1x16xf32> to vector<16xf32>
        %mul3A_442 = arith.mulf %get3A_441, %gather3A_433 : vector<16xf32>
        %mul3A_443 = arith.constant 16 : i32
        %mul3A_444 = arith.muli %scan3A_83, %mul3A_443 : i32
        %add3A_445 = arith.constant 4 : i32
        %add3A_446 = arith.addi %mul3A_444, %add3A_445 : i32
        %swap3A_447 = arith.index_cast %add3A_446 : i32 to index
        %swap3A_448 = arith.constant 0 : index
        %swap3A_449 = tpu.vector_load %arg11[%swap3A_447, %swap3A_448] {strides = array<i32>} : memref<80x64xf32, #tpu.memory_space<vmem>>, vector<1x16xf32>,
        %swap3A_450 = vector.shape_cast %swap3A_449 : vector<1x16xf32> to vector<16xf32>
        %swap3A_451 = vector.shape_cast %mul3A_442 : vector<16xf32> to vector<1x16xf32>
        tpu.vector_store %arg11[%swap3A_447, %swap3A_448], %swap3A_451 {strides = array<i32>} : memref<80x64xf32, #tpu.memory_space<vmem>>, vector<1x16xf32>,
        %mul3A_452 = arith.constant 16 : i32
        %mul3A_453 = arith.muli %scan3A_83, %mul3A_452 : i32
        %add3A_454 = arith.constant 4 : i32
        %add3A_455 = arith.addi %mul3A_453, %add3A_454 : i32
        %get3A_456 = arith.index_cast %add3A_455 : i32 to index
        %get3A_457 = arith.constant 16 : index
        %get3A_458 = tpu.vector_load %arg11[%get3A_456, %get3A_457] {strides = array<i32>} : memref<80x64xf32, #tpu.memory_space<vmem>>, vector<1x16xf32>,
        %get3A_459 = vector.shape_cast %get3A_458 : vector<1x16xf32> to vector<16xf32>
        %mul3A_460 = arith.mulf %get3A_459, %gather3A_433 : vector<16xf32>
        %mul3A_461 = arith.constant 16 : i32
        %mul3A_462 = arith.muli %scan3A_83, %mul3A_461 : i32
        %add3A_463 = arith.constant 4 : i32
        %add3A_464 = arith.addi %mul3A_462, %add3A_463 : i32
        %swap3A_465 = arith.index_cast %add3A_464 : i32 to index
        %swap3A_466 = arith.constant 16 : index
        %swap3A_467 = tpu.vector_load %arg11[%swap3A_465, %swap3A_466] {strides = array<i32>} : memref<80x64xf32, #tpu.memory_space<vmem>>, vector<1x16xf32>,
        %swap3A_468 = vector.shape_cast %swap3A_467 : vector<1x16xf32> to vector<16xf32>
        %swap3A_469 = vector.shape_cast %mul3A_460 : vector<16xf32> to vector<1x16xf32>
        tpu.vector_store %arg11[%swap3A_465, %swap3A_466], %swap3A_469 {strides = array<i32>} : memref<80x64xf32, #tpu.memory_space<vmem>>, vector<1x16xf32>,
        %mul3A_470 = arith.constant 16 : i32
        %mul3A_471 = arith.muli %scan3A_83, %mul3A_470 : i32
        %add3A_472 = arith.constant 4 : i32
        %add3A_473 = arith.addi %mul3A_471, %add3A_472 : i32
        %get3A_474 = arith.index_cast %add3A_473 : i32 to index
        %get3A_475 = arith.constant 32 : index
        %get3A_476 = tpu.vector_load %arg11[%get3A_474, %get3A_475] {strides = array<i32>} : memref<80x64xf32, #tpu.memory_space<vmem>>, vector<1x16xf32>,
        %get3A_477 = vector.shape_cast %get3A_476 : vector<1x16xf32> to vector<16xf32>
        %mul3A_478 = arith.mulf %get3A_477, %gather3A_433 : vector<16xf32>
        %mul3A_479 = arith.constant 16 : i32
        %mul3A_480 = arith.muli %scan3A_83, %mul3A_479 : i32
        %add3A_481 = arith.constant 4 : i32
        %add3A_482 = arith.addi %mul3A_480, %add3A_481 : i32
        %swap3A_483 = arith.index_cast %add3A_482 : i32 to index
        %swap3A_484 = arith.constant 32 : index
        %swap3A_485 = tpu.vector_load %arg11[%swap3A_483, %swap3A_484] {strides = array<i32>} : memref<80x64xf32, #tpu.memory_space<vmem>>, vector<1x16xf32>,
        %swap3A_486 = vector.shape_cast %swap3A_485 : vector<1x16xf32> to vector<16xf32>
        %swap3A_487 = vector.shape_cast %mul3A_478 : vector<16xf32> to vector<1x16xf32>
        tpu.vector_store %arg11[%swap3A_483, %swap3A_484], %swap3A_487 {strides = array<i32>} : memref<80x64xf32, #tpu.memory_space<vmem>>, vector<1x16xf32>,
        %mul3A_488 = arith.constant 16 : i32
        %mul3A_489 = arith.muli %scan3A_83, %mul3A_488 : i32
        %add3A_490 = arith.constant 4 : i32
        %add3A_491 = arith.addi %mul3A_489, %add3A_490 : i32
        %get3A_492 = arith.index_cast %add3A_491 : i32 to index
        %get3A_493 = arith.constant 48 : index
        %get3A_494 = tpu.vector_load %arg11[%get3A_492, %get3A_493] {strides = array<i32>} : memref<80x64xf32, #tpu.memory_space<vmem>>, vector<1x16xf32>,
        %get3A_495 = vector.shape_cast %get3A_494 : vector<1x16xf32> to vector<16xf32>
        %mul3A_496 = arith.mulf %get3A_495, %gather3A_433 : vector<16xf32>
        %mul3A_497 = arith.constant 16 : i32
        %mul3A_498 = arith.muli %scan3A_83, %mul3A_497 : i32
        %add3A_499 = arith.constant 4 : i32
        %add3A_500 = arith.addi %mul3A_498, %add3A_499 : i32
        %swap3A_501 = arith.index_cast %add3A_500 : i32 to index
        %swap3A_502 = arith.constant 48 : index
        %swap3A_503 = tpu.vector_load %arg11[%swap3A_501, %swap3A_502] {strides = array<i32>} : memref<80x64xf32, #tpu.memory_space<vmem>>, vector<1x16xf32>,
        %swap3A_504 = vector.shape_cast %swap3A_503 : vector<1x16xf32> to vector<16xf32>
        %swap3A_505 = vector.shape_cast %mul3A_496 : vector<16xf32> to vector<1x16xf32>
        tpu.vector_store %arg11[%swap3A_501, %swap3A_502], %swap3A_505 {strides = array<i32>} : memref<80x64xf32, #tpu.memory_space<vmem>>, vector<1x16xf32>,
        %broadcast_in_dim3A_506 = arith.constant 5 : i32
        %broadcast_in_dim3A_507 = vector.broadcast %broadcast_in_dim3A_506 : i32 to vector<16xi32>
        %lt3A_508 = arith.constant 0 : i32
        %lt3A_509 = vector.broadcast %lt3A_508 : i32 to vector<16xi32>
        %lt3A_510 = arith.cmpi slt, %broadcast_in_dim3A_507, %lt3A_509 : vector<16xi32>
        %add3A_511 = arith.constant 16 : i32
        %add3A_512 = vector.broadcast %add3A_511 : i32 to vector<16xi32>
        %add3A_513 = arith.addi %broadcast_in_dim3A_507, %add3A_512 : vector<16xi32>
        %select_n3A_514 = arith.select %lt3A_510, %add3A_513, %broadcast_in_dim3A_507 : vector<16xi1>, vector<16xi32>
        %broadcast_in_dim3A_515 = vector.shape_cast %select_n3A_514 : vector<16xi32> to vector<16x1xi32>
        %gather3A_516 = vector.shape_cast %broadcast_in_dim3A_515 : vector<16x1xi32> to vector<16xi32>
        %gather3A_517 = tpu.dynamic_gather %get3A_89[%gather3A_516] in [0] : vector<16xf32>, vector<16xi32> -> vector<16xf32>
        %mul3A_518 = arith.constant 16 : i32
        %mul3A_519 = arith.muli %scan3A_83, %mul3A_518 : i32
        %add3A_520 = arith.constant 5 : i32
        %add3A_521 = arith.addi %mul3A_519, %add3A_520 : i32
        %get3A_522 = arith.index_cast %add3A_521 : i32 to index
        %get3A_523 = arith.constant 0 : index
        %get3A_524 = tpu.vector_load %arg11[%get3A_522, %get3A_523] {strides = array<i32>} : memref<80x64xf32, #tpu.memory_space<vmem>>, vector<1x16xf32>,
        %get3A_525 = vector.shape_cast %get3A_524 : vector<1x16xf32> to vector<16xf32>
        %mul3A_526 = arith.mulf %get3A_525, %gather3A_517 : vector<16xf32>
        %mul3A_527 = arith.constant 16 : i32
        %mul3A_528 = arith.muli %scan3A_83, %mul3A_527 : i32
        %add3A_529 = arith.constant 5 : i32
        %add3A_530 = arith.addi %mul3A_528, %add3A_529 : i32
        %swap3A_531 = arith.index_cast %add3A_530 : i32 to index
        %swap3A_532 = arith.constant 0 : index
        %swap3A_533 = tpu.vector_load %arg11[%swap3A_531, %swap3A_532] {strides = array<i32>} : memref<80x64xf32, #tpu.memory_space<vmem>>, vector<1x16xf32>,
        %swap3A_534 = vector.shape_cast %swap3A_533 : vector<1x16xf32> to vector<16xf32>
        %swap3A_535 = vector.shape_cast %mul3A_526 : vector<16xf32> to vector<1x16xf32>
        tpu.vector_store %arg11[%swap3A_531, %swap3A_532], %swap3A_535 {strides = array<i32>} : memref<80x64xf32, #tpu.memory_space<vmem>>, vector<1x16xf32>,
        %mul3A_536 = arith.constant 16 : i32
        %mul3A_537 = arith.muli %scan3A_83, %mul3A_536 : i32
        %add3A_538 = arith.constant 5 : i32
        %add3A_539 = arith.addi %mul3A_537, %add3A_538 : i32
        %get3A_540 = arith.index_cast %add3A_539 : i32 to index
        %get3A_541 = arith.constant 16 : index
        %get3A_542 = tpu.vector_load %arg11[%get3A_540, %get3A_541] {strides = array<i32>} : memref<80x64xf32, #tpu.memory_space<vmem>>, vector<1x16xf32>,
        %get3A_543 = vector.shape_cast %get3A_542 : vector<1x16xf32> to vector<16xf32>
        %mul3A_544 = arith.mulf %get3A_543, %gather3A_517 : vector<16xf32>
        %mul3A_545 = arith.constant 16 : i32
        %mul3A_546 = arith.muli %scan3A_83, %mul3A_545 : i32
        %add3A_547 = arith.constant 5 : i32
        %add3A_548 = arith.addi %mul3A_546, %add3A_547 : i32
        %swap3A_549 = arith.index_cast %add3A_548 : i32 to index
        %swap3A_550 = arith.constant 16 : index
        %swap3A_551 = tpu.vector_load %arg11[%swap3A_549, %swap3A_550] {strides = array<i32>} : memref<80x64xf32, #tpu.memory_space<vmem>>, vector<1x16xf32>,
        %swap3A_552 = vector.shape_cast %swap3A_551 : vector<1x16xf32> to vector<16xf32>
        %swap3A_553 = vector.shape_cast %mul3A_544 : vector<16xf32> to vector<1x16xf32>
        tpu.vector_store %arg11[%swap3A_549, %swap3A_550], %swap3A_553 {strides = array<i32>} : memref<80x64xf32, #tpu.memory_space<vmem>>, vector<1x16xf32>,
        %mul3A_554 = arith.constant 16 : i32
        %mul3A_555 = arith.muli %scan3A_83, %mul3A_554 : i32
        %add3A_556 = arith.constant 5 : i32
        %add3A_557 = arith.addi %mul3A_555, %add3A_556 : i32
        %get3A_558 = arith.index_cast %add3A_557 : i32 to index
        %get3A_559 = arith.constant 32 : index
        %get3A_560 = tpu.vector_load %arg11[%get3A_558, %get3A_559] {strides = array<i32>} : memref<80x64xf32, #tpu.memory_space<vmem>>, vector<1x16xf32>,
        %get3A_561 = vector.shape_cast %get3A_560 : vector<1x16xf32> to vector<16xf32>
        %mul3A_562 = arith.mulf %get3A_561, %gather3A_517 : vector<16xf32>
        %mul3A_563 = arith.constant 16 : i32
        %mul3A_564 = arith.muli %scan3A_83, %mul3A_563 : i32
        %add3A_565 = arith.constant 5 : i32
        %add3A_566 = arith.addi %mul3A_564, %add3A_565 : i32
        %swap3A_567 = arith.index_cast %add3A_566 : i32 to index
        %swap3A_568 = arith.constant 32 : index
        %swap3A_569 = tpu.vector_load %arg11[%swap3A_567, %swap3A_568] {strides = array<i32>} : memref<80x64xf32, #tpu.memory_space<vmem>>, vector<1x16xf32>,
        %swap3A_570 = vector.shape_cast %swap3A_569 : vector<1x16xf32> to vector<16xf32>
        %swap3A_571 = vector.shape_cast %mul3A_562 : vector<16xf32> to vector<1x16xf32>
        tpu.vector_store %arg11[%swap3A_567, %swap3A_568], %swap3A_571 {strides = array<i32>} : memref<80x64xf32, #tpu.memory_space<vmem>>, vector<1x16xf32>,
        %mul3A_572 = arith.constant 16 : i32
        %mul3A_573 = arith.muli %scan3A_83, %mul3A_572 : i32
        %add3A_574 = arith.constant 5 : i32
        %add3A_575 = arith.addi %mul3A_573, %add3A_574 : i32
        %get3A_576 = arith.index_cast %add3A_575 : i32 to index
        %get3A_577 = arith.constant 48 : index
        %get3A_578 = tpu.vector_load %arg11[%get3A_576, %get3A_577] {strides = array<i32>} : memref<80x64xf32, #tpu.memory_space<vmem>>, vector<1x16xf32>,
        %get3A_579 = vector.shape_cast %get3A_578 : vector<1x16xf32> to vector<16xf32>
        %mul3A_580 = arith.mulf %get3A_579, %gather3A_517 : vector<16xf32>
        %mul3A_581 = arith.constant 16 : i32
        %mul3A_582 = arith.muli %scan3A_83, %mul3A_581 : i32
        %add3A_583 = arith.constant 5 : i32
        %add3A_584 = arith.addi %mul3A_582, %add3A_583 : i32
        %swap3A_585 = arith.index_cast %add3A_584 : i32 to index
        %swap3A_586 = arith.constant 48 : index
        %swap3A_587 = tpu.vector_load %arg11[%swap3A_585, %swap3A_586] {strides = array<i32>} : memref<80x64xf32, #tpu.memory_space<vmem>>, vector<1x16xf32>,
        %swap3A_588 = vector.shape_cast %swap3A_587 : vector<1x16xf32> to vector<16xf32>
        %swap3A_589 = vector.shape_cast %mul3A_580 : vector<16xf32> to vector<1x16xf32>
        tpu.vector_store %arg11[%swap3A_585, %swap3A_586], %swap3A_589 {strides = array<i32>} : memref<80x64xf32, #tpu.memory_space<vmem>>, vector<1x16xf32>,
        %broadcast_in_dim3A_590 = arith.constant 6 : i32
        %broadcast_in_dim3A_591 = vector.broadcast %broadcast_in_dim3A_590 : i32 to vector<16xi32>
        %lt3A_592 = arith.constant 0 : i32
        %lt3A_593 = vector.broadcast %lt3A_592 : i32 to vector<16xi32>
        %lt3A_594 = arith.cmpi slt, %broadcast_in_dim3A_591, %lt3A_593 : vector<16xi32>
        %add3A_595 = arith.constant 16 : i32
        %add3A_596 = vector.broadcast %add3A_595 : i32 to vector<16xi32>
        %add3A_597 = arith.addi %broadcast_in_dim3A_591, %add3A_596 : vector<16xi32>
        %select_n3A_598 = arith.select %lt3A_594, %add3A_597, %broadcast_in_dim3A_591 : vector<16xi1>, vector<16xi32>
        %broadcast_in_dim3A_599 = vector.shape_cast %select_n3A_598 : vector<16xi32> to vector<16x1xi32>
        %gather3A_600 = vector.shape_cast %broadcast_in_dim3A_599 : vector<16x1xi32> to vector<16xi32>
        %gather3A_601 = tpu.dynamic_gather %get3A_89[%gather3A_600] in [0] : vector<16xf32>, vector<16xi32> -> vector<16xf32>
        %mul3A_602 = arith.constant 16 : i32
        %mul3A_603 = arith.muli %scan3A_83, %mul3A_602 : i32
        %add3A_604 = arith.constant 6 : i32
        %add3A_605 = arith.addi %mul3A_603, %add3A_604 : i32
        %get3A_606 = arith.index_cast %add3A_605 : i32 to index
        %get3A_607 = arith.constant 0 : index
        %get3A_608 = tpu.vector_load %arg11[%get3A_606, %get3A_607] {strides = array<i32>} : memref<80x64xf32, #tpu.memory_space<vmem>>, vector<1x16xf32>,
        %get3A_609 = vector.shape_cast %get3A_608 : vector<1x16xf32> to vector<16xf32>
        %mul3A_610 = arith.mulf %get3A_609, %gather3A_601 : vector<16xf32>
        %mul3A_611 = arith.constant 16 : i32
        %mul3A_612 = arith.muli %scan3A_83, %mul3A_611 : i32
        %add3A_613 = arith.constant 6 : i32
        %add3A_614 = arith.addi %mul3A_612, %add3A_613 : i32
        %swap3A_615 = arith.index_cast %add3A_614 : i32 to index
        %swap3A_616 = arith.constant 0 : index
        %swap3A_617 = tpu.vector_load %arg11[%swap3A_615, %swap3A_616] {strides = array<i32>} : memref<80x64xf32, #tpu.memory_space<vmem>>, vector<1x16xf32>,
        %swap3A_618 = vector.shape_cast %swap3A_617 : vector<1x16xf32> to vector<16xf32>
        %swap3A_619 = vector.shape_cast %mul3A_610 : vector<16xf32> to vector<1x16xf32>
        tpu.vector_store %arg11[%swap3A_615, %swap3A_616], %swap3A_619 {strides = array<i32>} : memref<80x64xf32, #tpu.memory_space<vmem>>, vector<1x16xf32>,
        %mul3A_620 = arith.constant 16 : i32
        %mul3A_621 = arith.muli %scan3A_83, %mul3A_620 : i32
        %add3A_622 = arith.constant 6 : i32
        %add3A_623 = arith.addi %mul3A_621, %add3A_622 : i32
        %get3A_624 = arith.index_cast %add3A_623 : i32 to index
        %get3A_625 = arith.constant 16 : index
        %get3A_626 = tpu.vector_load %arg11[%get3A_624, %get3A_625] {strides = array<i32>} : memref<80x64xf32, #tpu.memory_space<vmem>>, vector<1x16xf32>,
        %get3A_627 = vector.shape_cast %get3A_626 : vector<1x16xf32> to vector<16xf32>
        %mul3A_628 = arith.mulf %get3A_627, %gather3A_601 : vector<16xf32>
        %mul3A_629 = arith.constant 16 : i32
        %mul3A_630 = arith.muli %scan3A_83, %mul3A_629 : i32
        %add3A_631 = arith.constant 6 : i32
        %add3A_632 = arith.addi %mul3A_630, %add3A_631 : i32
        %swap3A_633 = arith.index_cast %add3A_632 : i32 to index
        %swap3A_634 = arith.constant 16 : index
        %swap3A_635 = tpu.vector_load %arg11[%swap3A_633, %swap3A_634] {strides = array<i32>} : memref<80x64xf32, #tpu.memory_space<vmem>>, vector<1x16xf32>,
        %swap3A_636 = vector.shape_cast %swap3A_635 : vector<1x16xf32> to vector<16xf32>
        %swap3A_637 = vector.shape_cast %mul3A_628 : vector<16xf32> to vector<1x16xf32>
        tpu.vector_store %arg11[%swap3A_633, %swap3A_634], %swap3A_637 {strides = array<i32>} : memref<80x64xf32, #tpu.memory_space<vmem>>, vector<1x16xf32>,
        %mul3A_638 = arith.constant 16 : i32
        %mul3A_639 = arith.muli %scan3A_83, %mul3A_638 : i32
        %add3A_640 = arith.constant 6 : i32
        %add3A_641 = arith.addi %mul3A_639, %add3A_640 : i32
        %get3A_642 = arith.index_cast %add3A_641 : i32 to index
        %get3A_643 = arith.constant 32 : index
        %get3A_644 = tpu.vector_load %arg11[%get3A_642, %get3A_643] {strides = array<i32>} : memref<80x64xf32, #tpu.memory_space<vmem>>, vector<1x16xf32>,
        %get3A_645 = vector.shape_cast %get3A_644 : vector<1x16xf32> to vector<16xf32>
        %mul3A_646 = arith.mulf %get3A_645, %gather3A_601 : vector<16xf32>
        %mul3A_647 = arith.constant 16 : i32
        %mul3A_648 = arith.muli %scan3A_83, %mul3A_647 : i32
        %add3A_649 = arith.constant 6 : i32
        %add3A_650 = arith.addi %mul3A_648, %add3A_649 : i32
        %swap3A_651 = arith.index_cast %add3A_650 : i32 to index
        %swap3A_652 = arith.constant 32 : index
        %swap3A_653 = tpu.vector_load %arg11[%swap3A_651, %swap3A_652] {strides = array<i32>} : memref<80x64xf32, #tpu.memory_space<vmem>>, vector<1x16xf32>,
        %swap3A_654 = vector.shape_cast %swap3A_653 : vector<1x16xf32> to vector<16xf32>
        %swap3A_655 = vector.shape_cast %mul3A_646 : vector<16xf32> to vector<1x16xf32>
        tpu.vector_store %arg11[%swap3A_651, %swap3A_652], %swap3A_655 {strides = array<i32>} : memref<80x64xf32, #tpu.memory_space<vmem>>, vector<1x16xf32>,
        %mul3A_656 = arith.constant 16 : i32
        %mul3A_657 = arith.muli %scan3A_83, %mul3A_656 : i32
        %add3A_658 = arith.constant 6 : i32
        %add3A_659 = arith.addi %mul3A_657, %add3A_658 : i32
        %get3A_660 = arith.index_cast %add3A_659 : i32 to index
        %get3A_661 = arith.constant 48 : index
        %get3A_662 = tpu.vector_load %arg11[%get3A_660, %get3A_661] {strides = array<i32>} : memref<80x64xf32, #tpu.memory_space<vmem>>, vector<1x16xf32>,
        %get3A_663 = vector.shape_cast %get3A_662 : vector<1x16xf32> to vector<16xf32>
        %mul3A_664 = arith.mulf %get3A_663, %gather3A_601 : vector<16xf32>
        %mul3A_665 = arith.constant 16 : i32
        %mul3A_666 = arith.muli %scan3A_83, %mul3A_665 : i32
        %add3A_667 = arith.constant 6 : i32
        %add3A_668 = arith.addi %mul3A_666, %add3A_667 : i32
        %swap3A_669 = arith.index_cast %add3A_668 : i32 to index
        %swap3A_670 = arith.constant 48 : index
        %swap3A_671 = tpu.vector_load %arg11[%swap3A_669, %swap3A_670] {strides = array<i32>} : memref<80x64xf32, #tpu.memory_space<vmem>>, vector<1x16xf32>,
        %swap3A_672 = vector.shape_cast %swap3A_671 : vector<1x16xf32> to vector<16xf32>
        %swap3A_673 = vector.shape_cast %mul3A_664 : vector<16xf32> to vector<1x16xf32>
        tpu.vector_store %arg11[%swap3A_669, %swap3A_670], %swap3A_673 {strides = array<i32>} : memref<80x64xf32, #tpu.memory_space<vmem>>, vector<1x16xf32>,
        %broadcast_in_dim3A_674 = arith.constant 7 : i32
        %broadcast_in_dim3A_675 = vector.broadcast %broadcast_in_dim3A_674 : i32 to vector<16xi32>
        %lt3A_676 = arith.constant 0 : i32
        %lt3A_677 = vector.broadcast %lt3A_676 : i32 to vector<16xi32>
        %lt3A_678 = arith.cmpi slt, %broadcast_in_dim3A_675, %lt3A_677 : vector<16xi32>
        %add3A_679 = arith.constant 16 : i32
        %add3A_680 = vector.broadcast %add3A_679 : i32 to vector<16xi32>
        %add3A_681 = arith.addi %broadcast_in_dim3A_675, %add3A_680 : vector<16xi32>
        %select_n3A_682 = arith.select %lt3A_678, %add3A_681, %broadcast_in_dim3A_675 : vector<16xi1>, vector<16xi32>
        %broadcast_in_dim3A_683 = vector.shape_cast %select_n3A_682 : vector<16xi32> to vector<16x1xi32>
        %gather3A_684 = vector.shape_cast %broadcast_in_dim3A_683 : vector<16x1xi32> to vector<16xi32>
        %gather3A_685 = tpu.dynamic_gather %get3A_89[%gather3A_684] in [0] : vector<16xf32>, vector<16xi32> -> vector<16xf32>
        %mul3A_686 = arith.constant 16 : i32
        %mul3A_687 = arith.muli %scan3A_83, %mul3A_686 : i32
        %add3A_688 = arith.constant 7 : i32
        %add3A_689 = arith.addi %mul3A_687, %add3A_688 : i32
        %get3A_690 = arith.index_cast %add3A_689 : i32 to index
        %get3A_691 = arith.constant 0 : index
        %get3A_692 = tpu.vector_load %arg11[%get3A_690, %get3A_691] {strides = array<i32>} : memref<80x64xf32, #tpu.memory_space<vmem>>, vector<1x16xf32>,
        %get3A_693 = vector.shape_cast %get3A_692 : vector<1x16xf32> to vector<16xf32>
        %mul3A_694 = arith.mulf %get3A_693, %gather3A_685 : vector<16xf32>
        %mul3A_695 = arith.constant 16 : i32
        %mul3A_696 = arith.muli %scan3A_83, %mul3A_695 : i32
        %add3A_697 = arith.constant 7 : i32
        %add3A_698 = arith.addi %mul3A_696, %add3A_697 : i32
        %swap3A_699 = arith.index_cast %add3A_698 : i32 to index
        %swap3A_700 = arith.constant 0 : index
        %swap3A_701 = tpu.vector_load %arg11[%swap3A_699, %swap3A_700] {strides = array<i32>} : memref<80x64xf32, #tpu.memory_space<vmem>>, vector<1x16xf32>,
        %swap3A_702 = vector.shape_cast %swap3A_701 : vector<1x16xf32> to vector<16xf32>
        %swap3A_703 = vector.shape_cast %mul3A_694 : vector<16xf32> to vector<1x16xf32>
        tpu.vector_store %arg11[%swap3A_699, %swap3A_700], %swap3A_703 {strides = array<i32>} : memref<80x64xf32, #tpu.memory_space<vmem>>, vector<1x16xf32>,
        %mul3A_704 = arith.constant 16 : i32
        %mul3A_705 = arith.muli %scan3A_83, %mul3A_704 : i32
        %add3A_706 = arith.constant 7 : i32
        %add3A_707 = arith.addi %mul3A_705, %add3A_706 : i32
        %get3A_708 = arith.index_cast %add3A_707 : i32 to index
        %get3A_709 = arith.constant 16 : index
        %get3A_710 = tpu.vector_load %arg11[%get3A_708, %get3A_709] {strides = array<i32>} : memref<80x64xf32, #tpu.memory_space<vmem>>, vector<1x16xf32>,
        %get3A_711 = vector.shape_cast %get3A_710 : vector<1x16xf32> to vector<16xf32>
        %mul3A_712 = arith.mulf %get3A_711, %gather3A_685 : vector<16xf32>
        %mul3A_713 = arith.constant 16 : i32
        %mul3A_714 = arith.muli %scan3A_83, %mul3A_713 : i32
        %add3A_715 = arith.constant 7 : i32
        %add3A_716 = arith.addi %mul3A_714, %add3A_715 : i32
        %swap3A_717 = arith.index_cast %add3A_716 : i32 to index
        %swap3A_718 = arith.constant 16 : index
        %swap3A_719 = tpu.vector_load %arg11[%swap3A_717, %swap3A_718] {strides = array<i32>} : memref<80x64xf32, #tpu.memory_space<vmem>>, vector<1x16xf32>,
        %swap3A_720 = vector.shape_cast %swap3A_719 : vector<1x16xf32> to vector<16xf32>
        %swap3A_721 = vector.shape_cast %mul3A_712 : vector<16xf32> to vector<1x16xf32>
        tpu.vector_store %arg11[%swap3A_717, %swap3A_718], %swap3A_721 {strides = array<i32>} : memref<80x64xf32, #tpu.memory_space<vmem>>, vector<1x16xf32>,
        %mul3A_722 = arith.constant 16 : i32
        %mul3A_723 = arith.muli %scan3A_83, %mul3A_722 : i32
        %add3A_724 = arith.constant 7 : i32
        %add3A_725 = arith.addi %mul3A_723, %add3A_724 : i32
        %get3A_726 = arith.index_cast %add3A_725 : i32 to index
        %get3A_727 = arith.constant 32 : index
        %get3A_728 = tpu.vector_load %arg11[%get3A_726, %get3A_727] {strides = array<i32>} : memref<80x64xf32, #tpu.memory_space<vmem>>, vector<1x16xf32>,
        %get3A_729 = vector.shape_cast %get3A_728 : vector<1x16xf32> to vector<16xf32>
        %mul3A_730 = arith.mulf %get3A_729, %gather3A_685 : vector<16xf32>
        %mul3A_731 = arith.constant 16 : i32
        %mul3A_732 = arith.muli %scan3A_83, %mul3A_731 : i32
        %add3A_733 = arith.constant 7 : i32
        %add3A_734 = arith.addi %mul3A_732, %add3A_733 : i32
        %swap3A_735 = arith.index_cast %add3A_734 : i32 to index
        %swap3A_736 = arith.constant 32 : index
        %swap3A_737 = tpu.vector_load %arg11[%swap3A_735, %swap3A_736] {strides = array<i32>} : memref<80x64xf32, #tpu.memory_space<vmem>>, vector<1x16xf32>,
        %swap3A_738 = vector.shape_cast %swap3A_737 : vector<1x16xf32> to vector<16xf32>
        %swap3A_739 = vector.shape_cast %mul3A_730 : vector<16xf32> to vector<1x16xf32>
        tpu.vector_store %arg11[%swap3A_735, %swap3A_736], %swap3A_739 {strides = array<i32>} : memref<80x64xf32, #tpu.memory_space<vmem>>, vector<1x16xf32>,
        %mul3A_740 = arith.constant 16 : i32
        %mul3A_741 = arith.muli %scan3A_83, %mul3A_740 : i32
        %add3A_742 = arith.constant 7 : i32
        %add3A_743 = arith.addi %mul3A_741, %add3A_742 : i32
        %get3A_744 = arith.index_cast %add3A_743 : i32 to index
        %get3A_745 = arith.constant 48 : index
        %get3A_746 = tpu.vector_load %arg11[%get3A_744, %get3A_745] {strides = array<i32>} : memref<80x64xf32, #tpu.memory_space<vmem>>, vector<1x16xf32>,
        %get3A_747 = vector.shape_cast %get3A_746 : vector<1x16xf32> to vector<16xf32>
        %mul3A_748 = arith.mulf %get3A_747, %gather3A_685 : vector<16xf32>
        %mul3A_749 = arith.constant 16 : i32
        %mul3A_750 = arith.muli %scan3A_83, %mul3A_749 : i32
        %add3A_751 = arith.constant 7 : i32
        %add3A_752 = arith.addi %mul3A_750, %add3A_751 : i32
        %swap3A_753 = arith.index_cast %add3A_752 : i32 to index
        %swap3A_754 = arith.constant 48 : index
        %swap3A_755 = tpu.vector_load %arg11[%swap3A_753, %swap3A_754] {strides = array<i32>} : memref<80x64xf32, #tpu.memory_space<vmem>>, vector<1x16xf32>,
        %swap3A_756 = vector.shape_cast %swap3A_755 : vector<1x16xf32> to vector<16xf32>
        %swap3A_757 = vector.shape_cast %mul3A_748 : vector<16xf32> to vector<1x16xf32>
        tpu.vector_store %arg11[%swap3A_753, %swap3A_754], %swap3A_757 {strides = array<i32>} : memref<80x64xf32, #tpu.memory_space<vmem>>, vector<1x16xf32>,
        %broadcast_in_dim3A_758 = arith.constant 8 : i32
        %broadcast_in_dim3A_759 = vector.broadcast %broadcast_in_dim3A_758 : i32 to vector<16xi32>
        %lt3A_760 = arith.constant 0 : i32
        %lt3A_761 = vector.broadcast %lt3A_760 : i32 to vector<16xi32>
        %lt3A_762 = arith.cmpi slt, %broadcast_in_dim3A_759, %lt3A_761 : vector<16xi32>
        %add3A_763 = arith.constant 16 : i32
        %add3A_764 = vector.broadcast %add3A_763 : i32 to vector<16xi32>
        %add3A_765 = arith.addi %broadcast_in_dim3A_759, %add3A_764 : vector<16xi32>
        %select_n3A_766 = arith.select %lt3A_762, %add3A_765, %broadcast_in_dim3A_759 : vector<16xi1>, vector<16xi32>
        %broadcast_in_dim3A_767 = vector.shape_cast %select_n3A_766 : vector<16xi32> to vector<16x1xi32>
        %gather3A_768 = vector.shape_cast %broadcast_in_dim3A_767 : vector<16x1xi32> to vector<16xi32>
        %gather3A_769 = tpu.dynamic_gather %get3A_89[%gather3A_768] in [0] : vector<16xf32>, vector<16xi32> -> vector<16xf32>
        %mul3A_770 = arith.constant 16 : i32
        %mul3A_771 = arith.muli %scan3A_83, %mul3A_770 : i32
        %add3A_772 = arith.constant 8 : i32
        %add3A_773 = arith.addi %mul3A_771, %add3A_772 : i32
        %get3A_774 = arith.index_cast %add3A_773 : i32 to index
        %get3A_775 = arith.constant 0 : index
        %get3A_776 = tpu.vector_load %arg11[%get3A_774, %get3A_775] {strides = array<i32>} : memref<80x64xf32, #tpu.memory_space<vmem>>, vector<1x16xf32>,
        %get3A_777 = vector.shape_cast %get3A_776 : vector<1x16xf32> to vector<16xf32>
        %mul3A_778 = arith.mulf %get3A_777, %gather3A_769 : vector<16xf32>
        %mul3A_779 = arith.constant 16 : i32
        %mul3A_780 = arith.muli %scan3A_83, %mul3A_779 : i32
        %add3A_781 = arith.constant 8 : i32
        %add3A_782 = arith.addi %mul3A_780, %add3A_781 : i32
        %swap3A_783 = arith.index_cast %add3A_782 : i32 to index
        %swap3A_784 = arith.constant 0 : index
        %swap3A_785 = tpu.vector_load %arg11[%swap3A_783, %swap3A_784] {strides = array<i32>} : memref<80x64xf32, #tpu.memory_space<vmem>>, vector<1x16xf32>,
        %swap3A_786 = vector.shape_cast %swap3A_785 : vector<1x16xf32> to vector<16xf32>
        %swap3A_787 = vector.shape_cast %mul3A_778 : vector<16xf32> to vector<1x16xf32>
        tpu.vector_store %arg11[%swap3A_783, %swap3A_784], %swap3A_787 {strides = array<i32>} : memref<80x64xf32, #tpu.memory_space<vmem>>, vector<1x16xf32>,
        %mul3A_788 = arith.constant 16 : i32
        %mul3A_789 = arith.muli %scan3A_83, %mul3A_788 : i32
        %add3A_790 = arith.constant 8 : i32
        %add3A_791 = arith.addi %mul3A_789, %add3A_790 : i32
        %get3A_792 = arith.index_cast %add3A_791 : i32 to index
        %get3A_793 = arith.constant 16 : index
        %get3A_794 = tpu.vector_load %arg11[%get3A_792, %get3A_793] {strides = array<i32>} : memref<80x64xf32, #tpu.memory_space<vmem>>, vector<1x16xf32>,
        %get3A_795 = vector.shape_cast %get3A_794 : vector<1x16xf32> to vector<16xf32>
        %mul3A_796 = arith.mulf %get3A_795, %gather3A_769 : vector<16xf32>
        %mul3A_797 = arith.constant 16 : i32
        %mul3A_798 = arith.muli %scan3A_83, %mul3A_797 : i32
        %add3A_799 = arith.constant 8 : i32
        %add3A_800 = arith.addi %mul3A_798, %add3A_799 : i32
        %swap3A_801 = arith.index_cast %add3A_800 : i32 to index
        %swap3A_802 = arith.constant 16 : index
        %swap3A_803 = tpu.vector_load %arg11[%swap3A_801, %swap3A_802] {strides = array<i32>} : memref<80x64xf32, #tpu.memory_space<vmem>>, vector<1x16xf32>,
        %swap3A_804 = vector.shape_cast %swap3A_803 : vector<1x16xf32> to vector<16xf32>
        %swap3A_805 = vector.shape_cast %mul3A_796 : vector<16xf32> to vector<1x16xf32>
        tpu.vector_store %arg11[%swap3A_801, %swap3A_802], %swap3A_805 {strides = array<i32>} : memref<80x64xf32, #tpu.memory_space<vmem>>, vector<1x16xf32>,
        %mul3A_806 = arith.constant 16 : i32
        %mul3A_807 = arith.muli %scan3A_83, %mul3A_806 : i32
        %add3A_808 = arith.constant 8 : i32
        %add3A_809 = arith.addi %mul3A_807, %add3A_808 : i32
        %get3A_810 = arith.index_cast %add3A_809 : i32 to index
        %get3A_811 = arith.constant 32 : index
        %get3A_812 = tpu.vector_load %arg11[%get3A_810, %get3A_811] {strides = array<i32>} : memref<80x64xf32, #tpu.memory_space<vmem>>, vector<1x16xf32>,
        %get3A_813 = vector.shape_cast %get3A_812 : vector<1x16xf32> to vector<16xf32>
        %mul3A_814 = arith.mulf %get3A_813, %gather3A_769 : vector<16xf32>
        %mul3A_815 = arith.constant 16 : i32
        %mul3A_816 = arith.muli %scan3A_83, %mul3A_815 : i32
        %add3A_817 = arith.constant 8 : i32
        %add3A_818 = arith.addi %mul3A_816, %add3A_817 : i32
        %swap3A_819 = arith.index_cast %add3A_818 : i32 to index
        %swap3A_820 = arith.constant 32 : index
        %swap3A_821 = tpu.vector_load %arg11[%swap3A_819, %swap3A_820] {strides = array<i32>} : memref<80x64xf32, #tpu.memory_space<vmem>>, vector<1x16xf32>,
        %swap3A_822 = vector.shape_cast %swap3A_821 : vector<1x16xf32> to vector<16xf32>
        %swap3A_823 = vector.shape_cast %mul3A_814 : vector<16xf32> to vector<1x16xf32>
        tpu.vector_store %arg11[%swap3A_819, %swap3A_820], %swap3A_823 {strides = array<i32>} : memref<80x64xf32, #tpu.memory_space<vmem>>, vector<1x16xf32>,
        %mul3A_824 = arith.constant 16 : i32
        %mul3A_825 = arith.muli %scan3A_83, %mul3A_824 : i32
        %add3A_826 = arith.constant 8 : i32
        %add3A_827 = arith.addi %mul3A_825, %add3A_826 : i32
        %get3A_828 = arith.index_cast %add3A_827 : i32 to index
        %get3A_829 = arith.constant 48 : index
        %get3A_830 = tpu.vector_load %arg11[%get3A_828, %get3A_829] {strides = array<i32>} : memref<80x64xf32, #tpu.memory_space<vmem>>, vector<1x16xf32>,
        %get3A_831 = vector.shape_cast %get3A_830 : vector<1x16xf32> to vector<16xf32>
        %mul3A_832 = arith.mulf %get3A_831, %gather3A_769 : vector<16xf32>
        %mul3A_833 = arith.constant 16 : i32
        %mul3A_834 = arith.muli %scan3A_83, %mul3A_833 : i32
        %add3A_835 = arith.constant 8 : i32
        %add3A_836 = arith.addi %mul3A_834, %add3A_835 : i32
        %swap3A_837 = arith.index_cast %add3A_836 : i32 to index
        %swap3A_838 = arith.constant 48 : index
        %swap3A_839 = tpu.vector_load %arg11[%swap3A_837, %swap3A_838] {strides = array<i32>} : memref<80x64xf32, #tpu.memory_space<vmem>>, vector<1x16xf32>,
        %swap3A_840 = vector.shape_cast %swap3A_839 : vector<1x16xf32> to vector<16xf32>
        %swap3A_841 = vector.shape_cast %mul3A_832 : vector<16xf32> to vector<1x16xf32>
        tpu.vector_store %arg11[%swap3A_837, %swap3A_838], %swap3A_841 {strides = array<i32>} : memref<80x64xf32, #tpu.memory_space<vmem>>, vector<1x16xf32>,
        %broadcast_in_dim3A_842 = arith.constant 9 : i32
        %broadcast_in_dim3A_843 = vector.broadcast %broadcast_in_dim3A_842 : i32 to vector<16xi32>
        %lt3A_844 = arith.constant 0 : i32
        %lt3A_845 = vector.broadcast %lt3A_844 : i32 to vector<16xi32>
        %lt3A_846 = arith.cmpi slt, %broadcast_in_dim3A_843, %lt3A_845 : vector<16xi32>
        %add3A_847 = arith.constant 16 : i32
        %add3A_848 = vector.broadcast %add3A_847 : i32 to vector<16xi32>
        %add3A_849 = arith.addi %broadcast_in_dim3A_843, %add3A_848 : vector<16xi32>
        %select_n3A_850 = arith.select %lt3A_846, %add3A_849, %broadcast_in_dim3A_843 : vector<16xi1>, vector<16xi32>
        %broadcast_in_dim3A_851 = vector.shape_cast %select_n3A_850 : vector<16xi32> to vector<16x1xi32>
        %gather3A_852 = vector.shape_cast %broadcast_in_dim3A_851 : vector<16x1xi32> to vector<16xi32>
        %gather3A_853 = tpu.dynamic_gather %get3A_89[%gather3A_852] in [0] : vector<16xf32>, vector<16xi32> -> vector<16xf32>
        %mul3A_854 = arith.constant 16 : i32
        %mul3A_855 = arith.muli %scan3A_83, %mul3A_854 : i32
        %add3A_856 = arith.constant 9 : i32
        %add3A_857 = arith.addi %mul3A_855, %add3A_856 : i32
        %get3A_858 = arith.index_cast %add3A_857 : i32 to index
        %get3A_859 = arith.constant 0 : index
        %get3A_860 = tpu.vector_load %arg11[%get3A_858, %get3A_859] {strides = array<i32>} : memref<80x64xf32, #tpu.memory_space<vmem>>, vector<1x16xf32>,
        %get3A_861 = vector.shape_cast %get3A_860 : vector<1x16xf32> to vector<16xf32>
        %mul3A_862 = arith.mulf %get3A_861, %gather3A_853 : vector<16xf32>
        %mul3A_863 = arith.constant 16 : i32
        %mul3A_864 = arith.muli %scan3A_83, %mul3A_863 : i32
        %add3A_865 = arith.constant 9 : i32
        %add3A_866 = arith.addi %mul3A_864, %add3A_865 : i32
        %swap3A_867 = arith.index_cast %add3A_866 : i32 to index
        %swap3A_868 = arith.constant 0 : index
        %swap3A_869 = tpu.vector_load %arg11[%swap3A_867, %swap3A_868] {strides = array<i32>} : memref<80x64xf32, #tpu.memory_space<vmem>>, vector<1x16xf32>,
        %swap3A_870 = vector.shape_cast %swap3A_869 : vector<1x16xf32> to vector<16xf32>
        %swap3A_871 = vector.shape_cast %mul3A_862 : vector<16xf32> to vector<1x16xf32>
        tpu.vector_store %arg11[%swap3A_867, %swap3A_868], %swap3A_871 {strides = array<i32>} : memref<80x64xf32, #tpu.memory_space<vmem>>, vector<1x16xf32>,
        %mul3A_872 = arith.constant 16 : i32
        %mul3A_873 = arith.muli %scan3A_83, %mul3A_872 : i32
        %add3A_874 = arith.constant 9 : i32
        %add3A_875 = arith.addi %mul3A_873, %add3A_874 : i32
        %get3A_876 = arith.index_cast %add3A_875 : i32 to index
        %get3A_877 = arith.constant 16 : index
        %get3A_878 = tpu.vector_load %arg11[%get3A_876, %get3A_877] {strides = array<i32>} : memref<80x64xf32, #tpu.memory_space<vmem>>, vector<1x16xf32>,
        %get3A_879 = vector.shape_cast %get3A_878 : vector<1x16xf32> to vector<16xf32>
        %mul3A_880 = arith.mulf %get3A_879, %gather3A_853 : vector<16xf32>
        %mul3A_881 = arith.constant 16 : i32
        %mul3A_882 = arith.muli %scan3A_83, %mul3A_881 : i32
        %add3A_883 = arith.constant 9 : i32
        %add3A_884 = arith.addi %mul3A_882, %add3A_883 : i32
        %swap3A_885 = arith.index_cast %add3A_884 : i32 to index
        %swap3A_886 = arith.constant 16 : index
        %swap3A_887 = tpu.vector_load %arg11[%swap3A_885, %swap3A_886] {strides = array<i32>} : memref<80x64xf32, #tpu.memory_space<vmem>>, vector<1x16xf32>,
        %swap3A_888 = vector.shape_cast %swap3A_887 : vector<1x16xf32> to vector<16xf32>
        %swap3A_889 = vector.shape_cast %mul3A_880 : vector<16xf32> to vector<1x16xf32>
        tpu.vector_store %arg11[%swap3A_885, %swap3A_886], %swap3A_889 {strides = array<i32>} : memref<80x64xf32, #tpu.memory_space<vmem>>, vector<1x16xf32>,
        %mul3A_890 = arith.constant 16 : i32
        %mul3A_891 = arith.muli %scan3A_83, %mul3A_890 : i32
        %add3A_892 = arith.constant 9 : i32
        %add3A_893 = arith.addi %mul3A_891, %add3A_892 : i32
        %get3A_894 = arith.index_cast %add3A_893 : i32 to index
        %get3A_895 = arith.constant 32 : index
        %get3A_896 = tpu.vector_load %arg11[%get3A_894, %get3A_895] {strides = array<i32>} : memref<80x64xf32, #tpu.memory_space<vmem>>, vector<1x16xf32>,
        %get3A_897 = vector.shape_cast %get3A_896 : vector<1x16xf32> to vector<16xf32>
        %mul3A_898 = arith.mulf %get3A_897, %gather3A_853 : vector<16xf32>
        %mul3A_899 = arith.constant 16 : i32
        %mul3A_900 = arith.muli %scan3A_83, %mul3A_899 : i32
        %add3A_901 = arith.constant 9 : i32
        %add3A_902 = arith.addi %mul3A_900, %add3A_901 : i32
        %swap3A_903 = arith.index_cast %add3A_902 : i32 to index
        %swap3A_904 = arith.constant 32 : index
        %swap3A_905 = tpu.vector_load %arg11[%swap3A_903, %swap3A_904] {strides = array<i32>} : memref<80x64xf32, #tpu.memory_space<vmem>>, vector<1x16xf32>,
        %swap3A_906 = vector.shape_cast %swap3A_905 : vector<1x16xf32> to vector<16xf32>
        %swap3A_907 = vector.shape_cast %mul3A_898 : vector<16xf32> to vector<1x16xf32>
        tpu.vector_store %arg11[%swap3A_903, %swap3A_904], %swap3A_907 {strides = array<i32>} : memref<80x64xf32, #tpu.memory_space<vmem>>, vector<1x16xf32>,
        %mul3A_908 = arith.constant 16 : i32
        %mul3A_909 = arith.muli %scan3A_83, %mul3A_908 : i32
        %add3A_910 = arith.constant 9 : i32
        %add3A_911 = arith.addi %mul3A_909, %add3A_910 : i32
        %get3A_912 = arith.index_cast %add3A_911 : i32 to index
        %get3A_913 = arith.constant 48 : index
        %get3A_914 = tpu.vector_load %arg11[%get3A_912, %get3A_913] {strides = array<i32>} : memref<80x64xf32, #tpu.memory_space<vmem>>, vector<1x16xf32>,
        %get3A_915 = vector.shape_cast %get3A_914 : vector<1x16xf32> to vector<16xf32>
        %mul3A_916 = arith.mulf %get3A_915, %gather3A_853 : vector<16xf32>
        %mul3A_917 = arith.constant 16 : i32
        %mul3A_918 = arith.muli %scan3A_83, %mul3A_917 : i32
        %add3A_919 = arith.constant 9 : i32
        %add3A_920 = arith.addi %mul3A_918, %add3A_919 : i32
        %swap3A_921 = arith.index_cast %add3A_920 : i32 to index
        %swap3A_922 = arith.constant 48 : index
        %swap3A_923 = tpu.vector_load %arg11[%swap3A_921, %swap3A_922] {strides = array<i32>} : memref<80x64xf32, #tpu.memory_space<vmem>>, vector<1x16xf32>,
        %swap3A_924 = vector.shape_cast %swap3A_923 : vector<1x16xf32> to vector<16xf32>
        %swap3A_925 = vector.shape_cast %mul3A_916 : vector<16xf32> to vector<1x16xf32>
        tpu.vector_store %arg11[%swap3A_921, %swap3A_922], %swap3A_925 {strides = array<i32>} : memref<80x64xf32, #tpu.memory_space<vmem>>, vector<1x16xf32>,
        %broadcast_in_dim3A_926 = arith.constant 10 : i32
        %broadcast_in_dim3A_927 = vector.broadcast %broadcast_in_dim3A_926 : i32 to vector<16xi32>
        %lt3A_928 = arith.constant 0 : i32
        %lt3A_929 = vector.broadcast %lt3A_928 : i32 to vector<16xi32>
        %lt3A_930 = arith.cmpi slt, %broadcast_in_dim3A_927, %lt3A_929 : vector<16xi32>
        %add3A_931 = arith.constant 16 : i32
        %add3A_932 = vector.broadcast %add3A_931 : i32 to vector<16xi32>
        %add3A_933 = arith.addi %broadcast_in_dim3A_927, %add3A_932 : vector<16xi32>
        %select_n3A_934 = arith.select %lt3A_930, %add3A_933, %broadcast_in_dim3A_927 : vector<16xi1>, vector<16xi32>
        %broadcast_in_dim3A_935 = vector.shape_cast %select_n3A_934 : vector<16xi32> to vector<16x1xi32>
        %gather3A_936 = vector.shape_cast %broadcast_in_dim3A_935 : vector<16x1xi32> to vector<16xi32>
        %gather3A_937 = tpu.dynamic_gather %get3A_89[%gather3A_936] in [0] : vector<16xf32>, vector<16xi32> -> vector<16xf32>
        %mul3A_938 = arith.constant 16 : i32
        %mul3A_939 = arith.muli %scan3A_83, %mul3A_938 : i32
        %add3A_940 = arith.constant 10 : i32
        %add3A_941 = arith.addi %mul3A_939, %add3A_940 : i32
        %get3A_942 = arith.index_cast %add3A_941 : i32 to index
        %get3A_943 = arith.constant 0 : index
        %get3A_944 = tpu.vector_load %arg11[%get3A_942, %get3A_943] {strides = array<i32>} : memref<80x64xf32, #tpu.memory_space<vmem>>, vector<1x16xf32>,
        %get3A_945 = vector.shape_cast %get3A_944 : vector<1x16xf32> to vector<16xf32>
        %mul3A_946 = arith.mulf %get3A_945, %gather3A_937 : vector<16xf32>
        %mul3A_947 = arith.constant 16 : i32
        %mul3A_948 = arith.muli %scan3A_83, %mul3A_947 : i32
        %add3A_949 = arith.constant 10 : i32
        %add3A_950 = arith.addi %mul3A_948, %add3A_949 : i32
        %swap3A_951 = arith.index_cast %add3A_950 : i32 to index
        %swap3A_952 = arith.constant 0 : index
        %swap3A_953 = tpu.vector_load %arg11[%swap3A_951, %swap3A_952] {strides = array<i32>} : memref<80x64xf32, #tpu.memory_space<vmem>>, vector<1x16xf32>,
        %swap3A_954 = vector.shape_cast %swap3A_953 : vector<1x16xf32> to vector<16xf32>
        %swap3A_955 = vector.shape_cast %mul3A_946 : vector<16xf32> to vector<1x16xf32>
        tpu.vector_store %arg11[%swap3A_951, %swap3A_952], %swap3A_955 {strides = array<i32>} : memref<80x64xf32, #tpu.memory_space<vmem>>, vector<1x16xf32>,
        %mul3A_956 = arith.constant 16 : i32
        %mul3A_957 = arith.muli %scan3A_83, %mul3A_956 : i32
        %add3A_958 = arith.constant 10 : i32
        %add3A_959 = arith.addi %mul3A_957, %add3A_958 : i32
        %get3A_960 = arith.index_cast %add3A_959 : i32 to index
        %get3A_961 = arith.constant 16 : index
        %get3A_962 = tpu.vector_load %arg11[%get3A_960, %get3A_961] {strides = array<i32>} : memref<80x64xf32, #tpu.memory_space<vmem>>, vector<1x16xf32>,
        %get3A_963 = vector.shape_cast %get3A_962 : vector<1x16xf32> to vector<16xf32>
        %mul3A_964 = arith.mulf %get3A_963, %gather3A_937 : vector<16xf32>
        %mul3A_965 = arith.constant 16 : i32
        %mul3A_966 = arith.muli %scan3A_83, %mul3A_965 : i32
        %add3A_967 = arith.constant 10 : i32
        %add3A_968 = arith.addi %mul3A_966, %add3A_967 : i32
        %swap3A_969 = arith.index_cast %add3A_968 : i32 to index
        %swap3A_970 = arith.constant 16 : index
        %swap3A_971 = tpu.vector_load %arg11[%swap3A_969, %swap3A_970] {strides = array<i32>} : memref<80x64xf32, #tpu.memory_space<vmem>>, vector<1x16xf32>,
        %swap3A_972 = vector.shape_cast %swap3A_971 : vector<1x16xf32> to vector<16xf32>
        %swap3A_973 = vector.shape_cast %mul3A_964 : vector<16xf32> to vector<1x16xf32>
        tpu.vector_store %arg11[%swap3A_969, %swap3A_970], %swap3A_973 {strides = array<i32>} : memref<80x64xf32, #tpu.memory_space<vmem>>, vector<1x16xf32>,
        %mul3A_974 = arith.constant 16 : i32
        %mul3A_975 = arith.muli %scan3A_83, %mul3A_974 : i32
        %add3A_976 = arith.constant 10 : i32
        %add3A_977 = arith.addi %mul3A_975, %add3A_976 : i32
        %get3A_978 = arith.index_cast %add3A_977 : i32 to index
        %get3A_979 = arith.constant 32 : index
        %get3A_980 = tpu.vector_load %arg11[%get3A_978, %get3A_979] {strides = array<i32>} : memref<80x64xf32, #tpu.memory_space<vmem>>, vector<1x16xf32>,
        %get3A_981 = vector.shape_cast %get3A_980 : vector<1x16xf32> to vector<16xf32>
        %mul3A_982 = arith.mulf %get3A_981, %gather3A_937 : vector<16xf32>
        %mul3A_983 = arith.constant 16 : i32
        %mul3A_984 = arith.muli %scan3A_83, %mul3A_983 : i32
        %add3A_985 = arith.constant 10 : i32
        %add3A_986 = arith.addi %mul3A_984, %add3A_985 : i32
        %swap3A_987 = arith.index_cast %add3A_986 : i32 to index
        %swap3A_988 = arith.constant 32 : index
        %swap3A_989 = tpu.vector_load %arg11[%swap3A_987, %swap3A_988] {strides = array<i32>} : memref<80x64xf32, #tpu.memory_space<vmem>>, vector<1x16xf32>,
        %swap3A_990 = vector.shape_cast %swap3A_989 : vector<1x16xf32> to vector<16xf32>
        %swap3A_991 = vector.shape_cast %mul3A_982 : vector<16xf32> to vector<1x16xf32>
        tpu.vector_store %arg11[%swap3A_987, %swap3A_988], %swap3A_991 {strides = array<i32>} : memref<80x64xf32, #tpu.memory_space<vmem>>, vector<1x16xf32>,
        %mul3A_992 = arith.constant 16 : i32
        %mul3A_993 = arith.muli %scan3A_83, %mul3A_992 : i32
        %add3A_994 = arith.constant 10 : i32
        %add3A_995 = arith.addi %mul3A_993, %add3A_994 : i32
        %get3A_996 = arith.index_cast %add3A_995 : i32 to index
        %get3A_997 = arith.constant 48 : index
        %get3A_998 = tpu.vector_load %arg11[%get3A_996, %get3A_997] {strides = array<i32>} : memref<80x64xf32, #tpu.memory_space<vmem>>, vector<1x16xf32>,
        %get3A_999 = vector.shape_cast %get3A_998 : vector<1x16xf32> to vector<16xf32>
        %mul3A_1000 = arith.mulf %get3A_999, %gather3A_937 : vector<16xf32>
        %mul3A_1001 = arith.constant 16 : i32
        %mul3A_1002 = arith.muli %scan3A_83, %mul3A_1001 : i32
        %add3A_1003 = arith.constant 10 : i32
        %add3A_1004 = arith.addi %mul3A_1002, %add3A_1003 : i32
        %swap3A_1005 = arith.index_cast %add3A_1004 : i32 to index
        %swap3A_1006 = arith.constant 48 : index
        %swap3A_1007 = tpu.vector_load %arg11[%swap3A_1005, %swap3A_1006] {strides = array<i32>} : memref<80x64xf32, #tpu.memory_space<vmem>>, vector<1x16xf32>,
        %swap3A_1008 = vector.shape_cast %swap3A_1007 : vector<1x16xf32> to vector<16xf32>
        %swap3A_1009 = vector.shape_cast %mul3A_1000 : vector<16xf32> to vector<1x16xf32>
        tpu.vector_store %arg11[%swap3A_1005, %swap3A_1006], %swap3A_1009 {strides = array<i32>} : memref<80x64xf32, #tpu.memory_space<vmem>>, vector<1x16xf32>,
        %broadcast_in_dim3A_1010 = arith.constant 11 : i32
        %broadcast_in_dim3A_1011 = vector.broadcast %broadcast_in_dim3A_1010 : i32 to vector<16xi32>
        %lt3A_1012 = arith.constant 0 : i32
        %lt3A_1013 = vector.broadcast %lt3A_1012 : i32 to vector<16xi32>
        %lt3A_1014 = arith.cmpi slt, %broadcast_in_dim3A_1011, %lt3A_1013 : vector<16xi32>
        %add3A_1015 = arith.constant 16 : i32
        %add3A_1016 = vector.broadcast %add3A_1015 : i32 to vector<16xi32>
        %add3A_1017 = arith.addi %broadcast_in_dim3A_1011, %add3A_1016 : vector<16xi32>
        %select_n3A_1018 = arith.select %lt3A_1014, %add3A_1017, %broadcast_in_dim3A_1011 : vector<16xi1>, vector<16xi32>
        %broadcast_in_dim3A_1019 = vector.shape_cast %select_n3A_1018 : vector<16xi32> to vector<16x1xi32>
        %gather3A_1020 = vector.shape_cast %broadcast_in_dim3A_1019 : vector<16x1xi32> to vector<16xi32>
        %gather3A_1021 = tpu.dynamic_gather %get3A_89[%gather3A_1020] in [0] : vector<16xf32>, vector<16xi32> -> vector<16xf32>
        %mul3A_1022 = arith.constant 16 : i32
        %mul3A_1023 = arith.muli %scan3A_83, %mul3A_1022 : i32
        %add3A_1024 = arith.constant 11 : i32
        %add3A_1025 = arith.addi %mul3A_1023, %add3A_1024 : i32
        %get3A_1026 = arith.index_cast %add3A_1025 : i32 to index
        %get3A_1027 = arith.constant 0 : index
        %get3A_1028 = tpu.vector_load %arg11[%get3A_1026, %get3A_1027] {strides = array<i32>} : memref<80x64xf32, #tpu.memory_space<vmem>>, vector<1x16xf32>,
        %get3A_1029 = vector.shape_cast %get3A_1028 : vector<1x16xf32> to vector<16xf32>
        %mul3A_1030 = arith.mulf %get3A_1029, %gather3A_1021 : vector<16xf32>
        %mul3A_1031 = arith.constant 16 : i32
        %mul3A_1032 = arith.muli %scan3A_83, %mul3A_1031 : i32
        %add3A_1033 = arith.constant 11 : i32
        %add3A_1034 = arith.addi %mul3A_1032, %add3A_1033 : i32
        %swap3A_1035 = arith.index_cast %add3A_1034 : i32 to index
        %swap3A_1036 = arith.constant 0 : index
        %swap3A_1037 = tpu.vector_load %arg11[%swap3A_1035, %swap3A_1036] {strides = array<i32>} : memref<80x64xf32, #tpu.memory_space<vmem>>, vector<1x16xf32>,
        %swap3A_1038 = vector.shape_cast %swap3A_1037 : vector<1x16xf32> to vector<16xf32>
        %swap3A_1039 = vector.shape_cast %mul3A_1030 : vector<16xf32> to vector<1x16xf32>
        tpu.vector_store %arg11[%swap3A_1035, %swap3A_1036], %swap3A_1039 {strides = array<i32>} : memref<80x64xf32, #tpu.memory_space<vmem>>, vector<1x16xf32>,
        %mul3A_1040 = arith.constant 16 : i32
        %mul3A_1041 = arith.muli %scan3A_83, %mul3A_1040 : i32
        %add3A_1042 = arith.constant 11 : i32
        %add3A_1043 = arith.addi %mul3A_1041, %add3A_1042 : i32
        %get3A_1044 = arith.index_cast %add3A_1043 : i32 to index
        %get3A_1045 = arith.constant 16 : index
        %get3A_1046 = tpu.vector_load %arg11[%get3A_1044, %get3A_1045] {strides = array<i32>} : memref<80x64xf32, #tpu.memory_space<vmem>>, vector<1x16xf32>,
        %get3A_1047 = vector.shape_cast %get3A_1046 : vector<1x16xf32> to vector<16xf32>
        %mul3A_1048 = arith.mulf %get3A_1047, %gather3A_1021 : vector<16xf32>
        %mul3A_1049 = arith.constant 16 : i32
        %mul3A_1050 = arith.muli %scan3A_83, %mul3A_1049 : i32
        %add3A_1051 = arith.constant 11 : i32
        %add3A_1052 = arith.addi %mul3A_1050, %add3A_1051 : i32
        %swap3A_1053 = arith.index_cast %add3A_1052 : i32 to index
        %swap3A_1054 = arith.constant 16 : index
        %swap3A_1055 = tpu.vector_load %arg11[%swap3A_1053, %swap3A_1054] {strides = array<i32>} : memref<80x64xf32, #tpu.memory_space<vmem>>, vector<1x16xf32>,
        %swap3A_1056 = vector.shape_cast %swap3A_1055 : vector<1x16xf32> to vector<16xf32>
        %swap3A_1057 = vector.shape_cast %mul3A_1048 : vector<16xf32> to vector<1x16xf32>
        tpu.vector_store %arg11[%swap3A_1053, %swap3A_1054], %swap3A_1057 {strides = array<i32>} : memref<80x64xf32, #tpu.memory_space<vmem>>, vector<1x16xf32>,
        %mul3A_1058 = arith.constant 16 : i32
        %mul3A_1059 = arith.muli %scan3A_83, %mul3A_1058 : i32
        %add3A_1060 = arith.constant 11 : i32
        %add3A_1061 = arith.addi %mul3A_1059, %add3A_1060 : i32
        %get3A_1062 = arith.index_cast %add3A_1061 : i32 to index
        %get3A_1063 = arith.constant 32 : index
        %get3A_1064 = tpu.vector_load %arg11[%get3A_1062, %get3A_1063] {strides = array<i32>} : memref<80x64xf32, #tpu.memory_space<vmem>>, vector<1x16xf32>,
        %get3A_1065 = vector.shape_cast %get3A_1064 : vector<1x16xf32> to vector<16xf32>
        %mul3A_1066 = arith.mulf %get3A_1065, %gather3A_1021 : vector<16xf32>
        %mul3A_1067 = arith.constant 16 : i32
        %mul3A_1068 = arith.muli %scan3A_83, %mul3A_1067 : i32
        %add3A_1069 = arith.constant 11 : i32
        %add3A_1070 = arith.addi %mul3A_1068, %add3A_1069 : i32
        %swap3A_1071 = arith.index_cast %add3A_1070 : i32 to index
        %swap3A_1072 = arith.constant 32 : index
        %swap3A_1073 = tpu.vector_load %arg11[%swap3A_1071, %swap3A_1072] {strides = array<i32>} : memref<80x64xf32, #tpu.memory_space<vmem>>, vector<1x16xf32>,
        %swap3A_1074 = vector.shape_cast %swap3A_1073 : vector<1x16xf32> to vector<16xf32>
        %swap3A_1075 = vector.shape_cast %mul3A_1066 : vector<16xf32> to vector<1x16xf32>
        tpu.vector_store %arg11[%swap3A_1071, %swap3A_1072], %swap3A_1075 {strides = array<i32>} : memref<80x64xf32, #tpu.memory_space<vmem>>, vector<1x16xf32>,
        %mul3A_1076 = arith.constant 16 : i32
        %mul3A_1077 = arith.muli %scan3A_83, %mul3A_1076 : i32
        %add3A_1078 = arith.constant 11 : i32
        %add3A_1079 = arith.addi %mul3A_1077, %add3A_1078 : i32
        %get3A_1080 = arith.index_cast %add3A_1079 : i32 to index
        %get3A_1081 = arith.constant 48 : index
        %get3A_1082 = tpu.vector_load %arg11[%get3A_1080, %get3A_1081] {strides = array<i32>} : memref<80x64xf32, #tpu.memory_space<vmem>>, vector<1x16xf32>,
        %get3A_1083 = vector.shape_cast %get3A_1082 : vector<1x16xf32> to vector<16xf32>
        %mul3A_1084 = arith.mulf %get3A_1083, %gather3A_1021 : vector<16xf32>
        %mul3A_1085 = arith.constant 16 : i32
        %mul3A_1086 = arith.muli %scan3A_83, %mul3A_1085 : i32
        %add3A_1087 = arith.constant 11 : i32
        %add3A_1088 = arith.addi %mul3A_1086, %add3A_1087 : i32
        %swap3A_1089 = arith.index_cast %add3A_1088 : i32 to index
        %swap3A_1090 = arith.constant 48 : index
        %swap3A_1091 = tpu.vector_load %arg11[%swap3A_1089, %swap3A_1090] {strides = array<i32>} : memref<80x64xf32, #tpu.memory_space<vmem>>, vector<1x16xf32>,
        %swap3A_1092 = vector.shape_cast %swap3A_1091 : vector<1x16xf32> to vector<16xf32>
        %swap3A_1093 = vector.shape_cast %mul3A_1084 : vector<16xf32> to vector<1x16xf32>
        tpu.vector_store %arg11[%swap3A_1089, %swap3A_1090], %swap3A_1093 {strides = array<i32>} : memref<80x64xf32, #tpu.memory_space<vmem>>, vector<1x16xf32>,
        %broadcast_in_dim3A_1094 = arith.constant 12 : i32
        %broadcast_in_dim3A_1095 = vector.broadcast %broadcast_in_dim3A_1094 : i32 to vector<16xi32>
        %lt3A_1096 = arith.constant 0 : i32
        %lt3A_1097 = vector.broadcast %lt3A_1096 : i32 to vector<16xi32>
        %lt3A_1098 = arith.cmpi slt, %broadcast_in_dim3A_1095, %lt3A_1097 : vector<16xi32>
        %add3A_1099 = arith.constant 16 : i32
        %add3A_1100 = vector.broadcast %add3A_1099 : i32 to vector<16xi32>
        %add3A_1101 = arith.addi %broadcast_in_dim3A_1095, %add3A_1100 : vector<16xi32>
        %select_n3A_1102 = arith.select %lt3A_1098, %add3A_1101, %broadcast_in_dim3A_1095 : vector<16xi1>, vector<16xi32>
        %broadcast_in_dim3A_1103 = vector.shape_cast %select_n3A_1102 : vector<16xi32> to vector<16x1xi32>
        %gather3A_1104 = vector.shape_cast %broadcast_in_dim3A_1103 : vector<16x1xi32> to vector<16xi32>
        %gather3A_1105 = tpu.dynamic_gather %get3A_89[%gather3A_1104] in [0] : vector<16xf32>, vector<16xi32> -> vector<16xf32>
        %mul3A_1106 = arith.constant 16 : i32
        %mul3A_1107 = arith.muli %scan3A_83, %mul3A_1106 : i32
        %add3A_1108 = arith.constant 12 : i32
        %add3A_1109 = arith.addi %mul3A_1107, %add3A_1108 : i32
        %get3A_1110 = arith.index_cast %add3A_1109 : i32 to index
        %get3A_1111 = arith.constant 0 : index
        %get3A_1112 = tpu.vector_load %arg11[%get3A_1110, %get3A_1111] {strides = array<i32>} : memref<80x64xf32, #tpu.memory_space<vmem>>, vector<1x16xf32>,
        %get3A_1113 = vector.shape_cast %get3A_1112 : vector<1x16xf32> to vector<16xf32>
        %mul3A_1114 = arith.mulf %get3A_1113, %gather3A_1105 : vector<16xf32>
        %mul3A_1115 = arith.constant 16 : i32
        %mul3A_1116 = arith.muli %scan3A_83, %mul3A_1115 : i32
        %add3A_1117 = arith.constant 12 : i32
        %add3A_1118 = arith.addi %mul3A_1116, %add3A_1117 : i32
        %swap3A_1119 = arith.index_cast %add3A_1118 : i32 to index
        %swap3A_1120 = arith.constant 0 : index
        %swap3A_1121 = tpu.vector_load %arg11[%swap3A_1119, %swap3A_1120] {strides = array<i32>} : memref<80x64xf32, #tpu.memory_space<vmem>>, vector<1x16xf32>,
        %swap3A_1122 = vector.shape_cast %swap3A_1121 : vector<1x16xf32> to vector<16xf32>
        %swap3A_1123 = vector.shape_cast %mul3A_1114 : vector<16xf32> to vector<1x16xf32>
        tpu.vector_store %arg11[%swap3A_1119, %swap3A_1120], %swap3A_1123 {strides = array<i32>} : memref<80x64xf32, #tpu.memory_space<vmem>>, vector<1x16xf32>,
        %mul3A_1124 = arith.constant 16 : i32
        %mul3A_1125 = arith.muli %scan3A_83, %mul3A_1124 : i32
        %add3A_1126 = arith.constant 12 : i32
        %add3A_1127 = arith.addi %mul3A_1125, %add3A_1126 : i32
        %get3A_1128 = arith.index_cast %add3A_1127 : i32 to index
        %get3A_1129 = arith.constant 16 : index
        %get3A_1130 = tpu.vector_load %arg11[%get3A_1128, %get3A_1129] {strides = array<i32>} : memref<80x64xf32, #tpu.memory_space<vmem>>, vector<1x16xf32>,
        %get3A_1131 = vector.shape_cast %get3A_1130 : vector<1x16xf32> to vector<16xf32>
        %mul3A_1132 = arith.mulf %get3A_1131, %gather3A_1105 : vector<16xf32>
        %mul3A_1133 = arith.constant 16 : i32
        %mul3A_1134 = arith.muli %scan3A_83, %mul3A_1133 : i32
        %add3A_1135 = arith.constant 12 : i32
        %add3A_1136 = arith.addi %mul3A_1134, %add3A_1135 : i32
        %swap3A_1137 = arith.index_cast %add3A_1136 : i32 to index
        %swap3A_1138 = arith.constant 16 : index
        %swap3A_1139 = tpu.vector_load %arg11[%swap3A_1137, %swap3A_1138] {strides = array<i32>} : memref<80x64xf32, #tpu.memory_space<vmem>>, vector<1x16xf32>,
        %swap3A_1140 = vector.shape_cast %swap3A_1139 : vector<1x16xf32> to vector<16xf32>
        %swap3A_1141 = vector.shape_cast %mul3A_1132 : vector<16xf32> to vector<1x16xf32>
        tpu.vector_store %arg11[%swap3A_1137, %swap3A_1138], %swap3A_1141 {strides = array<i32>} : memref<80x64xf32, #tpu.memory_space<vmem>>, vector<1x16xf32>,
        %mul3A_1142 = arith.constant 16 : i32
        %mul3A_1143 = arith.muli %scan3A_83, %mul3A_1142 : i32
        %add3A_1144 = arith.constant 12 : i32
        %add3A_1145 = arith.addi %mul3A_1143, %add3A_1144 : i32
        %get3A_1146 = arith.index_cast %add3A_1145 : i32 to index
        %get3A_1147 = arith.constant 32 : index
        %get3A_1148 = tpu.vector_load %arg11[%get3A_1146, %get3A_1147] {strides = array<i32>} : memref<80x64xf32, #tpu.memory_space<vmem>>, vector<1x16xf32>,
        %get3A_1149 = vector.shape_cast %get3A_1148 : vector<1x16xf32> to vector<16xf32>
        %mul3A_1150 = arith.mulf %get3A_1149, %gather3A_1105 : vector<16xf32>
        %mul3A_1151 = arith.constant 16 : i32
        %mul3A_1152 = arith.muli %scan3A_83, %mul3A_1151 : i32
        %add3A_1153 = arith.constant 12 : i32
        %add3A_1154 = arith.addi %mul3A_1152, %add3A_1153 : i32
        %swap3A_1155 = arith.index_cast %add3A_1154 : i32 to index
        %swap3A_1156 = arith.constant 32 : index
        %swap3A_1157 = tpu.vector_load %arg11[%swap3A_1155, %swap3A_1156] {strides = array<i32>} : memref<80x64xf32, #tpu.memory_space<vmem>>, vector<1x16xf32>,
        %swap3A_1158 = vector.shape_cast %swap3A_1157 : vector<1x16xf32> to vector<16xf32>
        %swap3A_1159 = vector.shape_cast %mul3A_1150 : vector<16xf32> to vector<1x16xf32>
        tpu.vector_store %arg11[%swap3A_1155, %swap3A_1156], %swap3A_1159 {strides = array<i32>} : memref<80x64xf32, #tpu.memory_space<vmem>>, vector<1x16xf32>,
        %mul3A_1160 = arith.constant 16 : i32
        %mul3A_1161 = arith.muli %scan3A_83, %mul3A_1160 : i32
        %add3A_1162 = arith.constant 12 : i32
        %add3A_1163 = arith.addi %mul3A_1161, %add3A_1162 : i32
        %get3A_1164 = arith.index_cast %add3A_1163 : i32 to index
        %get3A_1165 = arith.constant 48 : index
        %get3A_1166 = tpu.vector_load %arg11[%get3A_1164, %get3A_1165] {strides = array<i32>} : memref<80x64xf32, #tpu.memory_space<vmem>>, vector<1x16xf32>,
        %get3A_1167 = vector.shape_cast %get3A_1166 : vector<1x16xf32> to vector<16xf32>
        %mul3A_1168 = arith.mulf %get3A_1167, %gather3A_1105 : vector<16xf32>
        %mul3A_1169 = arith.constant 16 : i32
        %mul3A_1170 = arith.muli %scan3A_83, %mul3A_1169 : i32
        %add3A_1171 = arith.constant 12 : i32
        %add3A_1172 = arith.addi %mul3A_1170, %add3A_1171 : i32
        %swap3A_1173 = arith.index_cast %add3A_1172 : i32 to index
        %swap3A_1174 = arith.constant 48 : index
        %swap3A_1175 = tpu.vector_load %arg11[%swap3A_1173, %swap3A_1174] {strides = array<i32>} : memref<80x64xf32, #tpu.memory_space<vmem>>, vector<1x16xf32>,
        %swap3A_1176 = vector.shape_cast %swap3A_1175 : vector<1x16xf32> to vector<16xf32>
        %swap3A_1177 = vector.shape_cast %mul3A_1168 : vector<16xf32> to vector<1x16xf32>
        tpu.vector_store %arg11[%swap3A_1173, %swap3A_1174], %swap3A_1177 {strides = array<i32>} : memref<80x64xf32, #tpu.memory_space<vmem>>, vector<1x16xf32>,
        %broadcast_in_dim3A_1178 = arith.constant 13 : i32
        %broadcast_in_dim3A_1179 = vector.broadcast %broadcast_in_dim3A_1178 : i32 to vector<16xi32>
        %lt3A_1180 = arith.constant 0 : i32
        %lt3A_1181 = vector.broadcast %lt3A_1180 : i32 to vector<16xi32>
        %lt3A_1182 = arith.cmpi slt, %broadcast_in_dim3A_1179, %lt3A_1181 : vector<16xi32>
        %add3A_1183 = arith.constant 16 : i32
        %add3A_1184 = vector.broadcast %add3A_1183 : i32 to vector<16xi32>
        %add3A_1185 = arith.addi %broadcast_in_dim3A_1179, %add3A_1184 : vector<16xi32>
        %select_n3A_1186 = arith.select %lt3A_1182, %add3A_1185, %broadcast_in_dim3A_1179 : vector<16xi1>, vector<16xi32>
        %broadcast_in_dim3A_1187 = vector.shape_cast %select_n3A_1186 : vector<16xi32> to vector<16x1xi32>
        %gather3A_1188 = vector.shape_cast %broadcast_in_dim3A_1187 : vector<16x1xi32> to vector<16xi32>
        %gather3A_1189 = tpu.dynamic_gather %get3A_89[%gather3A_1188] in [0] : vector<16xf32>, vector<16xi32> -> vector<16xf32>
        %mul3A_1190 = arith.constant 16 : i32
        %mul3A_1191 = arith.muli %scan3A_83, %mul3A_1190 : i32
        %add3A_1192 = arith.constant 13 : i32
        %add3A_1193 = arith.addi %mul3A_1191, %add3A_1192 : i32
        %get3A_1194 = arith.index_cast %add3A_1193 : i32 to index
        %get3A_1195 = arith.constant 0 : index
        %get3A_1196 = tpu.vector_load %arg11[%get3A_1194, %get3A_1195] {strides = array<i32>} : memref<80x64xf32, #tpu.memory_space<vmem>>, vector<1x16xf32>,
        %get3A_1197 = vector.shape_cast %get3A_1196 : vector<1x16xf32> to vector<16xf32>
        %mul3A_1198 = arith.mulf %get3A_1197, %gather3A_1189 : vector<16xf32>
        %mul3A_1199 = arith.constant 16 : i32
        %mul3A_1200 = arith.muli %scan3A_83, %mul3A_1199 : i32
        %add3A_1201 = arith.constant 13 : i32
        %add3A_1202 = arith.addi %mul3A_1200, %add3A_1201 : i32
        %swap3A_1203 = arith.index_cast %add3A_1202 : i32 to index
        %swap3A_1204 = arith.constant 0 : index
        %swap3A_1205 = tpu.vector_load %arg11[%swap3A_1203, %swap3A_1204] {strides = array<i32>} : memref<80x64xf32, #tpu.memory_space<vmem>>, vector<1x16xf32>,
        %swap3A_1206 = vector.shape_cast %swap3A_1205 : vector<1x16xf32> to vector<16xf32>
        %swap3A_1207 = vector.shape_cast %mul3A_1198 : vector<16xf32> to vector<1x16xf32>
        tpu.vector_store %arg11[%swap3A_1203, %swap3A_1204], %swap3A_1207 {strides = array<i32>} : memref<80x64xf32, #tpu.memory_space<vmem>>, vector<1x16xf32>,
        %mul3A_1208 = arith.constant 16 : i32
        %mul3A_1209 = arith.muli %scan3A_83, %mul3A_1208 : i32
        %add3A_1210 = arith.constant 13 : i32
        %add3A_1211 = arith.addi %mul3A_1209, %add3A_1210 : i32
        %get3A_1212 = arith.index_cast %add3A_1211 : i32 to index
        %get3A_1213 = arith.constant 16 : index
        %get3A_1214 = tpu.vector_load %arg11[%get3A_1212, %get3A_1213] {strides = array<i32>} : memref<80x64xf32, #tpu.memory_space<vmem>>, vector<1x16xf32>,
        %get3A_1215 = vector.shape_cast %get3A_1214 : vector<1x16xf32> to vector<16xf32>
        %mul3A_1216 = arith.mulf %get3A_1215, %gather3A_1189 : vector<16xf32>
        %mul3A_1217 = arith.constant 16 : i32
        %mul3A_1218 = arith.muli %scan3A_83, %mul3A_1217 : i32
        %add3A_1219 = arith.constant 13 : i32
        %add3A_1220 = arith.addi %mul3A_1218, %add3A_1219 : i32
        %swap3A_1221 = arith.index_cast %add3A_1220 : i32 to index
        %swap3A_1222 = arith.constant 16 : index
        %swap3A_1223 = tpu.vector_load %arg11[%swap3A_1221, %swap3A_1222] {strides = array<i32>} : memref<80x64xf32, #tpu.memory_space<vmem>>, vector<1x16xf32>,
        %swap3A_1224 = vector.shape_cast %swap3A_1223 : vector<1x16xf32> to vector<16xf32>
        %swap3A_1225 = vector.shape_cast %mul3A_1216 : vector<16xf32> to vector<1x16xf32>
        tpu.vector_store %arg11[%swap3A_1221, %swap3A_1222], %swap3A_1225 {strides = array<i32>} : memref<80x64xf32, #tpu.memory_space<vmem>>, vector<1x16xf32>,
        %mul3A_1226 = arith.constant 16 : i32
        %mul3A_1227 = arith.muli %scan3A_83, %mul3A_1226 : i32
        %add3A_1228 = arith.constant 13 : i32
        %add3A_1229 = arith.addi %mul3A_1227, %add3A_1228 : i32
        %get3A_1230 = arith.index_cast %add3A_1229 : i32 to index
        %get3A_1231 = arith.constant 32 : index
        %get3A_1232 = tpu.vector_load %arg11[%get3A_1230, %get3A_1231] {strides = array<i32>} : memref<80x64xf32, #tpu.memory_space<vmem>>, vector<1x16xf32>,
        %get3A_1233 = vector.shape_cast %get3A_1232 : vector<1x16xf32> to vector<16xf32>
        %mul3A_1234 = arith.mulf %get3A_1233, %gather3A_1189 : vector<16xf32>
        %mul3A_1235 = arith.constant 16 : i32
        %mul3A_1236 = arith.muli %scan3A_83, %mul3A_1235 : i32
        %add3A_1237 = arith.constant 13 : i32
        %add3A_1238 = arith.addi %mul3A_1236, %add3A_1237 : i32
        %swap3A_1239 = arith.index_cast %add3A_1238 : i32 to index
        %swap3A_1240 = arith.constant 32 : index
        %swap3A_1241 = tpu.vector_load %arg11[%swap3A_1239, %swap3A_1240] {strides = array<i32>} : memref<80x64xf32, #tpu.memory_space<vmem>>, vector<1x16xf32>,
        %swap3A_1242 = vector.shape_cast %swap3A_1241 : vector<1x16xf32> to vector<16xf32>
        %swap3A_1243 = vector.shape_cast %mul3A_1234 : vector<16xf32> to vector<1x16xf32>
        tpu.vector_store %arg11[%swap3A_1239, %swap3A_1240], %swap3A_1243 {strides = array<i32>} : memref<80x64xf32, #tpu.memory_space<vmem>>, vector<1x16xf32>,
        %mul3A_1244 = arith.constant 16 : i32
        %mul3A_1245 = arith.muli %scan3A_83, %mul3A_1244 : i32
        %add3A_1246 = arith.constant 13 : i32
        %add3A_1247 = arith.addi %mul3A_1245, %add3A_1246 : i32
        %get3A_1248 = arith.index_cast %add3A_1247 : i32 to index
        %get3A_1249 = arith.constant 48 : index
        %get3A_1250 = tpu.vector_load %arg11[%get3A_1248, %get3A_1249] {strides = array<i32>} : memref<80x64xf32, #tpu.memory_space<vmem>>, vector<1x16xf32>,
        %get3A_1251 = vector.shape_cast %get3A_1250 : vector<1x16xf32> to vector<16xf32>
        %mul3A_1252 = arith.mulf %get3A_1251, %gather3A_1189 : vector<16xf32>
        %mul3A_1253 = arith.constant 16 : i32
        %mul3A_1254 = arith.muli %scan3A_83, %mul3A_1253 : i32
        %add3A_1255 = arith.constant 13 : i32
        %add3A_1256 = arith.addi %mul3A_1254, %add3A_1255 : i32
        %swap3A_1257 = arith.index_cast %add3A_1256 : i32 to index
        %swap3A_1258 = arith.constant 48 : index
        %swap3A_1259 = tpu.vector_load %arg11[%swap3A_1257, %swap3A_1258] {strides = array<i32>} : memref<80x64xf32, #tpu.memory_space<vmem>>, vector<1x16xf32>,
        %swap3A_1260 = vector.shape_cast %swap3A_1259 : vector<1x16xf32> to vector<16xf32>
        %swap3A_1261 = vector.shape_cast %mul3A_1252 : vector<16xf32> to vector<1x16xf32>
        tpu.vector_store %arg11[%swap3A_1257, %swap3A_1258], %swap3A_1261 {strides = array<i32>} : memref<80x64xf32, #tpu.memory_space<vmem>>, vector<1x16xf32>,
        %broadcast_in_dim3A_1262 = arith.constant 14 : i32
        %broadcast_in_dim3A_1263 = vector.broadcast %broadcast_in_dim3A_1262 : i32 to vector<16xi32>
        %lt3A_1264 = arith.constant 0 : i32
        %lt3A_1265 = vector.broadcast %lt3A_1264 : i32 to vector<16xi32>
        %lt3A_1266 = arith.cmpi slt, %broadcast_in_dim3A_1263, %lt3A_1265 : vector<16xi32>
        %add3A_1267 = arith.constant 16 : i32
        %add3A_1268 = vector.broadcast %add3A_1267 : i32 to vector<16xi32>
        %add3A_1269 = arith.addi %broadcast_in_dim3A_1263, %add3A_1268 : vector<16xi32>
        %select_n3A_1270 = arith.select %lt3A_1266, %add3A_1269, %broadcast_in_dim3A_1263 : vector<16xi1>, vector<16xi32>
        %broadcast_in_dim3A_1271 = vector.shape_cast %select_n3A_1270 : vector<16xi32> to vector<16x1xi32>
        %gather3A_1272 = vector.shape_cast %broadcast_in_dim3A_1271 : vector<16x1xi32> to vector<16xi32>
        %gather3A_1273 = tpu.dynamic_gather %get3A_89[%gather3A_1272] in [0] : vector<16xf32>, vector<16xi32> -> vector<16xf32>
        %mul3A_1274 = arith.constant 16 : i32
        %mul3A_1275 = arith.muli %scan3A_83, %mul3A_1274 : i32
        %add3A_1276 = arith.constant 14 : i32
        %add3A_1277 = arith.addi %mul3A_1275, %add3A_1276 : i32
        %get3A_1278 = arith.index_cast %add3A_1277 : i32 to index
        %get3A_1279 = arith.constant 0 : index
        %get3A_1280 = tpu.vector_load %arg11[%get3A_1278, %get3A_1279] {strides = array<i32>} : memref<80x64xf32, #tpu.memory_space<vmem>>, vector<1x16xf32>,
        %get3A_1281 = vector.shape_cast %get3A_1280 : vector<1x16xf32> to vector<16xf32>
        %mul3A_1282 = arith.mulf %get3A_1281, %gather3A_1273 : vector<16xf32>
        %mul3A_1283 = arith.constant 16 : i32
        %mul3A_1284 = arith.muli %scan3A_83, %mul3A_1283 : i32
        %add3A_1285 = arith.constant 14 : i32
        %add3A_1286 = arith.addi %mul3A_1284, %add3A_1285 : i32
        %swap3A_1287 = arith.index_cast %add3A_1286 : i32 to index
        %swap3A_1288 = arith.constant 0 : index
        %swap3A_1289 = tpu.vector_load %arg11[%swap3A_1287, %swap3A_1288] {strides = array<i32>} : memref<80x64xf32, #tpu.memory_space<vmem>>, vector<1x16xf32>,
        %swap3A_1290 = vector.shape_cast %swap3A_1289 : vector<1x16xf32> to vector<16xf32>
        %swap3A_1291 = vector.shape_cast %mul3A_1282 : vector<16xf32> to vector<1x16xf32>
        tpu.vector_store %arg11[%swap3A_1287, %swap3A_1288], %swap3A_1291 {strides = array<i32>} : memref<80x64xf32, #tpu.memory_space<vmem>>, vector<1x16xf32>,
        %mul3A_1292 = arith.constant 16 : i32
        %mul3A_1293 = arith.muli %scan3A_83, %mul3A_1292 : i32
        %add3A_1294 = arith.constant 14 : i32
        %add3A_1295 = arith.addi %mul3A_1293, %add3A_1294 : i32
        %get3A_1296 = arith.index_cast %add3A_1295 : i32 to index
        %get3A_1297 = arith.constant 16 : index
        %get3A_1298 = tpu.vector_load %arg11[%get3A_1296, %get3A_1297] {strides = array<i32>} : memref<80x64xf32, #tpu.memory_space<vmem>>, vector<1x16xf32>,
        %get3A_1299 = vector.shape_cast %get3A_1298 : vector<1x16xf32> to vector<16xf32>
        %mul3A_1300 = arith.mulf %get3A_1299, %gather3A_1273 : vector<16xf32>
        %mul3A_1301 = arith.constant 16 : i32
        %mul3A_1302 = arith.muli %scan3A_83, %mul3A_1301 : i32
        %add3A_1303 = arith.constant 14 : i32
        %add3A_1304 = arith.addi %mul3A_1302, %add3A_1303 : i32
        %swap3A_1305 = arith.index_cast %add3A_1304 : i32 to index
        %swap3A_1306 = arith.constant 16 : index
        %swap3A_1307 = tpu.vector_load %arg11[%swap3A_1305, %swap3A_1306] {strides = array<i32>} : memref<80x64xf32, #tpu.memory_space<vmem>>, vector<1x16xf32>,
        %swap3A_1308 = vector.shape_cast %swap3A_1307 : vector<1x16xf32> to vector<16xf32>
        %swap3A_1309 = vector.shape_cast %mul3A_1300 : vector<16xf32> to vector<1x16xf32>
        tpu.vector_store %arg11[%swap3A_1305, %swap3A_1306], %swap3A_1309 {strides = array<i32>} : memref<80x64xf32, #tpu.memory_space<vmem>>, vector<1x16xf32>,
        %mul3A_1310 = arith.constant 16 : i32
        %mul3A_1311 = arith.muli %scan3A_83, %mul3A_1310 : i32
        %add3A_1312 = arith.constant 14 : i32
        %add3A_1313 = arith.addi %mul3A_1311, %add3A_1312 : i32
        %get3A_1314 = arith.index_cast %add3A_1313 : i32 to index
        %get3A_1315 = arith.constant 32 : index
        %get3A_1316 = tpu.vector_load %arg11[%get3A_1314, %get3A_1315] {strides = array<i32>} : memref<80x64xf32, #tpu.memory_space<vmem>>, vector<1x16xf32>,
        %get3A_1317 = vector.shape_cast %get3A_1316 : vector<1x16xf32> to vector<16xf32>
        %mul3A_1318 = arith.mulf %get3A_1317, %gather3A_1273 : vector<16xf32>
        %mul3A_1319 = arith.constant 16 : i32
        %mul3A_1320 = arith.muli %scan3A_83, %mul3A_1319 : i32
        %add3A_1321 = arith.constant 14 : i32
        %add3A_1322 = arith.addi %mul3A_1320, %add3A_1321 : i32
        %swap3A_1323 = arith.index_cast %add3A_1322 : i32 to index
        %swap3A_1324 = arith.constant 32 : index
        %swap3A_1325 = tpu.vector_load %arg11[%swap3A_1323, %swap3A_1324] {strides = array<i32>} : memref<80x64xf32, #tpu.memory_space<vmem>>, vector<1x16xf32>,
        %swap3A_1326 = vector.shape_cast %swap3A_1325 : vector<1x16xf32> to vector<16xf32>
        %swap3A_1327 = vector.shape_cast %mul3A_1318 : vector<16xf32> to vector<1x16xf32>
        tpu.vector_store %arg11[%swap3A_1323, %swap3A_1324], %swap3A_1327 {strides = array<i32>} : memref<80x64xf32, #tpu.memory_space<vmem>>, vector<1x16xf32>,
        %mul3A_1328 = arith.constant 16 : i32
        %mul3A_1329 = arith.muli %scan3A_83, %mul3A_1328 : i32
        %add3A_1330 = arith.constant 14 : i32
        %add3A_1331 = arith.addi %mul3A_1329, %add3A_1330 : i32
        %get3A_1332 = arith.index_cast %add3A_1331 : i32 to index
        %get3A_1333 = arith.constant 48 : index
        %get3A_1334 = tpu.vector_load %arg11[%get3A_1332, %get3A_1333] {strides = array<i32>} : memref<80x64xf32, #tpu.memory_space<vmem>>, vector<1x16xf32>,
        %get3A_1335 = vector.shape_cast %get3A_1334 : vector<1x16xf32> to vector<16xf32>
        %mul3A_1336 = arith.mulf %get3A_1335, %gather3A_1273 : vector<16xf32>
        %mul3A_1337 = arith.constant 16 : i32
        %mul3A_1338 = arith.muli %scan3A_83, %mul3A_1337 : i32
        %add3A_1339 = arith.constant 14 : i32
        %add3A_1340 = arith.addi %mul3A_1338, %add3A_1339 : i32
        %swap3A_1341 = arith.index_cast %add3A_1340 : i32 to index
        %swap3A_1342 = arith.constant 48 : index
        %swap3A_1343 = tpu.vector_load %arg11[%swap3A_1341, %swap3A_1342] {strides = array<i32>} : memref<80x64xf32, #tpu.memory_space<vmem>>, vector<1x16xf32>,
        %swap3A_1344 = vector.shape_cast %swap3A_1343 : vector<1x16xf32> to vector<16xf32>
        %swap3A_1345 = vector.shape_cast %mul3A_1336 : vector<16xf32> to vector<1x16xf32>
        tpu.vector_store %arg11[%swap3A_1341, %swap3A_1342], %swap3A_1345 {strides = array<i32>} : memref<80x64xf32, #tpu.memory_space<vmem>>, vector<1x16xf32>,
        %broadcast_in_dim3A_1346 = arith.constant 15 : i32
        %broadcast_in_dim3A_1347 = vector.broadcast %broadcast_in_dim3A_1346 : i32 to vector<16xi32>
        %lt3A_1348 = arith.constant 0 : i32
        %lt3A_1349 = vector.broadcast %lt3A_1348 : i32 to vector<16xi32>
        %lt3A_1350 = arith.cmpi slt, %broadcast_in_dim3A_1347, %lt3A_1349 : vector<16xi32>
        %add3A_1351 = arith.constant 16 : i32
        %add3A_1352 = vector.broadcast %add3A_1351 : i32 to vector<16xi32>
        %add3A_1353 = arith.addi %broadcast_in_dim3A_1347, %add3A_1352 : vector<16xi32>
        %select_n3A_1354 = arith.select %lt3A_1350, %add3A_1353, %broadcast_in_dim3A_1347 : vector<16xi1>, vector<16xi32>
        %broadcast_in_dim3A_1355 = vector.shape_cast %select_n3A_1354 : vector<16xi32> to vector<16x1xi32>
        %gather3A_1356 = vector.shape_cast %broadcast_in_dim3A_1355 : vector<16x1xi32> to vector<16xi32>
        %gather3A_1357 = tpu.dynamic_gather %get3A_89[%gather3A_1356] in [0] : vector<16xf32>, vector<16xi32> -> vector<16xf32>
        %mul3A_1358 = arith.constant 16 : i32
        %mul3A_1359 = arith.muli %scan3A_83, %mul3A_1358 : i32
        %add3A_1360 = arith.constant 15 : i32
        %add3A_1361 = arith.addi %mul3A_1359, %add3A_1360 : i32
        %get3A_1362 = arith.index_cast %add3A_1361 : i32 to index
        %get3A_1363 = arith.constant 0 : index
        %get3A_1364 = tpu.vector_load %arg11[%get3A_1362, %get3A_1363] {strides = array<i32>} : memref<80x64xf32, #tpu.memory_space<vmem>>, vector<1x16xf32>,
        %get3A_1365 = vector.shape_cast %get3A_1364 : vector<1x16xf32> to vector<16xf32>
        %mul3A_1366 = arith.mulf %get3A_1365, %gather3A_1357 : vector<16xf32>
        %mul3A_1367 = arith.constant 16 : i32
        %mul3A_1368 = arith.muli %scan3A_83, %mul3A_1367 : i32
        %add3A_1369 = arith.constant 15 : i32
        %add3A_1370 = arith.addi %mul3A_1368, %add3A_1369 : i32
        %swap3A_1371 = arith.index_cast %add3A_1370 : i32 to index
        %swap3A_1372 = arith.constant 0 : index
        %swap3A_1373 = tpu.vector_load %arg11[%swap3A_1371, %swap3A_1372] {strides = array<i32>} : memref<80x64xf32, #tpu.memory_space<vmem>>, vector<1x16xf32>,
        %swap3A_1374 = vector.shape_cast %swap3A_1373 : vector<1x16xf32> to vector<16xf32>
        %swap3A_1375 = vector.shape_cast %mul3A_1366 : vector<16xf32> to vector<1x16xf32>
        tpu.vector_store %arg11[%swap3A_1371, %swap3A_1372], %swap3A_1375 {strides = array<i32>} : memref<80x64xf32, #tpu.memory_space<vmem>>, vector<1x16xf32>,
        %mul3A_1376 = arith.constant 16 : i32
        %mul3A_1377 = arith.muli %scan3A_83, %mul3A_1376 : i32
        %add3A_1378 = arith.constant 15 : i32
        %add3A_1379 = arith.addi %mul3A_1377, %add3A_1378 : i32
        %get3A_1380 = arith.index_cast %add3A_1379 : i32 to index
        %get3A_1381 = arith.constant 16 : index
        %get3A_1382 = tpu.vector_load %arg11[%get3A_1380, %get3A_1381] {strides = array<i32>} : memref<80x64xf32, #tpu.memory_space<vmem>>, vector<1x16xf32>,
        %get3A_1383 = vector.shape_cast %get3A_1382 : vector<1x16xf32> to vector<16xf32>
        %mul3A_1384 = arith.mulf %get3A_1383, %gather3A_1357 : vector<16xf32>
        %mul3A_1385 = arith.constant 16 : i32
        %mul3A_1386 = arith.muli %scan3A_83, %mul3A_1385 : i32
        %add3A_1387 = arith.constant 15 : i32
        %add3A_1388 = arith.addi %mul3A_1386, %add3A_1387 : i32
        %swap3A_1389 = arith.index_cast %add3A_1388 : i32 to index
        %swap3A_1390 = arith.constant 16 : index
        %swap3A_1391 = tpu.vector_load %arg11[%swap3A_1389, %swap3A_1390] {strides = array<i32>} : memref<80x64xf32, #tpu.memory_space<vmem>>, vector<1x16xf32>,
        %swap3A_1392 = vector.shape_cast %swap3A_1391 : vector<1x16xf32> to vector<16xf32>
        %swap3A_1393 = vector.shape_cast %mul3A_1384 : vector<16xf32> to vector<1x16xf32>
        tpu.vector_store %arg11[%swap3A_1389, %swap3A_1390], %swap3A_1393 {strides = array<i32>} : memref<80x64xf32, #tpu.memory_space<vmem>>, vector<1x16xf32>,
        %mul3A_1394 = arith.constant 16 : i32
        %mul3A_1395 = arith.muli %scan3A_83, %mul3A_1394 : i32
        %add3A_1396 = arith.constant 15 : i32
        %add3A_1397 = arith.addi %mul3A_1395, %add3A_1396 : i32
        %get3A_1398 = arith.index_cast %add3A_1397 : i32 to index
        %get3A_1399 = arith.constant 32 : index
        %get3A_1400 = tpu.vector_load %arg11[%get3A_1398, %get3A_1399] {strides = array<i32>} : memref<80x64xf32, #tpu.memory_space<vmem>>, vector<1x16xf32>,
        %get3A_1401 = vector.shape_cast %get3A_1400 : vector<1x16xf32> to vector<16xf32>
        %mul3A_1402 = arith.mulf %get3A_1401, %gather3A_1357 : vector<16xf32>
        %mul3A_1403 = arith.constant 16 : i32
        %mul3A_1404 = arith.muli %scan3A_83, %mul3A_1403 : i32
        %add3A_1405 = arith.constant 15 : i32
        %add3A_1406 = arith.addi %mul3A_1404, %add3A_1405 : i32
        %swap3A_1407 = arith.index_cast %add3A_1406 : i32 to index
        %swap3A_1408 = arith.constant 32 : index
        %swap3A_1409 = tpu.vector_load %arg11[%swap3A_1407, %swap3A_1408] {strides = array<i32>} : memref<80x64xf32, #tpu.memory_space<vmem>>, vector<1x16xf32>,
        %swap3A_1410 = vector.shape_cast %swap3A_1409 : vector<1x16xf32> to vector<16xf32>
        %swap3A_1411 = vector.shape_cast %mul3A_1402 : vector<16xf32> to vector<1x16xf32>
        tpu.vector_store %arg11[%swap3A_1407, %swap3A_1408], %swap3A_1411 {strides = array<i32>} : memref<80x64xf32, #tpu.memory_space<vmem>>, vector<1x16xf32>,
        %mul3A_1412 = arith.constant 16 : i32
        %mul3A_1413 = arith.muli %scan3A_83, %mul3A_1412 : i32
        %add3A_1414 = arith.constant 15 : i32
        %add3A_1415 = arith.addi %mul3A_1413, %add3A_1414 : i32
        %get3A_1416 = arith.index_cast %add3A_1415 : i32 to index
        %get3A_1417 = arith.constant 48 : index
        %get3A_1418 = tpu.vector_load %arg11[%get3A_1416, %get3A_1417] {strides = array<i32>} : memref<80x64xf32, #tpu.memory_space<vmem>>, vector<1x16xf32>,
        %get3A_1419 = vector.shape_cast %get3A_1418 : vector<1x16xf32> to vector<16xf32>
        %mul3A_1420 = arith.mulf %get3A_1419, %gather3A_1357 : vector<16xf32>
        %mul3A_1421 = arith.constant 16 : i32
        %mul3A_1422 = arith.muli %scan3A_83, %mul3A_1421 : i32
        %add3A_1423 = arith.constant 15 : i32
        %add3A_1424 = arith.addi %mul3A_1422, %add3A_1423 : i32
        %swap3A_1425 = arith.index_cast %add3A_1424 : i32 to index
        %swap3A_1426 = arith.constant 48 : index
        %swap3A_1427 = tpu.vector_load %arg11[%swap3A_1425, %swap3A_1426] {strides = array<i32>} : memref<80x64xf32, #tpu.memory_space<vmem>>, vector<1x16xf32>,
        %swap3A_1428 = vector.shape_cast %swap3A_1427 : vector<1x16xf32> to vector<16xf32>
        %swap3A_1429 = vector.shape_cast %mul3A_1420 : vector<16xf32> to vector<1x16xf32>
        tpu.vector_store %arg11[%swap3A_1425, %swap3A_1426], %swap3A_1429 {strides = array<i32>} : memref<80x64xf32, #tpu.memory_space<vmem>>, vector<1x16xf32>,
        %scan3A_1430 = arith.constant 0 : i32
        scf.yield %scan3A_1430 : i32
      }
      %scan3A_53 = arith.constant 5 : i32
      "tpu.region"() ({
        %run_scoped3A = tpu.sem_alloc : memref<!tpu.dma_semaphore, #tpu.memory_space<semaphore_mem>>
        %dma_start3A_83 = arith.constant 0 : i32
        %dma_start3A_84 = tpu.memref_slice %arg9[%add3A_31, %dma_start3A_83] : memref<250x80xi32, #tpu.memory_space<vmem>> -> memref<1x80xi32, #tpu.memory_space<vmem>>
        %dma_start3A_85 = tpu.memref_squeeze %dma_start3A_84 : memref<1x80xi32, #tpu.memory_space<vmem>> -> memref<80xi32, #tpu.memory_space<vmem>>
        %dma_start3A_86 = arith.constant 0 : i32
        %dma_start3A_87 = arith.constant 0 : i32
        %dma_start3A_88 = tpu.memref_slice %arg13[%dma_start3A_86, %dma_start3A_87] : memref<10000x64xf32, #tpu.memory_space<vmem_shared>> -> memref<10000x64xf32, #tpu.memory_space<vmem_shared>>
        tpu.enqueue_indirect_dma source(%arg11 : memref<80x64xf32, #tpu.memory_space<vmem>>) target(%dma_start3A_88 : memref<10000x64xf32, #tpu.memory_space<vmem_shared>>) offsets(%dma_start3A_85 : memref<80xi32, #tpu.memory_space<vmem>>) semaphore(%run_scoped3A : memref<!tpu.dma_semaphore, #tpu.memory_space<semaphore_mem>>) {add = true}
        %dma_wait3A_89 = arith.constant 0 : i32
        %dma_wait3A_90 = tpu.memref_slice %arg9[%add3A_31, %dma_wait3A_89] : memref<250x80xi32, #tpu.memory_space<vmem>> -> memref<1x80xi32, #tpu.memory_space<vmem>>
        %dma_wait3A_91 = tpu.memref_squeeze %dma_wait3A_90 : memref<1x80xi32, #tpu.memory_space<vmem>> -> memref<80xi32, #tpu.memory_space<vmem>>
        %dma_wait3A_92 = arith.constant 0 : i32
        %dma_wait3A_93 = arith.constant 0 : i32
        %dma_wait3A_94 = tpu.memref_slice %arg13[%dma_wait3A_92, %dma_wait3A_93] : memref<10000x64xf32, #tpu.memory_space<vmem_shared>> -> memref<10000x64xf32, #tpu.memory_space<vmem_shared>>
        tpu.wait_indirect_dma semaphore(%run_scoped3A : memref<!tpu.dma_semaphore, #tpu.memory_space<semaphore_mem>>) src(%arg11 : memref<80x64xf32, #tpu.memory_space<vmem>>) dst(%dma_wait3A_94 : memref<10000x64xf32, #tpu.memory_space<vmem_shared>>)
        tpu.yield
      }) : () -> ()
      %mul3A_54 = arith.constant 2 : i32
      %mul3A_55 = arith.muli %mul3A_54, %scan3A_27 : i32
      %add3A_56 = arith.constant 1 : i32
      %add3A_57 = arith.addi %mul3A_55, %add3A_56 : i32
      %dma_wait3A_58 = arith.constant 0 : i32
      %dma_wait3A_59 = tpu.memref_slice %arg8[%add3A_57, %dma_wait3A_58] : memref<250x80xi32, #tpu.memory_space<vmem>> -> memref<1x80xi32, #tpu.memory_space<vmem>>
      %dma_wait3A_60 = tpu.memref_squeeze %dma_wait3A_59 : memref<1x80xi32, #tpu.memory_space<vmem>> -> memref<80xi32, #tpu.memory_space<vmem>>
      %dma_wait3A_61 = arith.constant 0 : i32
      %dma_wait3A_62 = arith.constant 0 : i32
      %dma_wait3A_63 = tpu.memref_slice %arg2[%arg0, %dma_wait3A_61, %dma_wait3A_62] : memref<2x10000x64xf32, #tpu.memory_space<hbm>> -> memref<1x10000x64xf32, #tpu.memory_space<hbm>>
      %dma_wait3A_64 = tpu.memref_squeeze %dma_wait3A_63 : memref<1x10000x64xf32, #tpu.memory_space<hbm>> -> memref<10000x64xf32, #tpu.memory_space<hbm>>
      %dma_wait3A_65 = arith.constant 0 : i32
      %dma_wait3A_66 = arith.constant 0 : i32
      %dma_wait3A_67 = tpu.memref_slice %dma_wait3A_64[%dma_wait3A_65, %dma_wait3A_66] : memref<10000x64xf32, #tpu.memory_space<hbm>> -> memref<10000x64xf32, #tpu.memory_space<hbm>>
      tpu.wait_indirect_dma semaphore(%arg15 : memref<!tpu.dma_semaphore, #tpu.memory_space<semaphore_mem>>) src(%dma_wait3A_67 : memref<10000x64xf32, #tpu.memory_space<hbm>>) dst(%arg12 : memref<80x64xf32, #tpu.memory_space<vmem>>)
      %add3A_68 = arith.constant 1 : i32
      %add3A_69 = arith.addi %add3A_57, %add3A_68 : i32
      %lt3A_70 = arith.constant 250 : i32
      %lt3A_71 = arith.cmpi slt, %add3A_69, %lt3A_70 : i32
      %convert_element_type3A_72 = arith.extui %lt3A_71 : i1 to i32
      %cond3A_73 = arith.constant 0 : i32
      %cond3A_74 = arith.cmpi ne, %convert_element_type3A_72, %cond3A_73 : i32
      scf.if %cond3A_74 {
        %add3A_83 = arith.constant 1 : i32
        %add3A_84 = arith.addi %add3A_57, %add3A_83 : i32
        %dma_start3A_85 = arith.constant 0 : i32
        %dma_start3A_86 = tpu.memref_slice %arg8[%add3A_84, %dma_start3A_85] : memref<250x80xi32, #tpu.memory_space<vmem>> -> memref<1x80xi32, #tpu.memory_space<vmem>>
        %dma_start3A_87 = tpu.memref_squeeze %dma_start3A_86 : memref<1x80xi32, #tpu.memory_space<vmem>> -> memref<80xi32, #tpu.memory_space<vmem>>
        %dma_start3A_88 = arith.constant 0 : i32
        %dma_start3A_89 = arith.constant 0 : i32
        %dma_start3A_90 = tpu.memref_slice %arg2[%arg0, %dma_start3A_88, %dma_start3A_89] : memref<2x10000x64xf32, #tpu.memory_space<hbm>> -> memref<1x10000x64xf32, #tpu.memory_space<hbm>>
        %dma_start3A_91 = tpu.memref_squeeze %dma_start3A_90 : memref<1x10000x64xf32, #tpu.memory_space<hbm>> -> memref<10000x64xf32, #tpu.memory_space<hbm>>
        %dma_start3A_92 = arith.constant 0 : i32
        %dma_start3A_93 = arith.constant 0 : i32
        %dma_start3A_94 = tpu.memref_slice %dma_start3A_91[%dma_start3A_92, %dma_start3A_93] : memref<10000x64xf32, #tpu.memory_space<hbm>> -> memref<10000x64xf32, #tpu.memory_space<hbm>>
        tpu.enqueue_indirect_dma source(%dma_start3A_94 : memref<10000x64xf32, #tpu.memory_space<hbm>>) target(%arg11 : memref<80x64xf32, #tpu.memory_space<vmem>>) offsets(%dma_start3A_87 : memref<80xi32, #tpu.memory_space<vmem>>) semaphore(%arg14 : memref<!tpu.dma_semaphore, #tpu.memory_space<semaphore_mem>>)
      } else {
      }
      %scan3A_75 = arith.constant 0 : i32
      %scan3A_76 = arith.constant 0 : i32
      %scan3A_77 = arith.constant 5 : i32
      %scan3A_78 = arith.addi %scan3A_76, %scan3A_77 : i32
      %scan3A_79 = arith.constant 1 : i32
      %scan3A_80 = scf.for %scan3A_83 = %scan3A_76 to %scan3A_78 step %scan3A_79 iter_args(%scan3A_84 = %scan3A_75) -> (i32)  : i32 {
        %mul3A_85 = arith.constant 16 : i32
        %mul3A_86 = arith.muli %scan3A_83, %mul3A_85 : i32
        %get3A = arith.index_cast %add3A_57 : i32 to index
        %get3A_87 = arith.index_cast %mul3A_86 : i32 to index
        %get3A_88 = tpu.vector_load %arg10[%get3A, %get3A_87] {strides = array<i32>} : memref<250x80xf32, #tpu.memory_space<vmem>>, vector<1x16xf32>,
        %get3A_89 = vector.shape_cast %get3A_88 : vector<1x16xf32> to vector<16xf32>
        %broadcast_in_dim3A = arith.constant 0 : i32
        %broadcast_in_dim3A_90 = vector.broadcast %broadcast_in_dim3A : i32 to vector<16xi32>
        %lt3A_91 = arith.constant 0 : i32
        %lt3A_92 = vector.broadcast %lt3A_91 : i32 to vector<16xi32>
        %lt3A_93 = arith.cmpi slt, %broadcast_in_dim3A_90, %lt3A_92 : vector<16xi32>
        %add3A_94 = arith.constant 16 : i32
        %add3A_95 = vector.broadcast %add3A_94 : i32 to vector<16xi32>
        %add3A_96 = arith.addi %broadcast_in_dim3A_90, %add3A_95 : vector<16xi32>
        %select_n3A = arith.select %lt3A_93, %add3A_96, %broadcast_in_dim3A_90 : vector<16xi1>, vector<16xi32>
        %broadcast_in_dim3A_97 = vector.shape_cast %select_n3A : vector<16xi32> to vector<16x1xi32>
        %gather3A = vector.shape_cast %broadcast_in_dim3A_97 : vector<16x1xi32> to vector<16xi32>
        %gather3A_98 = tpu.dynamic_gather %get3A_89[%gather3A] in [0] : vector<16xf32>, vector<16xi32> -> vector<16xf32>
        %mul3A_99 = arith.constant 16 : i32
        %mul3A_100 = arith.muli %scan3A_83, %mul3A_99 : i32
        %add3A_101 = arith.constant 0 : i32
        %add3A_102 = arith.addi %mul3A_100, %add3A_101 : i32
        %get3A_103 = arith.index_cast %add3A_102 : i32 to index
        %get3A_104 = arith.constant 0 : index
        %get3A_105 = tpu.vector_load %arg12[%get3A_103, %get3A_104] {strides = array<i32>} : memref<80x64xf32, #tpu.memory_space<vmem>>, vector<1x16xf32>,
        %get3A_106 = vector.shape_cast %get3A_105 : vector<1x16xf32> to vector<16xf32>
        %mul3A_107 = arith.mulf %get3A_106, %gather3A_98 : vector<16xf32>
        %mul3A_108 = arith.constant 16 : i32
        %mul3A_109 = arith.muli %scan3A_83, %mul3A_108 : i32
        %add3A_110 = arith.constant 0 : i32
        %add3A_111 = arith.addi %mul3A_109, %add3A_110 : i32
        %swap3A = arith.index_cast %add3A_111 : i32 to index
        %swap3A_112 = arith.constant 0 : index
        %swap3A_113 = tpu.vector_load %arg12[%swap3A, %swap3A_112] {strides = array<i32>} : memref<80x64xf32, #tpu.memory_space<vmem>>, vector<1x16xf32>,
        %swap3A_114 = vector.shape_cast %swap3A_113 : vector<1x16xf32> to vector<16xf32>
        %swap3A_115 = vector.shape_cast %mul3A_107 : vector<16xf32> to vector<1x16xf32>
        tpu.vector_store %arg12[%swap3A, %swap3A_112], %swap3A_115 {strides = array<i32>} : memref<80x64xf32, #tpu.memory_space<vmem>>, vector<1x16xf32>,
        %mul3A_116 = arith.constant 16 : i32
        %mul3A_117 = arith.muli %scan3A_83, %mul3A_116 : i32
        %add3A_118 = arith.constant 0 : i32
        %add3A_119 = arith.addi %mul3A_117, %add3A_118 : i32
        %get3A_120 = arith.index_cast %add3A_119 : i32 to index
        %get3A_121 = arith.constant 16 : index
        %get3A_122 = tpu.vector_load %arg12[%get3A_120, %get3A_121] {strides = array<i32>} : memref<80x64xf32, #tpu.memory_space<vmem>>, vector<1x16xf32>,
        %get3A_123 = vector.shape_cast %get3A_122 : vector<1x16xf32> to vector<16xf32>
        %mul3A_124 = arith.mulf %get3A_123, %gather3A_98 : vector<16xf32>
        %mul3A_125 = arith.constant 16 : i32
        %mul3A_126 = arith.muli %scan3A_83, %mul3A_125 : i32
        %add3A_127 = arith.constant 0 : i32
        %add3A_128 = arith.addi %mul3A_126, %add3A_127 : i32
        %swap3A_129 = arith.index_cast %add3A_128 : i32 to index
        %swap3A_130 = arith.constant 16 : index
        %swap3A_131 = tpu.vector_load %arg12[%swap3A_129, %swap3A_130] {strides = array<i32>} : memref<80x64xf32, #tpu.memory_space<vmem>>, vector<1x16xf32>,
        %swap3A_132 = vector.shape_cast %swap3A_131 : vector<1x16xf32> to vector<16xf32>
        %swap3A_133 = vector.shape_cast %mul3A_124 : vector<16xf32> to vector<1x16xf32>
        tpu.vector_store %arg12[%swap3A_129, %swap3A_130], %swap3A_133 {strides = array<i32>} : memref<80x64xf32, #tpu.memory_space<vmem>>, vector<1x16xf32>,
        %mul3A_134 = arith.constant 16 : i32
        %mul3A_135 = arith.muli %scan3A_83, %mul3A_134 : i32
        %add3A_136 = arith.constant 0 : i32
        %add3A_137 = arith.addi %mul3A_135, %add3A_136 : i32
        %get3A_138 = arith.index_cast %add3A_137 : i32 to index
        %get3A_139 = arith.constant 32 : index
        %get3A_140 = tpu.vector_load %arg12[%get3A_138, %get3A_139] {strides = array<i32>} : memref<80x64xf32, #tpu.memory_space<vmem>>, vector<1x16xf32>,
        %get3A_141 = vector.shape_cast %get3A_140 : vector<1x16xf32> to vector<16xf32>
        %mul3A_142 = arith.mulf %get3A_141, %gather3A_98 : vector<16xf32>
        %mul3A_143 = arith.constant 16 : i32
        %mul3A_144 = arith.muli %scan3A_83, %mul3A_143 : i32
        %add3A_145 = arith.constant 0 : i32
        %add3A_146 = arith.addi %mul3A_144, %add3A_145 : i32
        %swap3A_147 = arith.index_cast %add3A_146 : i32 to index
        %swap3A_148 = arith.constant 32 : index
        %swap3A_149 = tpu.vector_load %arg12[%swap3A_147, %swap3A_148] {strides = array<i32>} : memref<80x64xf32, #tpu.memory_space<vmem>>, vector<1x16xf32>,
        %swap3A_150 = vector.shape_cast %swap3A_149 : vector<1x16xf32> to vector<16xf32>
        %swap3A_151 = vector.shape_cast %mul3A_142 : vector<16xf32> to vector<1x16xf32>
        tpu.vector_store %arg12[%swap3A_147, %swap3A_148], %swap3A_151 {strides = array<i32>} : memref<80x64xf32, #tpu.memory_space<vmem>>, vector<1x16xf32>,
        %mul3A_152 = arith.constant 16 : i32
        %mul3A_153 = arith.muli %scan3A_83, %mul3A_152 : i32
        %add3A_154 = arith.constant 0 : i32
        %add3A_155 = arith.addi %mul3A_153, %add3A_154 : i32
        %get3A_156 = arith.index_cast %add3A_155 : i32 to index
        %get3A_157 = arith.constant 48 : index
        %get3A_158 = tpu.vector_load %arg12[%get3A_156, %get3A_157] {strides = array<i32>} : memref<80x64xf32, #tpu.memory_space<vmem>>, vector<1x16xf32>,
        %get3A_159 = vector.shape_cast %get3A_158 : vector<1x16xf32> to vector<16xf32>
        %mul3A_160 = arith.mulf %get3A_159, %gather3A_98 : vector<16xf32>
        %mul3A_161 = arith.constant 16 : i32
        %mul3A_162 = arith.muli %scan3A_83, %mul3A_161 : i32
        %add3A_163 = arith.constant 0 : i32
        %add3A_164 = arith.addi %mul3A_162, %add3A_163 : i32
        %swap3A_165 = arith.index_cast %add3A_164 : i32 to index
        %swap3A_166 = arith.constant 48 : index
        %swap3A_167 = tpu.vector_load %arg12[%swap3A_165, %swap3A_166] {strides = array<i32>} : memref<80x64xf32, #tpu.memory_space<vmem>>, vector<1x16xf32>,
        %swap3A_168 = vector.shape_cast %swap3A_167 : vector<1x16xf32> to vector<16xf32>
        %swap3A_169 = vector.shape_cast %mul3A_160 : vector<16xf32> to vector<1x16xf32>
        tpu.vector_store %arg12[%swap3A_165, %swap3A_166], %swap3A_169 {strides = array<i32>} : memref<80x64xf32, #tpu.memory_space<vmem>>, vector<1x16xf32>,
        %broadcast_in_dim3A_170 = arith.constant 1 : i32
        %broadcast_in_dim3A_171 = vector.broadcast %broadcast_in_dim3A_170 : i32 to vector<16xi32>
        %lt3A_172 = arith.constant 0 : i32
        %lt3A_173 = vector.broadcast %lt3A_172 : i32 to vector<16xi32>
        %lt3A_174 = arith.cmpi slt, %broadcast_in_dim3A_171, %lt3A_173 : vector<16xi32>
        %add3A_175 = arith.constant 16 : i32
        %add3A_176 = vector.broadcast %add3A_175 : i32 to vector<16xi32>
        %add3A_177 = arith.addi %broadcast_in_dim3A_171, %add3A_176 : vector<16xi32>
        %select_n3A_178 = arith.select %lt3A_174, %add3A_177, %broadcast_in_dim3A_171 : vector<16xi1>, vector<16xi32>
        %broadcast_in_dim3A_179 = vector.shape_cast %select_n3A_178 : vector<16xi32> to vector<16x1xi32>
        %gather3A_180 = vector.shape_cast %broadcast_in_dim3A_179 : vector<16x1xi32> to vector<16xi32>
        %gather3A_181 = tpu.dynamic_gather %get3A_89[%gather3A_180] in [0] : vector<16xf32>, vector<16xi32> -> vector<16xf32>
        %mul3A_182 = arith.constant 16 : i32
        %mul3A_183 = arith.muli %scan3A_83, %mul3A_182 : i32
        %add3A_184 = arith.constant 1 : i32
        %add3A_185 = arith.addi %mul3A_183, %add3A_184 : i32
        %get3A_186 = arith.index_cast %add3A_185 : i32 to index
        %get3A_187 = arith.constant 0 : index
        %get3A_188 = tpu.vector_load %arg12[%get3A_186, %get3A_187] {strides = array<i32>} : memref<80x64xf32, #tpu.memory_space<vmem>>, vector<1x16xf32>,
        %get3A_189 = vector.shape_cast %get3A_188 : vector<1x16xf32> to vector<16xf32>
        %mul3A_190 = arith.mulf %get3A_189, %gather3A_181 : vector<16xf32>
        %mul3A_191 = arith.constant 16 : i32
        %mul3A_192 = arith.muli %scan3A_83, %mul3A_191 : i32
        %add3A_193 = arith.constant 1 : i32
        %add3A_194 = arith.addi %mul3A_192, %add3A_193 : i32
        %swap3A_195 = arith.index_cast %add3A_194 : i32 to index
        %swap3A_196 = arith.constant 0 : index
        %swap3A_197 = tpu.vector_load %arg12[%swap3A_195, %swap3A_196] {strides = array<i32>} : memref<80x64xf32, #tpu.memory_space<vmem>>, vector<1x16xf32>,
        %swap3A_198 = vector.shape_cast %swap3A_197 : vector<1x16xf32> to vector<16xf32>
        %swap3A_199 = vector.shape_cast %mul3A_190 : vector<16xf32> to vector<1x16xf32>
        tpu.vector_store %arg12[%swap3A_195, %swap3A_196], %swap3A_199 {strides = array<i32>} : memref<80x64xf32, #tpu.memory_space<vmem>>, vector<1x16xf32>,
        %mul3A_200 = arith.constant 16 : i32
        %mul3A_201 = arith.muli %scan3A_83, %mul3A_200 : i32
        %add3A_202 = arith.constant 1 : i32
        %add3A_203 = arith.addi %mul3A_201, %add3A_202 : i32
        %get3A_204 = arith.index_cast %add3A_203 : i32 to index
        %get3A_205 = arith.constant 16 : index
        %get3A_206 = tpu.vector_load %arg12[%get3A_204, %get3A_205] {strides = array<i32>} : memref<80x64xf32, #tpu.memory_space<vmem>>, vector<1x16xf32>,
        %get3A_207 = vector.shape_cast %get3A_206 : vector<1x16xf32> to vector<16xf32>
        %mul3A_208 = arith.mulf %get3A_207, %gather3A_181 : vector<16xf32>
        %mul3A_209 = arith.constant 16 : i32
        %mul3A_210 = arith.muli %scan3A_83, %mul3A_209 : i32
        %add3A_211 = arith.constant 1 : i32
        %add3A_212 = arith.addi %mul3A_210, %add3A_211 : i32
        %swap3A_213 = arith.index_cast %add3A_212 : i32 to index
        %swap3A_214 = arith.constant 16 : index
        %swap3A_215 = tpu.vector_load %arg12[%swap3A_213, %swap3A_214] {strides = array<i32>} : memref<80x64xf32, #tpu.memory_space<vmem>>, vector<1x16xf32>,
        %swap3A_216 = vector.shape_cast %swap3A_215 : vector<1x16xf32> to vector<16xf32>
        %swap3A_217 = vector.shape_cast %mul3A_208 : vector<16xf32> to vector<1x16xf32>
        tpu.vector_store %arg12[%swap3A_213, %swap3A_214], %swap3A_217 {strides = array<i32>} : memref<80x64xf32, #tpu.memory_space<vmem>>, vector<1x16xf32>,
        %mul3A_218 = arith.constant 16 : i32
        %mul3A_219 = arith.muli %scan3A_83, %mul3A_218 : i32
        %add3A_220 = arith.constant 1 : i32
        %add3A_221 = arith.addi %mul3A_219, %add3A_220 : i32
        %get3A_222 = arith.index_cast %add3A_221 : i32 to index
        %get3A_223 = arith.constant 32 : index
        %get3A_224 = tpu.vector_load %arg12[%get3A_222, %get3A_223] {strides = array<i32>} : memref<80x64xf32, #tpu.memory_space<vmem>>, vector<1x16xf32>,
        %get3A_225 = vector.shape_cast %get3A_224 : vector<1x16xf32> to vector<16xf32>
        %mul3A_226 = arith.mulf %get3A_225, %gather3A_181 : vector<16xf32>
        %mul3A_227 = arith.constant 16 : i32
        %mul3A_228 = arith.muli %scan3A_83, %mul3A_227 : i32
        %add3A_229 = arith.constant 1 : i32
        %add3A_230 = arith.addi %mul3A_228, %add3A_229 : i32
        %swap3A_231 = arith.index_cast %add3A_230 : i32 to index
        %swap3A_232 = arith.constant 32 : index
        %swap3A_233 = tpu.vector_load %arg12[%swap3A_231, %swap3A_232] {strides = array<i32>} : memref<80x64xf32, #tpu.memory_space<vmem>>, vector<1x16xf32>,
        %swap3A_234 = vector.shape_cast %swap3A_233 : vector<1x16xf32> to vector<16xf32>
        %swap3A_235 = vector.shape_cast %mul3A_226 : vector<16xf32> to vector<1x16xf32>
        tpu.vector_store %arg12[%swap3A_231, %swap3A_232], %swap3A_235 {strides = array<i32>} : memref<80x64xf32, #tpu.memory_space<vmem>>, vector<1x16xf32>,
        %mul3A_236 = arith.constant 16 : i32
        %mul3A_237 = arith.muli %scan3A_83, %mul3A_236 : i32
        %add3A_238 = arith.constant 1 : i32
        %add3A_239 = arith.addi %mul3A_237, %add3A_238 : i32
        %get3A_240 = arith.index_cast %add3A_239 : i32 to index
        %get3A_241 = arith.constant 48 : index
        %get3A_242 = tpu.vector_load %arg12[%get3A_240, %get3A_241] {strides = array<i32>} : memref<80x64xf32, #tpu.memory_space<vmem>>, vector<1x16xf32>,
        %get3A_243 = vector.shape_cast %get3A_242 : vector<1x16xf32> to vector<16xf32>
        %mul3A_244 = arith.mulf %get3A_243, %gather3A_181 : vector<16xf32>
        %mul3A_245 = arith.constant 16 : i32
        %mul3A_246 = arith.muli %scan3A_83, %mul3A_245 : i32
        %add3A_247 = arith.constant 1 : i32
        %add3A_248 = arith.addi %mul3A_246, %add3A_247 : i32
        %swap3A_249 = arith.index_cast %add3A_248 : i32 to index
        %swap3A_250 = arith.constant 48 : index
        %swap3A_251 = tpu.vector_load %arg12[%swap3A_249, %swap3A_250] {strides = array<i32>} : memref<80x64xf32, #tpu.memory_space<vmem>>, vector<1x16xf32>,
        %swap3A_252 = vector.shape_cast %swap3A_251 : vector<1x16xf32> to vector<16xf32>
        %swap3A_253 = vector.shape_cast %mul3A_244 : vector<16xf32> to vector<1x16xf32>
        tpu.vector_store %arg12[%swap3A_249, %swap3A_250], %swap3A_253 {strides = array<i32>} : memref<80x64xf32, #tpu.memory_space<vmem>>, vector<1x16xf32>,
        %broadcast_in_dim3A_254 = arith.constant 2 : i32
        %broadcast_in_dim3A_255 = vector.broadcast %broadcast_in_dim3A_254 : i32 to vector<16xi32>
        %lt3A_256 = arith.constant 0 : i32
        %lt3A_257 = vector.broadcast %lt3A_256 : i32 to vector<16xi32>
        %lt3A_258 = arith.cmpi slt, %broadcast_in_dim3A_255, %lt3A_257 : vector<16xi32>
        %add3A_259 = arith.constant 16 : i32
        %add3A_260 = vector.broadcast %add3A_259 : i32 to vector<16xi32>
        %add3A_261 = arith.addi %broadcast_in_dim3A_255, %add3A_260 : vector<16xi32>
        %select_n3A_262 = arith.select %lt3A_258, %add3A_261, %broadcast_in_dim3A_255 : vector<16xi1>, vector<16xi32>
        %broadcast_in_dim3A_263 = vector.shape_cast %select_n3A_262 : vector<16xi32> to vector<16x1xi32>
        %gather3A_264 = vector.shape_cast %broadcast_in_dim3A_263 : vector<16x1xi32> to vector<16xi32>
        %gather3A_265 = tpu.dynamic_gather %get3A_89[%gather3A_264] in [0] : vector<16xf32>, vector<16xi32> -> vector<16xf32>
        %mul3A_266 = arith.constant 16 : i32
        %mul3A_267 = arith.muli %scan3A_83, %mul3A_266 : i32
        %add3A_268 = arith.constant 2 : i32
        %add3A_269 = arith.addi %mul3A_267, %add3A_268 : i32
        %get3A_270 = arith.index_cast %add3A_269 : i32 to index
        %get3A_271 = arith.constant 0 : index
        %get3A_272 = tpu.vector_load %arg12[%get3A_270, %get3A_271] {strides = array<i32>} : memref<80x64xf32, #tpu.memory_space<vmem>>, vector<1x16xf32>,
        %get3A_273 = vector.shape_cast %get3A_272 : vector<1x16xf32> to vector<16xf32>
        %mul3A_274 = arith.mulf %get3A_273, %gather3A_265 : vector<16xf32>
        %mul3A_275 = arith.constant 16 : i32
        %mul3A_276 = arith.muli %scan3A_83, %mul3A_275 : i32
        %add3A_277 = arith.constant 2 : i32
        %add3A_278 = arith.addi %mul3A_276, %add3A_277 : i32
        %swap3A_279 = arith.index_cast %add3A_278 : i32 to index
        %swap3A_280 = arith.constant 0 : index
        %swap3A_281 = tpu.vector_load %arg12[%swap3A_279, %swap3A_280] {strides = array<i32>} : memref<80x64xf32, #tpu.memory_space<vmem>>, vector<1x16xf32>,
        %swap3A_282 = vector.shape_cast %swap3A_281 : vector<1x16xf32> to vector<16xf32>
        %swap3A_283 = vector.shape_cast %mul3A_274 : vector<16xf32> to vector<1x16xf32>
        tpu.vector_store %arg12[%swap3A_279, %swap3A_280], %swap3A_283 {strides = array<i32>} : memref<80x64xf32, #tpu.memory_space<vmem>>, vector<1x16xf32>,
        %mul3A_284 = arith.constant 16 : i32
        %mul3A_285 = arith.muli %scan3A_83, %mul3A_284 : i32
        %add3A_286 = arith.constant 2 : i32
        %add3A_287 = arith.addi %mul3A_285, %add3A_286 : i32
        %get3A_288 = arith.index_cast %add3A_287 : i32 to index
        %get3A_289 = arith.constant 16 : index
        %get3A_290 = tpu.vector_load %arg12[%get3A_288, %get3A_289] {strides = array<i32>} : memref<80x64xf32, #tpu.memory_space<vmem>>, vector<1x16xf32>,
        %get3A_291 = vector.shape_cast %get3A_290 : vector<1x16xf32> to vector<16xf32>
        %mul3A_292 = arith.mulf %get3A_291, %gather3A_265 : vector<16xf32>
        %mul3A_293 = arith.constant 16 : i32
        %mul3A_294 = arith.muli %scan3A_83, %mul3A_293 : i32
        %add3A_295 = arith.constant 2 : i32
        %add3A_296 = arith.addi %mul3A_294, %add3A_295 : i32
        %swap3A_297 = arith.index_cast %add3A_296 : i32 to index
        %swap3A_298 = arith.constant 16 : index
        %swap3A_299 = tpu.vector_load %arg12[%swap3A_297, %swap3A_298] {strides = array<i32>} : memref<80x64xf32, #tpu.memory_space<vmem>>, vector<1x16xf32>,
        %swap3A_300 = vector.shape_cast %swap3A_299 : vector<1x16xf32> to vector<16xf32>
        %swap3A_301 = vector.shape_cast %mul3A_292 : vector<16xf32> to vector<1x16xf32>
        tpu.vector_store %arg12[%swap3A_297, %swap3A_298], %swap3A_301 {strides = array<i32>} : memref<80x64xf32, #tpu.memory_space<vmem>>, vector<1x16xf32>,
        %mul3A_302 = arith.constant 16 : i32
        %mul3A_303 = arith.muli %scan3A_83, %mul3A_302 : i32
        %add3A_304 = arith.constant 2 : i32
        %add3A_305 = arith.addi %mul3A_303, %add3A_304 : i32
        %get3A_306 = arith.index_cast %add3A_305 : i32 to index
        %get3A_307 = arith.constant 32 : index
        %get3A_308 = tpu.vector_load %arg12[%get3A_306, %get3A_307] {strides = array<i32>} : memref<80x64xf32, #tpu.memory_space<vmem>>, vector<1x16xf32>,
        %get3A_309 = vector.shape_cast %get3A_308 : vector<1x16xf32> to vector<16xf32>
        %mul3A_310 = arith.mulf %get3A_309, %gather3A_265 : vector<16xf32>
        %mul3A_311 = arith.constant 16 : i32
        %mul3A_312 = arith.muli %scan3A_83, %mul3A_311 : i32
        %add3A_313 = arith.constant 2 : i32
        %add3A_314 = arith.addi %mul3A_312, %add3A_313 : i32
        %swap3A_315 = arith.index_cast %add3A_314 : i32 to index
        %swap3A_316 = arith.constant 32 : index
        %swap3A_317 = tpu.vector_load %arg12[%swap3A_315, %swap3A_316] {strides = array<i32>} : memref<80x64xf32, #tpu.memory_space<vmem>>, vector<1x16xf32>,
        %swap3A_318 = vector.shape_cast %swap3A_317 : vector<1x16xf32> to vector<16xf32>
        %swap3A_319 = vector.shape_cast %mul3A_310 : vector<16xf32> to vector<1x16xf32>
        tpu.vector_store %arg12[%swap3A_315, %swap3A_316], %swap3A_319 {strides = array<i32>} : memref<80x64xf32, #tpu.memory_space<vmem>>, vector<1x16xf32>,
        %mul3A_320 = arith.constant 16 : i32
        %mul3A_321 = arith.muli %scan3A_83, %mul3A_320 : i32
        %add3A_322 = arith.constant 2 : i32
        %add3A_323 = arith.addi %mul3A_321, %add3A_322 : i32
        %get3A_324 = arith.index_cast %add3A_323 : i32 to index
        %get3A_325 = arith.constant 48 : index
        %get3A_326 = tpu.vector_load %arg12[%get3A_324, %get3A_325] {strides = array<i32>} : memref<80x64xf32, #tpu.memory_space<vmem>>, vector<1x16xf32>,
        %get3A_327 = vector.shape_cast %get3A_326 : vector<1x16xf32> to vector<16xf32>
        %mul3A_328 = arith.mulf %get3A_327, %gather3A_265 : vector<16xf32>
        %mul3A_329 = arith.constant 16 : i32
        %mul3A_330 = arith.muli %scan3A_83, %mul3A_329 : i32
        %add3A_331 = arith.constant 2 : i32
        %add3A_332 = arith.addi %mul3A_330, %add3A_331 : i32
        %swap3A_333 = arith.index_cast %add3A_332 : i32 to index
        %swap3A_334 = arith.constant 48 : index
        %swap3A_335 = tpu.vector_load %arg12[%swap3A_333, %swap3A_334] {strides = array<i32>} : memref<80x64xf32, #tpu.memory_space<vmem>>, vector<1x16xf32>,
        %swap3A_336 = vector.shape_cast %swap3A_335 : vector<1x16xf32> to vector<16xf32>
        %swap3A_337 = vector.shape_cast %mul3A_328 : vector<16xf32> to vector<1x16xf32>
        tpu.vector_store %arg12[%swap3A_333, %swap3A_334], %swap3A_337 {strides = array<i32>} : memref<80x64xf32, #tpu.memory_space<vmem>>, vector<1x16xf32>,
        %broadcast_in_dim3A_338 = arith.constant 3 : i32
        %broadcast_in_dim3A_339 = vector.broadcast %broadcast_in_dim3A_338 : i32 to vector<16xi32>
        %lt3A_340 = arith.constant 0 : i32
        %lt3A_341 = vector.broadcast %lt3A_340 : i32 to vector<16xi32>
        %lt3A_342 = arith.cmpi slt, %broadcast_in_dim3A_339, %lt3A_341 : vector<16xi32>
        %add3A_343 = arith.constant 16 : i32
        %add3A_344 = vector.broadcast %add3A_343 : i32 to vector<16xi32>
        %add3A_345 = arith.addi %broadcast_in_dim3A_339, %add3A_344 : vector<16xi32>
        %select_n3A_346 = arith.select %lt3A_342, %add3A_345, %broadcast_in_dim3A_339 : vector<16xi1>, vector<16xi32>
        %broadcast_in_dim3A_347 = vector.shape_cast %select_n3A_346 : vector<16xi32> to vector<16x1xi32>
        %gather3A_348 = vector.shape_cast %broadcast_in_dim3A_347 : vector<16x1xi32> to vector<16xi32>
        %gather3A_349 = tpu.dynamic_gather %get3A_89[%gather3A_348] in [0] : vector<16xf32>, vector<16xi32> -> vector<16xf32>
        %mul3A_350 = arith.constant 16 : i32
        %mul3A_351 = arith.muli %scan3A_83, %mul3A_350 : i32
        %add3A_352 = arith.constant 3 : i32
        %add3A_353 = arith.addi %mul3A_351, %add3A_352 : i32
        %get3A_354 = arith.index_cast %add3A_353 : i32 to index
        %get3A_355 = arith.constant 0 : index
        %get3A_356 = tpu.vector_load %arg12[%get3A_354, %get3A_355] {strides = array<i32>} : memref<80x64xf32, #tpu.memory_space<vmem>>, vector<1x16xf32>,
        %get3A_357 = vector.shape_cast %get3A_356 : vector<1x16xf32> to vector<16xf32>
        %mul3A_358 = arith.mulf %get3A_357, %gather3A_349 : vector<16xf32>
        %mul3A_359 = arith.constant 16 : i32
        %mul3A_360 = arith.muli %scan3A_83, %mul3A_359 : i32
        %add3A_361 = arith.constant 3 : i32
        %add3A_362 = arith.addi %mul3A_360, %add3A_361 : i32
        %swap3A_363 = arith.index_cast %add3A_362 : i32 to index
        %swap3A_364 = arith.constant 0 : index
        %swap3A_365 = tpu.vector_load %arg12[%swap3A_363, %swap3A_364] {strides = array<i32>} : memref<80x64xf32, #tpu.memory_space<vmem>>, vector<1x16xf32>,
        %swap3A_366 = vector.shape_cast %swap3A_365 : vector<1x16xf32> to vector<16xf32>
        %swap3A_367 = vector.shape_cast %mul3A_358 : vector<16xf32> to vector<1x16xf32>
        tpu.vector_store %arg12[%swap3A_363, %swap3A_364], %swap3A_367 {strides = array<i32>} : memref<80x64xf32, #tpu.memory_space<vmem>>, vector<1x16xf32>,
        %mul3A_368 = arith.constant 16 : i32
        %mul3A_369 = arith.muli %scan3A_83, %mul3A_368 : i32
        %add3A_370 = arith.constant 3 : i32
        %add3A_371 = arith.addi %mul3A_369, %add3A_370 : i32
        %get3A_372 = arith.index_cast %add3A_371 : i32 to index
        %get3A_373 = arith.constant 16 : index
        %get3A_374 = tpu.vector_load %arg12[%get3A_372, %get3A_373] {strides = array<i32>} : memref<80x64xf32, #tpu.memory_space<vmem>>, vector<1x16xf32>,
        %get3A_375 = vector.shape_cast %get3A_374 : vector<1x16xf32> to vector<16xf32>
        %mul3A_376 = arith.mulf %get3A_375, %gather3A_349 : vector<16xf32>
        %mul3A_377 = arith.constant 16 : i32
        %mul3A_378 = arith.muli %scan3A_83, %mul3A_377 : i32
        %add3A_379 = arith.constant 3 : i32
        %add3A_380 = arith.addi %mul3A_378, %add3A_379 : i32
        %swap3A_381 = arith.index_cast %add3A_380 : i32 to index
        %swap3A_382 = arith.constant 16 : index
        %swap3A_383 = tpu.vector_load %arg12[%swap3A_381, %swap3A_382] {strides = array<i32>} : memref<80x64xf32, #tpu.memory_space<vmem>>, vector<1x16xf32>,
        %swap3A_384 = vector.shape_cast %swap3A_383 : vector<1x16xf32> to vector<16xf32>
        %swap3A_385 = vector.shape_cast %mul3A_376 : vector<16xf32> to vector<1x16xf32>
        tpu.vector_store %arg12[%swap3A_381, %swap3A_382], %swap3A_385 {strides = array<i32>} : memref<80x64xf32, #tpu.memory_space<vmem>>, vector<1x16xf32>,
        %mul3A_386 = arith.constant 16 : i32
        %mul3A_387 = arith.muli %scan3A_83, %mul3A_386 : i32
        %add3A_388 = arith.constant 3 : i32
        %add3A_389 = arith.addi %mul3A_387, %add3A_388 : i32
        %get3A_390 = arith.index_cast %add3A_389 : i32 to index
        %get3A_391 = arith.constant 32 : index
        %get3A_392 = tpu.vector_load %arg12[%get3A_390, %get3A_391] {strides = array<i32>} : memref<80x64xf32, #tpu.memory_space<vmem>>, vector<1x16xf32>,
        %get3A_393 = vector.shape_cast %get3A_392 : vector<1x16xf32> to vector<16xf32>
        %mul3A_394 = arith.mulf %get3A_393, %gather3A_349 : vector<16xf32>
        %mul3A_395 = arith.constant 16 : i32
        %mul3A_396 = arith.muli %scan3A_83, %mul3A_395 : i32
        %add3A_397 = arith.constant 3 : i32
        %add3A_398 = arith.addi %mul3A_396, %add3A_397 : i32
        %swap3A_399 = arith.index_cast %add3A_398 : i32 to index
        %swap3A_400 = arith.constant 32 : index
        %swap3A_401 = tpu.vector_load %arg12[%swap3A_399, %swap3A_400] {strides = array<i32>} : memref<80x64xf32, #tpu.memory_space<vmem>>, vector<1x16xf32>,
        %swap3A_402 = vector.shape_cast %swap3A_401 : vector<1x16xf32> to vector<16xf32>
        %swap3A_403 = vector.shape_cast %mul3A_394 : vector<16xf32> to vector<1x16xf32>
        tpu.vector_store %arg12[%swap3A_399, %swap3A_400], %swap3A_403 {strides = array<i32>} : memref<80x64xf32, #tpu.memory_space<vmem>>, vector<1x16xf32>,
        %mul3A_404 = arith.constant 16 : i32
        %mul3A_405 = arith.muli %scan3A_83, %mul3A_404 : i32
        %add3A_406 = arith.constant 3 : i32
        %add3A_407 = arith.addi %mul3A_405, %add3A_406 : i32
        %get3A_408 = arith.index_cast %add3A_407 : i32 to index
        %get3A_409 = arith.constant 48 : index
        %get3A_410 = tpu.vector_load %arg12[%get3A_408, %get3A_409] {strides = array<i32>} : memref<80x64xf32, #tpu.memory_space<vmem>>, vector<1x16xf32>,
        %get3A_411 = vector.shape_cast %get3A_410 : vector<1x16xf32> to vector<16xf32>
        %mul3A_412 = arith.mulf %get3A_411, %gather3A_349 : vector<16xf32>
        %mul3A_413 = arith.constant 16 : i32
        %mul3A_414 = arith.muli %scan3A_83, %mul3A_413 : i32
        %add3A_415 = arith.constant 3 : i32
        %add3A_416 = arith.addi %mul3A_414, %add3A_415 : i32
        %swap3A_417 = arith.index_cast %add3A_416 : i32 to index
        %swap3A_418 = arith.constant 48 : index
        %swap3A_419 = tpu.vector_load %arg12[%swap3A_417, %swap3A_418] {strides = array<i32>} : memref<80x64xf32, #tpu.memory_space<vmem>>, vector<1x16xf32>,
        %swap3A_420 = vector.shape_cast %swap3A_419 : vector<1x16xf32> to vector<16xf32>
        %swap3A_421 = vector.shape_cast %mul3A_412 : vector<16xf32> to vector<1x16xf32>
        tpu.vector_store %arg12[%swap3A_417, %swap3A_418], %swap3A_421 {strides = array<i32>} : memref<80x64xf32, #tpu.memory_space<vmem>>, vector<1x16xf32>,
        %broadcast_in_dim3A_422 = arith.constant 4 : i32
        %broadcast_in_dim3A_423 = vector.broadcast %broadcast_in_dim3A_422 : i32 to vector<16xi32>
        %lt3A_424 = arith.constant 0 : i32
        %lt3A_425 = vector.broadcast %lt3A_424 : i32 to vector<16xi32>
        %lt3A_426 = arith.cmpi slt, %broadcast_in_dim3A_423, %lt3A_425 : vector<16xi32>
        %add3A_427 = arith.constant 16 : i32
        %add3A_428 = vector.broadcast %add3A_427 : i32 to vector<16xi32>
        %add3A_429 = arith.addi %broadcast_in_dim3A_423, %add3A_428 : vector<16xi32>
        %select_n3A_430 = arith.select %lt3A_426, %add3A_429, %broadcast_in_dim3A_423 : vector<16xi1>, vector<16xi32>
        %broadcast_in_dim3A_431 = vector.shape_cast %select_n3A_430 : vector<16xi32> to vector<16x1xi32>
        %gather3A_432 = vector.shape_cast %broadcast_in_dim3A_431 : vector<16x1xi32> to vector<16xi32>
        %gather3A_433 = tpu.dynamic_gather %get3A_89[%gather3A_432] in [0] : vector<16xf32>, vector<16xi32> -> vector<16xf32>
        %mul3A_434 = arith.constant 16 : i32
        %mul3A_435 = arith.muli %scan3A_83, %mul3A_434 : i32
        %add3A_436 = arith.constant 4 : i32
        %add3A_437 = arith.addi %mul3A_435, %add3A_436 : i32
        %get3A_438 = arith.index_cast %add3A_437 : i32 to index
        %get3A_439 = arith.constant 0 : index
        %get3A_440 = tpu.vector_load %arg12[%get3A_438, %get3A_439] {strides = array<i32>} : memref<80x64xf32, #tpu.memory_space<vmem>>, vector<1x16xf32>,
        %get3A_441 = vector.shape_cast %get3A_440 : vector<1x16xf32> to vector<16xf32>
        %mul3A_442 = arith.mulf %get3A_441, %gather3A_433 : vector<16xf32>
        %mul3A_443 = arith.constant 16 : i32
        %mul3A_444 = arith.muli %scan3A_83, %mul3A_443 : i32
        %add3A_445 = arith.constant 4 : i32
        %add3A_446 = arith.addi %mul3A_444, %add3A_445 : i32
        %swap3A_447 = arith.index_cast %add3A_446 : i32 to index
        %swap3A_448 = arith.constant 0 : index
        %swap3A_449 = tpu.vector_load %arg12[%swap3A_447, %swap3A_448] {strides = array<i32>} : memref<80x64xf32, #tpu.memory_space<vmem>>, vector<1x16xf32>,
        %swap3A_450 = vector.shape_cast %swap3A_449 : vector<1x16xf32> to vector<16xf32>
        %swap3A_451 = vector.shape_cast %mul3A_442 : vector<16xf32> to vector<1x16xf32>
        tpu.vector_store %arg12[%swap3A_447, %swap3A_448], %swap3A_451 {strides = array<i32>} : memref<80x64xf32, #tpu.memory_space<vmem>>, vector<1x16xf32>,
        %mul3A_452 = arith.constant 16 : i32
        %mul3A_453 = arith.muli %scan3A_83, %mul3A_452 : i32
        %add3A_454 = arith.constant 4 : i32
        %add3A_455 = arith.addi %mul3A_453, %add3A_454 : i32
        %get3A_456 = arith.index_cast %add3A_455 : i32 to index
        %get3A_457 = arith.constant 16 : index
        %get3A_458 = tpu.vector_load %arg12[%get3A_456, %get3A_457] {strides = array<i32>} : memref<80x64xf32, #tpu.memory_space<vmem>>, vector<1x16xf32>,
        %get3A_459 = vector.shape_cast %get3A_458 : vector<1x16xf32> to vector<16xf32>
        %mul3A_460 = arith.mulf %get3A_459, %gather3A_433 : vector<16xf32>
        %mul3A_461 = arith.constant 16 : i32
        %mul3A_462 = arith.muli %scan3A_83, %mul3A_461 : i32
        %add3A_463 = arith.constant 4 : i32
        %add3A_464 = arith.addi %mul3A_462, %add3A_463 : i32
        %swap3A_465 = arith.index_cast %add3A_464 : i32 to index
        %swap3A_466 = arith.constant 16 : index
        %swap3A_467 = tpu.vector_load %arg12[%swap3A_465, %swap3A_466] {strides = array<i32>} : memref<80x64xf32, #tpu.memory_space<vmem>>, vector<1x16xf32>,
        %swap3A_468 = vector.shape_cast %swap3A_467 : vector<1x16xf32> to vector<16xf32>
        %swap3A_469 = vector.shape_cast %mul3A_460 : vector<16xf32> to vector<1x16xf32>
        tpu.vector_store %arg12[%swap3A_465, %swap3A_466], %swap3A_469 {strides = array<i32>} : memref<80x64xf32, #tpu.memory_space<vmem>>, vector<1x16xf32>,
        %mul3A_470 = arith.constant 16 : i32
        %mul3A_471 = arith.muli %scan3A_83, %mul3A_470 : i32
        %add3A_472 = arith.constant 4 : i32
        %add3A_473 = arith.addi %mul3A_471, %add3A_472 : i32
        %get3A_474 = arith.index_cast %add3A_473 : i32 to index
        %get3A_475 = arith.constant 32 : index
        %get3A_476 = tpu.vector_load %arg12[%get3A_474, %get3A_475] {strides = array<i32>} : memref<80x64xf32, #tpu.memory_space<vmem>>, vector<1x16xf32>,
        %get3A_477 = vector.shape_cast %get3A_476 : vector<1x16xf32> to vector<16xf32>
        %mul3A_478 = arith.mulf %get3A_477, %gather3A_433 : vector<16xf32>
        %mul3A_479 = arith.constant 16 : i32
        %mul3A_480 = arith.muli %scan3A_83, %mul3A_479 : i32
        %add3A_481 = arith.constant 4 : i32
        %add3A_482 = arith.addi %mul3A_480, %add3A_481 : i32
        %swap3A_483 = arith.index_cast %add3A_482 : i32 to index
        %swap3A_484 = arith.constant 32 : index
        %swap3A_485 = tpu.vector_load %arg12[%swap3A_483, %swap3A_484] {strides = array<i32>} : memref<80x64xf32, #tpu.memory_space<vmem>>, vector<1x16xf32>,
        %swap3A_486 = vector.shape_cast %swap3A_485 : vector<1x16xf32> to vector<16xf32>
        %swap3A_487 = vector.shape_cast %mul3A_478 : vector<16xf32> to vector<1x16xf32>
        tpu.vector_store %arg12[%swap3A_483, %swap3A_484], %swap3A_487 {strides = array<i32>} : memref<80x64xf32, #tpu.memory_space<vmem>>, vector<1x16xf32>,
        %mul3A_488 = arith.constant 16 : i32
        %mul3A_489 = arith.muli %scan3A_83, %mul3A_488 : i32
        %add3A_490 = arith.constant 4 : i32
        %add3A_491 = arith.addi %mul3A_489, %add3A_490 : i32
        %get3A_492 = arith.index_cast %add3A_491 : i32 to index
        %get3A_493 = arith.constant 48 : index
        %get3A_494 = tpu.vector_load %arg12[%get3A_492, %get3A_493] {strides = array<i32>} : memref<80x64xf32, #tpu.memory_space<vmem>>, vector<1x16xf32>,
        %get3A_495 = vector.shape_cast %get3A_494 : vector<1x16xf32> to vector<16xf32>
        %mul3A_496 = arith.mulf %get3A_495, %gather3A_433 : vector<16xf32>
        %mul3A_497 = arith.constant 16 : i32
        %mul3A_498 = arith.muli %scan3A_83, %mul3A_497 : i32
        %add3A_499 = arith.constant 4 : i32
        %add3A_500 = arith.addi %mul3A_498, %add3A_499 : i32
        %swap3A_501 = arith.index_cast %add3A_500 : i32 to index
        %swap3A_502 = arith.constant 48 : index
        %swap3A_503 = tpu.vector_load %arg12[%swap3A_501, %swap3A_502] {strides = array<i32>} : memref<80x64xf32, #tpu.memory_space<vmem>>, vector<1x16xf32>,
        %swap3A_504 = vector.shape_cast %swap3A_503 : vector<1x16xf32> to vector<16xf32>
        %swap3A_505 = vector.shape_cast %mul3A_496 : vector<16xf32> to vector<1x16xf32>
        tpu.vector_store %arg12[%swap3A_501, %swap3A_502], %swap3A_505 {strides = array<i32>} : memref<80x64xf32, #tpu.memory_space<vmem>>, vector<1x16xf32>,
        %broadcast_in_dim3A_506 = arith.constant 5 : i32
        %broadcast_in_dim3A_507 = vector.broadcast %broadcast_in_dim3A_506 : i32 to vector<16xi32>
        %lt3A_508 = arith.constant 0 : i32
        %lt3A_509 = vector.broadcast %lt3A_508 : i32 to vector<16xi32>
        %lt3A_510 = arith.cmpi slt, %broadcast_in_dim3A_507, %lt3A_509 : vector<16xi32>
        %add3A_511 = arith.constant 16 : i32
        %add3A_512 = vector.broadcast %add3A_511 : i32 to vector<16xi32>
        %add3A_513 = arith.addi %broadcast_in_dim3A_507, %add3A_512 : vector<16xi32>
        %select_n3A_514 = arith.select %lt3A_510, %add3A_513, %broadcast_in_dim3A_507 : vector<16xi1>, vector<16xi32>
        %broadcast_in_dim3A_515 = vector.shape_cast %select_n3A_514 : vector<16xi32> to vector<16x1xi32>
        %gather3A_516 = vector.shape_cast %broadcast_in_dim3A_515 : vector<16x1xi32> to vector<16xi32>
        %gather3A_517 = tpu.dynamic_gather %get3A_89[%gather3A_516] in [0] : vector<16xf32>, vector<16xi32> -> vector<16xf32>
        %mul3A_518 = arith.constant 16 : i32
        %mul3A_519 = arith.muli %scan3A_83, %mul3A_518 : i32
        %add3A_520 = arith.constant 5 : i32
        %add3A_521 = arith.addi %mul3A_519, %add3A_520 : i32
        %get3A_522 = arith.index_cast %add3A_521 : i32 to index
        %get3A_523 = arith.constant 0 : index
        %get3A_524 = tpu.vector_load %arg12[%get3A_522, %get3A_523] {strides = array<i32>} : memref<80x64xf32, #tpu.memory_space<vmem>>, vector<1x16xf32>,
        %get3A_525 = vector.shape_cast %get3A_524 : vector<1x16xf32> to vector<16xf32>
        %mul3A_526 = arith.mulf %get3A_525, %gather3A_517 : vector<16xf32>
        %mul3A_527 = arith.constant 16 : i32
        %mul3A_528 = arith.muli %scan3A_83, %mul3A_527 : i32
        %add3A_529 = arith.constant 5 : i32
        %add3A_530 = arith.addi %mul3A_528, %add3A_529 : i32
        %swap3A_531 = arith.index_cast %add3A_530 : i32 to index
        %swap3A_532 = arith.constant 0 : index
        %swap3A_533 = tpu.vector_load %arg12[%swap3A_531, %swap3A_532] {strides = array<i32>} : memref<80x64xf32, #tpu.memory_space<vmem>>, vector<1x16xf32>,
        %swap3A_534 = vector.shape_cast %swap3A_533 : vector<1x16xf32> to vector<16xf32>
        %swap3A_535 = vector.shape_cast %mul3A_526 : vector<16xf32> to vector<1x16xf32>
        tpu.vector_store %arg12[%swap3A_531, %swap3A_532], %swap3A_535 {strides = array<i32>} : memref<80x64xf32, #tpu.memory_space<vmem>>, vector<1x16xf32>,
        %mul3A_536 = arith.constant 16 : i32
        %mul3A_537 = arith.muli %scan3A_83, %mul3A_536 : i32
        %add3A_538 = arith.constant 5 : i32
        %add3A_539 = arith.addi %mul3A_537, %add3A_538 : i32
        %get3A_540 = arith.index_cast %add3A_539 : i32 to index
        %get3A_541 = arith.constant 16 : index
        %get3A_542 = tpu.vector_load %arg12[%get3A_540, %get3A_541] {strides = array<i32>} : memref<80x64xf32, #tpu.memory_space<vmem>>, vector<1x16xf32>,
        %get3A_543 = vector.shape_cast %get3A_542 : vector<1x16xf32> to vector<16xf32>
        %mul3A_544 = arith.mulf %get3A_543, %gather3A_517 : vector<16xf32>
        %mul3A_545 = arith.constant 16 : i32
        %mul3A_546 = arith.muli %scan3A_83, %mul3A_545 : i32
        %add3A_547 = arith.constant 5 : i32
        %add3A_548 = arith.addi %mul3A_546, %add3A_547 : i32
        %swap3A_549 = arith.index_cast %add3A_548 : i32 to index
        %swap3A_550 = arith.constant 16 : index
        %swap3A_551 = tpu.vector_load %arg12[%swap3A_549, %swap3A_550] {strides = array<i32>} : memref<80x64xf32, #tpu.memory_space<vmem>>, vector<1x16xf32>,
        %swap3A_552 = vector.shape_cast %swap3A_551 : vector<1x16xf32> to vector<16xf32>
        %swap3A_553 = vector.shape_cast %mul3A_544 : vector<16xf32> to vector<1x16xf32>
        tpu.vector_store %arg12[%swap3A_549, %swap3A_550], %swap3A_553 {strides = array<i32>} : memref<80x64xf32, #tpu.memory_space<vmem>>, vector<1x16xf32>,
        %mul3A_554 = arith.constant 16 : i32
        %mul3A_555 = arith.muli %scan3A_83, %mul3A_554 : i32
        %add3A_556 = arith.constant 5 : i32
        %add3A_557 = arith.addi %mul3A_555, %add3A_556 : i32
        %get3A_558 = arith.index_cast %add3A_557 : i32 to index
        %get3A_559 = arith.constant 32 : index
        %get3A_560 = tpu.vector_load %arg12[%get3A_558, %get3A_559] {strides = array<i32>} : memref<80x64xf32, #tpu.memory_space<vmem>>, vector<1x16xf32>,
        %get3A_561 = vector.shape_cast %get3A_560 : vector<1x16xf32> to vector<16xf32>
        %mul3A_562 = arith.mulf %get3A_561, %gather3A_517 : vector<16xf32>
        %mul3A_563 = arith.constant 16 : i32
        %mul3A_564 = arith.muli %scan3A_83, %mul3A_563 : i32
        %add3A_565 = arith.constant 5 : i32
        %add3A_566 = arith.addi %mul3A_564, %add3A_565 : i32
        %swap3A_567 = arith.index_cast %add3A_566 : i32 to index
        %swap3A_568 = arith.constant 32 : index
        %swap3A_569 = tpu.vector_load %arg12[%swap3A_567, %swap3A_568] {strides = array<i32>} : memref<80x64xf32, #tpu.memory_space<vmem>>, vector<1x16xf32>,
        %swap3A_570 = vector.shape_cast %swap3A_569 : vector<1x16xf32> to vector<16xf32>
        %swap3A_571 = vector.shape_cast %mul3A_562 : vector<16xf32> to vector<1x16xf32>
        tpu.vector_store %arg12[%swap3A_567, %swap3A_568], %swap3A_571 {strides = array<i32>} : memref<80x64xf32, #tpu.memory_space<vmem>>, vector<1x16xf32>,
        %mul3A_572 = arith.constant 16 : i32
        %mul3A_573 = arith.muli %scan3A_83, %mul3A_572 : i32
        %add3A_574 = arith.constant 5 : i32
        %add3A_575 = arith.addi %mul3A_573, %add3A_574 : i32
        %get3A_576 = arith.index_cast %add3A_575 : i32 to index
        %get3A_577 = arith.constant 48 : index
        %get3A_578 = tpu.vector_load %arg12[%get3A_576, %get3A_577] {strides = array<i32>} : memref<80x64xf32, #tpu.memory_space<vmem>>, vector<1x16xf32>,
        %get3A_579 = vector.shape_cast %get3A_578 : vector<1x16xf32> to vector<16xf32>
        %mul3A_580 = arith.mulf %get3A_579, %gather3A_517 : vector<16xf32>
        %mul3A_581 = arith.constant 16 : i32
        %mul3A_582 = arith.muli %scan3A_83, %mul3A_581 : i32
        %add3A_583 = arith.constant 5 : i32
        %add3A_584 = arith.addi %mul3A_582, %add3A_583 : i32
        %swap3A_585 = arith.index_cast %add3A_584 : i32 to index
        %swap3A_586 = arith.constant 48 : index
        %swap3A_587 = tpu.vector_load %arg12[%swap3A_585, %swap3A_586] {strides = array<i32>} : memref<80x64xf32, #tpu.memory_space<vmem>>, vector<1x16xf32>,
        %swap3A_588 = vector.shape_cast %swap3A_587 : vector<1x16xf32> to vector<16xf32>
        %swap3A_589 = vector.shape_cast %mul3A_580 : vector<16xf32> to vector<1x16xf32>
        tpu.vector_store %arg12[%swap3A_585, %swap3A_586], %swap3A_589 {strides = array<i32>} : memref<80x64xf32, #tpu.memory_space<vmem>>, vector<1x16xf32>,
        %broadcast_in_dim3A_590 = arith.constant 6 : i32
        %broadcast_in_dim3A_591 = vector.broadcast %broadcast_in_dim3A_590 : i32 to vector<16xi32>
        %lt3A_592 = arith.constant 0 : i32
        %lt3A_593 = vector.broadcast %lt3A_592 : i32 to vector<16xi32>
        %lt3A_594 = arith.cmpi slt, %broadcast_in_dim3A_591, %lt3A_593 : vector<16xi32>
        %add3A_595 = arith.constant 16 : i32
        %add3A_596 = vector.broadcast %add3A_595 : i32 to vector<16xi32>
        %add3A_597 = arith.addi %broadcast_in_dim3A_591, %add3A_596 : vector<16xi32>
        %select_n3A_598 = arith.select %lt3A_594, %add3A_597, %broadcast_in_dim3A_591 : vector<16xi1>, vector<16xi32>
        %broadcast_in_dim3A_599 = vector.shape_cast %select_n3A_598 : vector<16xi32> to vector<16x1xi32>
        %gather3A_600 = vector.shape_cast %broadcast_in_dim3A_599 : vector<16x1xi32> to vector<16xi32>
        %gather3A_601 = tpu.dynamic_gather %get3A_89[%gather3A_600] in [0] : vector<16xf32>, vector<16xi32> -> vector<16xf32>
        %mul3A_602 = arith.constant 16 : i32
        %mul3A_603 = arith.muli %scan3A_83, %mul3A_602 : i32
        %add3A_604 = arith.constant 6 : i32
        %add3A_605 = arith.addi %mul3A_603, %add3A_604 : i32
        %get3A_606 = arith.index_cast %add3A_605 : i32 to index
        %get3A_607 = arith.constant 0 : index
        %get3A_608 = tpu.vector_load %arg12[%get3A_606, %get3A_607] {strides = array<i32>} : memref<80x64xf32, #tpu.memory_space<vmem>>, vector<1x16xf32>,
        %get3A_609 = vector.shape_cast %get3A_608 : vector<1x16xf32> to vector<16xf32>
        %mul3A_610 = arith.mulf %get3A_609, %gather3A_601 : vector<16xf32>
        %mul3A_611 = arith.constant 16 : i32
        %mul3A_612 = arith.muli %scan3A_83, %mul3A_611 : i32
        %add3A_613 = arith.constant 6 : i32
        %add3A_614 = arith.addi %mul3A_612, %add3A_613 : i32
        %swap3A_615 = arith.index_cast %add3A_614 : i32 to index
        %swap3A_616 = arith.constant 0 : index
        %swap3A_617 = tpu.vector_load %arg12[%swap3A_615, %swap3A_616] {strides = array<i32>} : memref<80x64xf32, #tpu.memory_space<vmem>>, vector<1x16xf32>,
        %swap3A_618 = vector.shape_cast %swap3A_617 : vector<1x16xf32> to vector<16xf32>
        %swap3A_619 = vector.shape_cast %mul3A_610 : vector<16xf32> to vector<1x16xf32>
        tpu.vector_store %arg12[%swap3A_615, %swap3A_616], %swap3A_619 {strides = array<i32>} : memref<80x64xf32, #tpu.memory_space<vmem>>, vector<1x16xf32>,
        %mul3A_620 = arith.constant 16 : i32
        %mul3A_621 = arith.muli %scan3A_83, %mul3A_620 : i32
        %add3A_622 = arith.constant 6 : i32
        %add3A_623 = arith.addi %mul3A_621, %add3A_622 : i32
        %get3A_624 = arith.index_cast %add3A_623 : i32 to index
        %get3A_625 = arith.constant 16 : index
        %get3A_626 = tpu.vector_load %arg12[%get3A_624, %get3A_625] {strides = array<i32>} : memref<80x64xf32, #tpu.memory_space<vmem>>, vector<1x16xf32>,
        %get3A_627 = vector.shape_cast %get3A_626 : vector<1x16xf32> to vector<16xf32>
        %mul3A_628 = arith.mulf %get3A_627, %gather3A_601 : vector<16xf32>
        %mul3A_629 = arith.constant 16 : i32
        %mul3A_630 = arith.muli %scan3A_83, %mul3A_629 : i32
        %add3A_631 = arith.constant 6 : i32
        %add3A_632 = arith.addi %mul3A_630, %add3A_631 : i32
        %swap3A_633 = arith.index_cast %add3A_632 : i32 to index
        %swap3A_634 = arith.constant 16 : index
        %swap3A_635 = tpu.vector_load %arg12[%swap3A_633, %swap3A_634] {strides = array<i32>} : memref<80x64xf32, #tpu.memory_space<vmem>>, vector<1x16xf32>,
        %swap3A_636 = vector.shape_cast %swap3A_635 : vector<1x16xf32> to vector<16xf32>
        %swap3A_637 = vector.shape_cast %mul3A_628 : vector<16xf32> to vector<1x16xf32>
        tpu.vector_store %arg12[%swap3A_633, %swap3A_634], %swap3A_637 {strides = array<i32>} : memref<80x64xf32, #tpu.memory_space<vmem>>, vector<1x16xf32>,
        %mul3A_638 = arith.constant 16 : i32
        %mul3A_639 = arith.muli %scan3A_83, %mul3A_638 : i32
        %add3A_640 = arith.constant 6 : i32
        %add3A_641 = arith.addi %mul3A_639, %add3A_640 : i32
        %get3A_642 = arith.index_cast %add3A_641 : i32 to index
        %get3A_643 = arith.constant 32 : index
        %get3A_644 = tpu.vector_load %arg12[%get3A_642, %get3A_643] {strides = array<i32>} : memref<80x64xf32, #tpu.memory_space<vmem>>, vector<1x16xf32>,
        %get3A_645 = vector.shape_cast %get3A_644 : vector<1x16xf32> to vector<16xf32>
        %mul3A_646 = arith.mulf %get3A_645, %gather3A_601 : vector<16xf32>
        %mul3A_647 = arith.constant 16 : i32
        %mul3A_648 = arith.muli %scan3A_83, %mul3A_647 : i32
        %add3A_649 = arith.constant 6 : i32
        %add3A_650 = arith.addi %mul3A_648, %add3A_649 : i32
        %swap3A_651 = arith.index_cast %add3A_650 : i32 to index
        %swap3A_652 = arith.constant 32 : index
        %swap3A_653 = tpu.vector_load %arg12[%swap3A_651, %swap3A_652] {strides = array<i32>} : memref<80x64xf32, #tpu.memory_space<vmem>>, vector<1x16xf32>,
        %swap3A_654 = vector.shape_cast %swap3A_653 : vector<1x16xf32> to vector<16xf32>
        %swap3A_655 = vector.shape_cast %mul3A_646 : vector<16xf32> to vector<1x16xf32>
        tpu.vector_store %arg12[%swap3A_651, %swap3A_652], %swap3A_655 {strides = array<i32>} : memref<80x64xf32, #tpu.memory_space<vmem>>, vector<1x16xf32>,
        %mul3A_656 = arith.constant 16 : i32
        %mul3A_657 = arith.muli %scan3A_83, %mul3A_656 : i32
        %add3A_658 = arith.constant 6 : i32
        %add3A_659 = arith.addi %mul3A_657, %add3A_658 : i32
        %get3A_660 = arith.index_cast %add3A_659 : i32 to index
        %get3A_661 = arith.constant 48 : index
        %get3A_662 = tpu.vector_load %arg12[%get3A_660, %get3A_661] {strides = array<i32>} : memref<80x64xf32, #tpu.memory_space<vmem>>, vector<1x16xf32>,
        %get3A_663 = vector.shape_cast %get3A_662 : vector<1x16xf32> to vector<16xf32>
        %mul3A_664 = arith.mulf %get3A_663, %gather3A_601 : vector<16xf32>
        %mul3A_665 = arith.constant 16 : i32
        %mul3A_666 = arith.muli %scan3A_83, %mul3A_665 : i32
        %add3A_667 = arith.constant 6 : i32
        %add3A_668 = arith.addi %mul3A_666, %add3A_667 : i32
        %swap3A_669 = arith.index_cast %add3A_668 : i32 to index
        %swap3A_670 = arith.constant 48 : index
        %swap3A_671 = tpu.vector_load %arg12[%swap3A_669, %swap3A_670] {strides = array<i32>} : memref<80x64xf32, #tpu.memory_space<vmem>>, vector<1x16xf32>,
        %swap3A_672 = vector.shape_cast %swap3A_671 : vector<1x16xf32> to vector<16xf32>
        %swap3A_673 = vector.shape_cast %mul3A_664 : vector<16xf32> to vector<1x16xf32>
        tpu.vector_store %arg12[%swap3A_669, %swap3A_670], %swap3A_673 {strides = array<i32>} : memref<80x64xf32, #tpu.memory_space<vmem>>, vector<1x16xf32>,
        %broadcast_in_dim3A_674 = arith.constant 7 : i32
        %broadcast_in_dim3A_675 = vector.broadcast %broadcast_in_dim3A_674 : i32 to vector<16xi32>
        %lt3A_676 = arith.constant 0 : i32
        %lt3A_677 = vector.broadcast %lt3A_676 : i32 to vector<16xi32>
        %lt3A_678 = arith.cmpi slt, %broadcast_in_dim3A_675, %lt3A_677 : vector<16xi32>
        %add3A_679 = arith.constant 16 : i32
        %add3A_680 = vector.broadcast %add3A_679 : i32 to vector<16xi32>
        %add3A_681 = arith.addi %broadcast_in_dim3A_675, %add3A_680 : vector<16xi32>
        %select_n3A_682 = arith.select %lt3A_678, %add3A_681, %broadcast_in_dim3A_675 : vector<16xi1>, vector<16xi32>
        %broadcast_in_dim3A_683 = vector.shape_cast %select_n3A_682 : vector<16xi32> to vector<16x1xi32>
        %gather3A_684 = vector.shape_cast %broadcast_in_dim3A_683 : vector<16x1xi32> to vector<16xi32>
        %gather3A_685 = tpu.dynamic_gather %get3A_89[%gather3A_684] in [0] : vector<16xf32>, vector<16xi32> -> vector<16xf32>
        %mul3A_686 = arith.constant 16 : i32
        %mul3A_687 = arith.muli %scan3A_83, %mul3A_686 : i32
        %add3A_688 = arith.constant 7 : i32
        %add3A_689 = arith.addi %mul3A_687, %add3A_688 : i32
        %get3A_690 = arith.index_cast %add3A_689 : i32 to index
        %get3A_691 = arith.constant 0 : index
        %get3A_692 = tpu.vector_load %arg12[%get3A_690, %get3A_691] {strides = array<i32>} : memref<80x64xf32, #tpu.memory_space<vmem>>, vector<1x16xf32>,
        %get3A_693 = vector.shape_cast %get3A_692 : vector<1x16xf32> to vector<16xf32>
        %mul3A_694 = arith.mulf %get3A_693, %gather3A_685 : vector<16xf32>
        %mul3A_695 = arith.constant 16 : i32
        %mul3A_696 = arith.muli %scan3A_83, %mul3A_695 : i32
        %add3A_697 = arith.constant 7 : i32
        %add3A_698 = arith.addi %mul3A_696, %add3A_697 : i32
        %swap3A_699 = arith.index_cast %add3A_698 : i32 to index
        %swap3A_700 = arith.constant 0 : index
        %swap3A_701 = tpu.vector_load %arg12[%swap3A_699, %swap3A_700] {strides = array<i32>} : memref<80x64xf32, #tpu.memory_space<vmem>>, vector<1x16xf32>,
        %swap3A_702 = vector.shape_cast %swap3A_701 : vector<1x16xf32> to vector<16xf32>
        %swap3A_703 = vector.shape_cast %mul3A_694 : vector<16xf32> to vector<1x16xf32>
        tpu.vector_store %arg12[%swap3A_699, %swap3A_700], %swap3A_703 {strides = array<i32>} : memref<80x64xf32, #tpu.memory_space<vmem>>, vector<1x16xf32>,
        %mul3A_704 = arith.constant 16 : i32
        %mul3A_705 = arith.muli %scan3A_83, %mul3A_704 : i32
        %add3A_706 = arith.constant 7 : i32
        %add3A_707 = arith.addi %mul3A_705, %add3A_706 : i32
        %get3A_708 = arith.index_cast %add3A_707 : i32 to index
        %get3A_709 = arith.constant 16 : index
        %get3A_710 = tpu.vector_load %arg12[%get3A_708, %get3A_709] {strides = array<i32>} : memref<80x64xf32, #tpu.memory_space<vmem>>, vector<1x16xf32>,
        %get3A_711 = vector.shape_cast %get3A_710 : vector<1x16xf32> to vector<16xf32>
        %mul3A_712 = arith.mulf %get3A_711, %gather3A_685 : vector<16xf32>
        %mul3A_713 = arith.constant 16 : i32
        %mul3A_714 = arith.muli %scan3A_83, %mul3A_713 : i32
        %add3A_715 = arith.constant 7 : i32
        %add3A_716 = arith.addi %mul3A_714, %add3A_715 : i32
        %swap3A_717 = arith.index_cast %add3A_716 : i32 to index
        %swap3A_718 = arith.constant 16 : index
        %swap3A_719 = tpu.vector_load %arg12[%swap3A_717, %swap3A_718] {strides = array<i32>} : memref<80x64xf32, #tpu.memory_space<vmem>>, vector<1x16xf32>,
        %swap3A_720 = vector.shape_cast %swap3A_719 : vector<1x16xf32> to vector<16xf32>
        %swap3A_721 = vector.shape_cast %mul3A_712 : vector<16xf32> to vector<1x16xf32>
        tpu.vector_store %arg12[%swap3A_717, %swap3A_718], %swap3A_721 {strides = array<i32>} : memref<80x64xf32, #tpu.memory_space<vmem>>, vector<1x16xf32>,
        %mul3A_722 = arith.constant 16 : i32
        %mul3A_723 = arith.muli %scan3A_83, %mul3A_722 : i32
        %add3A_724 = arith.constant 7 : i32
        %add3A_725 = arith.addi %mul3A_723, %add3A_724 : i32
        %get3A_726 = arith.index_cast %add3A_725 : i32 to index
        %get3A_727 = arith.constant 32 : index
        %get3A_728 = tpu.vector_load %arg12[%get3A_726, %get3A_727] {strides = array<i32>} : memref<80x64xf32, #tpu.memory_space<vmem>>, vector<1x16xf32>,
        %get3A_729 = vector.shape_cast %get3A_728 : vector<1x16xf32> to vector<16xf32>
        %mul3A_730 = arith.mulf %get3A_729, %gather3A_685 : vector<16xf32>
        %mul3A_731 = arith.constant 16 : i32
        %mul3A_732 = arith.muli %scan3A_83, %mul3A_731 : i32
        %add3A_733 = arith.constant 7 : i32
        %add3A_734 = arith.addi %mul3A_732, %add3A_733 : i32
        %swap3A_735 = arith.index_cast %add3A_734 : i32 to index
        %swap3A_736 = arith.constant 32 : index
        %swap3A_737 = tpu.vector_load %arg12[%swap3A_735, %swap3A_736] {strides = array<i32>} : memref<80x64xf32, #tpu.memory_space<vmem>>, vector<1x16xf32>,
        %swap3A_738 = vector.shape_cast %swap3A_737 : vector<1x16xf32> to vector<16xf32>
        %swap3A_739 = vector.shape_cast %mul3A_730 : vector<16xf32> to vector<1x16xf32>
        tpu.vector_store %arg12[%swap3A_735, %swap3A_736], %swap3A_739 {strides = array<i32>} : memref<80x64xf32, #tpu.memory_space<vmem>>, vector<1x16xf32>,
        %mul3A_740 = arith.constant 16 : i32
        %mul3A_741 = arith.muli %scan3A_83, %mul3A_740 : i32
        %add3A_742 = arith.constant 7 : i32
        %add3A_743 = arith.addi %mul3A_741, %add3A_742 : i32
        %get3A_744 = arith.index_cast %add3A_743 : i32 to index
        %get3A_745 = arith.constant 48 : index
        %get3A_746 = tpu.vector_load %arg12[%get3A_744, %get3A_745] {strides = array<i32>} : memref<80x64xf32, #tpu.memory_space<vmem>>, vector<1x16xf32>,
        %get3A_747 = vector.shape_cast %get3A_746 : vector<1x16xf32> to vector<16xf32>
        %mul3A_748 = arith.mulf %get3A_747, %gather3A_685 : vector<16xf32>
        %mul3A_749 = arith.constant 16 : i32
        %mul3A_750 = arith.muli %scan3A_83, %mul3A_749 : i32
        %add3A_751 = arith.constant 7 : i32
        %add3A_752 = arith.addi %mul3A_750, %add3A_751 : i32
        %swap3A_753 = arith.index_cast %add3A_752 : i32 to index
        %swap3A_754 = arith.constant 48 : index
        %swap3A_755 = tpu.vector_load %arg12[%swap3A_753, %swap3A_754] {strides = array<i32>} : memref<80x64xf32, #tpu.memory_space<vmem>>, vector<1x16xf32>,
        %swap3A_756 = vector.shape_cast %swap3A_755 : vector<1x16xf32> to vector<16xf32>
        %swap3A_757 = vector.shape_cast %mul3A_748 : vector<16xf32> to vector<1x16xf32>
        tpu.vector_store %arg12[%swap3A_753, %swap3A_754], %swap3A_757 {strides = array<i32>} : memref<80x64xf32, #tpu.memory_space<vmem>>, vector<1x16xf32>,
        %broadcast_in_dim3A_758 = arith.constant 8 : i32
        %broadcast_in_dim3A_759 = vector.broadcast %broadcast_in_dim3A_758 : i32 to vector<16xi32>
        %lt3A_760 = arith.constant 0 : i32
        %lt3A_761 = vector.broadcast %lt3A_760 : i32 to vector<16xi32>
        %lt3A_762 = arith.cmpi slt, %broadcast_in_dim3A_759, %lt3A_761 : vector<16xi32>
        %add3A_763 = arith.constant 16 : i32
        %add3A_764 = vector.broadcast %add3A_763 : i32 to vector<16xi32>
        %add3A_765 = arith.addi %broadcast_in_dim3A_759, %add3A_764 : vector<16xi32>
        %select_n3A_766 = arith.select %lt3A_762, %add3A_765, %broadcast_in_dim3A_759 : vector<16xi1>, vector<16xi32>
        %broadcast_in_dim3A_767 = vector.shape_cast %select_n3A_766 : vector<16xi32> to vector<16x1xi32>
        %gather3A_768 = vector.shape_cast %broadcast_in_dim3A_767 : vector<16x1xi32> to vector<16xi32>
        %gather3A_769 = tpu.dynamic_gather %get3A_89[%gather3A_768] in [0] : vector<16xf32>, vector<16xi32> -> vector<16xf32>
        %mul3A_770 = arith.constant 16 : i32
        %mul3A_771 = arith.muli %scan3A_83, %mul3A_770 : i32
        %add3A_772 = arith.constant 8 : i32
        %add3A_773 = arith.addi %mul3A_771, %add3A_772 : i32
        %get3A_774 = arith.index_cast %add3A_773 : i32 to index
        %get3A_775 = arith.constant 0 : index
        %get3A_776 = tpu.vector_load %arg12[%get3A_774, %get3A_775] {strides = array<i32>} : memref<80x64xf32, #tpu.memory_space<vmem>>, vector<1x16xf32>,
        %get3A_777 = vector.shape_cast %get3A_776 : vector<1x16xf32> to vector<16xf32>
        %mul3A_778 = arith.mulf %get3A_777, %gather3A_769 : vector<16xf32>
        %mul3A_779 = arith.constant 16 : i32
        %mul3A_780 = arith.muli %scan3A_83, %mul3A_779 : i32
        %add3A_781 = arith.constant 8 : i32
        %add3A_782 = arith.addi %mul3A_780, %add3A_781 : i32
        %swap3A_783 = arith.index_cast %add3A_782 : i32 to index
        %swap3A_784 = arith.constant 0 : index
        %swap3A_785 = tpu.vector_load %arg12[%swap3A_783, %swap3A_784] {strides = array<i32>} : memref<80x64xf32, #tpu.memory_space<vmem>>, vector<1x16xf32>,
        %swap3A_786 = vector.shape_cast %swap3A_785 : vector<1x16xf32> to vector<16xf32>
        %swap3A_787 = vector.shape_cast %mul3A_778 : vector<16xf32> to vector<1x16xf32>
        tpu.vector_store %arg12[%swap3A_783, %swap3A_784], %swap3A_787 {strides = array<i32>} : memref<80x64xf32, #tpu.memory_space<vmem>>, vector<1x16xf32>,
        %mul3A_788 = arith.constant 16 : i32
        %mul3A_789 = arith.muli %scan3A_83, %mul3A_788 : i32
        %add3A_790 = arith.constant 8 : i32
        %add3A_791 = arith.addi %mul3A_789, %add3A_790 : i32
        %get3A_792 = arith.index_cast %add3A_791 : i32 to index
        %get3A_793 = arith.constant 16 : index
        %get3A_794 = tpu.vector_load %arg12[%get3A_792, %get3A_793] {strides = array<i32>} : memref<80x64xf32, #tpu.memory_space<vmem>>, vector<1x16xf32>,
        %get3A_795 = vector.shape_cast %get3A_794 : vector<1x16xf32> to vector<16xf32>
        %mul3A_796 = arith.mulf %get3A_795, %gather3A_769 : vector<16xf32>
        %mul3A_797 = arith.constant 16 : i32
        %mul3A_798 = arith.muli %scan3A_83, %mul3A_797 : i32
        %add3A_799 = arith.constant 8 : i32
        %add3A_800 = arith.addi %mul3A_798, %add3A_799 : i32
        %swap3A_801 = arith.index_cast %add3A_800 : i32 to index
        %swap3A_802 = arith.constant 16 : index
        %swap3A_803 = tpu.vector_load %arg12[%swap3A_801, %swap3A_802] {strides = array<i32>} : memref<80x64xf32, #tpu.memory_space<vmem>>, vector<1x16xf32>,
        %swap3A_804 = vector.shape_cast %swap3A_803 : vector<1x16xf32> to vector<16xf32>
        %swap3A_805 = vector.shape_cast %mul3A_796 : vector<16xf32> to vector<1x16xf32>
        tpu.vector_store %arg12[%swap3A_801, %swap3A_802], %swap3A_805 {strides = array<i32>} : memref<80x64xf32, #tpu.memory_space<vmem>>, vector<1x16xf32>,
        %mul3A_806 = arith.constant 16 : i32
        %mul3A_807 = arith.muli %scan3A_83, %mul3A_806 : i32
        %add3A_808 = arith.constant 8 : i32
        %add3A_809 = arith.addi %mul3A_807, %add3A_808 : i32
        %get3A_810 = arith.index_cast %add3A_809 : i32 to index
        %get3A_811 = arith.constant 32 : index
        %get3A_812 = tpu.vector_load %arg12[%get3A_810, %get3A_811] {strides = array<i32>} : memref<80x64xf32, #tpu.memory_space<vmem>>, vector<1x16xf32>,
        %get3A_813 = vector.shape_cast %get3A_812 : vector<1x16xf32> to vector<16xf32>
        %mul3A_814 = arith.mulf %get3A_813, %gather3A_769 : vector<16xf32>
        %mul3A_815 = arith.constant 16 : i32
        %mul3A_816 = arith.muli %scan3A_83, %mul3A_815 : i32
        %add3A_817 = arith.constant 8 : i32
        %add3A_818 = arith.addi %mul3A_816, %add3A_817 : i32
        %swap3A_819 = arith.index_cast %add3A_818 : i32 to index
        %swap3A_820 = arith.constant 32 : index
        %swap3A_821 = tpu.vector_load %arg12[%swap3A_819, %swap3A_820] {strides = array<i32>} : memref<80x64xf32, #tpu.memory_space<vmem>>, vector<1x16xf32>,
        %swap3A_822 = vector.shape_cast %swap3A_821 : vector<1x16xf32> to vector<16xf32>
        %swap3A_823 = vector.shape_cast %mul3A_814 : vector<16xf32> to vector<1x16xf32>
        tpu.vector_store %arg12[%swap3A_819, %swap3A_820], %swap3A_823 {strides = array<i32>} : memref<80x64xf32, #tpu.memory_space<vmem>>, vector<1x16xf32>,
        %mul3A_824 = arith.constant 16 : i32
        %mul3A_825 = arith.muli %scan3A_83, %mul3A_824 : i32
        %add3A_826 = arith.constant 8 : i32
        %add3A_827 = arith.addi %mul3A_825, %add3A_826 : i32
        %get3A_828 = arith.index_cast %add3A_827 : i32 to index
        %get3A_829 = arith.constant 48 : index
        %get3A_830 = tpu.vector_load %arg12[%get3A_828, %get3A_829] {strides = array<i32>} : memref<80x64xf32, #tpu.memory_space<vmem>>, vector<1x16xf32>,
        %get3A_831 = vector.shape_cast %get3A_830 : vector<1x16xf32> to vector<16xf32>
        %mul3A_832 = arith.mulf %get3A_831, %gather3A_769 : vector<16xf32>
        %mul3A_833 = arith.constant 16 : i32
        %mul3A_834 = arith.muli %scan3A_83, %mul3A_833 : i32
        %add3A_835 = arith.constant 8 : i32
        %add3A_836 = arith.addi %mul3A_834, %add3A_835 : i32
        %swap3A_837 = arith.index_cast %add3A_836 : i32 to index
        %swap3A_838 = arith.constant 48 : index
        %swap3A_839 = tpu.vector_load %arg12[%swap3A_837, %swap3A_838] {strides = array<i32>} : memref<80x64xf32, #tpu.memory_space<vmem>>, vector<1x16xf32>,
        %swap3A_840 = vector.shape_cast %swap3A_839 : vector<1x16xf32> to vector<16xf32>
        %swap3A_841 = vector.shape_cast %mul3A_832 : vector<16xf32> to vector<1x16xf32>
        tpu.vector_store %arg12[%swap3A_837, %swap3A_838], %swap3A_841 {strides = array<i32>} : memref<80x64xf32, #tpu.memory_space<vmem>>, vector<1x16xf32>,
        %broadcast_in_dim3A_842 = arith.constant 9 : i32
        %broadcast_in_dim3A_843 = vector.broadcast %broadcast_in_dim3A_842 : i32 to vector<16xi32>
        %lt3A_844 = arith.constant 0 : i32
        %lt3A_845 = vector.broadcast %lt3A_844 : i32 to vector<16xi32>
        %lt3A_846 = arith.cmpi slt, %broadcast_in_dim3A_843, %lt3A_845 : vector<16xi32>
        %add3A_847 = arith.constant 16 : i32
        %add3A_848 = vector.broadcast %add3A_847 : i32 to vector<16xi32>
        %add3A_849 = arith.addi %broadcast_in_dim3A_843, %add3A_848 : vector<16xi32>
        %select_n3A_850 = arith.select %lt3A_846, %add3A_849, %broadcast_in_dim3A_843 : vector<16xi1>, vector<16xi32>
        %broadcast_in_dim3A_851 = vector.shape_cast %select_n3A_850 : vector<16xi32> to vector<16x1xi32>
        %gather3A_852 = vector.shape_cast %broadcast_in_dim3A_851 : vector<16x1xi32> to vector<16xi32>
        %gather3A_853 = tpu.dynamic_gather %get3A_89[%gather3A_852] in [0] : vector<16xf32>, vector<16xi32> -> vector<16xf32>
        %mul3A_854 = arith.constant 16 : i32
        %mul3A_855 = arith.muli %scan3A_83, %mul3A_854 : i32
        %add3A_856 = arith.constant 9 : i32
        %add3A_857 = arith.addi %mul3A_855, %add3A_856 : i32
        %get3A_858 = arith.index_cast %add3A_857 : i32 to index
        %get3A_859 = arith.constant 0 : index
        %get3A_860 = tpu.vector_load %arg12[%get3A_858, %get3A_859] {strides = array<i32>} : memref<80x64xf32, #tpu.memory_space<vmem>>, vector<1x16xf32>,
        %get3A_861 = vector.shape_cast %get3A_860 : vector<1x16xf32> to vector<16xf32>
        %mul3A_862 = arith.mulf %get3A_861, %gather3A_853 : vector<16xf32>
        %mul3A_863 = arith.constant 16 : i32
        %mul3A_864 = arith.muli %scan3A_83, %mul3A_863 : i32
        %add3A_865 = arith.constant 9 : i32
        %add3A_866 = arith.addi %mul3A_864, %add3A_865 : i32
        %swap3A_867 = arith.index_cast %add3A_866 : i32 to index
        %swap3A_868 = arith.constant 0 : index
        %swap3A_869 = tpu.vector_load %arg12[%swap3A_867, %swap3A_868] {strides = array<i32>} : memref<80x64xf32, #tpu.memory_space<vmem>>, vector<1x16xf32>,
        %swap3A_870 = vector.shape_cast %swap3A_869 : vector<1x16xf32> to vector<16xf32>
        %swap3A_871 = vector.shape_cast %mul3A_862 : vector<16xf32> to vector<1x16xf32>
        tpu.vector_store %arg12[%swap3A_867, %swap3A_868], %swap3A_871 {strides = array<i32>} : memref<80x64xf32, #tpu.memory_space<vmem>>, vector<1x16xf32>,
        %mul3A_872 = arith.constant 16 : i32
        %mul3A_873 = arith.muli %scan3A_83, %mul3A_872 : i32
        %add3A_874 = arith.constant 9 : i32
        %add3A_875 = arith.addi %mul3A_873, %add3A_874 : i32
        %get3A_876 = arith.index_cast %add3A_875 : i32 to index
        %get3A_877 = arith.constant 16 : index
        %get3A_878 = tpu.vector_load %arg12[%get3A_876, %get3A_877] {strides = array<i32>} : memref<80x64xf32, #tpu.memory_space<vmem>>, vector<1x16xf32>,
        %get3A_879 = vector.shape_cast %get3A_878 : vector<1x16xf32> to vector<16xf32>
        %mul3A_880 = arith.mulf %get3A_879, %gather3A_853 : vector<16xf32>
        %mul3A_881 = arith.constant 16 : i32
        %mul3A_882 = arith.muli %scan3A_83, %mul3A_881 : i32
        %add3A_883 = arith.constant 9 : i32
        %add3A_884 = arith.addi %mul3A_882, %add3A_883 : i32
        %swap3A_885 = arith.index_cast %add3A_884 : i32 to index
        %swap3A_886 = arith.constant 16 : index
        %swap3A_887 = tpu.vector_load %arg12[%swap3A_885, %swap3A_886] {strides = array<i32>} : memref<80x64xf32, #tpu.memory_space<vmem>>, vector<1x16xf32>,
        %swap3A_888 = vector.shape_cast %swap3A_887 : vector<1x16xf32> to vector<16xf32>
        %swap3A_889 = vector.shape_cast %mul3A_880 : vector<16xf32> to vector<1x16xf32>
        tpu.vector_store %arg12[%swap3A_885, %swap3A_886], %swap3A_889 {strides = array<i32>} : memref<80x64xf32, #tpu.memory_space<vmem>>, vector<1x16xf32>,
        %mul3A_890 = arith.constant 16 : i32
        %mul3A_891 = arith.muli %scan3A_83, %mul3A_890 : i32
        %add3A_892 = arith.constant 9 : i32
        %add3A_893 = arith.addi %mul3A_891, %add3A_892 : i32
        %get3A_894 = arith.index_cast %add3A_893 : i32 to index
        %get3A_895 = arith.constant 32 : index
        %get3A_896 = tpu.vector_load %arg12[%get3A_894, %get3A_895] {strides = array<i32>} : memref<80x64xf32, #tpu.memory_space<vmem>>, vector<1x16xf32>,
        %get3A_897 = vector.shape_cast %get3A_896 : vector<1x16xf32> to vector<16xf32>
        %mul3A_898 = arith.mulf %get3A_897, %gather3A_853 : vector<16xf32>
        %mul3A_899 = arith.constant 16 : i32
        %mul3A_900 = arith.muli %scan3A_83, %mul3A_899 : i32
        %add3A_901 = arith.constant 9 : i32
        %add3A_902 = arith.addi %mul3A_900, %add3A_901 : i32
        %swap3A_903 = arith.index_cast %add3A_902 : i32 to index
        %swap3A_904 = arith.constant 32 : index
        %swap3A_905 = tpu.vector_load %arg12[%swap3A_903, %swap3A_904] {strides = array<i32>} : memref<80x64xf32, #tpu.memory_space<vmem>>, vector<1x16xf32>,
        %swap3A_906 = vector.shape_cast %swap3A_905 : vector<1x16xf32> to vector<16xf32>
        %swap3A_907 = vector.shape_cast %mul3A_898 : vector<16xf32> to vector<1x16xf32>
        tpu.vector_store %arg12[%swap3A_903, %swap3A_904], %swap3A_907 {strides = array<i32>} : memref<80x64xf32, #tpu.memory_space<vmem>>, vector<1x16xf32>,
        %mul3A_908 = arith.constant 16 : i32
        %mul3A_909 = arith.muli %scan3A_83, %mul3A_908 : i32
        %add3A_910 = arith.constant 9 : i32
        %add3A_911 = arith.addi %mul3A_909, %add3A_910 : i32
        %get3A_912 = arith.index_cast %add3A_911 : i32 to index
        %get3A_913 = arith.constant 48 : index
        %get3A_914 = tpu.vector_load %arg12[%get3A_912, %get3A_913] {strides = array<i32>} : memref<80x64xf32, #tpu.memory_space<vmem>>, vector<1x16xf32>,
        %get3A_915 = vector.shape_cast %get3A_914 : vector<1x16xf32> to vector<16xf32>
        %mul3A_916 = arith.mulf %get3A_915, %gather3A_853 : vector<16xf32>
        %mul3A_917 = arith.constant 16 : i32
        %mul3A_918 = arith.muli %scan3A_83, %mul3A_917 : i32
        %add3A_919 = arith.constant 9 : i32
        %add3A_920 = arith.addi %mul3A_918, %add3A_919 : i32
        %swap3A_921 = arith.index_cast %add3A_920 : i32 to index
        %swap3A_922 = arith.constant 48 : index
        %swap3A_923 = tpu.vector_load %arg12[%swap3A_921, %swap3A_922] {strides = array<i32>} : memref<80x64xf32, #tpu.memory_space<vmem>>, vector<1x16xf32>,
        %swap3A_924 = vector.shape_cast %swap3A_923 : vector<1x16xf32> to vector<16xf32>
        %swap3A_925 = vector.shape_cast %mul3A_916 : vector<16xf32> to vector<1x16xf32>
        tpu.vector_store %arg12[%swap3A_921, %swap3A_922], %swap3A_925 {strides = array<i32>} : memref<80x64xf32, #tpu.memory_space<vmem>>, vector<1x16xf32>,
        %broadcast_in_dim3A_926 = arith.constant 10 : i32
        %broadcast_in_dim3A_927 = vector.broadcast %broadcast_in_dim3A_926 : i32 to vector<16xi32>
        %lt3A_928 = arith.constant 0 : i32
        %lt3A_929 = vector.broadcast %lt3A_928 : i32 to vector<16xi32>
        %lt3A_930 = arith.cmpi slt, %broadcast_in_dim3A_927, %lt3A_929 : vector<16xi32>
        %add3A_931 = arith.constant 16 : i32
        %add3A_932 = vector.broadcast %add3A_931 : i32 to vector<16xi32>
        %add3A_933 = arith.addi %broadcast_in_dim3A_927, %add3A_932 : vector<16xi32>
        %select_n3A_934 = arith.select %lt3A_930, %add3A_933, %broadcast_in_dim3A_927 : vector<16xi1>, vector<16xi32>
        %broadcast_in_dim3A_935 = vector.shape_cast %select_n3A_934 : vector<16xi32> to vector<16x1xi32>
        %gather3A_936 = vector.shape_cast %broadcast_in_dim3A_935 : vector<16x1xi32> to vector<16xi32>
        %gather3A_937 = tpu.dynamic_gather %get3A_89[%gather3A_936] in [0] : vector<16xf32>, vector<16xi32> -> vector<16xf32>
        %mul3A_938 = arith.constant 16 : i32
        %mul3A_939 = arith.muli %scan3A_83, %mul3A_938 : i32
        %add3A_940 = arith.constant 10 : i32
        %add3A_941 = arith.addi %mul3A_939, %add3A_940 : i32
        %get3A_942 = arith.index_cast %add3A_941 : i32 to index
        %get3A_943 = arith.constant 0 : index
        %get3A_944 = tpu.vector_load %arg12[%get3A_942, %get3A_943] {strides = array<i32>} : memref<80x64xf32, #tpu.memory_space<vmem>>, vector<1x16xf32>,
        %get3A_945 = vector.shape_cast %get3A_944 : vector<1x16xf32> to vector<16xf32>
        %mul3A_946 = arith.mulf %get3A_945, %gather3A_937 : vector<16xf32>
        %mul3A_947 = arith.constant 16 : i32
        %mul3A_948 = arith.muli %scan3A_83, %mul3A_947 : i32
        %add3A_949 = arith.constant 10 : i32
        %add3A_950 = arith.addi %mul3A_948, %add3A_949 : i32
        %swap3A_951 = arith.index_cast %add3A_950 : i32 to index
        %swap3A_952 = arith.constant 0 : index
        %swap3A_953 = tpu.vector_load %arg12[%swap3A_951, %swap3A_952] {strides = array<i32>} : memref<80x64xf32, #tpu.memory_space<vmem>>, vector<1x16xf32>,
        %swap3A_954 = vector.shape_cast %swap3A_953 : vector<1x16xf32> to vector<16xf32>
        %swap3A_955 = vector.shape_cast %mul3A_946 : vector<16xf32> to vector<1x16xf32>
        tpu.vector_store %arg12[%swap3A_951, %swap3A_952], %swap3A_955 {strides = array<i32>} : memref<80x64xf32, #tpu.memory_space<vmem>>, vector<1x16xf32>,
        %mul3A_956 = arith.constant 16 : i32
        %mul3A_957 = arith.muli %scan3A_83, %mul3A_956 : i32
        %add3A_958 = arith.constant 10 : i32
        %add3A_959 = arith.addi %mul3A_957, %add3A_958 : i32
        %get3A_960 = arith.index_cast %add3A_959 : i32 to index
        %get3A_961 = arith.constant 16 : index
        %get3A_962 = tpu.vector_load %arg12[%get3A_960, %get3A_961] {strides = array<i32>} : memref<80x64xf32, #tpu.memory_space<vmem>>, vector<1x16xf32>,
        %get3A_963 = vector.shape_cast %get3A_962 : vector<1x16xf32> to vector<16xf32>
        %mul3A_964 = arith.mulf %get3A_963, %gather3A_937 : vector<16xf32>
        %mul3A_965 = arith.constant 16 : i32
        %mul3A_966 = arith.muli %scan3A_83, %mul3A_965 : i32
        %add3A_967 = arith.constant 10 : i32
        %add3A_968 = arith.addi %mul3A_966, %add3A_967 : i32
        %swap3A_969 = arith.index_cast %add3A_968 : i32 to index
        %swap3A_970 = arith.constant 16 : index
        %swap3A_971 = tpu.vector_load %arg12[%swap3A_969, %swap3A_970] {strides = array<i32>} : memref<80x64xf32, #tpu.memory_space<vmem>>, vector<1x16xf32>,
        %swap3A_972 = vector.shape_cast %swap3A_971 : vector<1x16xf32> to vector<16xf32>
        %swap3A_973 = vector.shape_cast %mul3A_964 : vector<16xf32> to vector<1x16xf32>
        tpu.vector_store %arg12[%swap3A_969, %swap3A_970], %swap3A_973 {strides = array<i32>} : memref<80x64xf32, #tpu.memory_space<vmem>>, vector<1x16xf32>,
        %mul3A_974 = arith.constant 16 : i32
        %mul3A_975 = arith.muli %scan3A_83, %mul3A_974 : i32
        %add3A_976 = arith.constant 10 : i32
        %add3A_977 = arith.addi %mul3A_975, %add3A_976 : i32
        %get3A_978 = arith.index_cast %add3A_977 : i32 to index
        %get3A_979 = arith.constant 32 : index
        %get3A_980 = tpu.vector_load %arg12[%get3A_978, %get3A_979] {strides = array<i32>} : memref<80x64xf32, #tpu.memory_space<vmem>>, vector<1x16xf32>,
        %get3A_981 = vector.shape_cast %get3A_980 : vector<1x16xf32> to vector<16xf32>
        %mul3A_982 = arith.mulf %get3A_981, %gather3A_937 : vector<16xf32>
        %mul3A_983 = arith.constant 16 : i32
        %mul3A_984 = arith.muli %scan3A_83, %mul3A_983 : i32
        %add3A_985 = arith.constant 10 : i32
        %add3A_986 = arith.addi %mul3A_984, %add3A_985 : i32
        %swap3A_987 = arith.index_cast %add3A_986 : i32 to index
        %swap3A_988 = arith.constant 32 : index
        %swap3A_989 = tpu.vector_load %arg12[%swap3A_987, %swap3A_988] {strides = array<i32>} : memref<80x64xf32, #tpu.memory_space<vmem>>, vector<1x16xf32>,
        %swap3A_990 = vector.shape_cast %swap3A_989 : vector<1x16xf32> to vector<16xf32>
        %swap3A_991 = vector.shape_cast %mul3A_982 : vector<16xf32> to vector<1x16xf32>
        tpu.vector_store %arg12[%swap3A_987, %swap3A_988], %swap3A_991 {strides = array<i32>} : memref<80x64xf32, #tpu.memory_space<vmem>>, vector<1x16xf32>,
        %mul3A_992 = arith.constant 16 : i32
        %mul3A_993 = arith.muli %scan3A_83, %mul3A_992 : i32
        %add3A_994 = arith.constant 10 : i32
        %add3A_995 = arith.addi %mul3A_993, %add3A_994 : i32
        %get3A_996 = arith.index_cast %add3A_995 : i32 to index
        %get3A_997 = arith.constant 48 : index
        %get3A_998 = tpu.vector_load %arg12[%get3A_996, %get3A_997] {strides = array<i32>} : memref<80x64xf32, #tpu.memory_space<vmem>>, vector<1x16xf32>,
        %get3A_999 = vector.shape_cast %get3A_998 : vector<1x16xf32> to vector<16xf32>
        %mul3A_1000 = arith.mulf %get3A_999, %gather3A_937 : vector<16xf32>
        %mul3A_1001 = arith.constant 16 : i32
        %mul3A_1002 = arith.muli %scan3A_83, %mul3A_1001 : i32
        %add3A_1003 = arith.constant 10 : i32
        %add3A_1004 = arith.addi %mul3A_1002, %add3A_1003 : i32
        %swap3A_1005 = arith.index_cast %add3A_1004 : i32 to index
        %swap3A_1006 = arith.constant 48 : index
        %swap3A_1007 = tpu.vector_load %arg12[%swap3A_1005, %swap3A_1006] {strides = array<i32>} : memref<80x64xf32, #tpu.memory_space<vmem>>, vector<1x16xf32>,
        %swap3A_1008 = vector.shape_cast %swap3A_1007 : vector<1x16xf32> to vector<16xf32>
        %swap3A_1009 = vector.shape_cast %mul3A_1000 : vector<16xf32> to vector<1x16xf32>
        tpu.vector_store %arg12[%swap3A_1005, %swap3A_1006], %swap3A_1009 {strides = array<i32>} : memref<80x64xf32, #tpu.memory_space<vmem>>, vector<1x16xf32>,
        %broadcast_in_dim3A_1010 = arith.constant 11 : i32
        %broadcast_in_dim3A_1011 = vector.broadcast %broadcast_in_dim3A_1010 : i32 to vector<16xi32>
        %lt3A_1012 = arith.constant 0 : i32
        %lt3A_1013 = vector.broadcast %lt3A_1012 : i32 to vector<16xi32>
        %lt3A_1014 = arith.cmpi slt, %broadcast_in_dim3A_1011, %lt3A_1013 : vector<16xi32>
        %add3A_1015 = arith.constant 16 : i32
        %add3A_1016 = vector.broadcast %add3A_1015 : i32 to vector<16xi32>
        %add3A_1017 = arith.addi %broadcast_in_dim3A_1011, %add3A_1016 : vector<16xi32>
        %select_n3A_1018 = arith.select %lt3A_1014, %add3A_1017, %broadcast_in_dim3A_1011 : vector<16xi1>, vector<16xi32>
        %broadcast_in_dim3A_1019 = vector.shape_cast %select_n3A_1018 : vector<16xi32> to vector<16x1xi32>
        %gather3A_1020 = vector.shape_cast %broadcast_in_dim3A_1019 : vector<16x1xi32> to vector<16xi32>
        %gather3A_1021 = tpu.dynamic_gather %get3A_89[%gather3A_1020] in [0] : vector<16xf32>, vector<16xi32> -> vector<16xf32>
        %mul3A_1022 = arith.constant 16 : i32
        %mul3A_1023 = arith.muli %scan3A_83, %mul3A_1022 : i32
        %add3A_1024 = arith.constant 11 : i32
        %add3A_1025 = arith.addi %mul3A_1023, %add3A_1024 : i32
        %get3A_1026 = arith.index_cast %add3A_1025 : i32 to index
        %get3A_1027 = arith.constant 0 : index
        %get3A_1028 = tpu.vector_load %arg12[%get3A_1026, %get3A_1027] {strides = array<i32>} : memref<80x64xf32, #tpu.memory_space<vmem>>, vector<1x16xf32>,
        %get3A_1029 = vector.shape_cast %get3A_1028 : vector<1x16xf32> to vector<16xf32>
        %mul3A_1030 = arith.mulf %get3A_1029, %gather3A_1021 : vector<16xf32>
        %mul3A_1031 = arith.constant 16 : i32
        %mul3A_1032 = arith.muli %scan3A_83, %mul3A_1031 : i32
        %add3A_1033 = arith.constant 11 : i32
        %add3A_1034 = arith.addi %mul3A_1032, %add3A_1033 : i32
        %swap3A_1035 = arith.index_cast %add3A_1034 : i32 to index
        %swap3A_1036 = arith.constant 0 : index
        %swap3A_1037 = tpu.vector_load %arg12[%swap3A_1035, %swap3A_1036] {strides = array<i32>} : memref<80x64xf32, #tpu.memory_space<vmem>>, vector<1x16xf32>,
        %swap3A_1038 = vector.shape_cast %swap3A_1037 : vector<1x16xf32> to vector<16xf32>
        %swap3A_1039 = vector.shape_cast %mul3A_1030 : vector<16xf32> to vector<1x16xf32>
        tpu.vector_store %arg12[%swap3A_1035, %swap3A_1036], %swap3A_1039 {strides = array<i32>} : memref<80x64xf32, #tpu.memory_space<vmem>>, vector<1x16xf32>,
        %mul3A_1040 = arith.constant 16 : i32
        %mul3A_1041 = arith.muli %scan3A_83, %mul3A_1040 : i32
        %add3A_1042 = arith.constant 11 : i32
        %add3A_1043 = arith.addi %mul3A_1041, %add3A_1042 : i32
        %get3A_1044 = arith.index_cast %add3A_1043 : i32 to index
        %get3A_1045 = arith.constant 16 : index
        %get3A_1046 = tpu.vector_load %arg12[%get3A_1044, %get3A_1045] {strides = array<i32>} : memref<80x64xf32, #tpu.memory_space<vmem>>, vector<1x16xf32>,
        %get3A_1047 = vector.shape_cast %get3A_1046 : vector<1x16xf32> to vector<16xf32>
        %mul3A_1048 = arith.mulf %get3A_1047, %gather3A_1021 : vector<16xf32>
        %mul3A_1049 = arith.constant 16 : i32
        %mul3A_1050 = arith.muli %scan3A_83, %mul3A_1049 : i32
        %add3A_1051 = arith.constant 11 : i32
        %add3A_1052 = arith.addi %mul3A_1050, %add3A_1051 : i32
        %swap3A_1053 = arith.index_cast %add3A_1052 : i32 to index
        %swap3A_1054 = arith.constant 16 : index
        %swap3A_1055 = tpu.vector_load %arg12[%swap3A_1053, %swap3A_1054] {strides = array<i32>} : memref<80x64xf32, #tpu.memory_space<vmem>>, vector<1x16xf32>,
        %swap3A_1056 = vector.shape_cast %swap3A_1055 : vector<1x16xf32> to vector<16xf32>
        %swap3A_1057 = vector.shape_cast %mul3A_1048 : vector<16xf32> to vector<1x16xf32>
        tpu.vector_store %arg12[%swap3A_1053, %swap3A_1054], %swap3A_1057 {strides = array<i32>} : memref<80x64xf32, #tpu.memory_space<vmem>>, vector<1x16xf32>,
        %mul3A_1058 = arith.constant 16 : i32
        %mul3A_1059 = arith.muli %scan3A_83, %mul3A_1058 : i32
        %add3A_1060 = arith.constant 11 : i32
        %add3A_1061 = arith.addi %mul3A_1059, %add3A_1060 : i32
        %get3A_1062 = arith.index_cast %add3A_1061 : i32 to index
        %get3A_1063 = arith.constant 32 : index
        %get3A_1064 = tpu.vector_load %arg12[%get3A_1062, %get3A_1063] {strides = array<i32>} : memref<80x64xf32, #tpu.memory_space<vmem>>, vector<1x16xf32>,
        %get3A_1065 = vector.shape_cast %get3A_1064 : vector<1x16xf32> to vector<16xf32>
        %mul3A_1066 = arith.mulf %get3A_1065, %gather3A_1021 : vector<16xf32>
        %mul3A_1067 = arith.constant 16 : i32
        %mul3A_1068 = arith.muli %scan3A_83, %mul3A_1067 : i32
        %add3A_1069 = arith.constant 11 : i32
        %add3A_1070 = arith.addi %mul3A_1068, %add3A_1069 : i32
        %swap3A_1071 = arith.index_cast %add3A_1070 : i32 to index
        %swap3A_1072 = arith.constant 32 : index
        %swap3A_1073 = tpu.vector_load %arg12[%swap3A_1071, %swap3A_1072] {strides = array<i32>} : memref<80x64xf32, #tpu.memory_space<vmem>>, vector<1x16xf32>,
        %swap3A_1074 = vector.shape_cast %swap3A_1073 : vector<1x16xf32> to vector<16xf32>
        %swap3A_1075 = vector.shape_cast %mul3A_1066 : vector<16xf32> to vector<1x16xf32>
        tpu.vector_store %arg12[%swap3A_1071, %swap3A_1072], %swap3A_1075 {strides = array<i32>} : memref<80x64xf32, #tpu.memory_space<vmem>>, vector<1x16xf32>,
        %mul3A_1076 = arith.constant 16 : i32
        %mul3A_1077 = arith.muli %scan3A_83, %mul3A_1076 : i32
        %add3A_1078 = arith.constant 11 : i32
        %add3A_1079 = arith.addi %mul3A_1077, %add3A_1078 : i32
        %get3A_1080 = arith.index_cast %add3A_1079 : i32 to index
        %get3A_1081 = arith.constant 48 : index
        %get3A_1082 = tpu.vector_load %arg12[%get3A_1080, %get3A_1081] {strides = array<i32>} : memref<80x64xf32, #tpu.memory_space<vmem>>, vector<1x16xf32>,
        %get3A_1083 = vector.shape_cast %get3A_1082 : vector<1x16xf32> to vector<16xf32>
        %mul3A_1084 = arith.mulf %get3A_1083, %gather3A_1021 : vector<16xf32>
        %mul3A_1085 = arith.constant 16 : i32
        %mul3A_1086 = arith.muli %scan3A_83, %mul3A_1085 : i32
        %add3A_1087 = arith.constant 11 : i32
        %add3A_1088 = arith.addi %mul3A_1086, %add3A_1087 : i32
        %swap3A_1089 = arith.index_cast %add3A_1088 : i32 to index
        %swap3A_1090 = arith.constant 48 : index
        %swap3A_1091 = tpu.vector_load %arg12[%swap3A_1089, %swap3A_1090] {strides = array<i32>} : memref<80x64xf32, #tpu.memory_space<vmem>>, vector<1x16xf32>,
        %swap3A_1092 = vector.shape_cast %swap3A_1091 : vector<1x16xf32> to vector<16xf32>
        %swap3A_1093 = vector.shape_cast %mul3A_1084 : vector<16xf32> to vector<1x16xf32>
        tpu.vector_store %arg12[%swap3A_1089, %swap3A_1090], %swap3A_1093 {strides = array<i32>} : memref<80x64xf32, #tpu.memory_space<vmem>>, vector<1x16xf32>,
        %broadcast_in_dim3A_1094 = arith.constant 12 : i32
        %broadcast_in_dim3A_1095 = vector.broadcast %broadcast_in_dim3A_1094 : i32 to vector<16xi32>
        %lt3A_1096 = arith.constant 0 : i32
        %lt3A_1097 = vector.broadcast %lt3A_1096 : i32 to vector<16xi32>
        %lt3A_1098 = arith.cmpi slt, %broadcast_in_dim3A_1095, %lt3A_1097 : vector<16xi32>
        %add3A_1099 = arith.constant 16 : i32
        %add3A_1100 = vector.broadcast %add3A_1099 : i32 to vector<16xi32>
        %add3A_1101 = arith.addi %broadcast_in_dim3A_1095, %add3A_1100 : vector<16xi32>
        %select_n3A_1102 = arith.select %lt3A_1098, %add3A_1101, %broadcast_in_dim3A_1095 : vector<16xi1>, vector<16xi32>
        %broadcast_in_dim3A_1103 = vector.shape_cast %select_n3A_1102 : vector<16xi32> to vector<16x1xi32>
        %gather3A_1104 = vector.shape_cast %broadcast_in_dim3A_1103 : vector<16x1xi32> to vector<16xi32>
        %gather3A_1105 = tpu.dynamic_gather %get3A_89[%gather3A_1104] in [0] : vector<16xf32>, vector<16xi32> -> vector<16xf32>
        %mul3A_1106 = arith.constant 16 : i32
        %mul3A_1107 = arith.muli %scan3A_83, %mul3A_1106 : i32
        %add3A_1108 = arith.constant 12 : i32
        %add3A_1109 = arith.addi %mul3A_1107, %add3A_1108 : i32
        %get3A_1110 = arith.index_cast %add3A_1109 : i32 to index
        %get3A_1111 = arith.constant 0 : index
        %get3A_1112 = tpu.vector_load %arg12[%get3A_1110, %get3A_1111] {strides = array<i32>} : memref<80x64xf32, #tpu.memory_space<vmem>>, vector<1x16xf32>,
        %get3A_1113 = vector.shape_cast %get3A_1112 : vector<1x16xf32> to vector<16xf32>
        %mul3A_1114 = arith.mulf %get3A_1113, %gather3A_1105 : vector<16xf32>
        %mul3A_1115 = arith.constant 16 : i32
        %mul3A_1116 = arith.muli %scan3A_83, %mul3A_1115 : i32
        %add3A_1117 = arith.constant 12 : i32
        %add3A_1118 = arith.addi %mul3A_1116, %add3A_1117 : i32
        %swap3A_1119 = arith.index_cast %add3A_1118 : i32 to index
        %swap3A_1120 = arith.constant 0 : index
        %swap3A_1121 = tpu.vector_load %arg12[%swap3A_1119, %swap3A_1120] {strides = array<i32>} : memref<80x64xf32, #tpu.memory_space<vmem>>, vector<1x16xf32>,
        %swap3A_1122 = vector.shape_cast %swap3A_1121 : vector<1x16xf32> to vector<16xf32>
        %swap3A_1123 = vector.shape_cast %mul3A_1114 : vector<16xf32> to vector<1x16xf32>
        tpu.vector_store %arg12[%swap3A_1119, %swap3A_1120], %swap3A_1123 {strides = array<i32>} : memref<80x64xf32, #tpu.memory_space<vmem>>, vector<1x16xf32>,
        %mul3A_1124 = arith.constant 16 : i32
        %mul3A_1125 = arith.muli %scan3A_83, %mul3A_1124 : i32
        %add3A_1126 = arith.constant 12 : i32
        %add3A_1127 = arith.addi %mul3A_1125, %add3A_1126 : i32
        %get3A_1128 = arith.index_cast %add3A_1127 : i32 to index
        %get3A_1129 = arith.constant 16 : index
        %get3A_1130 = tpu.vector_load %arg12[%get3A_1128, %get3A_1129] {strides = array<i32>} : memref<80x64xf32, #tpu.memory_space<vmem>>, vector<1x16xf32>,
        %get3A_1131 = vector.shape_cast %get3A_1130 : vector<1x16xf32> to vector<16xf32>
        %mul3A_1132 = arith.mulf %get3A_1131, %gather3A_1105 : vector<16xf32>
        %mul3A_1133 = arith.constant 16 : i32
        %mul3A_1134 = arith.muli %scan3A_83, %mul3A_1133 : i32
        %add3A_1135 = arith.constant 12 : i32
        %add3A_1136 = arith.addi %mul3A_1134, %add3A_1135 : i32
        %swap3A_1137 = arith.index_cast %add3A_1136 : i32 to index
        %swap3A_1138 = arith.constant 16 : index
        %swap3A_1139 = tpu.vector_load %arg12[%swap3A_1137, %swap3A_1138] {strides = array<i32>} : memref<80x64xf32, #tpu.memory_space<vmem>>, vector<1x16xf32>,
        %swap3A_1140 = vector.shape_cast %swap3A_1139 : vector<1x16xf32> to vector<16xf32>
        %swap3A_1141 = vector.shape_cast %mul3A_1132 : vector<16xf32> to vector<1x16xf32>
        tpu.vector_store %arg12[%swap3A_1137, %swap3A_1138], %swap3A_1141 {strides = array<i32>} : memref<80x64xf32, #tpu.memory_space<vmem>>, vector<1x16xf32>,
        %mul3A_1142 = arith.constant 16 : i32
        %mul3A_1143 = arith.muli %scan3A_83, %mul3A_1142 : i32
        %add3A_1144 = arith.constant 12 : i32
        %add3A_1145 = arith.addi %mul3A_1143, %add3A_1144 : i32
        %get3A_1146 = arith.index_cast %add3A_1145 : i32 to index
        %get3A_1147 = arith.constant 32 : index
        %get3A_1148 = tpu.vector_load %arg12[%get3A_1146, %get3A_1147] {strides = array<i32>} : memref<80x64xf32, #tpu.memory_space<vmem>>, vector<1x16xf32>,
        %get3A_1149 = vector.shape_cast %get3A_1148 : vector<1x16xf32> to vector<16xf32>
        %mul3A_1150 = arith.mulf %get3A_1149, %gather3A_1105 : vector<16xf32>
        %mul3A_1151 = arith.constant 16 : i32
        %mul3A_1152 = arith.muli %scan3A_83, %mul3A_1151 : i32
        %add3A_1153 = arith.constant 12 : i32
        %add3A_1154 = arith.addi %mul3A_1152, %add3A_1153 : i32
        %swap3A_1155 = arith.index_cast %add3A_1154 : i32 to index
        %swap3A_1156 = arith.constant 32 : index
        %swap3A_1157 = tpu.vector_load %arg12[%swap3A_1155, %swap3A_1156] {strides = array<i32>} : memref<80x64xf32, #tpu.memory_space<vmem>>, vector<1x16xf32>,
        %swap3A_1158 = vector.shape_cast %swap3A_1157 : vector<1x16xf32> to vector<16xf32>
        %swap3A_1159 = vector.shape_cast %mul3A_1150 : vector<16xf32> to vector<1x16xf32>
        tpu.vector_store %arg12[%swap3A_1155, %swap3A_1156], %swap3A_1159 {strides = array<i32>} : memref<80x64xf32, #tpu.memory_space<vmem>>, vector<1x16xf32>,
        %mul3A_1160 = arith.constant 16 : i32
        %mul3A_1161 = arith.muli %scan3A_83, %mul3A_1160 : i32
        %add3A_1162 = arith.constant 12 : i32
        %add3A_1163 = arith.addi %mul3A_1161, %add3A_1162 : i32
        %get3A_1164 = arith.index_cast %add3A_1163 : i32 to index
        %get3A_1165 = arith.constant 48 : index
        %get3A_1166 = tpu.vector_load %arg12[%get3A_1164, %get3A_1165] {strides = array<i32>} : memref<80x64xf32, #tpu.memory_space<vmem>>, vector<1x16xf32>,
        %get3A_1167 = vector.shape_cast %get3A_1166 : vector<1x16xf32> to vector<16xf32>
        %mul3A_1168 = arith.mulf %get3A_1167, %gather3A_1105 : vector<16xf32>
        %mul3A_1169 = arith.constant 16 : i32
        %mul3A_1170 = arith.muli %scan3A_83, %mul3A_1169 : i32
        %add3A_1171 = arith.constant 12 : i32
        %add3A_1172 = arith.addi %mul3A_1170, %add3A_1171 : i32
        %swap3A_1173 = arith.index_cast %add3A_1172 : i32 to index
        %swap3A_1174 = arith.constant 48 : index
        %swap3A_1175 = tpu.vector_load %arg12[%swap3A_1173, %swap3A_1174] {strides = array<i32>} : memref<80x64xf32, #tpu.memory_space<vmem>>, vector<1x16xf32>,
        %swap3A_1176 = vector.shape_cast %swap3A_1175 : vector<1x16xf32> to vector<16xf32>
        %swap3A_1177 = vector.shape_cast %mul3A_1168 : vector<16xf32> to vector<1x16xf32>
        tpu.vector_store %arg12[%swap3A_1173, %swap3A_1174], %swap3A_1177 {strides = array<i32>} : memref<80x64xf32, #tpu.memory_space<vmem>>, vector<1x16xf32>,
        %broadcast_in_dim3A_1178 = arith.constant 13 : i32
        %broadcast_in_dim3A_1179 = vector.broadcast %broadcast_in_dim3A_1178 : i32 to vector<16xi32>
        %lt3A_1180 = arith.constant 0 : i32
        %lt3A_1181 = vector.broadcast %lt3A_1180 : i32 to vector<16xi32>
        %lt3A_1182 = arith.cmpi slt, %broadcast_in_dim3A_1179, %lt3A_1181 : vector<16xi32>
        %add3A_1183 = arith.constant 16 : i32
        %add3A_1184 = vector.broadcast %add3A_1183 : i32 to vector<16xi32>
        %add3A_1185 = arith.addi %broadcast_in_dim3A_1179, %add3A_1184 : vector<16xi32>
        %select_n3A_1186 = arith.select %lt3A_1182, %add3A_1185, %broadcast_in_dim3A_1179 : vector<16xi1>, vector<16xi32>
        %broadcast_in_dim3A_1187 = vector.shape_cast %select_n3A_1186 : vector<16xi32> to vector<16x1xi32>
        %gather3A_1188 = vector.shape_cast %broadcast_in_dim3A_1187 : vector<16x1xi32> to vector<16xi32>
        %gather3A_1189 = tpu.dynamic_gather %get3A_89[%gather3A_1188] in [0] : vector<16xf32>, vector<16xi32> -> vector<16xf32>
        %mul3A_1190 = arith.constant 16 : i32
        %mul3A_1191 = arith.muli %scan3A_83, %mul3A_1190 : i32
        %add3A_1192 = arith.constant 13 : i32
        %add3A_1193 = arith.addi %mul3A_1191, %add3A_1192 : i32
        %get3A_1194 = arith.index_cast %add3A_1193 : i32 to index
        %get3A_1195 = arith.constant 0 : index
        %get3A_1196 = tpu.vector_load %arg12[%get3A_1194, %get3A_1195] {strides = array<i32>} : memref<80x64xf32, #tpu.memory_space<vmem>>, vector<1x16xf32>,
        %get3A_1197 = vector.shape_cast %get3A_1196 : vector<1x16xf32> to vector<16xf32>
        %mul3A_1198 = arith.mulf %get3A_1197, %gather3A_1189 : vector<16xf32>
        %mul3A_1199 = arith.constant 16 : i32
        %mul3A_1200 = arith.muli %scan3A_83, %mul3A_1199 : i32
        %add3A_1201 = arith.constant 13 : i32
        %add3A_1202 = arith.addi %mul3A_1200, %add3A_1201 : i32
        %swap3A_1203 = arith.index_cast %add3A_1202 : i32 to index
        %swap3A_1204 = arith.constant 0 : index
        %swap3A_1205 = tpu.vector_load %arg12[%swap3A_1203, %swap3A_1204] {strides = array<i32>} : memref<80x64xf32, #tpu.memory_space<vmem>>, vector<1x16xf32>,
        %swap3A_1206 = vector.shape_cast %swap3A_1205 : vector<1x16xf32> to vector<16xf32>
        %swap3A_1207 = vector.shape_cast %mul3A_1198 : vector<16xf32> to vector<1x16xf32>
        tpu.vector_store %arg12[%swap3A_1203, %swap3A_1204], %swap3A_1207 {strides = array<i32>} : memref<80x64xf32, #tpu.memory_space<vmem>>, vector<1x16xf32>,
        %mul3A_1208 = arith.constant 16 : i32
        %mul3A_1209 = arith.muli %scan3A_83, %mul3A_1208 : i32
        %add3A_1210 = arith.constant 13 : i32
        %add3A_1211 = arith.addi %mul3A_1209, %add3A_1210 : i32
        %get3A_1212 = arith.index_cast %add3A_1211 : i32 to index
        %get3A_1213 = arith.constant 16 : index
        %get3A_1214 = tpu.vector_load %arg12[%get3A_1212, %get3A_1213] {strides = array<i32>} : memref<80x64xf32, #tpu.memory_space<vmem>>, vector<1x16xf32>,
        %get3A_1215 = vector.shape_cast %get3A_1214 : vector<1x16xf32> to vector<16xf32>
        %mul3A_1216 = arith.mulf %get3A_1215, %gather3A_1189 : vector<16xf32>
        %mul3A_1217 = arith.constant 16 : i32
        %mul3A_1218 = arith.muli %scan3A_83, %mul3A_1217 : i32
        %add3A_1219 = arith.constant 13 : i32
        %add3A_1220 = arith.addi %mul3A_1218, %add3A_1219 : i32
        %swap3A_1221 = arith.index_cast %add3A_1220 : i32 to index
        %swap3A_1222 = arith.constant 16 : index
        %swap3A_1223 = tpu.vector_load %arg12[%swap3A_1221, %swap3A_1222] {strides = array<i32>} : memref<80x64xf32, #tpu.memory_space<vmem>>, vector<1x16xf32>,
        %swap3A_1224 = vector.shape_cast %swap3A_1223 : vector<1x16xf32> to vector<16xf32>
        %swap3A_1225 = vector.shape_cast %mul3A_1216 : vector<16xf32> to vector<1x16xf32>
        tpu.vector_store %arg12[%swap3A_1221, %swap3A_1222], %swap3A_1225 {strides = array<i32>} : memref<80x64xf32, #tpu.memory_space<vmem>>, vector<1x16xf32>,
        %mul3A_1226 = arith.constant 16 : i32
        %mul3A_1227 = arith.muli %scan3A_83, %mul3A_1226 : i32
        %add3A_1228 = arith.constant 13 : i32
        %add3A_1229 = arith.addi %mul3A_1227, %add3A_1228 : i32
        %get3A_1230 = arith.index_cast %add3A_1229 : i32 to index
        %get3A_1231 = arith.constant 32 : index
        %get3A_1232 = tpu.vector_load %arg12[%get3A_1230, %get3A_1231] {strides = array<i32>} : memref<80x64xf32, #tpu.memory_space<vmem>>, vector<1x16xf32>,
        %get3A_1233 = vector.shape_cast %get3A_1232 : vector<1x16xf32> to vector<16xf32>
        %mul3A_1234 = arith.mulf %get3A_1233, %gather3A_1189 : vector<16xf32>
        %mul3A_1235 = arith.constant 16 : i32
        %mul3A_1236 = arith.muli %scan3A_83, %mul3A_1235 : i32
        %add3A_1237 = arith.constant 13 : i32
        %add3A_1238 = arith.addi %mul3A_1236, %add3A_1237 : i32
        %swap3A_1239 = arith.index_cast %add3A_1238 : i32 to index
        %swap3A_1240 = arith.constant 32 : index
        %swap3A_1241 = tpu.vector_load %arg12[%swap3A_1239, %swap3A_1240] {strides = array<i32>} : memref<80x64xf32, #tpu.memory_space<vmem>>, vector<1x16xf32>,
        %swap3A_1242 = vector.shape_cast %swap3A_1241 : vector<1x16xf32> to vector<16xf32>
        %swap3A_1243 = vector.shape_cast %mul3A_1234 : vector<16xf32> to vector<1x16xf32>
        tpu.vector_store %arg12[%swap3A_1239, %swap3A_1240], %swap3A_1243 {strides = array<i32>} : memref<80x64xf32, #tpu.memory_space<vmem>>, vector<1x16xf32>,
        %mul3A_1244 = arith.constant 16 : i32
        %mul3A_1245 = arith.muli %scan3A_83, %mul3A_1244 : i32
        %add3A_1246 = arith.constant 13 : i32
        %add3A_1247 = arith.addi %mul3A_1245, %add3A_1246 : i32
        %get3A_1248 = arith.index_cast %add3A_1247 : i32 to index
        %get3A_1249 = arith.constant 48 : index
        %get3A_1250 = tpu.vector_load %arg12[%get3A_1248, %get3A_1249] {strides = array<i32>} : memref<80x64xf32, #tpu.memory_space<vmem>>, vector<1x16xf32>,
        %get3A_1251 = vector.shape_cast %get3A_1250 : vector<1x16xf32> to vector<16xf32>
        %mul3A_1252 = arith.mulf %get3A_1251, %gather3A_1189 : vector<16xf32>
        %mul3A_1253 = arith.constant 16 : i32
        %mul3A_1254 = arith.muli %scan3A_83, %mul3A_1253 : i32
        %add3A_1255 = arith.constant 13 : i32
        %add3A_1256 = arith.addi %mul3A_1254, %add3A_1255 : i32
        %swap3A_1257 = arith.index_cast %add3A_1256 : i32 to index
        %swap3A_1258 = arith.constant 48 : index
        %swap3A_1259 = tpu.vector_load %arg12[%swap3A_1257, %swap3A_1258] {strides = array<i32>} : memref<80x64xf32, #tpu.memory_space<vmem>>, vector<1x16xf32>,
        %swap3A_1260 = vector.shape_cast %swap3A_1259 : vector<1x16xf32> to vector<16xf32>
        %swap3A_1261 = vector.shape_cast %mul3A_1252 : vector<16xf32> to vector<1x16xf32>
        tpu.vector_store %arg12[%swap3A_1257, %swap3A_1258], %swap3A_1261 {strides = array<i32>} : memref<80x64xf32, #tpu.memory_space<vmem>>, vector<1x16xf32>,
        %broadcast_in_dim3A_1262 = arith.constant 14 : i32
        %broadcast_in_dim3A_1263 = vector.broadcast %broadcast_in_dim3A_1262 : i32 to vector<16xi32>
        %lt3A_1264 = arith.constant 0 : i32
        %lt3A_1265 = vector.broadcast %lt3A_1264 : i32 to vector<16xi32>
        %lt3A_1266 = arith.cmpi slt, %broadcast_in_dim3A_1263, %lt3A_1265 : vector<16xi32>
        %add3A_1267 = arith.constant 16 : i32
        %add3A_1268 = vector.broadcast %add3A_1267 : i32 to vector<16xi32>
        %add3A_1269 = arith.addi %broadcast_in_dim3A_1263, %add3A_1268 : vector<16xi32>
        %select_n3A_1270 = arith.select %lt3A_1266, %add3A_1269, %broadcast_in_dim3A_1263 : vector<16xi1>, vector<16xi32>
        %broadcast_in_dim3A_1271 = vector.shape_cast %select_n3A_1270 : vector<16xi32> to vector<16x1xi32>
        %gather3A_1272 = vector.shape_cast %broadcast_in_dim3A_1271 : vector<16x1xi32> to vector<16xi32>
        %gather3A_1273 = tpu.dynamic_gather %get3A_89[%gather3A_1272] in [0] : vector<16xf32>, vector<16xi32> -> vector<16xf32>
        %mul3A_1274 = arith.constant 16 : i32
        %mul3A_1275 = arith.muli %scan3A_83, %mul3A_1274 : i32
        %add3A_1276 = arith.constant 14 : i32
        %add3A_1277 = arith.addi %mul3A_1275, %add3A_1276 : i32
        %get3A_1278 = arith.index_cast %add3A_1277 : i32 to index
        %get3A_1279 = arith.constant 0 : index
        %get3A_1280 = tpu.vector_load %arg12[%get3A_1278, %get3A_1279] {strides = array<i32>} : memref<80x64xf32, #tpu.memory_space<vmem>>, vector<1x16xf32>,
        %get3A_1281 = vector.shape_cast %get3A_1280 : vector<1x16xf32> to vector<16xf32>
        %mul3A_1282 = arith.mulf %get3A_1281, %gather3A_1273 : vector<16xf32>
        %mul3A_1283 = arith.constant 16 : i32
        %mul3A_1284 = arith.muli %scan3A_83, %mul3A_1283 : i32
        %add3A_1285 = arith.constant 14 : i32
        %add3A_1286 = arith.addi %mul3A_1284, %add3A_1285 : i32
        %swap3A_1287 = arith.index_cast %add3A_1286 : i32 to index
        %swap3A_1288 = arith.constant 0 : index
        %swap3A_1289 = tpu.vector_load %arg12[%swap3A_1287, %swap3A_1288] {strides = array<i32>} : memref<80x64xf32, #tpu.memory_space<vmem>>, vector<1x16xf32>,
        %swap3A_1290 = vector.shape_cast %swap3A_1289 : vector<1x16xf32> to vector<16xf32>
        %swap3A_1291 = vector.shape_cast %mul3A_1282 : vector<16xf32> to vector<1x16xf32>
        tpu.vector_store %arg12[%swap3A_1287, %swap3A_1288], %swap3A_1291 {strides = array<i32>} : memref<80x64xf32, #tpu.memory_space<vmem>>, vector<1x16xf32>,
        %mul3A_1292 = arith.constant 16 : i32
        %mul3A_1293 = arith.muli %scan3A_83, %mul3A_1292 : i32
        %add3A_1294 = arith.constant 14 : i32
        %add3A_1295 = arith.addi %mul3A_1293, %add3A_1294 : i32
        %get3A_1296 = arith.index_cast %add3A_1295 : i32 to index
        %get3A_1297 = arith.constant 16 : index
        %get3A_1298 = tpu.vector_load %arg12[%get3A_1296, %get3A_1297] {strides = array<i32>} : memref<80x64xf32, #tpu.memory_space<vmem>>, vector<1x16xf32>,
        %get3A_1299 = vector.shape_cast %get3A_1298 : vector<1x16xf32> to vector<16xf32>
        %mul3A_1300 = arith.mulf %get3A_1299, %gather3A_1273 : vector<16xf32>
        %mul3A_1301 = arith.constant 16 : i32
        %mul3A_1302 = arith.muli %scan3A_83, %mul3A_1301 : i32
        %add3A_1303 = arith.constant 14 : i32
        %add3A_1304 = arith.addi %mul3A_1302, %add3A_1303 : i32
        %swap3A_1305 = arith.index_cast %add3A_1304 : i32 to index
        %swap3A_1306 = arith.constant 16 : index
        %swap3A_1307 = tpu.vector_load %arg12[%swap3A_1305, %swap3A_1306] {strides = array<i32>} : memref<80x64xf32, #tpu.memory_space<vmem>>, vector<1x16xf32>,
        %swap3A_1308 = vector.shape_cast %swap3A_1307 : vector<1x16xf32> to vector<16xf32>
        %swap3A_1309 = vector.shape_cast %mul3A_1300 : vector<16xf32> to vector<1x16xf32>
        tpu.vector_store %arg12[%swap3A_1305, %swap3A_1306], %swap3A_1309 {strides = array<i32>} : memref<80x64xf32, #tpu.memory_space<vmem>>, vector<1x16xf32>,
        %mul3A_1310 = arith.constant 16 : i32
        %mul3A_1311 = arith.muli %scan3A_83, %mul3A_1310 : i32
        %add3A_1312 = arith.constant 14 : i32
        %add3A_1313 = arith.addi %mul3A_1311, %add3A_1312 : i32
        %get3A_1314 = arith.index_cast %add3A_1313 : i32 to index
        %get3A_1315 = arith.constant 32 : index
        %get3A_1316 = tpu.vector_load %arg12[%get3A_1314, %get3A_1315] {strides = array<i32>} : memref<80x64xf32, #tpu.memory_space<vmem>>, vector<1x16xf32>,
        %get3A_1317 = vector.shape_cast %get3A_1316 : vector<1x16xf32> to vector<16xf32>
        %mul3A_1318 = arith.mulf %get3A_1317, %gather3A_1273 : vector<16xf32>
        %mul3A_1319 = arith.constant 16 : i32
        %mul3A_1320 = arith.muli %scan3A_83, %mul3A_1319 : i32
        %add3A_1321 = arith.constant 14 : i32
        %add3A_1322 = arith.addi %mul3A_1320, %add3A_1321 : i32
        %swap3A_1323 = arith.index_cast %add3A_1322 : i32 to index
        %swap3A_1324 = arith.constant 32 : index
        %swap3A_1325 = tpu.vector_load %arg12[%swap3A_1323, %swap3A_1324] {strides = array<i32>} : memref<80x64xf32, #tpu.memory_space<vmem>>, vector<1x16xf32>,
        %swap3A_1326 = vector.shape_cast %swap3A_1325 : vector<1x16xf32> to vector<16xf32>
        %swap3A_1327 = vector.shape_cast %mul3A_1318 : vector<16xf32> to vector<1x16xf32>
        tpu.vector_store %arg12[%swap3A_1323, %swap3A_1324], %swap3A_1327 {strides = array<i32>} : memref<80x64xf32, #tpu.memory_space<vmem>>, vector<1x16xf32>,
        %mul3A_1328 = arith.constant 16 : i32
        %mul3A_1329 = arith.muli %scan3A_83, %mul3A_1328 : i32
        %add3A_1330 = arith.constant 14 : i32
        %add3A_1331 = arith.addi %mul3A_1329, %add3A_1330 : i32
        %get3A_1332 = arith.index_cast %add3A_1331 : i32 to index
        %get3A_1333 = arith.constant 48 : index
        %get3A_1334 = tpu.vector_load %arg12[%get3A_1332, %get3A_1333] {strides = array<i32>} : memref<80x64xf32, #tpu.memory_space<vmem>>, vector<1x16xf32>,
        %get3A_1335 = vector.shape_cast %get3A_1334 : vector<1x16xf32> to vector<16xf32>
        %mul3A_1336 = arith.mulf %get3A_1335, %gather3A_1273 : vector<16xf32>
        %mul3A_1337 = arith.constant 16 : i32
        %mul3A_1338 = arith.muli %scan3A_83, %mul3A_1337 : i32
        %add3A_1339 = arith.constant 14 : i32
        %add3A_1340 = arith.addi %mul3A_1338, %add3A_1339 : i32
        %swap3A_1341 = arith.index_cast %add3A_1340 : i32 to index
        %swap3A_1342 = arith.constant 48 : index
        %swap3A_1343 = tpu.vector_load %arg12[%swap3A_1341, %swap3A_1342] {strides = array<i32>} : memref<80x64xf32, #tpu.memory_space<vmem>>, vector<1x16xf32>,
        %swap3A_1344 = vector.shape_cast %swap3A_1343 : vector<1x16xf32> to vector<16xf32>
        %swap3A_1345 = vector.shape_cast %mul3A_1336 : vector<16xf32> to vector<1x16xf32>
        tpu.vector_store %arg12[%swap3A_1341, %swap3A_1342], %swap3A_1345 {strides = array<i32>} : memref<80x64xf32, #tpu.memory_space<vmem>>, vector<1x16xf32>,
        %broadcast_in_dim3A_1346 = arith.constant 15 : i32
        %broadcast_in_dim3A_1347 = vector.broadcast %broadcast_in_dim3A_1346 : i32 to vector<16xi32>
        %lt3A_1348 = arith.constant 0 : i32
        %lt3A_1349 = vector.broadcast %lt3A_1348 : i32 to vector<16xi32>
        %lt3A_1350 = arith.cmpi slt, %broadcast_in_dim3A_1347, %lt3A_1349 : vector<16xi32>
        %add3A_1351 = arith.constant 16 : i32
        %add3A_1352 = vector.broadcast %add3A_1351 : i32 to vector<16xi32>
        %add3A_1353 = arith.addi %broadcast_in_dim3A_1347, %add3A_1352 : vector<16xi32>
        %select_n3A_1354 = arith.select %lt3A_1350, %add3A_1353, %broadcast_in_dim3A_1347 : vector<16xi1>, vector<16xi32>
        %broadcast_in_dim3A_1355 = vector.shape_cast %select_n3A_1354 : vector<16xi32> to vector<16x1xi32>
        %gather3A_1356 = vector.shape_cast %broadcast_in_dim3A_1355 : vector<16x1xi32> to vector<16xi32>
        %gather3A_1357 = tpu.dynamic_gather %get3A_89[%gather3A_1356] in [0] : vector<16xf32>, vector<16xi32> -> vector<16xf32>
        %mul3A_1358 = arith.constant 16 : i32
        %mul3A_1359 = arith.muli %scan3A_83, %mul3A_1358 : i32
        %add3A_1360 = arith.constant 15 : i32
        %add3A_1361 = arith.addi %mul3A_1359, %add3A_1360 : i32
        %get3A_1362 = arith.index_cast %add3A_1361 : i32 to index
        %get3A_1363 = arith.constant 0 : index
        %get3A_1364 = tpu.vector_load %arg12[%get3A_1362, %get3A_1363] {strides = array<i32>} : memref<80x64xf32, #tpu.memory_space<vmem>>, vector<1x16xf32>,
        %get3A_1365 = vector.shape_cast %get3A_1364 : vector<1x16xf32> to vector<16xf32>
        %mul3A_1366 = arith.mulf %get3A_1365, %gather3A_1357 : vector<16xf32>
        %mul3A_1367 = arith.constant 16 : i32
        %mul3A_1368 = arith.muli %scan3A_83, %mul3A_1367 : i32
        %add3A_1369 = arith.constant 15 : i32
        %add3A_1370 = arith.addi %mul3A_1368, %add3A_1369 : i32
        %swap3A_1371 = arith.index_cast %add3A_1370 : i32 to index
        %swap3A_1372 = arith.constant 0 : index
        %swap3A_1373 = tpu.vector_load %arg12[%swap3A_1371, %swap3A_1372] {strides = array<i32>} : memref<80x64xf32, #tpu.memory_space<vmem>>, vector<1x16xf32>,
        %swap3A_1374 = vector.shape_cast %swap3A_1373 : vector<1x16xf32> to vector<16xf32>
        %swap3A_1375 = vector.shape_cast %mul3A_1366 : vector<16xf32> to vector<1x16xf32>
        tpu.vector_store %arg12[%swap3A_1371, %swap3A_1372], %swap3A_1375 {strides = array<i32>} : memref<80x64xf32, #tpu.memory_space<vmem>>, vector<1x16xf32>,
        %mul3A_1376 = arith.constant 16 : i32
        %mul3A_1377 = arith.muli %scan3A_83, %mul3A_1376 : i32
        %add3A_1378 = arith.constant 15 : i32
        %add3A_1379 = arith.addi %mul3A_1377, %add3A_1378 : i32
        %get3A_1380 = arith.index_cast %add3A_1379 : i32 to index
        %get3A_1381 = arith.constant 16 : index
        %get3A_1382 = tpu.vector_load %arg12[%get3A_1380, %get3A_1381] {strides = array<i32>} : memref<80x64xf32, #tpu.memory_space<vmem>>, vector<1x16xf32>,
        %get3A_1383 = vector.shape_cast %get3A_1382 : vector<1x16xf32> to vector<16xf32>
        %mul3A_1384 = arith.mulf %get3A_1383, %gather3A_1357 : vector<16xf32>
        %mul3A_1385 = arith.constant 16 : i32
        %mul3A_1386 = arith.muli %scan3A_83, %mul3A_1385 : i32
        %add3A_1387 = arith.constant 15 : i32
        %add3A_1388 = arith.addi %mul3A_1386, %add3A_1387 : i32
        %swap3A_1389 = arith.index_cast %add3A_1388 : i32 to index
        %swap3A_1390 = arith.constant 16 : index
        %swap3A_1391 = tpu.vector_load %arg12[%swap3A_1389, %swap3A_1390] {strides = array<i32>} : memref<80x64xf32, #tpu.memory_space<vmem>>, vector<1x16xf32>,
        %swap3A_1392 = vector.shape_cast %swap3A_1391 : vector<1x16xf32> to vector<16xf32>
        %swap3A_1393 = vector.shape_cast %mul3A_1384 : vector<16xf32> to vector<1x16xf32>
        tpu.vector_store %arg12[%swap3A_1389, %swap3A_1390], %swap3A_1393 {strides = array<i32>} : memref<80x64xf32, #tpu.memory_space<vmem>>, vector<1x16xf32>,
        %mul3A_1394 = arith.constant 16 : i32
        %mul3A_1395 = arith.muli %scan3A_83, %mul3A_1394 : i32
        %add3A_1396 = arith.constant 15 : i32
        %add3A_1397 = arith.addi %mul3A_1395, %add3A_1396 : i32
        %get3A_1398 = arith.index_cast %add3A_1397 : i32 to index
        %get3A_1399 = arith.constant 32 : index
        %get3A_1400 = tpu.vector_load %arg12[%get3A_1398, %get3A_1399] {strides = array<i32>} : memref<80x64xf32, #tpu.memory_space<vmem>>, vector<1x16xf32>,
        %get3A_1401 = vector.shape_cast %get3A_1400 : vector<1x16xf32> to vector<16xf32>
        %mul3A_1402 = arith.mulf %get3A_1401, %gather3A_1357 : vector<16xf32>
        %mul3A_1403 = arith.constant 16 : i32
        %mul3A_1404 = arith.muli %scan3A_83, %mul3A_1403 : i32
        %add3A_1405 = arith.constant 15 : i32
        %add3A_1406 = arith.addi %mul3A_1404, %add3A_1405 : i32
        %swap3A_1407 = arith.index_cast %add3A_1406 : i32 to index
        %swap3A_1408 = arith.constant 32 : index
        %swap3A_1409 = tpu.vector_load %arg12[%swap3A_1407, %swap3A_1408] {strides = array<i32>} : memref<80x64xf32, #tpu.memory_space<vmem>>, vector<1x16xf32>,
        %swap3A_1410 = vector.shape_cast %swap3A_1409 : vector<1x16xf32> to vector<16xf32>
        %swap3A_1411 = vector.shape_cast %mul3A_1402 : vector<16xf32> to vector<1x16xf32>
        tpu.vector_store %arg12[%swap3A_1407, %swap3A_1408], %swap3A_1411 {strides = array<i32>} : memref<80x64xf32, #tpu.memory_space<vmem>>, vector<1x16xf32>,
        %mul3A_1412 = arith.constant 16 : i32
        %mul3A_1413 = arith.muli %scan3A_83, %mul3A_1412 : i32
        %add3A_1414 = arith.constant 15 : i32
        %add3A_1415 = arith.addi %mul3A_1413, %add3A_1414 : i32
        %get3A_1416 = arith.index_cast %add3A_1415 : i32 to index
        %get3A_1417 = arith.constant 48 : index
        %get3A_1418 = tpu.vector_load %arg12[%get3A_1416, %get3A_1417] {strides = array<i32>} : memref<80x64xf32, #tpu.memory_space<vmem>>, vector<1x16xf32>,
        %get3A_1419 = vector.shape_cast %get3A_1418 : vector<1x16xf32> to vector<16xf32>
        %mul3A_1420 = arith.mulf %get3A_1419, %gather3A_1357 : vector<16xf32>
        %mul3A_1421 = arith.constant 16 : i32
        %mul3A_1422 = arith.muli %scan3A_83, %mul3A_1421 : i32
        %add3A_1423 = arith.constant 15 : i32
        %add3A_1424 = arith.addi %mul3A_1422, %add3A_1423 : i32
        %swap3A_1425 = arith.index_cast %add3A_1424 : i32 to index
        %swap3A_1426 = arith.constant 48 : index
        %swap3A_1427 = tpu.vector_load %arg12[%swap3A_1425, %swap3A_1426] {strides = array<i32>} : memref<80x64xf32, #tpu.memory_space<vmem>>, vector<1x16xf32>,
        %swap3A_1428 = vector.shape_cast %swap3A_1427 : vector<1x16xf32> to vector<16xf32>
        %swap3A_1429 = vector.shape_cast %mul3A_1420 : vector<16xf32> to vector<1x16xf32>
        tpu.vector_store %arg12[%swap3A_1425, %swap3A_1426], %swap3A_1429 {strides = array<i32>} : memref<80x64xf32, #tpu.memory_space<vmem>>, vector<1x16xf32>,
        %scan3A_1430 = arith.constant 0 : i32
        scf.yield %scan3A_1430 : i32
      }
      %scan3A_81 = arith.constant 5 : i32
      "tpu.region"() ({
        %run_scoped3A = tpu.sem_alloc : memref<!tpu.dma_semaphore, #tpu.memory_space<semaphore_mem>>
        %dma_start3A_83 = arith.constant 0 : i32
        %dma_start3A_84 = tpu.memref_slice %arg9[%add3A_57, %dma_start3A_83] : memref<250x80xi32, #tpu.memory_space<vmem>> -> memref<1x80xi32, #tpu.memory_space<vmem>>
        %dma_start3A_85 = tpu.memref_squeeze %dma_start3A_84 : memref<1x80xi32, #tpu.memory_space<vmem>> -> memref<80xi32, #tpu.memory_space<vmem>>
        %dma_start3A_86 = arith.constant 0 : i32
        %dma_start3A_87 = arith.constant 0 : i32
        %dma_start3A_88 = tpu.memref_slice %arg13[%dma_start3A_86, %dma_start3A_87] : memref<10000x64xf32, #tpu.memory_space<vmem_shared>> -> memref<10000x64xf32, #tpu.memory_space<vmem_shared>>
        tpu.enqueue_indirect_dma source(%arg12 : memref<80x64xf32, #tpu.memory_space<vmem>>) target(%dma_start3A_88 : memref<10000x64xf32, #tpu.memory_space<vmem_shared>>) offsets(%dma_start3A_85 : memref<80xi32, #tpu.memory_space<vmem>>) semaphore(%run_scoped3A : memref<!tpu.dma_semaphore, #tpu.memory_space<semaphore_mem>>) {add = true}
        %dma_wait3A_89 = arith.constant 0 : i32
        %dma_wait3A_90 = tpu.memref_slice %arg9[%add3A_57, %dma_wait3A_89] : memref<250x80xi32, #tpu.memory_space<vmem>> -> memref<1x80xi32, #tpu.memory_space<vmem>>
        %dma_wait3A_91 = tpu.memref_squeeze %dma_wait3A_90 : memref<1x80xi32, #tpu.memory_space<vmem>> -> memref<80xi32, #tpu.memory_space<vmem>>
        %dma_wait3A_92 = arith.constant 0 : i32
        %dma_wait3A_93 = arith.constant 0 : i32
        %dma_wait3A_94 = tpu.memref_slice %arg13[%dma_wait3A_92, %dma_wait3A_93] : memref<10000x64xf32, #tpu.memory_space<vmem_shared>> -> memref<10000x64xf32, #tpu.memory_space<vmem_shared>>
        tpu.wait_indirect_dma semaphore(%run_scoped3A : memref<!tpu.dma_semaphore, #tpu.memory_space<semaphore_mem>>) src(%arg12 : memref<80x64xf32, #tpu.memory_space<vmem>>) dst(%dma_wait3A_94 : memref<10000x64xf32, #tpu.memory_space<vmem_shared>>)
        tpu.yield
      }) : () -> ()
      %scan3A_82 = arith.constant 0 : i32
      scf.yield %scan3A_82 : i32
    }
    %scan3A_18 = arith.constant 125 : i32
    %barrier3A_19 = arith.constant 0 : index
    tpu.barrier barrier_id(%barrier3A_19)
    %mul3A_20 = arith.constant 624 : i32
    %mul3A_21 = arith.muli %arg1, %mul3A_20 : i32
    "tpu.region"() ({
      %run_scoped3A = tpu.sem_alloc : memref<!tpu.dma_semaphore, #tpu.memory_space<semaphore_mem>>
      %dma_start3A_27 = arith.constant 0 : i32
      %dma_start3A_28 = tpu.memref_slice %arg7[%arg0, %mul3A_21, %dma_start3A_27] : memref<2x10000x64xf32, #tpu.memory_space<hbm>> -> memref<1x624x64xf32, #tpu.memory_space<hbm>>
      %dma_start3A_29 = tpu.memref_squeeze %dma_start3A_28 : memref<1x624x64xf32, #tpu.memory_space<hbm>> -> memref<624x64xf32, #tpu.memory_space<hbm>>
      %dma_start3A_30 = arith.constant 0 : i32
      %dma_start3A_31 = tpu.memref_slice %arg13[%mul3A_21, %dma_start3A_30] : memref<10000x64xf32, #tpu.memory_space<vmem_shared>> -> memref<624x64xf32, #tpu.memory_space<vmem_shared>>
      tpu.enqueue_dma source(%dma_start3A_31 : memref<624x64xf32, #tpu.memory_space<vmem_shared>>) target(%dma_start3A_29 : memref<624x64xf32, #tpu.memory_space<hbm>>) target_semaphore(%run_scoped3A : memref<!tpu.dma_semaphore, #tpu.memory_space<semaphore_mem>>)
      %dma_wait3A = arith.constant 0 : i32
      %dma_wait3A_32 = tpu.memref_slice %arg7[%arg0, %mul3A_21, %dma_wait3A] : memref<2x10000x64xf32, #tpu.memory_space<hbm>> -> memref<1x624x64xf32, #tpu.memory_space<hbm>>
      %dma_wait3A_33 = tpu.memref_squeeze %dma_wait3A_32 : memref<1x624x64xf32, #tpu.memory_space<hbm>> -> memref<624x64xf32, #tpu.memory_space<hbm>>
      %dma_wait3A_34 = arith.constant 0 : i32
      %dma_wait3A_35 = tpu.memref_slice %arg13[%mul3A_21, %dma_wait3A_34] : memref<10000x64xf32, #tpu.memory_space<vmem_shared>> -> memref<624x64xf32, #tpu.memory_space<vmem_shared>>
      tpu.wait_dma2 semaphore(%run_scoped3A : memref<!tpu.dma_semaphore, #tpu.memory_space<semaphore_mem>>) src(%dma_wait3A_35 : memref<624x64xf32, #tpu.memory_space<vmem_shared>>) dst(%dma_wait3A_33 : memref<624x64xf32, #tpu.memory_space<hbm>>)
      tpu.yield
    }) : () -> ()
    %eq3A_22 = arith.constant 15 : i32
    %eq3A_23 = arith.cmpi eq, %arg1, %eq3A_22 : i32
    %convert_element_type3A_24 = arith.extui %eq3A_23 : i1 to i32
    %cond3A_25 = arith.constant 0 : i32
    %cond3A_26 = arith.cmpi ne, %convert_element_type3A_24, %cond3A_25 : i32
    scf.if %cond3A_26 {
      "tpu.region"() ({
        %run_scoped3A = tpu.sem_alloc : memref<!tpu.dma_semaphore, #tpu.memory_space<semaphore_mem>>
        %dma_start3A_27 = arith.constant 9984 : i32
        %dma_start3A_28 = arith.constant 0 : i32
        %dma_start3A_29 = tpu.memref_slice %arg7[%arg0, %dma_start3A_27, %dma_start3A_28] : memref<2x10000x64xf32, #tpu.memory_space<hbm>> -> memref<1x16x64xf32, #tpu.memory_space<hbm>>
        %dma_start3A_30 = tpu.memref_squeeze %dma_start3A_29 : memref<1x16x64xf32, #tpu.memory_space<hbm>> -> memref<16x64xf32, #tpu.memory_space<hbm>>
        %dma_start3A_31 = arith.constant 9984 : i32
        %dma_start3A_32 = arith.constant 0 : i32
        %dma_start3A_33 = tpu.memref_slice %arg13[%dma_start3A_31, %dma_start3A_32] : memref<10000x64xf32, #tpu.memory_space<vmem_shared>> -> memref<16x64xf32, #tpu.memory_space<vmem_shared>>
        tpu.enqueue_dma source(%dma_start3A_33 : memref<16x64xf32, #tpu.memory_space<vmem_shared>>) target(%dma_start3A_30 : memref<16x64xf32, #tpu.memory_space<hbm>>) target_semaphore(%run_scoped3A : memref<!tpu.dma_semaphore, #tpu.memory_space<semaphore_mem>>)
        %dma_wait3A = arith.constant 9984 : i32
        %dma_wait3A_34 = arith.constant 0 : i32
        %dma_wait3A_35 = tpu.memref_slice %arg7[%arg0, %dma_wait3A, %dma_wait3A_34] : memref<2x10000x64xf32, #tpu.memory_space<hbm>> -> memref<1x16x64xf32, #tpu.memory_space<hbm>>
        %dma_wait3A_36 = tpu.memref_squeeze %dma_wait3A_35 : memref<1x16x64xf32, #tpu.memory_space<hbm>> -> memref<16x64xf32, #tpu.memory_space<hbm>>
        %dma_wait3A_37 = arith.constant 9984 : i32
        %dma_wait3A_38 = arith.constant 0 : i32
        %dma_wait3A_39 = tpu.memref_slice %arg13[%dma_wait3A_37, %dma_wait3A_38] : memref<10000x64xf32, #tpu.memory_space<vmem_shared>> -> memref<16x64xf32, #tpu.memory_space<vmem_shared>>
        tpu.wait_dma2 semaphore(%run_scoped3A : memref<!tpu.dma_semaphore, #tpu.memory_space<semaphore_mem>>) src(%dma_wait3A_39 : memref<16x64xf32, #tpu.memory_space<vmem_shared>>) dst(%dma_wait3A_36 : memref<16x64xf32, #tpu.memory_space<hbm>>)
        tpu.yield
      }) : () -> ()
    } else {
    }
    return
  }
}

module attributes {stable_mosaic.version = 14 : i64} {
  func.func @_mm_body(%arg0: i32, %arg1: memref<1000x128xf32, #tpu.memory_space<vmem>>, %arg2: memref<128x128xf32, #tpu.memory_space<vmem>>, %arg3: memref<2x1000x64xf32, #tpu.memory_space<vmem>>) attributes {dimension_semantics = [#tpu.dimension_semantics<arbitrary>], iteration_bounds = array<i64: 10>, scalar_prefetch = 0 : i64, scratch_operands = 0 : i64, tpu.core_type = #tpu.core_type<tc>, window_params = [{transform_indices = @transform_0, window_bounds = array<i64: 1000, 128>}, {pipeline_mode = #tpu.pipeline_mode<synchronous>, transform_indices = @transform_1, window_bounds = array<i64: 128, 128>}, {transform_indices = @transform_2, window_bounds = array<i64: 2, 1000, 64>}]} {
    %get3A = arith.constant 0 : index
    %get3A_0 = arith.constant 0 : index
    %get3A_1 = vector.load %arg1[%get3A, %get3A_0] : memref<1000x128xf32, #tpu.memory_space<vmem>>, vector<1000x128xf32>
    %get3A_2 = arith.constant 0 : index
    %get3A_3 = arith.constant 0 : index
    %get3A_4 = vector.load %arg2[%get3A_2, %get3A_3] : memref<128x128xf32, #tpu.memory_space<vmem>>, vector<128x128xf32>
    %dot_general3A = arith.constant dense<0.000000e+00> : vector<1000x128xf32>
    %dot_general3A_5 = tpu.matmul %get3A_1, %get3A_4, %dot_general3A {dimension_numbers = #tpu.dot_dimension_numbers<[1], [0], [0], [1], [0, 0, 1, 1], [], []>, transpose_lhs_hint = false} : vector<1000x128xf32>, vector<128x128xf32>, vector<1000x128xf32> -> vector<1000x128xf32>
    %slice3A = vector.extract_strided_slice %dot_general3A_5 {offsets = [0, 0], sizes = [1000, 64], strides = [1, 1]} : vector<1000x128xf32> to vector<1000x64xf32>
    %swap3A = arith.constant 0 : index
    %swap3A_6 = arith.constant 0 : index
    %swap3A_7 = arith.constant 0 : index
    %swap3A_8 = vector.load %arg3[%swap3A, %swap3A_6, %swap3A_7] : memref<2x1000x64xf32, #tpu.memory_space<vmem>>, vector<1x1000x64xf32>
    %swap3A_9 = vector.shape_cast %swap3A_8 : vector<1x1000x64xf32> to vector<1000x64xf32>
    %swap3A_10 = vector.shape_cast %slice3A : vector<1000x64xf32> to vector<1x1000x64xf32>
    tpu.vector_store %arg3[%swap3A, %swap3A_6, %swap3A_7], %swap3A_10 {strides = array<i32>} : memref<2x1000x64xf32, #tpu.memory_space<vmem>>, vector<1x1000x64xf32>,
    %slice3A_11 = vector.extract_strided_slice %dot_general3A_5 {offsets = [0, 64], sizes = [1000, 64], strides = [1, 1]} : vector<1000x128xf32> to vector<1000x64xf32>
    %swap3A_12 = arith.constant 1 : index
    %swap3A_13 = arith.constant 0 : index
    %swap3A_14 = arith.constant 0 : index
    %swap3A_15 = vector.load %arg3[%swap3A_12, %swap3A_13, %swap3A_14] : memref<2x1000x64xf32, #tpu.memory_space<vmem>>, vector<1x1000x64xf32>
    %swap3A_16 = vector.shape_cast %swap3A_15 : vector<1x1000x64xf32> to vector<1000x64xf32>
    %swap3A_17 = vector.shape_cast %slice3A_11 : vector<1000x64xf32> to vector<1x1000x64xf32>
    tpu.vector_store %arg3[%swap3A_12, %swap3A_13, %swap3A_14], %swap3A_17 {strides = array<i32>} : memref<2x1000x64xf32, #tpu.memory_space<vmem>>, vector<1x1000x64xf32>,
    return
  }
  func.func @transform_0(%arg0: i32) -> (i32, i32) {
    %c0_i32 = arith.constant 0 : i32
    %c0_i32_0 = arith.constant 0 : i32
    return %arg0, %c0_i32 : i32, i32
  }
  func.func @transform_1(%arg0: i32) -> (i32, i32) {
    %c0_i32 = arith.constant 0 : i32
    %c0_i32_0 = arith.constant 0 : i32
    %c0_i32_1 = arith.constant 0 : i32
    return %c0_i32, %c0_i32_0 : i32, i32
  }
  func.func @transform_2(%arg0: i32) -> (i32, i32, i32) {
    %c0_i32 = arith.constant 0 : i32
    %c0_i32_0 = arith.constant 0 : i32
    %c0_i32_1 = arith.constant 0 : i32
    return %c0_i32, %arg0, %c0_i32_0 : i32, i32, i32
  }
}

module attributes {stable_mosaic.version = 14 : i64} {
  func.func @_fuse_mm_body(%arg0: i32, %arg1: memref<2x1000x64xf32, #tpu.memory_space<vmem>>, %arg2: memref<2x1x64xf32, #tpu.memory_space<vmem>>, %arg3: memref<128x128xf32, #tpu.memory_space<vmem>>, %arg4: memref<2x1000x64xf32, #tpu.memory_space<vmem>>) attributes {dimension_semantics = [#tpu.dimension_semantics<arbitrary>], iteration_bounds = array<i64: 10>, scalar_prefetch = 0 : i64, scratch_operands = 0 : i64, tpu.core_type = #tpu.core_type<tc>, window_params = [{transform_indices = @transform_0, window_bounds = array<i64: 2, 1000, 64>}, {pipeline_mode = #tpu.pipeline_mode<synchronous>, transform_indices = @transform_1, window_bounds = array<i64: 2, 1, 64>}, {pipeline_mode = #tpu.pipeline_mode<synchronous>, transform_indices = @transform_2, window_bounds = array<i64: 128, 128>}, {transform_indices = @transform_3, window_bounds = array<i64: 2, 1000, 64>}]} {
    %get3A = arith.constant 0 : index
    %get3A_0 = arith.constant 0 : index
    %get3A_1 = arith.constant 0 : index
    %get3A_2 = vector.load %arg1[%get3A, %get3A_0, %get3A_1] : memref<2x1000x64xf32, #tpu.memory_space<vmem>>, vector<1x1000x64xf32>
    %get3A_3 = vector.shape_cast %get3A_2 : vector<1x1000x64xf32> to vector<1000x64xf32>
    %get3A_4 = arith.constant 0 : index
    %get3A_5 = arith.constant 0 : index
    %get3A_6 = arith.constant 0 : index
    %get3A_7 = vector.load %arg2[%get3A_4, %get3A_5, %get3A_6] : memref<2x1x64xf32, #tpu.memory_space<vmem>>, vector<1x1x64xf32>
    %get3A_8 = vector.shape_cast %get3A_7 : vector<1x1x64xf32> to vector<1x64xf32>
    %add3A = vector.broadcast %get3A_8 : vector<1x64xf32> to vector<1000x64xf32>
    %add3A_9 = arith.addf %get3A_3, %add3A : vector<1000x64xf32>
    %max3A = arith.constant 0.000000e+00 : f32
    %max3A_10 = vector.broadcast %max3A : f32 to vector<1000x64xf32>
    %max3A_11 = arith.maximumf %add3A_9, %max3A_10 : vector<1000x64xf32>
    %get3A_12 = arith.constant 1 : index
    %get3A_13 = arith.constant 0 : index
    %get3A_14 = arith.constant 0 : index
    %get3A_15 = vector.load %arg1[%get3A_12, %get3A_13, %get3A_14] : memref<2x1000x64xf32, #tpu.memory_space<vmem>>, vector<1x1000x64xf32>
    %get3A_16 = vector.shape_cast %get3A_15 : vector<1x1000x64xf32> to vector<1000x64xf32>
    %get3A_17 = arith.constant 1 : index
    %get3A_18 = arith.constant 0 : index
    %get3A_19 = arith.constant 0 : index
    %get3A_20 = vector.load %arg2[%get3A_17, %get3A_18, %get3A_19] : memref<2x1x64xf32, #tpu.memory_space<vmem>>, vector<1x1x64xf32>
    %get3A_21 = vector.shape_cast %get3A_20 : vector<1x1x64xf32> to vector<1x64xf32>
    %add3A_22 = vector.broadcast %get3A_21 : vector<1x64xf32> to vector<1000x64xf32>
    %add3A_23 = arith.addf %get3A_16, %add3A_22 : vector<1000x64xf32>
    %max3A_24 = arith.constant 0.000000e+00 : f32
    %max3A_25 = vector.broadcast %max3A_24 : f32 to vector<1000x64xf32>
    %max3A_26 = arith.maximumf %add3A_23, %max3A_25 : vector<1000x64xf32>
    %get3A_27 = arith.constant 0 : index
    %get3A_28 = arith.constant 0 : index
    %get3A_29 = vector.load %arg3[%get3A_27, %get3A_28] : memref<128x128xf32, #tpu.memory_space<vmem>>, vector<128x128xf32>
    %slice3A = vector.extract_strided_slice %get3A_29 {offsets = [0, 0], sizes = [64, 128], strides = [1, 1]} : vector<128x128xf32> to vector<64x128xf32>
    %dot_general3A = arith.constant dense<0.000000e+00> : vector<1000x128xf32>
    %dot_general3A_30 = tpu.matmul %max3A_11, %slice3A, %dot_general3A {dimension_numbers = #tpu.dot_dimension_numbers<[1], [0], [0], [1], [0, 0, 1, 1], [], []>, transpose_lhs_hint = false} : vector<1000x64xf32>, vector<64x128xf32>, vector<1000x128xf32> -> vector<1000x128xf32>
    %slice3A_31 = vector.extract_strided_slice %get3A_29 {offsets = [64, 0], sizes = [64, 128], strides = [1, 1]} : vector<128x128xf32> to vector<64x128xf32>
    %dot_general3A_32 = arith.constant dense<0.000000e+00> : vector<1000x128xf32>
    %dot_general3A_33 = tpu.matmul %max3A_26, %slice3A_31, %dot_general3A_32 {dimension_numbers = #tpu.dot_dimension_numbers<[1], [0], [0], [1], [0, 0, 1, 1], [], []>, transpose_lhs_hint = false} : vector<1000x64xf32>, vector<64x128xf32>, vector<1000x128xf32> -> vector<1000x128xf32>
    %add3A_34 = arith.addf %dot_general3A_30, %dot_general3A_33 : vector<1000x128xf32>
    %slice3A_35 = vector.extract_strided_slice %add3A_34 {offsets = [0, 0], sizes = [1000, 64], strides = [1, 1]} : vector<1000x128xf32> to vector<1000x64xf32>
    %swap3A = arith.constant 0 : index
    %swap3A_36 = arith.constant 0 : index
    %swap3A_37 = arith.constant 0 : index
    %swap3A_38 = vector.load %arg4[%swap3A, %swap3A_36, %swap3A_37] : memref<2x1000x64xf32, #tpu.memory_space<vmem>>, vector<1x1000x64xf32>
    %swap3A_39 = vector.shape_cast %swap3A_38 : vector<1x1000x64xf32> to vector<1000x64xf32>
    %swap3A_40 = vector.shape_cast %slice3A_35 : vector<1000x64xf32> to vector<1x1000x64xf32>
    tpu.vector_store %arg4[%swap3A, %swap3A_36, %swap3A_37], %swap3A_40 {strides = array<i32>} : memref<2x1000x64xf32, #tpu.memory_space<vmem>>, vector<1x1000x64xf32>,
    %slice3A_41 = vector.extract_strided_slice %add3A_34 {offsets = [0, 64], sizes = [1000, 64], strides = [1, 1]} : vector<1000x128xf32> to vector<1000x64xf32>
    %swap3A_42 = arith.constant 1 : index
    %swap3A_43 = arith.constant 0 : index
    %swap3A_44 = arith.constant 0 : index
    %swap3A_45 = vector.load %arg4[%swap3A_42, %swap3A_43, %swap3A_44] : memref<2x1000x64xf32, #tpu.memory_space<vmem>>, vector<1x1000x64xf32>
    %swap3A_46 = vector.shape_cast %swap3A_45 : vector<1x1000x64xf32> to vector<1000x64xf32>
    %swap3A_47 = vector.shape_cast %slice3A_41 : vector<1000x64xf32> to vector<1x1000x64xf32>
    tpu.vector_store %arg4[%swap3A_42, %swap3A_43, %swap3A_44], %swap3A_47 {strides = array<i32>} : memref<2x1000x64xf32, #tpu.memory_space<vmem>>, vector<1x1000x64xf32>,
    return
  }
  func.func @transform_0(%arg0: i32) -> (i32, i32, i32) {
    %c0_i32 = arith.constant 0 : i32
    %c0_i32_0 = arith.constant 0 : i32
    %c0_i32_1 = arith.constant 0 : i32
    return %c0_i32, %arg0, %c0_i32_0 : i32, i32, i32
  }
  func.func @transform_1(%arg0: i32) -> (i32, i32, i32) {
    %c0_i32 = arith.constant 0 : i32
    %c0_i32_0 = arith.constant 0 : i32
    %c0_i32_1 = arith.constant 0 : i32
    %c0_i32_2 = arith.constant 0 : i32
    return %c0_i32, %c0_i32_0, %c0_i32_1 : i32, i32, i32
  }
  func.func @transform_2(%arg0: i32) -> (i32, i32) {
    %c0_i32 = arith.constant 0 : i32
    %c0_i32_0 = arith.constant 0 : i32
    %c0_i32_1 = arith.constant 0 : i32
    return %c0_i32, %c0_i32_0 : i32, i32
  }
  func.func @transform_3(%arg0: i32) -> (i32, i32, i32) {
    %c0_i32 = arith.constant 0 : i32
    %c0_i32_0 = arith.constant 0 : i32
    %c0_i32_1 = arith.constant 0 : i32
    return %c0_i32, %arg0, %c0_i32_0 : i32, i32, i32
  }
}

module attributes {stable_mosaic.version = 14 : i64} {
  func.func @_fuse_bias_body(%arg0: i32, %arg1: memref<2x1000x64xf32, #tpu.memory_space<vmem>>, %arg2: memref<2x1x64xf32, #tpu.memory_space<vmem>>, %arg3: memref<1000x128xf32, #tpu.memory_space<vmem>>) attributes {dimension_semantics = [#tpu.dimension_semantics<arbitrary>], iteration_bounds = array<i64: 10>, scalar_prefetch = 0 : i64, scratch_operands = 0 : i64, tpu.core_type = #tpu.core_type<tc>, window_params = [{transform_indices = @transform_0, window_bounds = array<i64: 2, 1000, 64>}, {pipeline_mode = #tpu.pipeline_mode<synchronous>, transform_indices = @transform_1, window_bounds = array<i64: 2, 1, 64>}, {transform_indices = @transform_2, window_bounds = array<i64: 1000, 128>}]} {
    %get3A = arith.constant 0 : index
    %get3A_0 = arith.constant 0 : index
    %get3A_1 = arith.constant 0 : index
    %get3A_2 = vector.load %arg1[%get3A, %get3A_0, %get3A_1] : memref<2x1000x64xf32, #tpu.memory_space<vmem>>, vector<1x1000x64xf32>
    %get3A_3 = vector.shape_cast %get3A_2 : vector<1x1000x64xf32> to vector<1000x64xf32>
    %get3A_4 = arith.constant 0 : index
    %get3A_5 = arith.constant 0 : index
    %get3A_6 = arith.constant 0 : index
    %get3A_7 = vector.load %arg2[%get3A_4, %get3A_5, %get3A_6] : memref<2x1x64xf32, #tpu.memory_space<vmem>>, vector<1x1x64xf32>
    %get3A_8 = vector.shape_cast %get3A_7 : vector<1x1x64xf32> to vector<1x64xf32>
    %add3A = vector.broadcast %get3A_8 : vector<1x64xf32> to vector<1000x64xf32>
    %add3A_9 = arith.addf %get3A_3, %add3A : vector<1000x64xf32>
    %get3A_10 = arith.constant 1 : index
    %get3A_11 = arith.constant 0 : index
    %get3A_12 = arith.constant 0 : index
    %get3A_13 = vector.load %arg1[%get3A_10, %get3A_11, %get3A_12] : memref<2x1000x64xf32, #tpu.memory_space<vmem>>, vector<1x1000x64xf32>
    %get3A_14 = vector.shape_cast %get3A_13 : vector<1x1000x64xf32> to vector<1000x64xf32>
    %get3A_15 = arith.constant 1 : index
    %get3A_16 = arith.constant 0 : index
    %get3A_17 = arith.constant 0 : index
    %get3A_18 = vector.load %arg2[%get3A_15, %get3A_16, %get3A_17] : memref<2x1x64xf32, #tpu.memory_space<vmem>>, vector<1x1x64xf32>
    %get3A_19 = vector.shape_cast %get3A_18 : vector<1x1x64xf32> to vector<1x64xf32>
    %add3A_20 = vector.broadcast %get3A_19 : vector<1x64xf32> to vector<1000x64xf32>
    %add3A_21 = arith.addf %get3A_14, %add3A_20 : vector<1000x64xf32>
    %concatenate3A = tpu.concatenate %add3A_9, %add3A_21 in 1 : vector<1000x64xf32>, vector<1000x64xf32> -> vector<1000x128xf32>
    %swap3A = arith.constant 0 : index
    %swap3A_22 = arith.constant 0 : index
    %swap3A_23 = vector.load %arg3[%swap3A, %swap3A_22] : memref<1000x128xf32, #tpu.memory_space<vmem>>, vector<1000x128xf32>
    tpu.vector_store %arg3[%swap3A, %swap3A_22], %concatenate3A {strides = array<i32>} : memref<1000x128xf32, #tpu.memory_space<vmem>>, vector<1000x128xf32>,
    return
  }
  func.func @transform_0(%arg0: i32) -> (i32, i32, i32) {
    %c0_i32 = arith.constant 0 : i32
    %c0_i32_0 = arith.constant 0 : i32
    %c0_i32_1 = arith.constant 0 : i32
    return %c0_i32, %arg0, %c0_i32_0 : i32, i32, i32
  }
  func.func @transform_1(%arg0: i32) -> (i32, i32, i32) {
    %c0_i32 = arith.constant 0 : i32
    %c0_i32_0 = arith.constant 0 : i32
    %c0_i32_1 = arith.constant 0 : i32
    %c0_i32_2 = arith.constant 0 : i32
    return %c0_i32, %c0_i32_0, %c0_i32_1 : i32, i32, i32
  }
  func.func @transform_2(%arg0: i32) -> (i32, i32) {
    %c0_i32 = arith.constant 0 : i32
    %c0_i32_0 = arith.constant 0 : i32
    return %arg0, %c0_i32 : i32, i32
  }
}

</mosaic_0001>

<sc_bundles>
// kernel: kernel.10.cloned.1.call-start
scs
__scs_entry_jumppad:
0x0: {  	(pc) =	sbr.rel $0x88, $3  }
0x1: {  	(tag) =	ssettag $0x0;
	lr =	simm.s32 $0x1  }
0x2: {  	[smem:$0x3F9A] =	sst lr;
	_ =	strace $0xD0000000  }
0x3: {  	_ = 	snop  }
0x4: {  	_ = 	snop  }
0x5: {  	_ = 	snop  }
0x6: {  	_ = 	snop  }
0x7: {  	_ = 	snop  }
__scs_overlays_trampoline_lowered:
0x8: {  	[smem:$0x3FA9] =	sst s0  }
0x9: {  	[smem:$0x3FAA] =	sst s1  }
0xa: {  	[smem:$0x3FAB] =	sst s2  }
0xb: {  	[smem:$0x3FAC] =	sst s3  }
0xc: {  	[smem:$0x3FAD] =	sst s4  }
0xd: {  	[smem:$0x3FAE] =	sst s5  }
0xe: {  	[smem:$0x3FAF] =	sst s6  }
0xf: {  	[smem:$0x3FB0] =	sst s7  }
0x10: {  	[smem:$0x3FB1] =	sst s8  }
0x11: {  	[smem:$0x3FB2] =	sst s9;
	s0 =	simm.s32 @!p0 $0x0  }
0x12: {  	s1 =	sld [smem:$0x3F98];
	s0 =	simm.s32 @p0 $0x1  }
0x13: {  	[smem:$0x3FB3] =	sst s0;
	s0 =	simm.s32 @!p1 $0x0  }
0x14: {  	s2 =	sld [smem:$0x3F97];
	s0 =	simm.s32 @p1 $0x1  }
0x15: {  	[smem:$0x3FB4] =	sst s0;
	s0 =	simm.s32 @!p2 $0x0  }
0x16: {  	s3 =	sld [smem:$0x3FDB];
	s0 =	simm.s32 @p2 $0x1  }
0x17: {  	s4 =	simm.s32 $0x1BF5;
	[smem:$0x3FB6] =	sst s0  }
0x18: {  	s0 =	sld [smem:$0x3F99];
	_ =	swait.ge [sflag:s4], $0x0  }
0x19: {  	s7 =	sld [smem:$0x3F9A]  }
0x1a: {  	s8 =	sadd.s32 $0xFFFFE003, lr  }
0x1b: {  	s9 =	sadd.s32 $0xFFFFFEF7, lr;
	s5 =	simm.s32 $0xFFFFFFFF;
	p2 =	slt.u32 s8, $0xFFFFF086  }
0x1c: {  	p1 =	slt.u32 s9, $0xF7A;
	s5 =	simm.s32 @!p2 $0x0  }
0x1d: {  	s5 =	simm.s32 @p1 $0x1;
	p0 =	seq.s32 s7, s2  }
0x1e: {  	s7 =	smul.u32 @!p0 $0xF7A, s2;
	p2 =	seq.s32 @!p0 s5, $0x0  }
0x1f: {  	s9 =	smul.u32 $0xF7A, s1;
	s8 =	simm.s32 @!p0 $0x1BF5;
	p2 =	por !p2, p0  }
0x20: {  	[sflag:s8] =	ssyncset.s32 @!p0 $0xFFFFF086;
	s6 =	sadd.s32 @!p0 s3, s7;
	s7 =	simm.s32 @!p0 $0x108  }
0x21: {  	s3 =	sadd.s32 s3, s9;
	s6 =	sadd.s32 @!p0 $0x88, s6;
	s7 =	simm.s32 @p2 $0x1082  }
0x22: {  	[simem:s7], [sflag:s8] =	dma.local @!p0 [hbm:s6], $0xF7A  }
0x23: {  	s9 =	sor.u32 $0xD0000000, s2;
	s6 =	simm.s32 $0x108;
	_ =	swait.ge @!p0 [sflag:s8], $0x0  }
0x24: {  	s3 =	sadd.s32 $0x88, s3;
	s6 =	simm.s32 @!p1 $0x1082;
	[sflag:s4] =	ssyncset.s32 $0xFFFFF086  }
0x25: {  	[simem:s6], [sflag:s4] =	dma.local [hbm:s3], $0xF7A  }
0x26: {  	[smem:$0x3F9A] =	sst s1;
	(tag) =	ssettag s2;
	_ =	strace s9  }
0x27: {  	s1 =	sld [smem:$0x3FAA]  }
0x28: {  	s2 =	sld [smem:$0x3FAB]  }
0x29: {  	s4 =	sld [smem:$0x3FAD]  }
0x2a: {  	p0 =	seq.s32 s5, $0x0;
	s5 =	sld [smem:$0x3FAE]  }
0x2b: {  	s6 =	sld [smem:$0x3FAF]  }
0x2c: {  	s7 =	sld [smem:$0x3FB0]  }
0x2d: {  	s3 =	simm.s32 $0x108;
	s8 =	sld [smem:$0x3FB1]  }
0x2e: {  	s3 =	simm.s32 @!p0 $0x1082;
	s9 =	sld [smem:$0x3FB2]  }
0x2f: {  	lr =	sadd.s32 s0, s3;
	s0 =	sld [smem:$0x3FA9]  }
0x30: {  	s3 =	sld [smem:$0x3FAC]  }
0x31: {  	[smem:$0x3FB5] =	sst s10  }
0x32: {  	s10 =	sld [smem:$0x3FB3];
	_ =	sdelay $0x3  }
0x33: {  	p0 =	seq.s32 s10, $0x1;
	s10 =	sld [smem:$0x3FB5];
	_ =	sdelay $0x3  }
0x34: {  	[smem:$0x3FB5] =	sst s10  }
0x35: {  	s10 =	sld [smem:$0x3FB4];
	_ =	sdelay $0x3  }
0x36: {  	p1 =	seq.s32 s10, $0x1;
	s10 =	sld [smem:$0x3FB5];
	_ =	sdelay $0x3  }
0x37: {  	[smem:$0x3FB5] =	sst s10  }
0x38: {  	s10 =	sld [smem:$0x3FB6]  }
0x39: {  	_ = 	snop;
	(pc) =	sbr.ind lr, $3  }
0x3a: {  	_ = 	snop  }
0x3b: {  	_ = 	snop  }
0x3c: {  	p2 =	seq.s32 s10, $0x1;
	s10 =	sld [smem:$0x3FB5]  }
0x3d: {  	_ =	shalt  }
0x3e: {  	_ =	shalt  }
0x3f: {  	_ =	shalt  }
0x40: {  	_ =	shalt  }
0x41: {  	_ =	shalt  }
0x42: {  	_ =	shalt  }
0x43: {  	_ =	shalt  }
0x44: {  	_ =	shalt  }
0x45: {  	_ =	shalt  }
0x46: {  	_ =	shalt  }
0x47: {  	_ =	shalt  }
0x48: {  	_ =	shalt  }
0x49: {  	_ =	shalt  }
0x4a: {  	_ =	shalt  }
0x4b: {  	_ =	shalt  }
0x4c: {  	_ =	shalt  }
0x4d: {  	_ =	shalt  }
0x4e: {  	_ =	shalt  }
0x4f: {  	_ =	shalt  }
0x50: {  	_ =	shalt  }
0x51: {  	_ =	shalt  }
0x52: {  	_ =	shalt  }
0x53: {  	_ =	shalt  }
0x54: {  	_ =	shalt  }
0x55: {  	_ =	shalt  }
0x56: {  	_ =	shalt  }
0x57: {  	_ =	shalt  }
0x58: {  	_ =	shalt  }
0x59: {  	_ =	shalt  }
0x5a: {  	_ =	shalt  }
0x5b: {  	_ =	shalt  }
0x5c: {  	_ =	shalt  }
0x5d: {  	_ =	shalt  }
0x5e: {  	_ =	shalt  }
0x5f: {  	_ =	shalt  }
0x60: {  	_ =	shalt  }
0x61: {  	_ =	shalt  }
0x62: {  	_ =	shalt  }
0x63: {  	_ =	shalt  }
0x64: {  	_ =	shalt  }
0x65: {  	_ =	shalt  }
0x66: {  	_ =	shalt  }
0x67: {  	_ =	shalt  }
0x68: {  	_ =	shalt  }
0x69: {  	_ =	shalt  }
0x6a: {  	_ =	shalt  }
0x6b: {  	_ =	shalt  }
0x6c: {  	_ =	shalt  }
0x6d: {  	_ =	shalt  }
0x6e: {  	_ =	shalt  }
0x6f: {  	_ =	shalt  }
0x70: {  	_ =	shalt  }
0x71: {  	_ =	shalt  }
0x72: {  	_ =	shalt  }
0x73: {  	_ =	shalt  }
0x74: {  	_ =	shalt  }
0x75: {  	_ =	shalt  }
0x76: {  	_ =	shalt  }
0x77: {  	_ =	shalt  }
0x78: {  	_ =	shalt  }
0x79: {  	_ =	shalt  }
0x7a: {  	_ =	shalt  }
0x7b: {  	_ =	shalt  }
0x7c: {  	_ =	shalt  }
0x7d: {  	_ =	shalt  }
0x7e: {  	_ =	shalt  }
0x7f: {  	_ =	shalt  }
0x80: {  	_ =	shalt  }
0x81: {  	_ =	shalt  }
0x82: {  	_ =	shalt  }
0x83: {  	_ =	shalt  }
0x84: {  	_ =	shalt  }
0x85: {  	_ =	shalt  }
0x86: {  	_ =	shalt  }
0x87: {  	_ =	shalt  }
.Lfunc_end0:
.L_simem_size_0:
called_computation.1_lowered:
.L_overlay_start_0:
0x88: {  	s2 =	sld [smem:$0x3FD9]  }
0x89: {  	s3 =	sld [smem:$0x3FFE];
	_ =	sdelay $0x1  }
0x8a: {  	s1 =	srdreg.scid  }
0x8b: {  	s0 =	sand.u32 $0x1, s1  }
0x8c: {  	s17 =	sshll.u32 s0, $0xA;
	s2 =	sadd.s32 s3, s2  }
0x8d: {  	s2 =	sadd.s32 s2, s17  }
0x8e: {  	[smem:$0x3FC1] =	sst s2  }
0x8f: {  	_ = 	snop  }
0x90: {  	s2 =	sld [smem:$0x3FD0];
	(tm) =	ssettm $0x1  }
0x91: {  	s18 =	sld [smem:$0x3FFB];
	_ =	sdelay $0x3  }
0x92: {  	_ =	strace s18  }
0x93: {  	s3 =	sld [smem:$0x3FFC];
	_ =	sdelay $0x3  }
0x94: {  	_ =	strace s3  }
0x95: {  	s3 =	sld [smem:$0x3FFD];
	_ =	sdelay $0x3  }
0x96: {  	_ =	strace s3  }
0x97: {  	_ =	strace $0x8FFFFFFF  }
0x98: {  	s19 =	sld [smem:$0x3FDB];
	_ =	sdelay $0x1  }
0x99: {  	s4 =	simm.s32 $_scs_section_size  }
0x9a: {  	s5 =	simm.s32 $_size__tile_overlayer_lowered;
	s6 =	simm.s32 $_tile_overlayer_lowered  }
0x9b: {  	s22 =	simm.s32 $0x1BFF;
	s21 =	sshll.u32 s6, $0x1;
	s3 =	sadd.s32 s4, s19  }
0x9c: {  	s7 =	simm.s32 $0x0;
	s20 =	sshll.u32 s5, $0x1;
	s5 =	sadd.s32 s21, s3  }
0x9d: {  	[timem:s7], [sflag:s22] =	dma.local [hbm:s5], s20  }
0x9e: {  	_ =	swait.ge [sflag:s22], s20  }
0x9f: {  	s4 =	ssub.s32 $0x0, s20;
	[sflag:s22] =	ssyncset.done $0x0  }
0xa0: {  	[sflag:s22] =	ssyncadd.s32 s4;
	_ =	sdelay $0x1  }
0xa1: {  	s23 =	simm.s32 $0x1B8B  }
0xa2: {  	_ =	swait.ge [sflag:s23], $0x1  }
0xa3: {  	[sflag:s23] =	ssyncset.done $0x0  }
0xa4: {  	s25 =	simm.s32 $0x1B8E;
	s24 =	sld [smem:$0x3FFE];
	[sflag:s23] =	ssyncadd.s32 $0xFFFFFFFF  }
0xa5: {  	s26 =	simm.s32 $execute0_lowered;
	[smem:$0x3FD2] =	sst s25  }
0xa6: {  	s5 =	sshll.u32 s26, $0x1;
	_ =	strace $0x80000049;
	[dreg:$0x1] =	wrdreg $0xFFFFFFFF  }
0xa7: {  	s28 =	simm.s32 $_size_execute0_lowered;
	s3 =	sadd.s32 s3, s5;
	[dreg:$0x0] =	wrdreg $0x0  }
0xa8: {  	s5 =	sshll.u32 s28, $0x1;
	[dreg:$0x2] =	wrdreg s3  }
0xa9: {  	[dreg:$0x3] =	wrdreg s5  }
0xaa: {  	[dreg:$0x4] =	wrdreg $0xC0  }
0xab: {  	_ =	task [dreg:s7], $0x5FFFF  }
0xac: {  	[dreg:$0x1] =	wrdreg $0xFFFFFFFF  }
0xad: {  	[dreg:$0x0] =	wrdreg $0x60  }
0xae: {  	[dreg:$0x2] =	wrdreg s2  }
0xaf: {  	[dreg:$0x3] =	wrdreg s24  }
0xb0: {  	[dreg:$0x4] =	wrdreg $0xC4400  }
0xb1: {  	[dreg:$0x5] =	wrdreg $0x9  }
0xb2: {  	_ =	task.clear_ibuf [dreg:s7], $0x6FFFF;
	_ =	strace $0x90000049  }
0xb3: {  	s29 =	simm.s32 $0x9;
	_ =	strace $0x8000004B  }
0xb4: {  	_ =	swait.ge [sflag:s29], $0x1  }
0xb5: {  	[sflag:s29] =	ssyncadd.s32 $0xFFFFFFFF  }
0xb6: {  	_ =	strace $0x9000004B  }
0xb7: {  	_ =	sfence  }
0xb8: {  	s30 =	sld [smem:$0x0];
	_ =	sdelay $0x2  }
0xb9: {  	s31 =	sshll.u32 s1, $0xD;
	s1 =	sshrl.u32 s1, $0x2  }
0xba: {  	s3 =	sand.u32 $0x4000, s31;
	s1 =	sadd.s32 s1, s30  }
0xbb: {  	s0 =	sor.u32 s3, s0;
	s1 =	sshll.u32 s1, $0x11  }
0xbc: {  	s0 =	sor.u32 s1, s0  }
0xbd: {  	s0 =	sadd.s32 $0x8F2B, s0  }
0xbe: {  	[sflag:s0] =	ssyncadd.remote.s32 $0x1  }
0xbf: {  	_ =	sfence.sel $0xFFFF  }
0xc0: {  	[dreg:$0x0] =	wrdreg $0xFFFFFFFF;
	(pc) =	sbr.abs _section_cstart, $3  }
0xc1: {  	[dreg:$0x1] =	wrdreg $0xFFFFFFFF  }
0xc2: {  	_ =	task.clear_ibuf [dreg:s7], $0x2FFFF;
	_ =	strace $0x9FFFFFFF  }
0xc3: {  	(tm) =	ssettm $0x7FFFFFFF  }
tec
execute0_lowered:
.L_overlay_start_1:
0x0: {  	(tag) =	ssettag $0x1  }
0x1: {  	s7 =	rddreg [dreg:$0x0]  }
0x2: {  	s5 =	rddreg [dreg:$0x1]  }
0x3: {  	s2 =	rddreg [dreg:$0x2]  }
0x4: {  	s0 =	rddreg [dreg:$0x3];
	s3 =	simm.s32 $0x0  }
0x5: {  	s1 =	stileid.u32;
	s6 =	srdreg.scid;
	s16 =	simm.s32 $0x50  }
0x6: {  	s17 =	simm.s32 $0x9C40;
	s18 =	simm.s32 $0x1;
	s19 =	simm.s32 $0xB040  }
0x7: {  	s20 =	simm.s32 $0x2;
	s21 =	simm.s32 $0x3;
	s22 =	simm.s32 $0xA0  }
0x8: {  	s23 =	simm.s32 $0x4E70;
	s24 =	simm.s32 $0x4;
	s25 =	simm.s32 $0xF0  }
0x9: {  	s26 =	simm.s32 $0x4EC0;
	s28 =	simm.s32 $0x0;
	s4 =	smul.u32 $0x9C4, s1  }
0xa: {  	[smem:$0x7FF] =	sst s3;
	s6 =	sand.u32 $0x1, s6;
	s10 =	smul.u32 $0x9C00, s1  }
0xb: {  	s13 =	sadd.s32 $0x15A00, s5;
	s15 =	sadd.s32 $0x9C000, s2;
	p0 =	sne.s32 s1, $0xF  }
0xc: {  	s31 =	sshll.u32 s1, $0x6;
	_ =	strace $0x8000004A;
	s9 =	ssub.s32 $0x2, s6  }
0xd: {  	s12 =	smul.u32 $0x9C400, s6;
	s15 =	sshrl.u32 @!p0 s15, $0x3;
	s8 =	sadd.s32 s4, s5  }
0xe: {  	s4 =	sadd.s32 $0x14600, s5;
	s11 =	sshrl.u32 s9, $0x1;
	s14 =	sadd.s32 s10, s2  }
0xf: {  	s11 =	ssub.s32 s9, s11;
	s5 =	sadd.s32 $0xA800, s8;
	s6 =	sadd.s32 $0xA00, s8  }
0x10: {  	s29 =	sadd.s32 s10, s12;
	s30 =	sshrl.u32 s12, $0x3;
	s12 =	simm.s32 $0x4E20  }
0x11: {  	s14 =	sshrl.u32 s14, $0x3;
	s8 =	sshrl.u32 s29, $0x3;
	s7 =	sadd.s32 s7, s30  }
0x12: {  	s9 =	sadd.s32 s13, s30;
	s10 =	smax.u32 s11, $0x1;
	s11 =	simm.s32 $0x5  }
0x13: {  	s8 =	sadd.s32 s13, s8;
	s9 =	sadd.s32 $0x13800, s9;
	s13 =	sor.u32 $0x1C05, s31  }
.LBB2_1:
0x14: {  	[tilespmem:s3], [sflag:$0x5] =	stream.linear.gather [hbm4b:s5+s3], $0x4E20, $0x38;
	[tilespmem:$0x16080] =	vst v63  }
0x15: {  	_ =	swait.ge [sflag:s11], $0x4E20  }
0x16: {  	[sflag:s11] =	ssyncset.done $0x0  }
0x17: {  	[sflag:s11] =	ssyncadd.s32 $0xFFFFB1E0  }
0x18: {  	[tilespmem:s12], [sflag:$0x5] =	stream.linear.gather [hbm4b:s6+s3], $0x4E20, $0x38;
	[tilespmem:$0x16080] =	vst v63  }
0x19: {  	_ =	swait.ge [sflag:s11], $0x4E20  }
0x1a: {  	[sflag:s11] =	ssyncset.done $0x0  }
0x1b: {  	[sflag:s11] =	ssyncadd.s32 $0xFFFFB1E0  }
0x1c: {  	[spmem:s14], [sflag:s13] =	dma.local [hbm:s4], $0x1380  }
0x1d: {  	_ =	swait.ge [sflag:s11], $0x1380  }
0x1e: {  	[sflag:s11] =	ssyncset.done $0x0  }
0x1f: {  	s29 =	simm.s32 @!p0 $0x5;
	[sflag:s11] =	ssyncadd.s32 $0xFFFFEC80  }
0x20: {  	[spmem:s15], [sflag:s13] =	dma.local @!p0 [hbm:s4], $0x80  }
0x21: {  	_ =	swait.ge @!p0 [sflag:s29], $0x80  }
0x22: {  	[sflag:s29] =	ssyncset.done @!p0 $0x0  }
0x23: {  	[sflag:s29] =	ssyncadd.s32 @!p0 $0xFFFFFF80  }
0x24: {  	[bflag:$0x0] =	sbarrier.arrive $0xFFFF  }
0x25: {  	[tilespmem:s17], [sflag:$0x1] =	stream.indirect.gather [hbm4b:s7+s16], $0x40, s3, s16, $0xb8;
	[tilespmem:$0x16080] =	vst v63  }
0x26: {  	_ =	swait.ge [sflag:s18], $0x1400  }
0x27: {  	[sflag:s18] =	ssyncset.done $0x0  }
0x28: {  	[sflag:s18] =	ssyncadd.s32 $0xFFFFEC00  }
0x29: {  	[tilespmem:s19], [sflag:$0x2] =	stream.indirect.gather [hbm4b:s7+s16], $0x40, s16, s16, $0xb8;
	[tilespmem:$0x16080] =	vst v63  }
0x2a: {  	_ = 	snop  }
0x2b: {  	[spmem:s2] =	stream.indirect.scatter.add.f32 [tilespmem:s17], [sflag:$0x3], $0x40, s12, s16, $0xb8;
	[tilespmem:$0x16080] =	vst v63  }
0x2c: {  	_ =	swait.ge [sflag:s20], $0x1400  }
0x2d: {  	[sflag:s20] =	ssyncset.done $0x0  }
0x2e: {  	[sflag:s20] =	ssyncadd.s32 $0xFFFFEC00  }
0x2f: {  	_ =	swait.ge [sflag:s21], $0x1400  }
0x30: {  	[sflag:s21] =	ssyncset.done $0x0  }
0x31: {  	[sflag:s21] =	ssyncadd.s32 $0xFFFFEC00  }
0x32: {  	[tilespmem:s17], [sflag:$0x1] =	stream.indirect.gather [hbm4b:s7+s16], $0x40, s22, s16, $0xb8;
	[tilespmem:$0x16080] =	vst v63  }
0x33: {  	_ = 	snop  }
0x34: {  	[spmem:s2] =	stream.indirect.scatter.add.f32 [tilespmem:s19], [sflag:$0x4], $0x40, s23, s16, $0xb8;
	[tilespmem:$0x16080] =	vst v63  }
0x35: {  	_ =	swait.ge [sflag:s18], $0x1400  }
0x36: {  	[sflag:s18] =	ssyncset.done $0x0  }
0x37: {  	[sflag:s18] =	ssyncadd.s32 $0xFFFFEC00  }
0x38: {  	_ =	swait.ge [sflag:s24], $0x1400  }
0x39: {  	[sflag:s24] =	ssyncset.done $0x0  }
0x3a: {  	[sflag:s24] =	ssyncadd.s32 $0xFFFFEC00  }
0x3b: {  	[tilespmem:s19], [sflag:$0x2] =	stream.indirect.gather [hbm4b:s7+s16], $0x40, s25, s16, $0xb8;
	[tilespmem:$0x16080] =	vst v63  }
0x3c: {  	_ = 	snop  }
0x3d: {  	[spmem:s2] =	stream.indirect.scatter.add.f32 [tilespmem:s17], [sflag:$0x3], $0x40, s26, s16, $0xb8;
	[tilespmem:$0x16080] =	vst v63  }
0x3e: {  	_ =	swait.ge [sflag:s20], $0x1400  }
0x3f: {  	[sflag:s20] =	ssyncset.done $0x0  }
0x40: {  	[sflag:s20] =	ssyncadd.s32 $0xFFFFEC00  }
0x41: {  	_ =	swait.ge [sflag:s21], $0x1400  }
0x42: {  	[sflag:s21] =	ssyncset.done $0x0  }
0x43: {  	s29 =	simm.s32 $0x140;
	[sflag:s21] =	ssyncadd.s32 $0xFFFFEC00  }
0x44: {  	[tilespmem:s17], [sflag:$0x1] =	stream.indirect.gather [hbm4b:s7+s16], $0x40, s29, s16, $0xb8;
	[tilespmem:$0x16080] =	vst v63  }
0x45: {  	s29 =	simm.s32 $0x4F10  }
0x46: {  	[spmem:s2] =	stream.indirect.scatter.add.f32 [tilespmem:s19], [sflag:$0x4], $0x40, s29, s16, $0xb8;
	[tilespmem:$0x16080] =	vst v63  }
0x47: {  	_ =	swait.ge [sflag:s18], $0x1400  }
0x48: {  	[sflag:s18] =	ssyncset.done $0x0  }
0x49: {  	[sflag:s18] =	ssyncadd.s32 $0xFFFFEC00  }
0x4a: {  	_ =	swait.ge [sflag:s24], $0x1400  }
0x4b: {  	[sflag:s24] =	ssyncset.done $0x0  }
0x4c: {  	s29 =	simm.s32 $0x190;
	[sflag:s24] =	ssyncadd.s32 $0xFFFFEC00  }
0x4d: {  	[tilespmem:s19], [sflag:$0x2] =	stream.indirect.gather [hbm4b:s7+s16], $0x40, s29, s16, $0xb8;
	[tilespmem:$0x16080] =	vst v63  }
0x4e: {  	s29 =	simm.s32 $0x4F60  }
0x4f: {  	[spmem:s2] =	stream.indirect.scatter.add.f32 [tilespmem:s17], [sflag:$0x3], $0x40, s29, s16, $0xb8;
	[tilespmem:$0x16080] =	vst v63  }
0x50: {  	_ =	swait.ge [sflag:s20], $0x1400  }
0x51: {  	s29 =	simm.s32 $0xFFFECF00;
	[sflag:s20] =	ssyncset.done $0x0  }
.LBB2_2:
0x52: {  	[sflag:s20] =	ssyncadd.s32 $0xFFFFEC00;
	s30 =	smov.u32 s29;
	s29 =	sadd.s32 $0x280, s29  }
0x53: {  	p1 =	sne.s32 s29, $0x0  }
0x54: {  	_ =	swait.ge [sflag:s21], $0x1400  }
0x55: {  	s30 =	sshra.s32 s30, $0x2;
	[sflag:s21] =	ssyncset.done $0x0  }
0x56: {  	s31 =	sadd.s32 $0x4E20, s30;
	[sflag:s21] =	ssyncadd.s32 $0xFFFFEC00  }
0x57: {  	[tilespmem:s17], [sflag:$0x1] =	stream.indirect.gather [hbm4b:s7+s16], $0x40, s31, s16, $0xb8;
	[tilespmem:$0x16080] =	vst v63  }
0x58: {  	s31 =	sadd.s32 $0x9BF0, s30  }
0x59: {  	[spmem:s2] =	stream.indirect.scatter.add.f32 [tilespmem:s19], [sflag:$0x4], $0x40, s31, s16, $0xb8;
	[tilespmem:$0x16080] =	vst v63  }
0x5a: {  	_ =	swait.ge [sflag:s18], $0x1400  }
0x5b: {  	[sflag:s18] =	ssyncset.done $0x0  }
0x5c: {  	[sflag:s18] =	ssyncadd.s32 $0xFFFFEC00  }
0x5d: {  	_ =	swait.ge [sflag:s24], $0x1400  }
0x5e: {  	[sflag:s24] =	ssyncset.done $0x0  }
0x5f: {  	s31 =	sadd.s32 $0x4E70, s30;
	[sflag:s24] =	ssyncadd.s32 $0xFFFFEC00  }
0x60: {  	[tilespmem:s19], [sflag:$0x2] =	stream.indirect.gather [hbm4b:s7+s16], $0x40, s31, s16, $0xb8;
	[tilespmem:$0x16080] =	vst v63  }
.Ltmp0:
0x61: {  	_ = 	snop;
	(pc) =	sbr.rel @p1 .LBB2_2-.Ltmp0, $4  }
0x62: {  	s30 =	sadd.s32 $0x9C40, s30  }
0x63: {  	[spmem:s2] =	stream.indirect.scatter.add.f32 [tilespmem:s17], [sflag:$0x3], $0x40, s30, s16, $0xb8;
	[tilespmem:$0x16080] =	vst v63  }
0x64: {  	_ =	swait.ge [sflag:s20], $0x1400  }
0x65: {  	[sflag:s20] =	ssyncset.done $0x0  }
0x66: {  	s29 =	sshra.s32 s29, $0x2  }
0x67: {  	[sflag:s20] =	ssyncadd.s32 $0xFFFFEC00;
	s29 =	sadd.s32 $0x9BF0, s29  }
0x68: {  	[spmem:s2] =	stream.indirect.scatter.add.f32 [tilespmem:s19], [sflag:$0x4], $0x40, s29, s16, $0xb8;
	[tilespmem:$0x16080] =	vst v63  }
0x69: {  	_ =	swait.ge [sflag:s21], $0x1400  }
0x6a: {  	[sflag:s21] =	ssyncset.done $0x0  }
0x6b: {  	[sflag:s21] =	ssyncadd.s32 $0xFFFFEC00  }
0x6c: {  	_ =	swait.ge [sflag:s24], $0x1400  }
0x6d: {  	[sflag:s24] =	ssyncset.done $0x0  }
0x6e: {  	[sflag:s24] =	ssyncadd.s32 $0xFFFFEC00  }
0x6f: {  	[bflag:$0x0] =	sbarrier.arrive $0xFFFF  }
0x70: {  	[hbm:s8], [sflag:s13] =	dma.local [spmem:s14], $0x1380  }
0x71: {  	s28 =	sadd.s32 $0x1, s28;
	_ =	swait.ge [sflag:s11], $0x1380  }
0x72: {  	p1 =	sne.s32 s28, s10;
	[sflag:s11] =	ssyncset.done $0x0  }
.Ltmp1:
0x73: {  	s29 =	simm.s32 @!p0 $0x5;
	[sflag:s11] =	ssyncadd.s32 $0xFFFFEC80;
	(pc) =	sbr.rel @p1 .LBB2_1-.Ltmp1, $4  }
0x74: {  	[hbm:s9], [sflag:s13] =	dma.local @!p0 [spmem:s15], $0x80  }
0x75: {  	_ =	swait.ge @!p0 [sflag:s29], $0x80  }
0x76: {  	[sflag:s29] =	ssyncset.done @!p0 $0x0  }
0x77: {  	[sflag:s29] =	ssyncadd.s32 @!p0 $0xFFFFFF80  }
0x78: {  	_ =	sfence.sel $0x180000  }
0x79: {  	[bflag:$0x0] =	sbarrier.arrive $0xFFFF  }
0x7a: {  	p0 =	sne.s32 s1, $0x0;
	_ =	strace $0x9000004A  }
0x7b: {  	s0 =	sadd.s32 @!p0 $0x100000, s0;
	[bflag:$0x2] =	sbarrier.arrive $0xFFFF  }
0x7c: {  	[sflag:s0] =	ssyncadd.tile.s32 @!p0 $0x1;
	_ =	shalt  }
.Lfunc_end2:
_tile_overlayer_lowered:
.L_overlay_start_2:
0x7d: {  	(tag) =	ssettag $0x2  }
0x7e: {  	s0 =	rddreg [dreg:$0x0];
	s2 =	stileid.u32  }
0x7f: {  	s1 =	rddreg [dreg:$0x1];
	p0 =	sne.s32 s2, $0x0  }
0x80: {  	s3 =	rddreg [dreg:$0x2];
	[bflag:$0x3] =	sbarrier.arrive $0xFFFF;
	s2 =	simm.s32 @!p0 $0x1C05  }
0x81: {  	[timem:s3], [sflag:s2] =	dma.local @!p0 [hbm:s0], s1  }
0x82: {  	s0 =	simm.s32 @!p0 $0x5  }
0x83: {  	_ =	swait.ge @!p0 [sflag:s0], s1  }
0x84: {  	s1 =	ssub.s32 @!p0 $0x0, s1;
	[sflag:s0] =	ssyncset.done @!p0 $0x0  }
0x85: {  	[sflag:s0] =	ssyncadd.s32 @!p0 s1  }
0x86: {  	[bflag:$0x3] =	sbarrier.arrive $0xFFFF  }
0x87: {  	_ =	shalt  }

// kernel: kernel.7.cloned.1.call-start
scs
__scs_entry_jumppad:
0x0: {  	(pc) =	sbr.rel $0x88, $3  }
0x1: {  	(tag) =	ssettag $0x0;
	lr =	simm.s32 $0x1  }
0x2: {  	[smem:$0x3F9A] =	sst lr;
	_ =	strace $0xD0000000  }
0x3: {  	_ = 	snop  }
0x4: {  	_ = 	snop  }
0x5: {  	_ = 	snop  }
0x6: {  	_ = 	snop  }
0x7: {  	_ = 	snop  }
__scs_overlays_trampoline_lowered:
0x8: {  	[smem:$0x3FA9] =	sst s0  }
0x9: {  	[smem:$0x3FAA] =	sst s1  }
0xa: {  	[smem:$0x3FAB] =	sst s2  }
0xb: {  	[smem:$0x3FAC] =	sst s3  }
0xc: {  	[smem:$0x3FAD] =	sst s4  }
0xd: {  	[smem:$0x3FAE] =	sst s5  }
0xe: {  	[smem:$0x3FAF] =	sst s6  }
0xf: {  	[smem:$0x3FB0] =	sst s7  }
0x10: {  	[smem:$0x3FB1] =	sst s8  }
0x11: {  	[smem:$0x3FB2] =	sst s9;
	s0 =	simm.s32 @!p0 $0x0  }
0x12: {  	s1 =	sld [smem:$0x3F98];
	s0 =	simm.s32 @p0 $0x1  }
0x13: {  	[smem:$0x3FB3] =	sst s0;
	s0 =	simm.s32 @!p1 $0x0  }
0x14: {  	s2 =	sld [smem:$0x3F97];
	s0 =	simm.s32 @p1 $0x1  }
0x15: {  	[smem:$0x3FB4] =	sst s0;
	s0 =	simm.s32 @!p2 $0x0  }
0x16: {  	s3 =	sld [smem:$0x3FDB];
	s0 =	simm.s32 @p2 $0x1  }
0x17: {  	s4 =	simm.s32 $0x1BF5;
	[smem:$0x3FB6] =	sst s0  }
0x18: {  	s0 =	sld [smem:$0x3F99];
	_ =	swait.ge [sflag:s4], $0x0  }
0x19: {  	s7 =	sld [smem:$0x3F9A]  }
0x1a: {  	s8 =	sadd.s32 $0xFFFFE003, lr  }
0x1b: {  	s9 =	sadd.s32 $0xFFFFFEF7, lr;
	s5 =	simm.s32 $0xFFFFFFFF;
	p2 =	slt.u32 s8, $0xFFFFF086  }
0x1c: {  	p1 =	slt.u32 s9, $0xF7A;
	s5 =	simm.s32 @!p2 $0x0  }
0x1d: {  	s5 =	simm.s32 @p1 $0x1;
	p0 =	seq.s32 s7, s2  }
0x1e: {  	s7 =	smul.u32 @!p0 $0xF7A, s2;
	p2 =	seq.s32 @!p0 s5, $0x0  }
0x1f: {  	s9 =	smul.u32 $0xF7A, s1;
	s8 =	simm.s32 @!p0 $0x1BF5;
	p2 =	por !p2, p0  }
0x20: {  	[sflag:s8] =	ssyncset.s32 @!p0 $0xFFFFF086;
	s6 =	sadd.s32 @!p0 s3, s7;
	s7 =	simm.s32 @!p0 $0x108  }
0x21: {  	s3 =	sadd.s32 s3, s9;
	s6 =	sadd.s32 @!p0 $0x88, s6;
	s7 =	simm.s32 @p2 $0x1082  }
0x22: {  	[simem:s7], [sflag:s8] =	dma.local @!p0 [hbm:s6], $0xF7A  }
0x23: {  	s9 =	sor.u32 $0xD0000000, s2;
	s6 =	simm.s32 $0x108;
	_ =	swait.ge @!p0 [sflag:s8], $0x0  }
0x24: {  	s3 =	sadd.s32 $0x88, s3;
	s6 =	simm.s32 @!p1 $0x1082;
	[sflag:s4] =	ssyncset.s32 $0xFFFFF086  }
0x25: {  	[simem:s6], [sflag:s4] =	dma.local [hbm:s3], $0xF7A  }
0x26: {  	[smem:$0x3F9A] =	sst s1;
	(tag) =	ssettag s2;
	_ =	strace s9  }
0x27: {  	s1 =	sld [smem:$0x3FAA]  }
0x28: {  	s2 =	sld [smem:$0x3FAB]  }
0x29: {  	s4 =	sld [smem:$0x3FAD]  }
0x2a: {  	p0 =	seq.s32 s5, $0x0;
	s5 =	sld [smem:$0x3FAE]  }
0x2b: {  	s6 =	sld [smem:$0x3FAF]  }
0x2c: {  	s7 =	sld [smem:$0x3FB0]  }
0x2d: {  	s3 =	simm.s32 $0x108;
	s8 =	sld [smem:$0x3FB1]  }
0x2e: {  	s3 =	simm.s32 @!p0 $0x1082;
	s9 =	sld [smem:$0x3FB2]  }
0x2f: {  	lr =	sadd.s32 s0, s3;
	s0 =	sld [smem:$0x3FA9]  }
0x30: {  	s3 =	sld [smem:$0x3FAC]  }
0x31: {  	[smem:$0x3FB5] =	sst s10  }
0x32: {  	s10 =	sld [smem:$0x3FB3];
	_ =	sdelay $0x3  }
0x33: {  	p0 =	seq.s32 s10, $0x1;
	s10 =	sld [smem:$0x3FB5];
	_ =	sdelay $0x3  }
0x34: {  	[smem:$0x3FB5] =	sst s10  }
0x35: {  	s10 =	sld [smem:$0x3FB4];
	_ =	sdelay $0x3  }
0x36: {  	p1 =	seq.s32 s10, $0x1;
	s10 =	sld [smem:$0x3FB5];
	_ =	sdelay $0x3  }
0x37: {  	[smem:$0x3FB5] =	sst s10  }
0x38: {  	s10 =	sld [smem:$0x3FB6]  }
0x39: {  	_ = 	snop;
	(pc) =	sbr.ind lr, $3  }
0x3a: {  	_ = 	snop  }
0x3b: {  	_ = 	snop  }
0x3c: {  	p2 =	seq.s32 s10, $0x1;
	s10 =	sld [smem:$0x3FB5]  }
0x3d: {  	_ =	shalt  }
0x3e: {  	_ =	shalt  }
0x3f: {  	_ =	shalt  }
0x40: {  	_ =	shalt  }
0x41: {  	_ =	shalt  }
0x42: {  	_ =	shalt  }
0x43: {  	_ =	shalt  }
0x44: {  	_ =	shalt  }
0x45: {  	_ =	shalt  }
0x46: {  	_ =	shalt  }
0x47: {  	_ =	shalt  }
0x48: {  	_ =	shalt  }
0x49: {  	_ =	shalt  }
0x4a: {  	_ =	shalt  }
0x4b: {  	_ =	shalt  }
0x4c: {  	_ =	shalt  }
0x4d: {  	_ =	shalt  }
0x4e: {  	_ =	shalt  }
0x4f: {  	_ =	shalt  }
0x50: {  	_ =	shalt  }
0x51: {  	_ =	shalt  }
0x52: {  	_ =	shalt  }
0x53: {  	_ =	shalt  }
0x54: {  	_ =	shalt  }
0x55: {  	_ =	shalt  }
0x56: {  	_ =	shalt  }
0x57: {  	_ =	shalt  }
0x58: {  	_ =	shalt  }
0x59: {  	_ =	shalt  }
0x5a: {  	_ =	shalt  }
0x5b: {  	_ =	shalt  }
0x5c: {  	_ =	shalt  }
0x5d: {  	_ =	shalt  }
0x5e: {  	_ =	shalt  }
0x5f: {  	_ =	shalt  }
0x60: {  	_ =	shalt  }
0x61: {  	_ =	shalt  }
0x62: {  	_ =	shalt  }
0x63: {  	_ =	shalt  }
0x64: {  	_ =	shalt  }
0x65: {  	_ =	shalt  }
0x66: {  	_ =	shalt  }
0x67: {  	_ =	shalt  }
0x68: {  	_ =	shalt  }
0x69: {  	_ =	shalt  }
0x6a: {  	_ =	shalt  }
0x6b: {  	_ =	shalt  }
0x6c: {  	_ =	shalt  }
0x6d: {  	_ =	shalt  }
0x6e: {  	_ =	shalt  }
0x6f: {  	_ =	shalt  }
0x70: {  	_ =	shalt  }
0x71: {  	_ =	shalt  }
0x72: {  	_ =	shalt  }
0x73: {  	_ =	shalt  }
0x74: {  	_ =	shalt  }
0x75: {  	_ =	shalt  }
0x76: {  	_ =	shalt  }
0x77: {  	_ =	shalt  }
0x78: {  	_ =	shalt  }
0x79: {  	_ =	shalt  }
0x7a: {  	_ =	shalt  }
0x7b: {  	_ =	shalt  }
0x7c: {  	_ =	shalt  }
0x7d: {  	_ =	shalt  }
0x7e: {  	_ =	shalt  }
0x7f: {  	_ =	shalt  }
0x80: {  	_ =	shalt  }
0x81: {  	_ =	shalt  }
0x82: {  	_ =	shalt  }
0x83: {  	_ =	shalt  }
0x84: {  	_ =	shalt  }
0x85: {  	_ =	shalt  }
0x86: {  	_ =	shalt  }
0x87: {  	_ =	shalt  }
.Lfunc_end0:
.L_simem_size_0:
called_computation_lowered:
.L_overlay_start_0:
0x88: {  	s2 =	sld [smem:$0x3FD9]  }
0x89: {  	s3 =	sld [smem:$0x3FFE];
	_ =	sdelay $0x1  }
0x8a: {  	s1 =	srdreg.scid  }
0x8b: {  	s0 =	sand.u32 $0x1, s1  }
0x8c: {  	s17 =	sshll.u32 s0, $0xA;
	s2 =	sadd.s32 s3, s2  }
0x8d: {  	s2 =	sadd.s32 s2, s17  }
0x8e: {  	[smem:$0x3FC1] =	sst s2  }
0x8f: {  	_ = 	snop  }
0x90: {  	s2 =	sld [smem:$0x3FC7]  }
0x91: {  	s18 =	sld [smem:$0x3FD0];
	(tm) =	ssettm $0x1  }
0x92: {  	s4 =	sld [smem:$0x3FFB];
	_ =	sdelay $0x3  }
0x93: {  	_ =	strace s4  }
0x94: {  	s4 =	sld [smem:$0x3FFC];
	_ =	sdelay $0x3  }
0x95: {  	_ =	strace s4  }
0x96: {  	s4 =	sld [smem:$0x3FFD];
	_ =	sdelay $0x3  }
0x97: {  	_ =	strace s4  }
0x98: {  	_ =	strace $0x8FFFFFFF  }
0x99: {  	s19 =	sld [smem:$0x3FDB];
	_ =	sdelay $0x1  }
0x9a: {  	s5 =	simm.s32 $_scs_section_size  }
0x9b: {  	s6 =	simm.s32 $_size__tile_overlayer_lowered;
	s7 =	simm.s32 $_tile_overlayer_lowered  }
0x9c: {  	s22 =	simm.s32 $0x1BFF;
	s21 =	sshll.u32 s7, $0x1;
	s4 =	sadd.s32 s5, s19  }
0x9d: {  	s8 =	simm.s32 $0x0;
	s20 =	sshll.u32 s6, $0x1;
	s6 =	sadd.s32 s21, s4  }
0x9e: {  	[timem:s8], [sflag:s22] =	dma.local [hbm:s6], s20  }
0x9f: {  	_ =	swait.ge [sflag:s22], s20  }
0xa0: {  	s5 =	ssub.s32 $0x0, s20;
	[sflag:s22] =	ssyncset.done $0x0  }
0xa1: {  	[sflag:s22] =	ssyncadd.s32 s5;
	_ =	sdelay $0x1  }
0xa2: {  	s23 =	simm.s32 $0x1B8B  }
0xa3: {  	_ =	swait.ge [sflag:s23], $0x1  }
0xa4: {  	[sflag:s23] =	ssyncset.done $0x0  }
0xa5: {  	s25 =	simm.s32 $0x1B8E;
	s24 =	sld [smem:$0x3FFE];
	[sflag:s23] =	ssyncadd.s32 $0xFFFFFFFF  }
0xa6: {  	s26 =	simm.s32 $execute0_lowered;
	[smem:$0x3FD2] =	sst s25  }
0xa7: {  	s6 =	sshll.u32 s26, $0x1;
	_ =	strace $0x80000046;
	[dreg:$0x1] =	wrdreg $0xFFFFFFFF  }
0xa8: {  	s28 =	simm.s32 $_size_execute0_lowered;
	s4 =	sadd.s32 s4, s6;
	[dreg:$0x0] =	wrdreg $0x0  }
0xa9: {  	s6 =	sshll.u32 s28, $0x1;
	[dreg:$0x2] =	wrdreg s4  }
0xaa: {  	[dreg:$0x3] =	wrdreg s6  }
0xab: {  	[dreg:$0x4] =	wrdreg $0xC0  }
0xac: {  	_ =	task [dreg:s8], $0x5FFFF  }
0xad: {  	[dreg:$0x1] =	wrdreg $0xFFFFFFFF  }
0xae: {  	[dreg:$0x0] =	wrdreg $0x60  }
0xaf: {  	[dreg:$0x2] =	wrdreg s18  }
0xb0: {  	[dreg:$0x3] =	wrdreg s24  }
0xb1: {  	[dreg:$0x4] =	wrdreg s2  }
0xb2: {  	[dreg:$0x5] =	wrdreg $0x112600  }
0xb3: {  	[dreg:$0x6] =	wrdreg $0x9  }
0xb4: {  	_ =	task.clear_ibuf [dreg:s8], $0x7FFFF;
	_ =	strace $0x90000046  }
0xb5: {  	s29 =	simm.s32 $0x9;
	_ =	strace $0x80000048  }
0xb6: {  	_ =	swait.ge [sflag:s29], $0x1  }
0xb7: {  	[sflag:s29] =	ssyncadd.s32 $0xFFFFFFFF  }
0xb8: {  	_ =	strace $0x90000048  }
0xb9: {  	_ =	sfence  }
0xba: {  	s30 =	sld [smem:$0x0];
	_ =	sdelay $0x2  }
0xbb: {  	s31 =	sshll.u32 s1, $0xD;
	s1 =	sshrl.u32 s1, $0x2  }
0xbc: {  	s3 =	sand.u32 $0x4000, s31;
	s1 =	sadd.s32 s1, s30  }
0xbd: {  	s0 =	sor.u32 s3, s0;
	s1 =	sshll.u32 s1, $0x11  }
0xbe: {  	s0 =	sor.u32 s1, s0  }
0xbf: {  	s0 =	sadd.s32 $0x8F2B, s0  }
0xc0: {  	[sflag:s0] =	ssyncadd.remote.s32 $0x1  }
0xc1: {  	_ =	sfence.sel $0xFFFF  }
0xc2: {  	[dreg:$0x0] =	wrdreg $0xFFFFFFFF;
	(pc) =	sbr.abs _section_cstart, $3  }
0xc3: {  	[dreg:$0x1] =	wrdreg $0xFFFFFFFF  }
0xc4: {  	_ =	task.clear_ibuf [dreg:s8], $0x2FFFF;
	_ =	strace $0x9FFFFFFF  }
0xc5: {  	(tm) =	ssettm $0x7FFFFFFF  }
tec
execute0_lowered:
.L_overlay_start_1:
0x0: {  	(tag) =	ssettag $0x1  }
0x1: {  	s8 =	rddreg [dreg:$0x0]  }
0x2: {  	s5 =	rddreg [dreg:$0x1]  }
0x3: {  	s7 =	rddreg [dreg:$0x2]  }
0x4: {  	s2 =	rddreg [dreg:$0x3]  }
0x5: {  	s1 =	stileid.u32;
	s3 =	simm.s32 $0x0;
	s4 =	srdreg.scid  }
0x6: {  	s18 =	simm.s32 $0x50;
	s19 =	simm.s32 $0xEA60;
	s20 =	simm.s32 $0x1  }
0x7: {  	s21 =	simm.s32 $0xFE60;
	s22 =	simm.s32 $0x2;
	s23 =	simm.s32 $0x0  }
0x8: {  	s9 =	smul.u32 $0x9C4, s1;
	[smem:$0x7FF] =	sst s3;
	s6 =	sand.u32 $0x1, s4  }
0x9: {  	s4 =	sadd.s32 $0x14600, s5;
	s13 =	smul.u32 $0x9C00, s1;
	s14 =	sadd.s32 $0x15A00, s5  }
0xa: {  	s17 =	sadd.s32 $0x9C000, s2;
	p0 =	sne.s32 s1, $0xF;
	s15 =	sshll.u32 s1, $0x6  }
0xb: {  	_ =	strace $0x80000047;
	s11 =	ssub.s32 $0x2, s6;
	s28 =	smul.u32 $0x9C400, s6  }
0xc: {  	s15 =	sor.u32 $0x1C03, s15;
	s17 =	sshrl.u32 @!p0 s17, $0x3;
	s10 =	sadd.s32 s9, s5  }
0xd: {  	v0 =	vimm.s32 $0x0;
	s12 =	sshrl.u32 s11, $0x1;
	s7 =	sadd.s32 s7, s9;
	s16 =	sadd.s32 s13, s2  }
0xe: {  	v1 =	vimm.s32 $0x1;
	v2 =	vimm.s32 $0x2;
	v3 =	vimm.s32 $0x3;
	s11 =	ssub.s32 s11, s12;
	s5 =	sadd.s32 $0xA800, s10;
	s6 =	sadd.s32 $0xA00, s10  }
0xf: {  	v4 =	vimm.s32 $0x4;
	v5 =	vimm.s32 $0x5;
	v6 =	vimm.s32 $0x6;
	s29 =	sshrl.u32 s28, $0x3;
	s30 =	sadd.s32 s13, s28;
	s12 =	simm.s32 $0x3  }
0x10: {  	v7 =	vimm.s32 $0x7;
	v8 =	vimm.s32 $0x8;
	v9 =	vimm.s32 $0x9;
	s13 =	simm.s32 $0x4E20;
	s16 =	sshrl.u32 s16, $0x3;
	s10 =	sshrl.u32 s30, $0x3  }
0x11: {  	v10 =	vimm.s32 $0xA;
	v11 =	vimm.s32 $0xB;
	v12 =	vimm.s32 $0xC;
	s31 =	sadd.s32 s14, s29;
	s8 =	sadd.s32 s8, s29;
	s11 =	smax.u32 s11, $0x1  }
0x12: {  	v13 =	vimm.s32 $0xD;
	v14 =	vimm.s32 $0xE;
	v15 =	vimm.s32 $0xF;
	s9 =	sadd.s32 s14, s10;
	s10 =	sadd.s32 $0x13800, s31;
	s14 =	simm.s32 $0x9C40  }
.LBB2_1:
0x13: {  	[tilespmem:s3], [sflag:$0x3] =	stream.linear.gather [hbm4b:s5+s3], $0x4E20, $0x38;
	[tilespmem:$0x1AEA0] =	vst v63  }
0x14: {  	_ =	swait.ge [sflag:s12], $0x4E20  }
0x15: {  	[sflag:s12] =	ssyncset.done $0x0  }
0x16: {  	[sflag:s12] =	ssyncadd.s32 $0xFFFFB1E0  }
0x17: {  	[tilespmem:s13], [sflag:$0x3] =	stream.linear.gather [hbm4b:s6+s3], $0x4E20, $0x38;
	[tilespmem:$0x1AEA0] =	vst v63  }
0x18: {  	_ =	swait.ge [sflag:s12], $0x4E20  }
0x19: {  	[sflag:s12] =	ssyncset.done $0x0  }
0x1a: {  	[sflag:s12] =	ssyncadd.s32 $0xFFFFB1E0  }
0x1b: {  	[tilespmem:s14], [sflag:$0x3] =	stream.linear.gather [hbm4b:s7+s3], $0x4E20, $0x38;
	[tilespmem:$0x1AEA0] =	vst v63  }
0x1c: {  	_ =	swait.ge [sflag:s12], $0x4E20  }
0x1d: {  	[sflag:s12] =	ssyncset.done $0x0  }
0x1e: {  	[sflag:s12] =	ssyncadd.s32 $0xFFFFB1E0  }
0x1f: {  	[spmem:s16], [sflag:s15] =	dma.local [hbm:s4], $0x1380  }
0x20: {  	_ =	swait.ge [sflag:s12], $0x1380  }
0x21: {  	[sflag:s12] =	ssyncset.done $0x0  }
0x22: {  	s24 =	simm.s32 @!p0 $0x3;
	[sflag:s12] =	ssyncadd.s32 $0xFFFFEC80  }
0x23: {  	[spmem:s17], [sflag:s15] =	dma.local @!p0 [hbm:s4], $0x80  }
0x24: {  	_ =	swait.ge @!p0 [sflag:s24], $0x80  }
0x25: {  	[sflag:s24] =	ssyncset.done @!p0 $0x0  }
0x26: {  	s25 =	simm.s32 $0x9C40;
	[sflag:s24] =	ssyncadd.s32 @!p0 $0xFFFFFF80  }
0x27: {  	s26 =	simm.s32 $0x0;
	s24 =	simm.s32 $0x9C90;
	[bflag:$0x0] =	sbarrier.arrive $0xFFFF  }
0x28: {  	[tilespmem:s19], [sflag:$0x1] =	stream.indirect.gather [hbm4b:s8+s18], $0x40, s3, s18, $0xb8;
	[tilespmem:$0x1AEA0] =	vst v63  }
.LBB2_2:
0x29: {  	s29 =	smul.u32 $0x280, s26  }
0x2a: {  	_ =	swait.ge [sflag:s20], $0x1400;
	v16 =	vmov s25  }
0x2b: {  	s30 =	simm.s32 $0x0;
	[sflag:s20] =	ssyncset.done $0x0;
	s28 =	sadd.s32 $0x140, s29  }
0x2c: {  	s31 =	simm.s32 $0xEC60;
	[sflag:s20] =	ssyncadd.s32 $0xFFFFEC00;
	s28 =	sshra.s32 s28, $0x2  }
0x2d: {  	[tilespmem:s21], [sflag:$0x2] =	stream.indirect.gather [hbm4b:s8+s18], $0x40, s28, s18, $0xb8;
	[tilespmem:$0x1AEA0] =	vst v63  }
.LBB2_3:
0x2e: {  	s0 =	sshra.s32 s30, $0x2  }
0x2f: {  	v17 =	vld.idx.msk [tilespmem:v16+s0+$0x0 ss:$0x1], $0xffff;
	_ =	sdelay $0x1  }
0x30: {  	v18 =	vld [tilespmem:s31+$0xFFFFFE00];
	_ =	sdelay $0x2  }
0x31: {  	v19 =	vperm.xlane v17, v0;
	_ =	sdelay $0x1  }
0x32: {  	v18 =	vmul.f32 v18, v19;
	_ =	sdelay $0x1  }
0x33: {  	[tilespmem:s31+$0xFFFFFE00] =	vst v18;
	v18 =	vld [tilespmem:s31+$0xFFFFFE10];
	_ =	sdelay $0x4  }
0x34: {  	v18 =	vmul.f32 v18, v19;
	_ =	sdelay $0x1  }
0x35: {  	[tilespmem:s31+$0xFFFFFE10] =	vst v18;
	v18 =	vld [tilespmem:s31+$0xFFFFFE20];
	_ =	sdelay $0x4  }
0x36: {  	v18 =	vmul.f32 v18, v19;
	_ =	sdelay $0x1  }
0x37: {  	[tilespmem:s31+$0xFFFFFE20] =	vst v18;
	v18 =	vld [tilespmem:s31+$0xFFFFFE30];
	_ =	sdelay $0x4  }
0x38: {  	v18 =	vmul.f32 v18, v19;
	_ =	sdelay $0x1  }
0x39: {  	[tilespmem:s31+$0xFFFFFE30] =	vst v18;
	v18 =	vld [tilespmem:s31+$0xFFFFFE40];
	_ =	sdelay $0x2  }
0x3a: {  	v19 =	vperm.xlane v17, v1;
	_ =	sdelay $0x1  }
0x3b: {  	v18 =	vmul.f32 v18, v19;
	_ =	sdelay $0x1  }
0x3c: {  	[tilespmem:s31+$0xFFFFFE40] =	vst v18;
	v18 =	vld [tilespmem:s31+$0xFFFFFE50];
	_ =	sdelay $0x4  }
0x3d: {  	v18 =	vmul.f32 v18, v19;
	_ =	sdelay $0x1  }
0x3e: {  	[tilespmem:s31+$0xFFFFFE50] =	vst v18;
	v18 =	vld [tilespmem:s31+$0xFFFFFE60];
	_ =	sdelay $0x4  }
0x3f: {  	v18 =	vmul.f32 v18, v19;
	_ =	sdelay $0x1  }
0x40: {  	[tilespmem:s31+$0xFFFFFE60] =	vst v18;
	v18 =	vld [tilespmem:s31+$0xFFFFFE70];
	_ =	sdelay $0x4  }
0x41: {  	v18 =	vmul.f32 v18, v19;
	_ =	sdelay $0x1  }
0x42: {  	[tilespmem:s31+$0xFFFFFE70] =	vst v18;
	v18 =	vld [tilespmem:s31+$0xFFFFFE80];
	_ =	sdelay $0x2  }
0x43: {  	v19 =	vperm.xlane v17, v2;
	_ =	sdelay $0x1  }
0x44: {  	v18 =	vmul.f32 v18, v19;
	_ =	sdelay $0x1  }
0x45: {  	[tilespmem:s31+$0xFFFFFE80] =	vst v18;
	v18 =	vld [tilespmem:s31+$0xFFFFFE90];
	_ =	sdelay $0x4  }
0x46: {  	v18 =	vmul.f32 v18, v19;
	_ =	sdelay $0x1  }
0x47: {  	[tilespmem:s31+$0xFFFFFE90] =	vst v18;
	v18 =	vld [tilespmem:s31+$0xFFFFFEA0];
	_ =	sdelay $0x4  }
0x48: {  	v18 =	vmul.f32 v18, v19;
	_ =	sdelay $0x1  }
0x49: {  	[tilespmem:s31+$0xFFFFFEA0] =	vst v18;
	v18 =	vld [tilespmem:s31+$0xFFFFFEB0];
	_ =	sdelay $0x4  }
0x4a: {  	v18 =	vmul.f32 v18, v19;
	_ =	sdelay $0x1  }
0x4b: {  	[tilespmem:s31+$0xFFFFFEB0] =	vst v18;
	v18 =	vld [tilespmem:s31+$0xFFFFFEC0];
	_ =	sdelay $0x2  }
0x4c: {  	v19 =	vperm.xlane v17, v3;
	_ =	sdelay $0x1  }
0x4d: {  	v18 =	vmul.f32 v18, v19;
	_ =	sdelay $0x1  }
0x4e: {  	[tilespmem:s31+$0xFFFFFEC0] =	vst v18;
	v18 =	vld [tilespmem:s31+$0xFFFFFED0];
	_ =	sdelay $0x4  }
0x4f: {  	v18 =	vmul.f32 v18, v19;
	_ =	sdelay $0x1  }
0x50: {  	[tilespmem:s31+$0xFFFFFED0] =	vst v18;
	v18 =	vld [tilespmem:s31+$0xFFFFFEE0];
	_ =	sdelay $0x4  }
0x51: {  	v18 =	vmul.f32 v18, v19;
	_ =	sdelay $0x1  }
0x52: {  	[tilespmem:s31+$0xFFFFFEE0] =	vst v18;
	v18 =	vld [tilespmem:s31+$0xFFFFFEF0];
	_ =	sdelay $0x4  }
0x53: {  	v18 =	vmul.f32 v18, v19;
	_ =	sdelay $0x1  }
0x54: {  	[tilespmem:s31+$0xFFFFFEF0] =	vst v18;
	v18 =	vld [tilespmem:s31+$0xFFFFFF00];
	_ =	sdelay $0x2  }
0x55: {  	v19 =	vperm.xlane v17, v4;
	_ =	sdelay $0x1  }
0x56: {  	v18 =	vmul.f32 v18, v19;
	_ =	sdelay $0x1  }
0x57: {  	[tilespmem:s31+$0xFFFFFF00] =	vst v18;
	v18 =	vld [tilespmem:s31+$0xFFFFFF10];
	_ =	sdelay $0x4  }
0x58: {  	v18 =	vmul.f32 v18, v19;
	_ =	sdelay $0x1  }
0x59: {  	[tilespmem:s31+$0xFFFFFF10] =	vst v18;
	v18 =	vld [tilespmem:s31+$0xFFFFFF20];
	_ =	sdelay $0x4  }
0x5a: {  	v18 =	vmul.f32 v18, v19;
	_ =	sdelay $0x1  }
0x5b: {  	[tilespmem:s31+$0xFFFFFF20] =	vst v18;
	v18 =	vld [tilespmem:s31+$0xFFFFFF30];
	_ =	sdelay $0x4  }
0x5c: {  	v18 =	vmul.f32 v18, v19;
	_ =	sdelay $0x1  }
0x5d: {  	[tilespmem:s31+$0xFFFFFF30] =	vst v18;
	v18 =	vld [tilespmem:s31+$0xFFFFFF40];
	_ =	sdelay $0x2  }
0x5e: {  	v19 =	vperm.xlane v17, v5;
	_ =	sdelay $0x1  }
0x5f: {  	v18 =	vmul.f32 v18, v19;
	_ =	sdelay $0x1  }
0x60: {  	[tilespmem:s31+$0xFFFFFF40] =	vst v18;
	v18 =	vld [tilespmem:s31+$0xFFFFFF50];
	_ =	sdelay $0x4  }
0x61: {  	v18 =	vmul.f32 v18, v19;
	_ =	sdelay $0x1  }
0x62: {  	[tilespmem:s31+$0xFFFFFF50] =	vst v18;
	v18 =	vld [tilespmem:s31+$0xFFFFFF60];
	_ =	sdelay $0x4  }
0x63: {  	v18 =	vmul.f32 v18, v19;
	_ =	sdelay $0x1  }
0x64: {  	[tilespmem:s31+$0xFFFFFF60] =	vst v18;
	v18 =	vld [tilespmem:s31+$0xFFFFFF70];
	_ =	sdelay $0x4  }
0x65: {  	v18 =	vmul.f32 v18, v19;
	_ =	sdelay $0x1  }
0x66: {  	[tilespmem:s31+$0xFFFFFF70] =	vst v18;
	v18 =	vld [tilespmem:s31+$0xFFFFFF80];
	_ =	sdelay $0x2  }
0x67: {  	v19 =	vperm.xlane v17, v6;
	_ =	sdelay $0x1  }
0x68: {  	v18 =	vmul.f32 v18, v19;
	_ =	sdelay $0x1  }
0x69: {  	[tilespmem:s31+$0xFFFFFF80] =	vst v18;
	v18 =	vld [tilespmem:s31+$0xFFFFFF90];
	_ =	sdelay $0x4  }
0x6a: {  	v18 =	vmul.f32 v18, v19;
	_ =	sdelay $0x1  }
0x6b: {  	[tilespmem:s31+$0xFFFFFF90] =	vst v18;
	v18 =	vld [tilespmem:s31+$0xFFFFFFA0];
	_ =	sdelay $0x4  }
0x6c: {  	v18 =	vmul.f32 v18, v19;
	_ =	sdelay $0x1  }
0x6d: {  	[tilespmem:s31+$0xFFFFFFA0] =	vst v18;
	v18 =	vld [tilespmem:s31+$0xFFFFFFB0];
	_ =	sdelay $0x4  }
0x6e: {  	v18 =	vmul.f32 v18, v19;
	_ =	sdelay $0x1  }
0x6f: {  	[tilespmem:s31+$0xFFFFFFB0] =	vst v18;
	v18 =	vld [tilespmem:s31+$0xFFFFFFC0];
	_ =	sdelay $0x2  }
0x70: {  	v19 =	vperm.xlane v17, v7;
	_ =	sdelay $0x1  }
0x71: {  	v18 =	vmul.f32 v18, v19;
	_ =	sdelay $0x1  }
0x72: {  	[tilespmem:s31+$0xFFFFFFC0] =	vst v18;
	v18 =	vld [tilespmem:s31+$0xFFFFFFD0];
	_ =	sdelay $0x4  }
0x73: {  	v18 =	vmul.f32 v18, v19;
	_ =	sdelay $0x1  }
0x74: {  	[tilespmem:s31+$0xFFFFFFD0] =	vst v18;
	v18 =	vld [tilespmem:s31+$0xFFFFFFE0];
	_ =	sdelay $0x4  }
0x75: {  	v18 =	vmul.f32 v18, v19;
	_ =	sdelay $0x1  }
0x76: {  	[tilespmem:s31+$0xFFFFFFE0] =	vst v18;
	v18 =	vld [tilespmem:s31+$0xFFFFFFF0];
	_ =	sdelay $0x4  }
0x77: {  	v18 =	vmul.f32 v18, v19;
	_ =	sdelay $0x1  }
0x78: {  	[tilespmem:s31+$0xFFFFFFF0] =	vst v18;
	v18 =	vld [tilespmem:s31+$0x0];
	_ =	sdelay $0x2  }
0x79: {  	v19 =	vperm.xlane v17, v8;
	_ =	sdelay $0x1  }
0x7a: {  	v18 =	vmul.f32 v18, v19;
	_ =	sdelay $0x1  }
0x7b: {  	[tilespmem:s31+$0x0] =	vst v18;
	v18 =	vld [tilespmem:s31+$0x10];
	_ =	sdelay $0x4  }
0x7c: {  	v18 =	vmul.f32 v18, v19;
	_ =	sdelay $0x1  }
0x7d: {  	[tilespmem:s31+$0x10] =	vst v18;
	v18 =	vld [tilespmem:s31+$0x20];
	_ =	sdelay $0x4  }
0x7e: {  	v18 =	vmul.f32 v18, v19;
	_ =	sdelay $0x1  }
0x7f: {  	[tilespmem:s31+$0x20] =	vst v18;
	v18 =	vld [tilespmem:s31+$0x30];
	_ =	sdelay $0x4  }
0x80: {  	v18 =	vmul.f32 v18, v19;
	_ =	sdelay $0x1  }
0x81: {  	[tilespmem:s31+$0x30] =	vst v18;
	v18 =	vld [tilespmem:s31+$0x40];
	_ =	sdelay $0x2  }
0x82: {  	v19 =	vperm.xlane v17, v9;
	_ =	sdelay $0x1  }
0x83: {  	v18 =	vmul.f32 v18, v19;
	_ =	sdelay $0x1  }
0x84: {  	[tilespmem:s31+$0x40] =	vst v18;
	v18 =	vld [tilespmem:s31+$0x50];
	_ =	sdelay $0x4  }
0x85: {  	v18 =	vmul.f32 v18, v19;
	_ =	sdelay $0x1  }
0x86: {  	[tilespmem:s31+$0x50] =	vst v18;
	v18 =	vld [tilespmem:s31+$0x60];
	_ =	sdelay $0x4  }
0x87: {  	v18 =	vmul.f32 v18, v19;
	_ =	sdelay $0x1  }
0x88: {  	[tilespmem:s31+$0x60] =	vst v18;
	v18 =	vld [tilespmem:s31+$0x70];
	_ =	sdelay $0x4  }
0x89: {  	v18 =	vmul.f32 v18, v19;
	_ =	sdelay $0x1  }
0x8a: {  	[tilespmem:s31+$0x70] =	vst v18;
	v18 =	vld [tilespmem:s31+$0x80];
	_ =	sdelay $0x2  }
0x8b: {  	v19 =	vperm.xlane v17, v10;
	_ =	sdelay $0x1  }
0x8c: {  	v18 =	vmul.f32 v18, v19;
	_ =	sdelay $0x1  }
0x8d: {  	[tilespmem:s31+$0x80] =	vst v18;
	v18 =	vld [tilespmem:s31+$0x90];
	_ =	sdelay $0x4  }
0x8e: {  	v18 =	vmul.f32 v18, v19;
	_ =	sdelay $0x1  }
0x8f: {  	[tilespmem:s31+$0x90] =	vst v18;
	v18 =	vld [tilespmem:s31+$0xA0];
	_ =	sdelay $0x4  }
0x90: {  	v18 =	vmul.f32 v18, v19;
	_ =	sdelay $0x1  }
0x91: {  	[tilespmem:s31+$0xA0] =	vst v18;
	v18 =	vld [tilespmem:s31+$0xB0];
	_ =	sdelay $0x4  }
0x92: {  	v18 =	vmul.f32 v18, v19;
	_ =	sdelay $0x1  }
0x93: {  	[tilespmem:s31+$0xB0] =	vst v18;
	v18 =	vld [tilespmem:s31+$0xC0];
	_ =	sdelay $0x2  }
0x94: {  	v19 =	vperm.xlane v17, v11;
	_ =	sdelay $0x1  }
0x95: {  	v18 =	vmul.f32 v18, v19;
	_ =	sdelay $0x1  }
0x96: {  	[tilespmem:s31+$0xC0] =	vst v18;
	v18 =	vld [tilespmem:s31+$0xD0];
	_ =	sdelay $0x4  }
0x97: {  	v18 =	vmul.f32 v18, v19;
	_ =	sdelay $0x1  }
0x98: {  	[tilespmem:s31+$0xD0] =	vst v18;
	v18 =	vld [tilespmem:s31+$0xE0];
	_ =	sdelay $0x4  }
0x99: {  	v18 =	vmul.f32 v18, v19;
	_ =	sdelay $0x1  }
0x9a: {  	[tilespmem:s31+$0xE0] =	vst v18;
	v18 =	vld [tilespmem:s31+$0xF0];
	_ =	sdelay $0x4  }
0x9b: {  	v18 =	vmul.f32 v18, v19;
	_ =	sdelay $0x1  }
0x9c: {  	[tilespmem:s31+$0xF0] =	vst v18;
	v18 =	vld [tilespmem:s31+$0x100];
	_ =	sdelay $0x2  }
0x9d: {  	v19 =	vperm.xlane v17, v12;
	_ =	sdelay $0x1  }
0x9e: {  	v18 =	vmul.f32 v18, v19;
	_ =	sdelay $0x1  }
0x9f: {  	[tilespmem:s31+$0x100] =	vst v18;
	v18 =	vld [tilespmem:s31+$0x110];
	_ =	sdelay $0x4  }
0xa0: {  	v18 =	vmul.f32 v18, v19;
	_ =	sdelay $0x1  }
0xa1: {  	[tilespmem:s31+$0x110] =	vst v18;
	v18 =	vld [tilespmem:s31+$0x120];
	_ =	sdelay $0x4  }
0xa2: {  	v18 =	vmul.f32 v18, v19;
	_ =	sdelay $0x1  }
0xa3: {  	[tilespmem:s31+$0x120] =	vst v18;
	v18 =	vld [tilespmem:s31+$0x130];
	_ =	sdelay $0x4  }
0xa4: {  	v18 =	vmul.f32 v18, v19;
	_ =	sdelay $0x1  }
0xa5: {  	[tilespmem:s31+$0x130] =	vst v18;
	v18 =	vld [tilespmem:s31+$0x140];
	_ =	sdelay $0x2  }
0xa6: {  	v19 =	vperm.xlane v17, v13;
	_ =	sdelay $0x1  }
0xa7: {  	v18 =	vmul.f32 v18, v19;
	_ =	sdelay $0x1  }
0xa8: {  	[tilespmem:s31+$0x140] =	vst v18;
	v18 =	vld [tilespmem:s31+$0x150];
	_ =	sdelay $0x4  }
0xa9: {  	v18 =	vmul.f32 v18, v19;
	_ =	sdelay $0x1  }
0xaa: {  	[tilespmem:s31+$0x150] =	vst v18;
	v18 =	vld [tilespmem:s31+$0x160];
	_ =	sdelay $0x4  }
0xab: {  	v18 =	vmul.f32 v18, v19;
	_ =	sdelay $0x1  }
0xac: {  	[tilespmem:s31+$0x160] =	vst v18;
	v18 =	vld [tilespmem:s31+$0x170];
	_ =	sdelay $0x4  }
0xad: {  	v18 =	vmul.f32 v18, v19;
	_ =	sdelay $0x1  }
0xae: {  	[tilespmem:s31+$0x170] =	vst v18;
	v18 =	vld [tilespmem:s31+$0x180];
	_ =	sdelay $0x2  }
0xaf: {  	v19 =	vperm.xlane v17, v14;
	_ =	sdelay $0x1  }
0xb0: {  	v18 =	vmul.f32 v18, v19;
	_ =	sdelay $0x1  }
0xb1: {  	[tilespmem:s31+$0x180] =	vst v18;
	v18 =	vld [tilespmem:s31+$0x190];
	_ =	sdelay $0x4  }
0xb2: {  	v18 =	vmul.f32 v18, v19;
	_ =	sdelay $0x1  }
0xb3: {  	[tilespmem:s31+$0x190] =	vst v18;
	v18 =	vld [tilespmem:s31+$0x1A0];
	_ =	sdelay $0x4  }
0xb4: {  	v18 =	vmul.f32 v18, v19;
	_ =	sdelay $0x1  }
0xb5: {  	[tilespmem:s31+$0x1A0] =	vst v18;
	v18 =	vld [tilespmem:s31+$0x1B0];
	_ =	sdelay $0x4  }
0xb6: {  	v18 =	vmul.f32 v18, v19;
	_ =	sdelay $0x1  }
0xb7: {  	[tilespmem:s31+$0x1B0] =	vst v18;
	v18 =	vld [tilespmem:s31+$0x1C0];
	_ =	sdelay $0x2  }
0xb8: {  	v17 =	vperm.xlane v17, v15;
	_ =	sdelay $0x1  }
0xb9: {  	v18 =	vmul.f32 v18, v17;
	_ =	sdelay $0x1  }
0xba: {  	[tilespmem:s31+$0x1C0] =	vst v18;
	v18 =	vld [tilespmem:s31+$0x1D0];
	_ =	sdelay $0x4  }
0xbb: {  	v18 =	vmul.f32 v18, v17;
	_ =	sdelay $0x1  }
0xbc: {  	[tilespmem:s31+$0x1D0] =	vst v18;
	v18 =	vld [tilespmem:s31+$0x1E0];
	_ =	sdelay $0x4  }
0xbd: {  	v18 =	vmul.f32 v18, v17;
	_ =	sdelay $0x1  }
0xbe: {  	[tilespmem:s31+$0x1E0] =	vst v18;
	v18 =	vld [tilespmem:s31+$0x1F0];
	_ =	sdelay $0x1  }
0xbf: {  	p1 =	sne.s32 s30, $0x100  }
.Ltmp0:
0xc0: {  	_ = 	snop;
	(pc) =	sbr.rel @p1 .LBB2_3-.Ltmp0, $3  }
0xc1: {  	_ = 	snop  }
0xc2: {  	v17 =	vmul.f32 v18, v17;
	_ =	sdelay $0x1  }
0xc3: {  	s30 =	sadd.s32 $0x40, s30;
	[tilespmem:s31+$0x1F0] =	vst v17;
	s31 =	sadd.s32 $0x400, s31  }
0xc4: {  	s0 =	sshra.s32 s29, $0x2  }
0xc5: {  	s0 =	sadd.s32 $0x4E20, s0  }
0xc6: {  	[spmem:s2] =	stream.indirect.scatter.add.f32 [tilespmem:s19], [sflag:$0x3], $0x40, s0, s18, $0xb8;
	[tilespmem:$0x1AEA0] =	vst v63  }
0xc7: {  	_ =	swait.ge [sflag:s12], $0x1400  }
0xc8: {  	[sflag:s12] =	ssyncset.done $0x0  }
0xc9: {  	[sflag:s12] =	ssyncadd.s32 $0xFFFFEC00  }
0xca: {  	p1 =	seq.s32 s26, $0x7C;
	_ =	swait.ge [sflag:s22], $0x1400  }
0xcb: {  	v16 =	vmov s24;
	s30 =	simm.s32 @!p1 $0xEA60;
	s0 =	sshra.s32 @!p1 s29, $0x2;
	[sflag:s22] =	ssyncset.done $0x0  }
0xcc: {  	s29 =	simm.s32 @!p1 $0x50;
	s0 =	sadd.s32 @!p1 $0xA0, s0;
	[sflag:s22] =	ssyncadd.s32 $0xFFFFEC00  }
0xcd: {  	[tilespmem:s30], [sflag:$0x1] =	stream.indirect.gather @!p1 [hbm4b:s8+s29], $0x40, s0, s29, $0xb8;
	[tilespmem:$0x1AEA0] =	vst v63  }
0xce: {  	s29 =	simm.s32 $0x0;
	s30 =	simm.s32 $0x10060  }
.LBB2_5:
0xcf: {  	s0 =	sshra.s32 s29, $0x2  }
0xd0: {  	v17 =	vld.idx.msk [tilespmem:v16+s0+$0x0 ss:$0x1], $0xffff;
	_ =	sdelay $0x1  }
0xd1: {  	v18 =	vld [tilespmem:s30+$0xFFFFFE00];
	_ =	sdelay $0x2  }
0xd2: {  	v19 =	vperm.xlane v17, v0;
	_ =	sdelay $0x1  }
0xd3: {  	v18 =	vmul.f32 v18, v19;
	_ =	sdelay $0x1  }
0xd4: {  	[tilespmem:s30+$0xFFFFFE00] =	vst v18;
	v18 =	vld [tilespmem:s30+$0xFFFFFE10];
	_ =	sdelay $0x4  }
0xd5: {  	v18 =	vmul.f32 v18, v19;
	_ =	sdelay $0x1  }
0xd6: {  	[tilespmem:s30+$0xFFFFFE10] =	vst v18;
	v18 =	vld [tilespmem:s30+$0xFFFFFE20];
	_ =	sdelay $0x4  }
0xd7: {  	v18 =	vmul.f32 v18, v19;
	_ =	sdelay $0x1  }
0xd8: {  	[tilespmem:s30+$0xFFFFFE20] =	vst v18;
	v18 =	vld [tilespmem:s30+$0xFFFFFE30];
	_ =	sdelay $0x4  }
0xd9: {  	v18 =	vmul.f32 v18, v19;
	_ =	sdelay $0x1  }
0xda: {  	[tilespmem:s30+$0xFFFFFE30] =	vst v18;
	v18 =	vld [tilespmem:s30+$0xFFFFFE40];
	_ =	sdelay $0x2  }
0xdb: {  	v19 =	vperm.xlane v17, v1;
	_ =	sdelay $0x1  }
0xdc: {  	v18 =	vmul.f32 v18, v19;
	_ =	sdelay $0x1  }
0xdd: {  	[tilespmem:s30+$0xFFFFFE40] =	vst v18;
	v18 =	vld [tilespmem:s30+$0xFFFFFE50];
	_ =	sdelay $0x4  }
0xde: {  	v18 =	vmul.f32 v18, v19;
	_ =	sdelay $0x1  }
0xdf: {  	[tilespmem:s30+$0xFFFFFE50] =	vst v18;
	v18 =	vld [tilespmem:s30+$0xFFFFFE60];
	_ =	sdelay $0x4  }
0xe0: {  	v18 =	vmul.f32 v18, v19;
	_ =	sdelay $0x1  }
0xe1: {  	[tilespmem:s30+$0xFFFFFE60] =	vst v18;
	v18 =	vld [tilespmem:s30+$0xFFFFFE70];
	_ =	sdelay $0x4  }
0xe2: {  	v18 =	vmul.f32 v18, v19;
	_ =	sdelay $0x1  }
0xe3: {  	[tilespmem:s30+$0xFFFFFE70] =	vst v18;
	v18 =	vld [tilespmem:s30+$0xFFFFFE80];
	_ =	sdelay $0x2  }
0xe4: {  	v19 =	vperm.xlane v17, v2;
	_ =	sdelay $0x1  }
0xe5: {  	v18 =	vmul.f32 v18, v19;
	_ =	sdelay $0x1  }
0xe6: {  	[tilespmem:s30+$0xFFFFFE80] =	vst v18;
	v18 =	vld [tilespmem:s30+$0xFFFFFE90];
	_ =	sdelay $0x4  }
0xe7: {  	v18 =	vmul.f32 v18, v19;
	_ =	sdelay $0x1  }
0xe8: {  	[tilespmem:s30+$0xFFFFFE90] =	vst v18;
	v18 =	vld [tilespmem:s30+$0xFFFFFEA0];
	_ =	sdelay $0x4  }
0xe9: {  	v18 =	vmul.f32 v18, v19;
	_ =	sdelay $0x1  }
0xea: {  	[tilespmem:s30+$0xFFFFFEA0] =	vst v18;
	v18 =	vld [tilespmem:s30+$0xFFFFFEB0];
	_ =	sdelay $0x4  }
0xeb: {  	v18 =	vmul.f32 v18, v19;
	_ =	sdelay $0x1  }
0xec: {  	[tilespmem:s30+$0xFFFFFEB0] =	vst v18;
	v18 =	vld [tilespmem:s30+$0xFFFFFEC0];
	_ =	sdelay $0x2  }
0xed: {  	v19 =	vperm.xlane v17, v3;
	_ =	sdelay $0x1  }
0xee: {  	v18 =	vmul.f32 v18, v19;
	_ =	sdelay $0x1  }
0xef: {  	[tilespmem:s30+$0xFFFFFEC0] =	vst v18;
	v18 =	vld [tilespmem:s30+$0xFFFFFED0];
	_ =	sdelay $0x4  }
0xf0: {  	v18 =	vmul.f32 v18, v19;
	_ =	sdelay $0x1  }
0xf1: {  	[tilespmem:s30+$0xFFFFFED0] =	vst v18;
	v18 =	vld [tilespmem:s30+$0xFFFFFEE0];
	_ =	sdelay $0x4  }
0xf2: {  	v18 =	vmul.f32 v18, v19;
	_ =	sdelay $0x1  }
0xf3: {  	[tilespmem:s30+$0xFFFFFEE0] =	vst v18;
	v18 =	vld [tilespmem:s30+$0xFFFFFEF0];
	_ =	sdelay $0x4  }
0xf4: {  	v18 =	vmul.f32 v18, v19;
	_ =	sdelay $0x1  }
0xf5: {  	[tilespmem:s30+$0xFFFFFEF0] =	vst v18;
	v18 =	vld [tilespmem:s30+$0xFFFFFF00];
	_ =	sdelay $0x2  }
0xf6: {  	v19 =	vperm.xlane v17, v4;
	_ =	sdelay $0x1  }
0xf7: {  	v18 =	vmul.f32 v18, v19;
	_ =	sdelay $0x1  }
0xf8: {  	[tilespmem:s30+$0xFFFFFF00] =	vst v18;
	v18 =	vld [tilespmem:s30+$0xFFFFFF10];
	_ =	sdelay $0x4  }
0xf9: {  	v18 =	vmul.f32 v18, v19;
	_ =	sdelay $0x1  }
0xfa: {  	[tilespmem:s30+$0xFFFFFF10] =	vst v18;
	v18 =	vld [tilespmem:s30+$0xFFFFFF20];
	_ =	sdelay $0x4  }
0xfb: {  	v18 =	vmul.f32 v18, v19;
	_ =	sdelay $0x1  }
0xfc: {  	[tilespmem:s30+$0xFFFFFF20] =	vst v18;
	v18 =	vld [tilespmem:s30+$0xFFFFFF30];
	_ =	sdelay $0x4  }
0xfd: {  	v18 =	vmul.f32 v18, v19;
	_ =	sdelay $0x1  }
0xfe: {  	[tilespmem:s30+$0xFFFFFF30] =	vst v18;
	v18 =	vld [tilespmem:s30+$0xFFFFFF40];
	_ =	sdelay $0x2  }
0xff: {  	v19 =	vperm.xlane v17, v5;
	_ =	sdelay $0x1  }
0x100: {  	v18 =	vmul.f32 v18, v19;
	_ =	sdelay $0x1  }
0x101: {  	[tilespmem:s30+$0xFFFFFF40] =	vst v18;
	v18 =	vld [tilespmem:s30+$0xFFFFFF50];
	_ =	sdelay $0x4  }
0x102: {  	v18 =	vmul.f32 v18, v19;
	_ =	sdelay $0x1  }
0x103: {  	[tilespmem:s30+$0xFFFFFF50] =	vst v18;
	v18 =	vld [tilespmem:s30+$0xFFFFFF60];
	_ =	sdelay $0x4  }
0x104: {  	v18 =	vmul.f32 v18, v19;
	_ =	sdelay $0x1  }
0x105: {  	[tilespmem:s30+$0xFFFFFF60] =	vst v18;
	v18 =	vld [tilespmem:s30+$0xFFFFFF70];
	_ =	sdelay $0x4  }
0x106: {  	v18 =	vmul.f32 v18, v19;
	_ =	sdelay $0x1  }
0x107: {  	[tilespmem:s30+$0xFFFFFF70] =	vst v18;
	v18 =	vld [tilespmem:s30+$0xFFFFFF80];
	_ =	sdelay $0x2  }
0x108: {  	v19 =	vperm.xlane v17, v6;
	_ =	sdelay $0x1  }
0x109: {  	v18 =	vmul.f32 v18, v19;
	_ =	sdelay $0x1  }
0x10a: {  	[tilespmem:s30+$0xFFFFFF80] =	vst v18;
	v18 =	vld [tilespmem:s30+$0xFFFFFF90];
	_ =	sdelay $0x4  }
0x10b: {  	v18 =	vmul.f32 v18, v19;
	_ =	sdelay $0x1  }
0x10c: {  	[tilespmem:s30+$0xFFFFFF90] =	vst v18;
	v18 =	vld [tilespmem:s30+$0xFFFFFFA0];
	_ =	sdelay $0x4  }
0x10d: {  	v18 =	vmul.f32 v18, v19;
	_ =	sdelay $0x1  }
0x10e: {  	[tilespmem:s30+$0xFFFFFFA0] =	vst v18;
	v18 =	vld [tilespmem:s30+$0xFFFFFFB0];
	_ =	sdelay $0x4  }
0x10f: {  	v18 =	vmul.f32 v18, v19;
	_ =	sdelay $0x1  }
0x110: {  	[tilespmem:s30+$0xFFFFFFB0] =	vst v18;
	v18 =	vld [tilespmem:s30+$0xFFFFFFC0];
	_ =	sdelay $0x2  }
0x111: {  	v19 =	vperm.xlane v17, v7;
	_ =	sdelay $0x1  }
0x112: {  	v18 =	vmul.f32 v18, v19;
	_ =	sdelay $0x1  }
0x113: {  	[tilespmem:s30+$0xFFFFFFC0] =	vst v18;
	v18 =	vld [tilespmem:s30+$0xFFFFFFD0];
	_ =	sdelay $0x4  }
0x114: {  	v18 =	vmul.f32 v18, v19;
	_ =	sdelay $0x1  }
0x115: {  	[tilespmem:s30+$0xFFFFFFD0] =	vst v18;
	v18 =	vld [tilespmem:s30+$0xFFFFFFE0];
	_ =	sdelay $0x4  }
0x116: {  	v18 =	vmul.f32 v18, v19;
	_ =	sdelay $0x1  }
0x117: {  	[tilespmem:s30+$0xFFFFFFE0] =	vst v18;
	v18 =	vld [tilespmem:s30+$0xFFFFFFF0];
	_ =	sdelay $0x4  }
0x118: {  	v18 =	vmul.f32 v18, v19;
	_ =	sdelay $0x1  }
0x119: {  	[tilespmem:s30+$0xFFFFFFF0] =	vst v18;
	v18 =	vld [tilespmem:s30+$0x0];
	_ =	sdelay $0x2  }
0x11a: {  	v19 =	vperm.xlane v17, v8;
	_ =	sdelay $0x1  }
0x11b: {  	v18 =	vmul.f32 v18, v19;
	_ =	sdelay $0x1  }
0x11c: {  	[tilespmem:s30+$0x0] =	vst v18;
	v18 =	vld [tilespmem:s30+$0x10];
	_ =	sdelay $0x4  }
0x11d: {  	v18 =	vmul.f32 v18, v19;
	_ =	sdelay $0x1  }
0x11e: {  	[tilespmem:s30+$0x10] =	vst v18;
	v18 =	vld [tilespmem:s30+$0x20];
	_ =	sdelay $0x4  }
0x11f: {  	v18 =	vmul.f32 v18, v19;
	_ =	sdelay $0x1  }
0x120: {  	[tilespmem:s30+$0x20] =	vst v18;
	v18 =	vld [tilespmem:s30+$0x30];
	_ =	sdelay $0x4  }
0x121: {  	v18 =	vmul.f32 v18, v19;
	_ =	sdelay $0x1  }
0x122: {  	[tilespmem:s30+$0x30] =	vst v18;
	v18 =	vld [tilespmem:s30+$0x40];
	_ =	sdelay $0x2  }
0x123: {  	v19 =	vperm.xlane v17, v9;
	_ =	sdelay $0x1  }
0x124: {  	v18 =	vmul.f32 v18, v19;
	_ =	sdelay $0x1  }
0x125: {  	[tilespmem:s30+$0x40] =	vst v18;
	v18 =	vld [tilespmem:s30+$0x50];
	_ =	sdelay $0x4  }
0x126: {  	v18 =	vmul.f32 v18, v19;
	_ =	sdelay $0x1  }
0x127: {  	[tilespmem:s30+$0x50] =	vst v18;
	v18 =	vld [tilespmem:s30+$0x60];
	_ =	sdelay $0x4  }
0x128: {  	v18 =	vmul.f32 v18, v19;
	_ =	sdelay $0x1  }
0x129: {  	[tilespmem:s30+$0x60] =	vst v18;
	v18 =	vld [tilespmem:s30+$0x70];
	_ =	sdelay $0x4  }
0x12a: {  	v18 =	vmul.f32 v18, v19;
	_ =	sdelay $0x1  }
0x12b: {  	[tilespmem:s30+$0x70] =	vst v18;
	v18 =	vld [tilespmem:s30+$0x80];
	_ =	sdelay $0x2  }
0x12c: {  	v19 =	vperm.xlane v17, v10;
	_ =	sdelay $0x1  }
0x12d: {  	v18 =	vmul.f32 v18, v19;
	_ =	sdelay $0x1  }
0x12e: {  	[tilespmem:s30+$0x80] =	vst v18;
	v18 =	vld [tilespmem:s30+$0x90];
	_ =	sdelay $0x4  }
0x12f: {  	v18 =	vmul.f32 v18, v19;
	_ =	sdelay $0x1  }
0x130: {  	[tilespmem:s30+$0x90] =	vst v18;
	v18 =	vld [tilespmem:s30+$0xA0];
	_ =	sdelay $0x4  }
0x131: {  	v18 =	vmul.f32 v18, v19;
	_ =	sdelay $0x1  }
0x132: {  	[tilespmem:s30+$0xA0] =	vst v18;
	v18 =	vld [tilespmem:s30+$0xB0];
	_ =	sdelay $0x4  }
0x133: {  	v18 =	vmul.f32 v18, v19;
	_ =	sdelay $0x1  }
0x134: {  	[tilespmem:s30+$0xB0] =	vst v18;
	v18 =	vld [tilespmem:s30+$0xC0];
	_ =	sdelay $0x2  }
0x135: {  	v19 =	vperm.xlane v17, v11;
	_ =	sdelay $0x1  }
0x136: {  	v18 =	vmul.f32 v18, v19;
	_ =	sdelay $0x1  }
0x137: {  	[tilespmem:s30+$0xC0] =	vst v18;
	v18 =	vld [tilespmem:s30+$0xD0];
	_ =	sdelay $0x4  }
0x138: {  	v18 =	vmul.f32 v18, v19;
	_ =	sdelay $0x1  }
0x139: {  	[tilespmem:s30+$0xD0] =	vst v18;
	v18 =	vld [tilespmem:s30+$0xE0];
	_ =	sdelay $0x4  }
0x13a: {  	v18 =	vmul.f32 v18, v19;
	_ =	sdelay $0x1  }
0x13b: {  	[tilespmem:s30+$0xE0] =	vst v18;
	v18 =	vld [tilespmem:s30+$0xF0];
	_ =	sdelay $0x4  }
0x13c: {  	v18 =	vmul.f32 v18, v19;
	_ =	sdelay $0x1  }
0x13d: {  	[tilespmem:s30+$0xF0] =	vst v18;
	v18 =	vld [tilespmem:s30+$0x100];
	_ =	sdelay $0x2  }
0x13e: {  	v19 =	vperm.xlane v17, v12;
	_ =	sdelay $0x1  }
0x13f: {  	v18 =	vmul.f32 v18, v19;
	_ =	sdelay $0x1  }
0x140: {  	[tilespmem:s30+$0x100] =	vst v18;
	v18 =	vld [tilespmem:s30+$0x110];
	_ =	sdelay $0x4  }
0x141: {  	v18 =	vmul.f32 v18, v19;
	_ =	sdelay $0x1  }
0x142: {  	[tilespmem:s30+$0x110] =	vst v18;
	v18 =	vld [tilespmem:s30+$0x120];
	_ =	sdelay $0x4  }
0x143: {  	v18 =	vmul.f32 v18, v19;
	_ =	sdelay $0x1  }
0x144: {  	[tilespmem:s30+$0x120] =	vst v18;
	v18 =	vld [tilespmem:s30+$0x130];
	_ =	sdelay $0x4  }
0x145: {  	v18 =	vmul.f32 v18, v19;
	_ =	sdelay $0x1  }
0x146: {  	[tilespmem:s30+$0x130] =	vst v18;
	v18 =	vld [tilespmem:s30+$0x140];
	_ =	sdelay $0x2  }
0x147: {  	v19 =	vperm.xlane v17, v13;
	_ =	sdelay $0x1  }
0x148: {  	v18 =	vmul.f32 v18, v19;
	_ =	sdelay $0x1  }
0x149: {  	[tilespmem:s30+$0x140] =	vst v18;
	v18 =	vld [tilespmem:s30+$0x150];
	_ =	sdelay $0x4  }
0x14a: {  	v18 =	vmul.f32 v18, v19;
	_ =	sdelay $0x1  }
0x14b: {  	[tilespmem:s30+$0x150] =	vst v18;
	v18 =	vld [tilespmem:s30+$0x160];
	_ =	sdelay $0x4  }
0x14c: {  	v18 =	vmul.f32 v18, v19;
	_ =	sdelay $0x1  }
0x14d: {  	[tilespmem:s30+$0x160] =	vst v18;
	v18 =	vld [tilespmem:s30+$0x170];
	_ =	sdelay $0x4  }
0x14e: {  	v18 =	vmul.f32 v18, v19;
	_ =	sdelay $0x1  }
0x14f: {  	[tilespmem:s30+$0x170] =	vst v18;
	v18 =	vld [tilespmem:s30+$0x180];
	_ =	sdelay $0x2  }
0x150: {  	v19 =	vperm.xlane v17, v14;
	_ =	sdelay $0x1  }
0x151: {  	v18 =	vmul.f32 v18, v19;
	_ =	sdelay $0x1  }
0x152: {  	[tilespmem:s30+$0x180] =	vst v18;
	v18 =	vld [tilespmem:s30+$0x190];
	_ =	sdelay $0x4  }
0x153: {  	v18 =	vmul.f32 v18, v19;
	_ =	sdelay $0x1  }
0x154: {  	[tilespmem:s30+$0x190] =	vst v18;
	v18 =	vld [tilespmem:s30+$0x1A0];
	_ =	sdelay $0x4  }
0x155: {  	v18 =	vmul.f32 v18, v19;
	_ =	sdelay $0x1  }
0x156: {  	[tilespmem:s30+$0x1A0] =	vst v18;
	v18 =	vld [tilespmem:s30+$0x1B0];
	_ =	sdelay $0x4  }
0x157: {  	v18 =	vmul.f32 v18, v19;
	_ =	sdelay $0x1  }
0x158: {  	[tilespmem:s30+$0x1B0] =	vst v18;
	v18 =	vld [tilespmem:s30+$0x1C0];
	_ =	sdelay $0x2  }
0x159: {  	v17 =	vperm.xlane v17, v15;
	_ =	sdelay $0x1  }
0x15a: {  	v18 =	vmul.f32 v18, v17;
	_ =	sdelay $0x1  }
0x15b: {  	[tilespmem:s30+$0x1C0] =	vst v18;
	v18 =	vld [tilespmem:s30+$0x1D0];
	_ =	sdelay $0x4  }
0x15c: {  	v18 =	vmul.f32 v18, v17;
	_ =	sdelay $0x1  }
0x15d: {  	[tilespmem:s30+$0x1D0] =	vst v18;
	v18 =	vld [tilespmem:s30+$0x1E0];
	_ =	sdelay $0x4  }
0x15e: {  	v18 =	vmul.f32 v18, v17;
	_ =	sdelay $0x1  }
0x15f: {  	[tilespmem:s30+$0x1E0] =	vst v18;
	v18 =	vld [tilespmem:s30+$0x1F0];
	_ =	sdelay $0x1  }
0x160: {  	p1 =	sne.s32 s29, $0x100  }
.Ltmp1:
0x161: {  	_ = 	snop;
	(pc) =	sbr.rel @p1 .LBB2_5-.Ltmp1, $3  }
0x162: {  	_ = 	snop  }
0x163: {  	v17 =	vmul.f32 v18, v17;
	_ =	sdelay $0x1  }
0x164: {  	s29 =	sadd.s32 $0x40, s29;
	[tilespmem:s30+$0x1F0] =	vst v17;
	s30 =	sadd.s32 $0x400, s30  }
0x165: {  	s26 =	sadd.s32 $0x1, s26  }
0x166: {  	p1 =	sne.s32 s26, $0x7D  }
.Ltmp2:
0x167: {  	s0 =	sadd.s32 $0x4E20, s28;
	(pc) =	sbr.rel @p1 .LBB2_2-.Ltmp2, $4  }
0x168: {  	[spmem:s2] =	stream.indirect.scatter.add.f32 [tilespmem:s21], [sflag:$0x3], $0x40, s0, s18, $0xb8;
	[tilespmem:$0x1AEA0] =	vst v63  }
0x169: {  	_ =	swait.ge [sflag:s12], $0x1400  }
0x16a: {  	[sflag:s12] =	ssyncset.done $0x0  }
0x16b: {  	s25 =	sadd.s32 $0xA0, s25;
	s24 =	sadd.s32 $0xA0, s24;
	[sflag:s12] =	ssyncadd.s32 $0xFFFFEC00  }
0x16c: {  	[bflag:$0x0] =	sbarrier.arrive $0xFFFF  }
0x16d: {  	[hbm:s9], [sflag:s15] =	dma.local [spmem:s16], $0x1380  }
0x16e: {  	s23 =	sadd.s32 $0x1, s23;
	_ =	swait.ge [sflag:s12], $0x1380  }
0x16f: {  	p1 =	sne.s32 s23, s11;
	[sflag:s12] =	ssyncset.done $0x0  }
.Ltmp3:
0x170: {  	s0 =	simm.s32 @!p0 $0x3;
	[sflag:s12] =	ssyncadd.s32 $0xFFFFEC80;
	(pc) =	sbr.rel @p1 .LBB2_1-.Ltmp3, $4  }
0x171: {  	[hbm:s10], [sflag:s15] =	dma.local @!p0 [spmem:s17], $0x80  }
0x172: {  	_ =	swait.ge @!p0 [sflag:s0], $0x80  }
0x173: {  	[sflag:s0] =	ssyncset.done @!p0 $0x0  }
0x174: {  	[sflag:s0] =	ssyncadd.s32 @!p0 $0xFFFFFF80  }
0x175: {  	_ =	sfence.sel $0x180000  }
0x176: {  	[bflag:$0x0] =	sbarrier.arrive $0xFFFF  }
0x177: {  	_ =	strace $0x90000047  }
0x178: {  	[bflag:$0x2] =	sbarrier.arrive $0xFFFF  }
0x179: {  	p0 =	sne.s32 s1, $0x0;
	s0 =	rddreg [dreg:$0x4]  }
0x17a: {  	s0 =	sadd.s32 @!p0 $0x100000, s0  }
0x17b: {  	[sflag:s0] =	ssyncadd.tile.s32 @!p0 $0x1;
	_ =	shalt  }
.Lfunc_end2:
_tile_overlayer_lowered:
.L_overlay_start_2:
0x17c: {  	(tag) =	ssettag $0x2  }
0x17d: {  	s0 =	rddreg [dreg:$0x0];
	s2 =	stileid.u32  }
0x17e: {  	s1 =	rddreg [dreg:$0x1];
	p0 =	sne.s32 s2, $0x0  }
0x17f: {  	s3 =	rddreg [dreg:$0x2];
	[bflag:$0x3] =	sbarrier.arrive $0xFFFF;
	s2 =	simm.s32 @!p0 $0x1C03  }
0x180: {  	[timem:s3], [sflag:s2] =	dma.local @!p0 [hbm:s0], s1  }
0x181: {  	s0 =	simm.s32 @!p0 $0x3  }
0x182: {  	_ =	swait.ge @!p0 [sflag:s0], s1  }
0x183: {  	s1 =	ssub.s32 @!p0 $0x0, s1;
	[sflag:s0] =	ssyncset.done @!p0 $0x0  }
0x184: {  	[sflag:s0] =	ssyncadd.s32 @!p0 s1  }
0x185: {  	[bflag:$0x3] =	sbarrier.arrive $0xFFFF  }
0x186: {  	_ =	shalt  }

</sc_bundles>
